<compile_context>
chip_gen: v7x
topology: tpu7x:2x2x1
jax: 0.10.2.dev20260603
libtpu: 0.0.44.dev20260713+nightly
codegen_flags: <defaults>
</compile_context>

<pallas_src>
import functools

import jax
import jax.numpy as jnp
from jax import lax
from jax.experimental import pallas as pl
from jax.experimental.pallas import tpu as pltpu
from jax.experimental.pallas import tpu_sc as plsc

H = 12
T = 2048
DK = 64
K = 4
TM = 512
NB = T // TM

NC = 2
NS = 16
NW = NC * NS
POS = H * T
PPW = POS // NW
CH = 128
NCHUNK = PPW // CH


def _sim_topk_body(xfull_ref, xblk_ref, wt_ref, cb_ref, fidx_ref, y_ref,
                   xn_scr):
    h = pl.program_id(0)
    i = pl.program_id(1)
    xblk = xblk_ref[0]

    @pl.when(i == 0)
    def _():
        xfull = xfull_ref[0]
        nf = jnp.sqrt(jnp.sum(xfull * xfull, axis=1, keepdims=True))
        xn_scr[...] = xfull / jnp.maximum(nf, 1e-12)

    xn_full = xn_scr[...]
    xn_blk = xn_scr[pl.ds(i * TM, TM), :]
    s = lax.dot_general(xn_blk, xn_full, (((1,), (1,)), ((), ())),
                        preferred_element_type=jnp.float32)
    s = jnp.maximum(s, 0.0)
    iota = lax.broadcasted_iota(jnp.int32, (TM, T), 1)
    diag = i * TM + lax.broadcasted_iota(jnp.int32, (TM, 1), 0)
    cols = [diag]
    s = jnp.where(iota == diag, -1.0, s)
    for r in range(1, K):
        m = jnp.max(s, axis=1, keepdims=True)
        ii = jnp.min(jnp.where(s == m, iota, T), axis=1, keepdims=True)
        cols.append(ii)
        if r + 1 < K:
            s = jnp.where(iota == ii, -1.0, s)
    idx = jnp.concatenate(cols, axis=1)
    jj = lax.broadcasted_iota(jnp.int32, (TM, K), 1)
    block_row = ((h * NB + idx // TM) * (2 * TM)
                 + idx % TM + (jj // 2) * TM)
    fidx_ref[0] = block_row * 2 + (jj % 2)
    ys = [lax.dot_general(xblk, wt_ref[j], (((1,), (0,)), ((), ())),
                          preferred_element_type=jnp.float32)
          for j in range(K)]
    ys[0] = ys[0] + cb_ref[...]
    y_ref[...] = jnp.concatenate(
        [jnp.concatenate([ys[0], ys[1]], axis=1),
         jnp.concatenate([ys[2], ys[3]], axis=1)], axis=0)


def _sim_topk(xh, wt, cb):
    return pl.pallas_call(
        _sim_topk_body,
        grid=(H, NB),
        in_specs=[
            pl.BlockSpec((1, T, DK), lambda h, i: (h, 0, 0)),
            pl.BlockSpec((1, TM, DK), lambda h, i: (h, i, 0)),
            pl.BlockSpec((K, DK, DK), lambda h, i: (0, 0, 0)),
            pl.BlockSpec((1, DK), lambda h, i: (0, 0)),
        ],
        out_specs=[
            pl.BlockSpec((1, TM, K), lambda h, i: (h, i, 0)),
            pl.BlockSpec((2 * TM, 2 * DK), lambda h, i: (h * NB + i, 0)),
        ],
        out_shape=[
            jax.ShapeDtypeStruct((H, T, K), jnp.int32),
            jax.ShapeDtypeStruct((POS * K // 2, 2 * DK), jnp.float32),
        ],
        scratch_shapes=[pltpu.VMEM((T, DK), jnp.float32)],
    )(xh, xh, wt, cb)


def _gather_sum_body(table_hbm, fidx_hbm, out_hbm,
                     idx_v, rows_v, out_v, gsem0, gsem1, osem):
    cid = lax.axis_index("c")
    sid = lax.axis_index("s")
    wid = sid * NC + cid
    pltpu.sync_copy(fidx_hbm.at[pl.ds(wid * (NCHUNK * K), NCHUNK * K)], idx_v)
    gsems = [gsem0, gsem1]
    gcopies = [None, None]
    ocopies = [None, None]

    def fire(c):
        b = c % 2
        gcopies[b] = [
            pltpu.async_copy(table_hbm.at[idx_v.at[c * K + g]],
                             rows_v.at[b, pl.ds(g * CH, CH)], gsems[b])
            for g in range(K)
        ]

    fire(0)
    for c in range(NCHUNK):
        if c + 1 < NCHUNK:
            fire(c + 1)
        b = c % 2
        for cp in gcopies[b]:
            cp.wait()
        if ocopies[b] is not None:
            ocopies[b].wait()

        def pos_body(i2, c2, b=b):
            for u in range(2):
                i = i2 * 2 + u
                for c4 in range(DK // 16):
                    sl = pl.ds(c4 * 16, 16)
                    acc = rows_v[b, i * K, sl]
                    for j in range(1, K):
                        acc = acc + rows_v[b, i * K + j, sl]
                    out_v[b, i, sl] = acc
            return c2

        lax.fori_loop(0, CH // 2, pos_body, 0)
        base = (wid * NCHUNK + c) * CH
        ocopies[b] = pltpu.async_copy(out_v.at[b], out_hbm.at[pl.ds(base, CH)],
                                      osem)
    for oc in ocopies:
        if oc is not None:
            oc.wait()


@functools.cache
def _gather_sum():
    mesh = plsc.VectorSubcoreMesh(core_axis_name="c", subcore_axis_name="s")
    return pl.kernel(
        _gather_sum_body,
        mesh=mesh,
        out_type=jax.ShapeDtypeStruct((POS, DK), jnp.float32),
        scratch_types=[
            pltpu.VMEM((NCHUNK * K, CH), jnp.int32),
            pltpu.VMEM((2, K * CH, DK), jnp.float32),
            pltpu.VMEM((2, CH, DK), jnp.float32),
            pltpu.SemaphoreType.DMA,
            pltpu.SemaphoreType.DMA,
            pltpu.SemaphoreType.DMA,
        ],
        compiler_params=pltpu.CompilerParams(use_tc_tiling_on_sc=False),
    )


def kernel(x, conv_w, conv_b):
    xh = x.reshape(T, H, DK).transpose(1, 0, 2)
    wt = conv_w.transpose(2, 1, 0)
    fidx, y = _sim_topk(xh, wt, conv_b.reshape(1, DK))
    table = y.reshape(POS * K, DK)
    fidx_r = fidx.reshape(NW * NCHUNK * K, CH)
    out_sc = _gather_sum()(table, fidx_r)
    y2 = out_sc.reshape(1, H, DK, T)
    return y2.transpose(0, 1, 3, 2).transpose(0, 2, 1, 3).reshape(1, T, H * DK)

# --- scband reference (transcript-rebuilt; emitter-appended) ---
"""Pipeline reference for scband-multi-head-conv-nnattention-1683627180139 (READ-ONLY COPY).

The authoritative reference and input builder live on the scoring server;
editing this copy changes nothing except your own understanding.
"""

import jax, jax.numpy as jnp
import numpy as np

B = 1
T = 2048
D = 768
H = 12
DK = D // H  # 64
K = 4


def setup_inputs(seed: int = 0) -> dict:
    key = jax.random.key(seed)
    k1, k2, k3 = jax.random.split(key, 3)
    x = jax.random.normal(k1, (B, T, D), dtype=jnp.float32)
    # Conv1d(in_channels=DK, out_channels=DK, kernel_size=K, stride=K)
    conv_w = jax.random.normal(k2, (DK, DK, K), dtype=jnp.float32) * (1.0 / np.sqrt(DK * K))
    conv_b = jax.random.normal(k3, (DK,), dtype=jnp.float32) * 0.01
    return {"x": x, "conv_w": conv_w, "conv_b": conv_b}


def reference(x, conv_w, conv_b):
    # Faithful translation of MultiHeadConvNNAttention.forward with
    # sampling_type='all', magnitude_type='similarity', coordinate_encoding=False.
    # Note: W_q/W_k/W_v/W_o are defined in __init__ but never used in forward.
    b, t, d = x.shape
    h, dk = H, DK
    # split_head: [b, t, d] -> [b, h, t, dk]
    xh = x.reshape(b, t, h, dk).transpose(0, 2, 1, 3)
    # batch_combine: permute to [b, h, dk, t] then view(-1, dk, t)
    kvq = xh.transpose(0, 1, 3, 2).reshape(b * h, dk, t)
    k = kvq
    q = kvq
    v = kvq
    # _calculate_similarity_matrix: F.normalize over dim=1 (eps=1e-12)
    kn = k / jnp.maximum(jnp.linalg.norm(k, axis=1, keepdims=True), 1e-12)
    qn = q / jnp.maximum(jnp.linalg.norm(q, axis=1, keepdims=True), 1e-12)
    sim = jnp.einsum('bct,bcs->bts', kn, qn)  # bmm(k_norm^T, q_norm): [bh, t, t]
    sim = jnp.clip(sim, 0.0, None)
    # _prime: top-K neighbors (largest=True for similarity), gather values
    _, idx = jax.lax.top_k(sim, K)  # [bh, t, K]
    # prime[b,c,i,j] = v[b, c, idx[b,i,j]]
    prime = jax.vmap(lambda vb, ib: vb[:, ib])(v, idx)  # [bh, dk, t, K]
    prime = prime.reshape(b * h, dk, t * K)
    # Conv1d kernel_size=K, stride=K, padding=0 -> non-overlapping windows
    pr = prime.reshape(b * h, dk, t, K)
    out = jnp.einsum('bcik,ock->boi', pr, conv_w) + conv_b[None, :, None]  # [bh, dk, t]
    # dropout p=attention_dropout=0.0 -> identity
    # x.permute(0,2,1) -> [bh, t, dk]
    y = out.transpose(0, 2, 1)
    # batch_split: reshape(batch_size, -1, dk, seq_length) then permute(0,1,3,2)
    y = y.reshape(b, h, dk, t)
    y = y.transpose(0, 1, 3, 2)  # [b, h, t, dk]
    # combine_heads: transpose(1,2).view(b, t, d)
    y = y.transpose(0, 2, 1, 3).reshape(b, t, d)
    return y

if __name__ == "__main__":
    import jax
    _d = setup_inputs()
    print(jax.jit(kernel)(*tuple(_d.values())))

</pallas_src>

<mosaic_0001>
#map = affine_map<(d0, d1) -> (0, 0)>
module attributes {stable_mosaic.version = 14 : i64} {
  func.func @_gather_sum_body(%arg0: i32, %arg1: i32, %arg2: memref<98304x64xf32, #tpu.memory_space<hbm>>, %arg3: memref<768x128xi32, #tpu.memory_space<hbm>>, %arg4: memref<24576x64xf32, #tpu.memory_space<hbm>>, %arg5: memref<24x128xi32, #tpu.memory_space<vmem>>, %arg6: memref<2x512x64xf32, #tpu.memory_space<vmem>>, %arg7: memref<2x128x64xf32, #tpu.memory_space<vmem>>, %arg8: memref<!tpu.dma_semaphore, #tpu.memory_space<semaphore_mem>>, %arg9: memref<!tpu.dma_semaphore, #tpu.memory_space<semaphore_mem>>, %arg10: memref<!tpu.dma_semaphore, #tpu.memory_space<semaphore_mem>>) attributes {dimension_semantics = [#tpu.dimension_semantics<core_parallel>, #tpu.dimension_semantics<subcore_parallel>], iteration_bounds = array<i64: 2, 16>, scalar_prefetch = 0 : i64, scratch_operands = 6 : i64, tpu.core_type = #tpu.core_type<sc_vector_subcore>, window_params = [{transform_indices = #map}, {transform_indices = #map}, {transform_indices = #map}]} {
    %mul3A = arith.constant 2 : i32
    %mul3A_0 = arith.muli %arg1, %mul3A : i32
    %add3A = arith.addi %mul3A_0, %arg0 : i32
    %mul3A_1 = arith.constant 24 : i32
    %mul3A_2 = arith.muli %add3A, %mul3A_1 : i32
    "tpu.region"() ({
      %run_scoped3A = tpu.sem_alloc : memref<!tpu.dma_semaphore, #tpu.memory_space<semaphore_mem>>
      %dma_start3A_804 = arith.constant 0 : i32
      %dma_start3A_805 = tpu.memref_slice %arg3[%mul3A_2, %dma_start3A_804] : memref<768x128xi32, #tpu.memory_space<hbm>> -> memref<24x128xi32, #tpu.memory_space<hbm>>
      %dma_start3A_806 = arith.constant 0 : i32
      %dma_start3A_807 = tpu.memref_slice %arg3[%mul3A_2, %dma_start3A_806] : memref<768x128xi32, #tpu.memory_space<hbm>> -> memref<24x128xi32, #tpu.memory_space<hbm>>
      tpu.enqueue_dma source(%dma_start3A_807 : memref<24x128xi32, #tpu.memory_space<hbm>>) target(%arg5 : memref<24x128xi32, #tpu.memory_space<vmem>>) target_semaphore(%run_scoped3A : memref<!tpu.dma_semaphore, #tpu.memory_space<semaphore_mem>>)
      %dma_wait3A_808 = arith.constant 0 : i32
      %dma_wait3A_809 = tpu.memref_slice %arg3[%mul3A_2, %dma_wait3A_808] : memref<768x128xi32, #tpu.memory_space<hbm>> -> memref<24x128xi32, #tpu.memory_space<hbm>>
      %dma_wait3A_810 = arith.constant 0 : i32
      %dma_wait3A_811 = tpu.memref_slice %arg3[%mul3A_2, %dma_wait3A_810] : memref<768x128xi32, #tpu.memory_space<hbm>> -> memref<24x128xi32, #tpu.memory_space<hbm>>
      tpu.wait_dma2 semaphore(%run_scoped3A : memref<!tpu.dma_semaphore, #tpu.memory_space<semaphore_mem>>) src(%dma_wait3A_811 : memref<24x128xi32, #tpu.memory_space<hbm>>) dst(%arg5 : memref<24x128xi32, #tpu.memory_space<vmem>>)
      tpu.yield
    }) : () -> ()
    %dma_start3A = arith.constant 0 : i32
    %dma_start3A_3 = arith.constant 0 : i32
    %dma_start3A_4 = arith.constant 0 : i32
    %dma_start3A_5 = arith.constant 0 : i32
    %dma_start3A_6 = tpu.memref_slice %arg6[%dma_start3A_3, %dma_start3A_4, %dma_start3A_5] : memref<2x512x64xf32, #tpu.memory_space<vmem>> -> memref<1x128x64xf32, #tpu.memory_space<vmem>>
    %dma_start3A_7 = tpu.memref_squeeze %dma_start3A_6 : memref<1x128x64xf32, #tpu.memory_space<vmem>> -> memref<128x64xf32, #tpu.memory_space<vmem>>
    %dma_start3A_8 = arith.constant 0 : i32
    %dma_start3A_9 = tpu.memref_slice %arg5[%dma_start3A, %dma_start3A_8] : memref<24x128xi32, #tpu.memory_space<vmem>> -> memref<1x128xi32, #tpu.memory_space<vmem>>
    %dma_start3A_10 = tpu.memref_squeeze %dma_start3A_9 : memref<1x128xi32, #tpu.memory_space<vmem>> -> memref<128xi32, #tpu.memory_space<vmem>>
    %dma_start3A_11 = arith.constant 0 : i32
    %dma_start3A_12 = arith.constant 0 : i32
    %dma_start3A_13 = tpu.memref_slice %arg2[%dma_start3A_11, %dma_start3A_12] : memref<98304x64xf32, #tpu.memory_space<hbm>> -> memref<98304x64xf32, #tpu.memory_space<hbm>>
    tpu.enqueue_indirect_dma source(%dma_start3A_13 : memref<98304x64xf32, #tpu.memory_space<hbm>>) target(%dma_start3A_7 : memref<128x64xf32, #tpu.memory_space<vmem>>) offsets(%dma_start3A_10 : memref<128xi32, #tpu.memory_space<vmem>>) semaphore(%arg8 : memref<!tpu.dma_semaphore, #tpu.memory_space<semaphore_mem>>)
    %dma_start3A_14 = arith.constant 1 : i32
    %dma_start3A_15 = arith.constant 0 : i32
    %dma_start3A_16 = arith.constant 128 : i32
    %dma_start3A_17 = arith.constant 0 : i32
    %dma_start3A_18 = tpu.memref_slice %arg6[%dma_start3A_15, %dma_start3A_16, %dma_start3A_17] : memref<2x512x64xf32, #tpu.memory_space<vmem>> -> memref<1x128x64xf32, #tpu.memory_space<vmem>>
    %dma_start3A_19 = tpu.memref_squeeze %dma_start3A_18 : memref<1x128x64xf32, #tpu.memory_space<vmem>> -> memref<128x64xf32, #tpu.memory_space<vmem>>
    %dma_start3A_20 = arith.constant 0 : i32
    %dma_start3A_21 = tpu.memref_slice %arg5[%dma_start3A_14, %dma_start3A_20] : memref<24x128xi32, #tpu.memory_space<vmem>> -> memref<1x128xi32, #tpu.memory_space<vmem>>
    %dma_start3A_22 = tpu.memref_squeeze %dma_start3A_21 : memref<1x128xi32, #tpu.memory_space<vmem>> -> memref<128xi32, #tpu.memory_space<vmem>>
    %dma_start3A_23 = arith.constant 0 : i32
    %dma_start3A_24 = arith.constant 0 : i32
    %dma_start3A_25 = tpu.memref_slice %arg2[%dma_start3A_23, %dma_start3A_24] : memref<98304x64xf32, #tpu.memory_space<hbm>> -> memref<98304x64xf32, #tpu.memory_space<hbm>>
    tpu.enqueue_indirect_dma source(%dma_start3A_25 : memref<98304x64xf32, #tpu.memory_space<hbm>>) target(%dma_start3A_19 : memref<128x64xf32, #tpu.memory_space<vmem>>) offsets(%dma_start3A_22 : memref<128xi32, #tpu.memory_space<vmem>>) semaphore(%arg8 : memref<!tpu.dma_semaphore, #tpu.memory_space<semaphore_mem>>)
    %dma_start3A_26 = arith.constant 2 : i32
    %dma_start3A_27 = arith.constant 0 : i32
    %dma_start3A_28 = arith.constant 256 : i32
    %dma_start3A_29 = arith.constant 0 : i32
    %dma_start3A_30 = tpu.memref_slice %arg6[%dma_start3A_27, %dma_start3A_28, %dma_start3A_29] : memref<2x512x64xf32, #tpu.memory_space<vmem>> -> memref<1x128x64xf32, #tpu.memory_space<vmem>>
    %dma_start3A_31 = tpu.memref_squeeze %dma_start3A_30 : memref<1x128x64xf32, #tpu.memory_space<vmem>> -> memref<128x64xf32, #tpu.memory_space<vmem>>
    %dma_start3A_32 = arith.constant 0 : i32
    %dma_start3A_33 = tpu.memref_slice %arg5[%dma_start3A_26, %dma_start3A_32] : memref<24x128xi32, #tpu.memory_space<vmem>> -> memref<1x128xi32, #tpu.memory_space<vmem>>
    %dma_start3A_34 = tpu.memref_squeeze %dma_start3A_33 : memref<1x128xi32, #tpu.memory_space<vmem>> -> memref<128xi32, #tpu.memory_space<vmem>>
    %dma_start3A_35 = arith.constant 0 : i32
    %dma_start3A_36 = arith.constant 0 : i32
    %dma_start3A_37 = tpu.memref_slice %arg2[%dma_start3A_35, %dma_start3A_36] : memref<98304x64xf32, #tpu.memory_space<hbm>> -> memref<98304x64xf32, #tpu.memory_space<hbm>>
    tpu.enqueue_indirect_dma source(%dma_start3A_37 : memref<98304x64xf32, #tpu.memory_space<hbm>>) target(%dma_start3A_31 : memref<128x64xf32, #tpu.memory_space<vmem>>) offsets(%dma_start3A_34 : memref<128xi32, #tpu.memory_space<vmem>>) semaphore(%arg8 : memref<!tpu.dma_semaphore, #tpu.memory_space<semaphore_mem>>)
    %dma_start3A_38 = arith.constant 3 : i32
    %dma_start3A_39 = arith.constant 0 : i32
    %dma_start3A_40 = arith.constant 384 : i32
    %dma_start3A_41 = arith.constant 0 : i32
    %dma_start3A_42 = tpu.memref_slice %arg6[%dma_start3A_39, %dma_start3A_40, %dma_start3A_41] : memref<2x512x64xf32, #tpu.memory_space<vmem>> -> memref<1x128x64xf32, #tpu.memory_space<vmem>>
    %dma_start3A_43 = tpu.memref_squeeze %dma_start3A_42 : memref<1x128x64xf32, #tpu.memory_space<vmem>> -> memref<128x64xf32, #tpu.memory_space<vmem>>
    %dma_start3A_44 = arith.constant 0 : i32
    %dma_start3A_45 = tpu.memref_slice %arg5[%dma_start3A_38, %dma_start3A_44] : memref<24x128xi32, #tpu.memory_space<vmem>> -> memref<1x128xi32, #tpu.memory_space<vmem>>
    %dma_start3A_46 = tpu.memref_squeeze %dma_start3A_45 : memref<1x128xi32, #tpu.memory_space<vmem>> -> memref<128xi32, #tpu.memory_space<vmem>>
    %dma_start3A_47 = arith.constant 0 : i32
    %dma_start3A_48 = arith.constant 0 : i32
    %dma_start3A_49 = tpu.memref_slice %arg2[%dma_start3A_47, %dma_start3A_48] : memref<98304x64xf32, #tpu.memory_space<hbm>> -> memref<98304x64xf32, #tpu.memory_space<hbm>>
    tpu.enqueue_indirect_dma source(%dma_start3A_49 : memref<98304x64xf32, #tpu.memory_space<hbm>>) target(%dma_start3A_43 : memref<128x64xf32, #tpu.memory_space<vmem>>) offsets(%dma_start3A_46 : memref<128xi32, #tpu.memory_space<vmem>>) semaphore(%arg8 : memref<!tpu.dma_semaphore, #tpu.memory_space<semaphore_mem>>)
    %dma_start3A_50 = arith.constant 4 : i32
    %dma_start3A_51 = arith.constant 1 : i32
    %dma_start3A_52 = arith.constant 0 : i32
    %dma_start3A_53 = arith.constant 0 : i32
    %dma_start3A_54 = tpu.memref_slice %arg6[%dma_start3A_51, %dma_start3A_52, %dma_start3A_53] : memref<2x512x64xf32, #tpu.memory_space<vmem>> -> memref<1x128x64xf32, #tpu.memory_space<vmem>>
    %dma_start3A_55 = tpu.memref_squeeze %dma_start3A_54 : memref<1x128x64xf32, #tpu.memory_space<vmem>> -> memref<128x64xf32, #tpu.memory_space<vmem>>
    %dma_start3A_56 = arith.constant 0 : i32
    %dma_start3A_57 = tpu.memref_slice %arg5[%dma_start3A_50, %dma_start3A_56] : memref<24x128xi32, #tpu.memory_space<vmem>> -> memref<1x128xi32, #tpu.memory_space<vmem>>
    %dma_start3A_58 = tpu.memref_squeeze %dma_start3A_57 : memref<1x128xi32, #tpu.memory_space<vmem>> -> memref<128xi32, #tpu.memory_space<vmem>>
    %dma_start3A_59 = arith.constant 0 : i32
    %dma_start3A_60 = arith.constant 0 : i32
    %dma_start3A_61 = tpu.memref_slice %arg2[%dma_start3A_59, %dma_start3A_60] : memref<98304x64xf32, #tpu.memory_space<hbm>> -> memref<98304x64xf32, #tpu.memory_space<hbm>>
    tpu.enqueue_indirect_dma source(%dma_start3A_61 : memref<98304x64xf32, #tpu.memory_space<hbm>>) target(%dma_start3A_55 : memref<128x64xf32, #tpu.memory_space<vmem>>) offsets(%dma_start3A_58 : memref<128xi32, #tpu.memory_space<vmem>>) semaphore(%arg9 : memref<!tpu.dma_semaphore, #tpu.memory_space<semaphore_mem>>)
    %dma_start3A_62 = arith.constant 5 : i32
    %dma_start3A_63 = arith.constant 1 : i32
    %dma_start3A_64 = arith.constant 128 : i32
    %dma_start3A_65 = arith.constant 0 : i32
    %dma_start3A_66 = tpu.memref_slice %arg6[%dma_start3A_63, %dma_start3A_64, %dma_start3A_65] : memref<2x512x64xf32, #tpu.memory_space<vmem>> -> memref<1x128x64xf32, #tpu.memory_space<vmem>>
    %dma_start3A_67 = tpu.memref_squeeze %dma_start3A_66 : memref<1x128x64xf32, #tpu.memory_space<vmem>> -> memref<128x64xf32, #tpu.memory_space<vmem>>
    %dma_start3A_68 = arith.constant 0 : i32
    %dma_start3A_69 = tpu.memref_slice %arg5[%dma_start3A_62, %dma_start3A_68] : memref<24x128xi32, #tpu.memory_space<vmem>> -> memref<1x128xi32, #tpu.memory_space<vmem>>
    %dma_start3A_70 = tpu.memref_squeeze %dma_start3A_69 : memref<1x128xi32, #tpu.memory_space<vmem>> -> memref<128xi32, #tpu.memory_space<vmem>>
    %dma_start3A_71 = arith.constant 0 : i32
    %dma_start3A_72 = arith.constant 0 : i32
    %dma_start3A_73 = tpu.memref_slice %arg2[%dma_start3A_71, %dma_start3A_72] : memref<98304x64xf32, #tpu.memory_space<hbm>> -> memref<98304x64xf32, #tpu.memory_space<hbm>>
    tpu.enqueue_indirect_dma source(%dma_start3A_73 : memref<98304x64xf32, #tpu.memory_space<hbm>>) target(%dma_start3A_67 : memref<128x64xf32, #tpu.memory_space<vmem>>) offsets(%dma_start3A_70 : memref<128xi32, #tpu.memory_space<vmem>>) semaphore(%arg9 : memref<!tpu.dma_semaphore, #tpu.memory_space<semaphore_mem>>)
    %dma_start3A_74 = arith.constant 6 : i32
    %dma_start3A_75 = arith.constant 1 : i32
    %dma_start3A_76 = arith.constant 256 : i32
    %dma_start3A_77 = arith.constant 0 : i32
    %dma_start3A_78 = tpu.memref_slice %arg6[%dma_start3A_75, %dma_start3A_76, %dma_start3A_77] : memref<2x512x64xf32, #tpu.memory_space<vmem>> -> memref<1x128x64xf32, #tpu.memory_space<vmem>>
    %dma_start3A_79 = tpu.memref_squeeze %dma_start3A_78 : memref<1x128x64xf32, #tpu.memory_space<vmem>> -> memref<128x64xf32, #tpu.memory_space<vmem>>
    %dma_start3A_80 = arith.constant 0 : i32
    %dma_start3A_81 = tpu.memref_slice %arg5[%dma_start3A_74, %dma_start3A_80] : memref<24x128xi32, #tpu.memory_space<vmem>> -> memref<1x128xi32, #tpu.memory_space<vmem>>
    %dma_start3A_82 = tpu.memref_squeeze %dma_start3A_81 : memref<1x128xi32, #tpu.memory_space<vmem>> -> memref<128xi32, #tpu.memory_space<vmem>>
    %dma_start3A_83 = arith.constant 0 : i32
    %dma_start3A_84 = arith.constant 0 : i32
    %dma_start3A_85 = tpu.memref_slice %arg2[%dma_start3A_83, %dma_start3A_84] : memref<98304x64xf32, #tpu.memory_space<hbm>> -> memref<98304x64xf32, #tpu.memory_space<hbm>>
    tpu.enqueue_indirect_dma source(%dma_start3A_85 : memref<98304x64xf32, #tpu.memory_space<hbm>>) target(%dma_start3A_79 : memref<128x64xf32, #tpu.memory_space<vmem>>) offsets(%dma_start3A_82 : memref<128xi32, #tpu.memory_space<vmem>>) semaphore(%arg9 : memref<!tpu.dma_semaphore, #tpu.memory_space<semaphore_mem>>)
    %dma_start3A_86 = arith.constant 7 : i32
    %dma_start3A_87 = arith.constant 1 : i32
    %dma_start3A_88 = arith.constant 384 : i32
    %dma_start3A_89 = arith.constant 0 : i32
    %dma_start3A_90 = tpu.memref_slice %arg6[%dma_start3A_87, %dma_start3A_88, %dma_start3A_89] : memref<2x512x64xf32, #tpu.memory_space<vmem>> -> memref<1x128x64xf32, #tpu.memory_space<vmem>>
    %dma_start3A_91 = tpu.memref_squeeze %dma_start3A_90 : memref<1x128x64xf32, #tpu.memory_space<vmem>> -> memref<128x64xf32, #tpu.memory_space<vmem>>
    %dma_start3A_92 = arith.constant 0 : i32
    %dma_start3A_93 = tpu.memref_slice %arg5[%dma_start3A_86, %dma_start3A_92] : memref<24x128xi32, #tpu.memory_space<vmem>> -> memref<1x128xi32, #tpu.memory_space<vmem>>
    %dma_start3A_94 = tpu.memref_squeeze %dma_start3A_93 : memref<1x128xi32, #tpu.memory_space<vmem>> -> memref<128xi32, #tpu.memory_space<vmem>>
    %dma_start3A_95 = arith.constant 0 : i32
    %dma_start3A_96 = arith.constant 0 : i32
    %dma_start3A_97 = tpu.memref_slice %arg2[%dma_start3A_95, %dma_start3A_96] : memref<98304x64xf32, #tpu.memory_space<hbm>> -> memref<98304x64xf32, #tpu.memory_space<hbm>>
    tpu.enqueue_indirect_dma source(%dma_start3A_97 : memref<98304x64xf32, #tpu.memory_space<hbm>>) target(%dma_start3A_91 : memref<128x64xf32, #tpu.memory_space<vmem>>) offsets(%dma_start3A_94 : memref<128xi32, #tpu.memory_space<vmem>>) semaphore(%arg9 : memref<!tpu.dma_semaphore, #tpu.memory_space<semaphore_mem>>)
    %dma_wait3A = arith.constant 0 : i32
    %dma_wait3A_98 = arith.constant 0 : i32
    %dma_wait3A_99 = arith.constant 0 : i32
    %dma_wait3A_100 = arith.constant 0 : i32
    %dma_wait3A_101 = tpu.memref_slice %arg6[%dma_wait3A_98, %dma_wait3A_99, %dma_wait3A_100] : memref<2x512x64xf32, #tpu.memory_space<vmem>> -> memref<1x128x64xf32, #tpu.memory_space<vmem>>
    %dma_wait3A_102 = tpu.memref_squeeze %dma_wait3A_101 : memref<1x128x64xf32, #tpu.memory_space<vmem>> -> memref<128x64xf32, #tpu.memory_space<vmem>>
    %dma_wait3A_103 = arith.constant 0 : i32
    %dma_wait3A_104 = tpu.memref_slice %arg5[%dma_wait3A, %dma_wait3A_103] : memref<24x128xi32, #tpu.memory_space<vmem>> -> memref<1x128xi32, #tpu.memory_space<vmem>>
    %dma_wait3A_105 = tpu.memref_squeeze %dma_wait3A_104 : memref<1x128xi32, #tpu.memory_space<vmem>> -> memref<128xi32, #tpu.memory_space<vmem>>
    %dma_wait3A_106 = arith.constant 0 : i32
    %dma_wait3A_107 = arith.constant 0 : i32
    %dma_wait3A_108 = tpu.memref_slice %arg2[%dma_wait3A_106, %dma_wait3A_107] : memref<98304x64xf32, #tpu.memory_space<hbm>> -> memref<98304x64xf32, #tpu.memory_space<hbm>>
    tpu.wait_indirect_dma semaphore(%arg8 : memref<!tpu.dma_semaphore, #tpu.memory_space<semaphore_mem>>) src(%dma_wait3A_108 : memref<98304x64xf32, #tpu.memory_space<hbm>>) dst(%dma_wait3A_102 : memref<128x64xf32, #tpu.memory_space<vmem>>)
    %dma_wait3A_109 = arith.constant 1 : i32
    %dma_wait3A_110 = arith.constant 0 : i32
    %dma_wait3A_111 = arith.constant 128 : i32
    %dma_wait3A_112 = arith.constant 0 : i32
    %dma_wait3A_113 = tpu.memref_slice %arg6[%dma_wait3A_110, %dma_wait3A_111, %dma_wait3A_112] : memref<2x512x64xf32, #tpu.memory_space<vmem>> -> memref<1x128x64xf32, #tpu.memory_space<vmem>>
    %dma_wait3A_114 = tpu.memref_squeeze %dma_wait3A_113 : memref<1x128x64xf32, #tpu.memory_space<vmem>> -> memref<128x64xf32, #tpu.memory_space<vmem>>
    %dma_wait3A_115 = arith.constant 0 : i32
    %dma_wait3A_116 = tpu.memref_slice %arg5[%dma_wait3A_109, %dma_wait3A_115] : memref<24x128xi32, #tpu.memory_space<vmem>> -> memref<1x128xi32, #tpu.memory_space<vmem>>
    %dma_wait3A_117 = tpu.memref_squeeze %dma_wait3A_116 : memref<1x128xi32, #tpu.memory_space<vmem>> -> memref<128xi32, #tpu.memory_space<vmem>>
    %dma_wait3A_118 = arith.constant 0 : i32
    %dma_wait3A_119 = arith.constant 0 : i32
    %dma_wait3A_120 = tpu.memref_slice %arg2[%dma_wait3A_118, %dma_wait3A_119] : memref<98304x64xf32, #tpu.memory_space<hbm>> -> memref<98304x64xf32, #tpu.memory_space<hbm>>
    tpu.wait_indirect_dma semaphore(%arg8 : memref<!tpu.dma_semaphore, #tpu.memory_space<semaphore_mem>>) src(%dma_wait3A_120 : memref<98304x64xf32, #tpu.memory_space<hbm>>) dst(%dma_wait3A_114 : memref<128x64xf32, #tpu.memory_space<vmem>>)
    %dma_wait3A_121 = arith.constant 2 : i32
    %dma_wait3A_122 = arith.constant 0 : i32
    %dma_wait3A_123 = arith.constant 256 : i32
    %dma_wait3A_124 = arith.constant 0 : i32
    %dma_wait3A_125 = tpu.memref_slice %arg6[%dma_wait3A_122, %dma_wait3A_123, %dma_wait3A_124] : memref<2x512x64xf32, #tpu.memory_space<vmem>> -> memref<1x128x64xf32, #tpu.memory_space<vmem>>
    %dma_wait3A_126 = tpu.memref_squeeze %dma_wait3A_125 : memref<1x128x64xf32, #tpu.memory_space<vmem>> -> memref<128x64xf32, #tpu.memory_space<vmem>>
    %dma_wait3A_127 = arith.constant 0 : i32
    %dma_wait3A_128 = tpu.memref_slice %arg5[%dma_wait3A_121, %dma_wait3A_127] : memref<24x128xi32, #tpu.memory_space<vmem>> -> memref<1x128xi32, #tpu.memory_space<vmem>>
    %dma_wait3A_129 = tpu.memref_squeeze %dma_wait3A_128 : memref<1x128xi32, #tpu.memory_space<vmem>> -> memref<128xi32, #tpu.memory_space<vmem>>
    %dma_wait3A_130 = arith.constant 0 : i32
    %dma_wait3A_131 = arith.constant 0 : i32
    %dma_wait3A_132 = tpu.memref_slice %arg2[%dma_wait3A_130, %dma_wait3A_131] : memref<98304x64xf32, #tpu.memory_space<hbm>> -> memref<98304x64xf32, #tpu.memory_space<hbm>>
    tpu.wait_indirect_dma semaphore(%arg8 : memref<!tpu.dma_semaphore, #tpu.memory_space<semaphore_mem>>) src(%dma_wait3A_132 : memref<98304x64xf32, #tpu.memory_space<hbm>>) dst(%dma_wait3A_126 : memref<128x64xf32, #tpu.memory_space<vmem>>)
    %dma_wait3A_133 = arith.constant 3 : i32
    %dma_wait3A_134 = arith.constant 0 : i32
    %dma_wait3A_135 = arith.constant 384 : i32
    %dma_wait3A_136 = arith.constant 0 : i32
    %dma_wait3A_137 = tpu.memref_slice %arg6[%dma_wait3A_134, %dma_wait3A_135, %dma_wait3A_136] : memref<2x512x64xf32, #tpu.memory_space<vmem>> -> memref<1x128x64xf32, #tpu.memory_space<vmem>>
    %dma_wait3A_138 = tpu.memref_squeeze %dma_wait3A_137 : memref<1x128x64xf32, #tpu.memory_space<vmem>> -> memref<128x64xf32, #tpu.memory_space<vmem>>
    %dma_wait3A_139 = arith.constant 0 : i32
    %dma_wait3A_140 = tpu.memref_slice %arg5[%dma_wait3A_133, %dma_wait3A_139] : memref<24x128xi32, #tpu.memory_space<vmem>> -> memref<1x128xi32, #tpu.memory_space<vmem>>
    %dma_wait3A_141 = tpu.memref_squeeze %dma_wait3A_140 : memref<1x128xi32, #tpu.memory_space<vmem>> -> memref<128xi32, #tpu.memory_space<vmem>>
    %dma_wait3A_142 = arith.constant 0 : i32
    %dma_wait3A_143 = arith.constant 0 : i32
    %dma_wait3A_144 = tpu.memref_slice %arg2[%dma_wait3A_142, %dma_wait3A_143] : memref<98304x64xf32, #tpu.memory_space<hbm>> -> memref<98304x64xf32, #tpu.memory_space<hbm>>
    tpu.wait_indirect_dma semaphore(%arg8 : memref<!tpu.dma_semaphore, #tpu.memory_space<semaphore_mem>>) src(%dma_wait3A_144 : memref<98304x64xf32, #tpu.memory_space<hbm>>) dst(%dma_wait3A_138 : memref<128x64xf32, #tpu.memory_space<vmem>>)
    %scan3A = arith.constant 0 : i32
    %scan3A_145 = arith.constant 0 : i32
    %scan3A_146 = arith.constant 64 : i32
    %scan3A_147 = arith.addi %scan3A_145, %scan3A_146 : i32
    %scan3A_148 = arith.constant 1 : i32
    scf.for %scan3A_804 = %scan3A_145 to %scan3A_147 step %scan3A_148  : i32 {
      %mul3A_805 = arith.constant 2 : i32
      %mul3A_806 = arith.muli %scan3A_804, %mul3A_805 : i32
      %add3A_807 = arith.constant 0 : i32
      %add3A_808 = arith.addi %mul3A_806, %add3A_807 : i32
      %mul3A_809 = arith.constant 4 : i32
      %mul3A_810 = arith.muli %add3A_808, %mul3A_809 : i32
      %get3A = arith.constant 0 : i32
      %get3A_811 = arith.index_cast %get3A : i32 to index
      %get3A_812 = arith.index_cast %mul3A_810 : i32 to index
      %get3A_813 = arith.constant 0 : index
      %get3A_814 = tpu.vector_load %arg6[%get3A_811, %get3A_812, %get3A_813] {strides = array<i32>} : memref<2x512x64xf32, #tpu.memory_space<vmem>>, vector<1x1x16xf32>,
      %get3A_815 = vector.shape_cast %get3A_814 : vector<1x1x16xf32> to vector<16xf32>
      %mul3A_816 = arith.constant 4 : i32
      %mul3A_817 = arith.muli %add3A_808, %mul3A_816 : i32
      %add3A_818 = arith.constant 1 : i32
      %add3A_819 = arith.addi %mul3A_817, %add3A_818 : i32
      %get3A_820 = arith.constant 0 : i32
      %get3A_821 = arith.index_cast %get3A_820 : i32 to index
      %get3A_822 = arith.index_cast %add3A_819 : i32 to index
      %get3A_823 = arith.constant 0 : index
      %get3A_824 = tpu.vector_load %arg6[%get3A_821, %get3A_822, %get3A_823] {strides = array<i32>} : memref<2x512x64xf32, #tpu.memory_space<vmem>>, vector<1x1x16xf32>,
      %get3A_825 = vector.shape_cast %get3A_824 : vector<1x1x16xf32> to vector<16xf32>
      %add3A_826 = arith.addf %get3A_815, %get3A_825 : vector<16xf32>
      %mul3A_827 = arith.constant 4 : i32
      %mul3A_828 = arith.muli %add3A_808, %mul3A_827 : i32
      %add3A_829 = arith.constant 2 : i32
      %add3A_830 = arith.addi %mul3A_828, %add3A_829 : i32
      %get3A_831 = arith.constant 0 : i32
      %get3A_832 = arith.index_cast %get3A_831 : i32 to index
      %get3A_833 = arith.index_cast %add3A_830 : i32 to index
      %get3A_834 = arith.constant 0 : index
      %get3A_835 = tpu.vector_load %arg6[%get3A_832, %get3A_833, %get3A_834] {strides = array<i32>} : memref<2x512x64xf32, #tpu.memory_space<vmem>>, vector<1x1x16xf32>,
      %get3A_836 = vector.shape_cast %get3A_835 : vector<1x1x16xf32> to vector<16xf32>
      %add3A_837 = arith.addf %add3A_826, %get3A_836 : vector<16xf32>
      %mul3A_838 = arith.constant 4 : i32
      %mul3A_839 = arith.muli %add3A_808, %mul3A_838 : i32
      %add3A_840 = arith.constant 3 : i32
      %add3A_841 = arith.addi %mul3A_839, %add3A_840 : i32
      %get3A_842 = arith.constant 0 : i32
      %get3A_843 = arith.index_cast %get3A_842 : i32 to index
      %get3A_844 = arith.index_cast %add3A_841 : i32 to index
      %get3A_845 = arith.constant 0 : index
      %get3A_846 = tpu.vector_load %arg6[%get3A_843, %get3A_844, %get3A_845] {strides = array<i32>} : memref<2x512x64xf32, #tpu.memory_space<vmem>>, vector<1x1x16xf32>,
      %get3A_847 = vector.shape_cast %get3A_846 : vector<1x1x16xf32> to vector<16xf32>
      %add3A_848 = arith.addf %add3A_837, %get3A_847 : vector<16xf32>
      %swap3A = arith.constant 0 : i32
      %swap3A_849 = arith.index_cast %swap3A : i32 to index
      %swap3A_850 = arith.index_cast %add3A_808 : i32 to index
      %swap3A_851 = arith.constant 0 : index
      %swap3A_852 = tpu.vector_load %arg7[%swap3A_849, %swap3A_850, %swap3A_851] {strides = array<i32>} : memref<2x128x64xf32, #tpu.memory_space<vmem>>, vector<1x1x16xf32>,
      %swap3A_853 = vector.shape_cast %swap3A_852 : vector<1x1x16xf32> to vector<16xf32>
      %swap3A_854 = vector.shape_cast %add3A_848 : vector<16xf32> to vector<1x1x16xf32>
      tpu.vector_store %arg7[%swap3A_849, %swap3A_850, %swap3A_851], %swap3A_854 {strides = array<i32>} : memref<2x128x64xf32, #tpu.memory_space<vmem>>, vector<1x1x16xf32>,
      %mul3A_855 = arith.constant 4 : i32
      %mul3A_856 = arith.muli %add3A_808, %mul3A_855 : i32
      %get3A_857 = arith.constant 0 : i32
      %get3A_858 = arith.index_cast %get3A_857 : i32 to index
      %get3A_859 = arith.index_cast %mul3A_856 : i32 to index
      %get3A_860 = arith.constant 16 : index
      %get3A_861 = tpu.vector_load %arg6[%get3A_858, %get3A_859, %get3A_860] {strides = array<i32>} : memref<2x512x64xf32, #tpu.memory_space<vmem>>, vector<1x1x16xf32>,
      %get3A_862 = vector.shape_cast %get3A_861 : vector<1x1x16xf32> to vector<16xf32>
      %mul3A_863 = arith.constant 4 : i32
      %mul3A_864 = arith.muli %add3A_808, %mul3A_863 : i32
      %add3A_865 = arith.constant 1 : i32
      %add3A_866 = arith.addi %mul3A_864, %add3A_865 : i32
      %get3A_867 = arith.constant 0 : i32
      %get3A_868 = arith.index_cast %get3A_867 : i32 to index
      %get3A_869 = arith.index_cast %add3A_866 : i32 to index
      %get3A_870 = arith.constant 16 : index
      %get3A_871 = tpu.vector_load %arg6[%get3A_868, %get3A_869, %get3A_870] {strides = array<i32>} : memref<2x512x64xf32, #tpu.memory_space<vmem>>, vector<1x1x16xf32>,
      %get3A_872 = vector.shape_cast %get3A_871 : vector<1x1x16xf32> to vector<16xf32>
      %add3A_873 = arith.addf %get3A_862, %get3A_872 : vector<16xf32>
      %mul3A_874 = arith.constant 4 : i32
      %mul3A_875 = arith.muli %add3A_808, %mul3A_874 : i32
      %add3A_876 = arith.constant 2 : i32
      %add3A_877 = arith.addi %mul3A_875, %add3A_876 : i32
      %get3A_878 = arith.constant 0 : i32
      %get3A_879 = arith.index_cast %get3A_878 : i32 to index
      %get3A_880 = arith.index_cast %add3A_877 : i32 to index
      %get3A_881 = arith.constant 16 : index
      %get3A_882 = tpu.vector_load %arg6[%get3A_879, %get3A_880, %get3A_881] {strides = array<i32>} : memref<2x512x64xf32, #tpu.memory_space<vmem>>, vector<1x1x16xf32>,
      %get3A_883 = vector.shape_cast %get3A_882 : vector<1x1x16xf32> to vector<16xf32>
      %add3A_884 = arith.addf %add3A_873, %get3A_883 : vector<16xf32>
      %mul3A_885 = arith.constant 4 : i32
      %mul3A_886 = arith.muli %add3A_808, %mul3A_885 : i32
      %add3A_887 = arith.constant 3 : i32
      %add3A_888 = arith.addi %mul3A_886, %add3A_887 : i32
      %get3A_889 = arith.constant 0 : i32
      %get3A_890 = arith.index_cast %get3A_889 : i32 to index
      %get3A_891 = arith.index_cast %add3A_888 : i32 to index
      %get3A_892 = arith.constant 16 : index
      %get3A_893 = tpu.vector_load %arg6[%get3A_890, %get3A_891, %get3A_892] {strides = array<i32>} : memref<2x512x64xf32, #tpu.memory_space<vmem>>, vector<1x1x16xf32>,
      %get3A_894 = vector.shape_cast %get3A_893 : vector<1x1x16xf32> to vector<16xf32>
      %add3A_895 = arith.addf %add3A_884, %get3A_894 : vector<16xf32>
      %swap3A_896 = arith.constant 0 : i32
      %swap3A_897 = arith.index_cast %swap3A_896 : i32 to index
      %swap3A_898 = arith.index_cast %add3A_808 : i32 to index
      %swap3A_899 = arith.constant 16 : index
      %swap3A_900 = tpu.vector_load %arg7[%swap3A_897, %swap3A_898, %swap3A_899] {strides = array<i32>} : memref<2x128x64xf32, #tpu.memory_space<vmem>>, vector<1x1x16xf32>,
      %swap3A_901 = vector.shape_cast %swap3A_900 : vector<1x1x16xf32> to vector<16xf32>
      %swap3A_902 = vector.shape_cast %add3A_895 : vector<16xf32> to vector<1x1x16xf32>
      tpu.vector_store %arg7[%swap3A_897, %swap3A_898, %swap3A_899], %swap3A_902 {strides = array<i32>} : memref<2x128x64xf32, #tpu.memory_space<vmem>>, vector<1x1x16xf32>,
      %mul3A_903 = arith.constant 4 : i32
      %mul3A_904 = arith.muli %add3A_808, %mul3A_903 : i32
      %get3A_905 = arith.constant 0 : i32
      %get3A_906 = arith.index_cast %get3A_905 : i32 to index
      %get3A_907 = arith.index_cast %mul3A_904 : i32 to index
      %get3A_908 = arith.constant 32 : index
      %get3A_909 = tpu.vector_load %arg6[%get3A_906, %get3A_907, %get3A_908] {strides = array<i32>} : memref<2x512x64xf32, #tpu.memory_space<vmem>>, vector<1x1x16xf32>,
      %get3A_910 = vector.shape_cast %get3A_909 : vector<1x1x16xf32> to vector<16xf32>
      %mul3A_911 = arith.constant 4 : i32
      %mul3A_912 = arith.muli %add3A_808, %mul3A_911 : i32
      %add3A_913 = arith.constant 1 : i32
      %add3A_914 = arith.addi %mul3A_912, %add3A_913 : i32
      %get3A_915 = arith.constant 0 : i32
      %get3A_916 = arith.index_cast %get3A_915 : i32 to index
      %get3A_917 = arith.index_cast %add3A_914 : i32 to index
      %get3A_918 = arith.constant 32 : index
      %get3A_919 = tpu.vector_load %arg6[%get3A_916, %get3A_917, %get3A_918] {strides = array<i32>} : memref<2x512x64xf32, #tpu.memory_space<vmem>>, vector<1x1x16xf32>,
      %get3A_920 = vector.shape_cast %get3A_919 : vector<1x1x16xf32> to vector<16xf32>
      %add3A_921 = arith.addf %get3A_910, %get3A_920 : vector<16xf32>
      %mul3A_922 = arith.constant 4 : i32
      %mul3A_923 = arith.muli %add3A_808, %mul3A_922 : i32
      %add3A_924 = arith.constant 2 : i32
      %add3A_925 = arith.addi %mul3A_923, %add3A_924 : i32
      %get3A_926 = arith.constant 0 : i32
      %get3A_927 = arith.index_cast %get3A_926 : i32 to index
      %get3A_928 = arith.index_cast %add3A_925 : i32 to index
      %get3A_929 = arith.constant 32 : index
      %get3A_930 = tpu.vector_load %arg6[%get3A_927, %get3A_928, %get3A_929] {strides = array<i32>} : memref<2x512x64xf32, #tpu.memory_space<vmem>>, vector<1x1x16xf32>,
      %get3A_931 = vector.shape_cast %get3A_930 : vector<1x1x16xf32> to vector<16xf32>
      %add3A_932 = arith.addf %add3A_921, %get3A_931 : vector<16xf32>
      %mul3A_933 = arith.constant 4 : i32
      %mul3A_934 = arith.muli %add3A_808, %mul3A_933 : i32
      %add3A_935 = arith.constant 3 : i32
      %add3A_936 = arith.addi %mul3A_934, %add3A_935 : i32
      %get3A_937 = arith.constant 0 : i32
      %get3A_938 = arith.index_cast %get3A_937 : i32 to index
      %get3A_939 = arith.index_cast %add3A_936 : i32 to index
      %get3A_940 = arith.constant 32 : index
      %get3A_941 = tpu.vector_load %arg6[%get3A_938, %get3A_939, %get3A_940] {strides = array<i32>} : memref<2x512x64xf32, #tpu.memory_space<vmem>>, vector<1x1x16xf32>,
      %get3A_942 = vector.shape_cast %get3A_941 : vector<1x1x16xf32> to vector<16xf32>
      %add3A_943 = arith.addf %add3A_932, %get3A_942 : vector<16xf32>
      %swap3A_944 = arith.constant 0 : i32
      %swap3A_945 = arith.index_cast %swap3A_944 : i32 to index
      %swap3A_946 = arith.index_cast %add3A_808 : i32 to index
      %swap3A_947 = arith.constant 32 : index
      %swap3A_948 = tpu.vector_load %arg7[%swap3A_945, %swap3A_946, %swap3A_947] {strides = array<i32>} : memref<2x128x64xf32, #tpu.memory_space<vmem>>, vector<1x1x16xf32>,
      %swap3A_949 = vector.shape_cast %swap3A_948 : vector<1x1x16xf32> to vector<16xf32>
      %swap3A_950 = vector.shape_cast %add3A_943 : vector<16xf32> to vector<1x1x16xf32>
      tpu.vector_store %arg7[%swap3A_945, %swap3A_946, %swap3A_947], %swap3A_950 {strides = array<i32>} : memref<2x128x64xf32, #tpu.memory_space<vmem>>, vector<1x1x16xf32>,
      %mul3A_951 = arith.constant 4 : i32
      %mul3A_952 = arith.muli %add3A_808, %mul3A_951 : i32
      %get3A_953 = arith.constant 0 : i32
      %get3A_954 = arith.index_cast %get3A_953 : i32 to index
      %get3A_955 = arith.index_cast %mul3A_952 : i32 to index
      %get3A_956 = arith.constant 48 : index
      %get3A_957 = tpu.vector_load %arg6[%get3A_954, %get3A_955, %get3A_956] {strides = array<i32>} : memref<2x512x64xf32, #tpu.memory_space<vmem>>, vector<1x1x16xf32>,
      %get3A_958 = vector.shape_cast %get3A_957 : vector<1x1x16xf32> to vector<16xf32>
      %mul3A_959 = arith.constant 4 : i32
      %mul3A_960 = arith.muli %add3A_808, %mul3A_959 : i32
      %add3A_961 = arith.constant 1 : i32
      %add3A_962 = arith.addi %mul3A_960, %add3A_961 : i32
      %get3A_963 = arith.constant 0 : i32
      %get3A_964 = arith.index_cast %get3A_963 : i32 to index
      %get3A_965 = arith.index_cast %add3A_962 : i32 to index
      %get3A_966 = arith.constant 48 : index
      %get3A_967 = tpu.vector_load %arg6[%get3A_964, %get3A_965, %get3A_966] {strides = array<i32>} : memref<2x512x64xf32, #tpu.memory_space<vmem>>, vector<1x1x16xf32>,
      %get3A_968 = vector.shape_cast %get3A_967 : vector<1x1x16xf32> to vector<16xf32>
      %add3A_969 = arith.addf %get3A_958, %get3A_968 : vector<16xf32>
      %mul3A_970 = arith.constant 4 : i32
      %mul3A_971 = arith.muli %add3A_808, %mul3A_970 : i32
      %add3A_972 = arith.constant 2 : i32
      %add3A_973 = arith.addi %mul3A_971, %add3A_972 : i32
      %get3A_974 = arith.constant 0 : i32
      %get3A_975 = arith.index_cast %get3A_974 : i32 to index
      %get3A_976 = arith.index_cast %add3A_973 : i32 to index
      %get3A_977 = arith.constant 48 : index
      %get3A_978 = tpu.vector_load %arg6[%get3A_975, %get3A_976, %get3A_977] {strides = array<i32>} : memref<2x512x64xf32, #tpu.memory_space<vmem>>, vector<1x1x16xf32>,
      %get3A_979 = vector.shape_cast %get3A_978 : vector<1x1x16xf32> to vector<16xf32>
      %add3A_980 = arith.addf %add3A_969, %get3A_979 : vector<16xf32>
      %mul3A_981 = arith.constant 4 : i32
      %mul3A_982 = arith.muli %add3A_808, %mul3A_981 : i32
      %add3A_983 = arith.constant 3 : i32
      %add3A_984 = arith.addi %mul3A_982, %add3A_983 : i32
      %get3A_985 = arith.constant 0 : i32
      %get3A_986 = arith.index_cast %get3A_985 : i32 to index
      %get3A_987 = arith.index_cast %add3A_984 : i32 to index
      %get3A_988 = arith.constant 48 : index
      %get3A_989 = tpu.vector_load %arg6[%get3A_986, %get3A_987, %get3A_988] {strides = array<i32>} : memref<2x512x64xf32, #tpu.memory_space<vmem>>, vector<1x1x16xf32>,
      %get3A_990 = vector.shape_cast %get3A_989 : vector<1x1x16xf32> to vector<16xf32>
      %add3A_991 = arith.addf %add3A_980, %get3A_990 : vector<16xf32>
      %swap3A_992 = arith.constant 0 : i32
      %swap3A_993 = arith.index_cast %swap3A_992 : i32 to index
      %swap3A_994 = arith.index_cast %add3A_808 : i32 to index
      %swap3A_995 = arith.constant 48 : index
      %swap3A_996 = tpu.vector_load %arg7[%swap3A_993, %swap3A_994, %swap3A_995] {strides = array<i32>} : memref<2x128x64xf32, #tpu.memory_space<vmem>>, vector<1x1x16xf32>,
      %swap3A_997 = vector.shape_cast %swap3A_996 : vector<1x1x16xf32> to vector<16xf32>
      %swap3A_998 = vector.shape_cast %add3A_991 : vector<16xf32> to vector<1x1x16xf32>
      tpu.vector_store %arg7[%swap3A_993, %swap3A_994, %swap3A_995], %swap3A_998 {strides = array<i32>} : memref<2x128x64xf32, #tpu.memory_space<vmem>>, vector<1x1x16xf32>,
      %mul3A_999 = arith.constant 2 : i32
      %mul3A_1000 = arith.muli %scan3A_804, %mul3A_999 : i32
      %add3A_1001 = arith.constant 1 : i32
      %add3A_1002 = arith.addi %mul3A_1000, %add3A_1001 : i32
      %mul3A_1003 = arith.constant 4 : i32
      %mul3A_1004 = arith.muli %add3A_1002, %mul3A_1003 : i32
      %get3A_1005 = arith.constant 0 : i32
      %get3A_1006 = arith.index_cast %get3A_1005 : i32 to index
      %get3A_1007 = arith.index_cast %mul3A_1004 : i32 to index
      %get3A_1008 = arith.constant 0 : index
      %get3A_1009 = tpu.vector_load %arg6[%get3A_1006, %get3A_1007, %get3A_1008] {strides = array<i32>} : memref<2x512x64xf32, #tpu.memory_space<vmem>>, vector<1x1x16xf32>,
      %get3A_1010 = vector.shape_cast %get3A_1009 : vector<1x1x16xf32> to vector<16xf32>
      %mul3A_1011 = arith.constant 4 : i32
      %mul3A_1012 = arith.muli %add3A_1002, %mul3A_1011 : i32
      %add3A_1013 = arith.constant 1 : i32
      %add3A_1014 = arith.addi %mul3A_1012, %add3A_1013 : i32
      %get3A_1015 = arith.constant 0 : i32
      %get3A_1016 = arith.index_cast %get3A_1015 : i32 to index
      %get3A_1017 = arith.index_cast %add3A_1014 : i32 to index
      %get3A_1018 = arith.constant 0 : index
      %get3A_1019 = tpu.vector_load %arg6[%get3A_1016, %get3A_1017, %get3A_1018] {strides = array<i32>} : memref<2x512x64xf32, #tpu.memory_space<vmem>>, vector<1x1x16xf32>,
      %get3A_1020 = vector.shape_cast %get3A_1019 : vector<1x1x16xf32> to vector<16xf32>
      %add3A_1021 = arith.addf %get3A_1010, %get3A_1020 : vector<16xf32>
      %mul3A_1022 = arith.constant 4 : i32
      %mul3A_1023 = arith.muli %add3A_1002, %mul3A_1022 : i32
      %add3A_1024 = arith.constant 2 : i32
      %add3A_1025 = arith.addi %mul3A_1023, %add3A_1024 : i32
      %get3A_1026 = arith.constant 0 : i32
      %get3A_1027 = arith.index_cast %get3A_1026 : i32 to index
      %get3A_1028 = arith.index_cast %add3A_1025 : i32 to index
      %get3A_1029 = arith.constant 0 : index
      %get3A_1030 = tpu.vector_load %arg6[%get3A_1027, %get3A_1028, %get3A_1029] {strides = array<i32>} : memref<2x512x64xf32, #tpu.memory_space<vmem>>, vector<1x1x16xf32>,
      %get3A_1031 = vector.shape_cast %get3A_1030 : vector<1x1x16xf32> to vector<16xf32>
      %add3A_1032 = arith.addf %add3A_1021, %get3A_1031 : vector<16xf32>
      %mul3A_1033 = arith.constant 4 : i32
      %mul3A_1034 = arith.muli %add3A_1002, %mul3A_1033 : i32
      %add3A_1035 = arith.constant 3 : i32
      %add3A_1036 = arith.addi %mul3A_1034, %add3A_1035 : i32
      %get3A_1037 = arith.constant 0 : i32
      %get3A_1038 = arith.index_cast %get3A_1037 : i32 to index
      %get3A_1039 = arith.index_cast %add3A_1036 : i32 to index
      %get3A_1040 = arith.constant 0 : index
      %get3A_1041 = tpu.vector_load %arg6[%get3A_1038, %get3A_1039, %get3A_1040] {strides = array<i32>} : memref<2x512x64xf32, #tpu.memory_space<vmem>>, vector<1x1x16xf32>,
      %get3A_1042 = vector.shape_cast %get3A_1041 : vector<1x1x16xf32> to vector<16xf32>
      %add3A_1043 = arith.addf %add3A_1032, %get3A_1042 : vector<16xf32>
      %swap3A_1044 = arith.constant 0 : i32
      %swap3A_1045 = arith.index_cast %swap3A_1044 : i32 to index
      %swap3A_1046 = arith.index_cast %add3A_1002 : i32 to index
      %swap3A_1047 = arith.constant 0 : index
      %swap3A_1048 = tpu.vector_load %arg7[%swap3A_1045, %swap3A_1046, %swap3A_1047] {strides = array<i32>} : memref<2x128x64xf32, #tpu.memory_space<vmem>>, vector<1x1x16xf32>,
      %swap3A_1049 = vector.shape_cast %swap3A_1048 : vector<1x1x16xf32> to vector<16xf32>
      %swap3A_1050 = vector.shape_cast %add3A_1043 : vector<16xf32> to vector<1x1x16xf32>
      tpu.vector_store %arg7[%swap3A_1045, %swap3A_1046, %swap3A_1047], %swap3A_1050 {strides = array<i32>} : memref<2x128x64xf32, #tpu.memory_space<vmem>>, vector<1x1x16xf32>,
      %mul3A_1051 = arith.constant 4 : i32
      %mul3A_1052 = arith.muli %add3A_1002, %mul3A_1051 : i32
      %get3A_1053 = arith.constant 0 : i32
      %get3A_1054 = arith.index_cast %get3A_1053 : i32 to index
      %get3A_1055 = arith.index_cast %mul3A_1052 : i32 to index
      %get3A_1056 = arith.constant 16 : index
      %get3A_1057 = tpu.vector_load %arg6[%get3A_1054, %get3A_1055, %get3A_1056] {strides = array<i32>} : memref<2x512x64xf32, #tpu.memory_space<vmem>>, vector<1x1x16xf32>,
      %get3A_1058 = vector.shape_cast %get3A_1057 : vector<1x1x16xf32> to vector<16xf32>
      %mul3A_1059 = arith.constant 4 : i32
      %mul3A_1060 = arith.muli %add3A_1002, %mul3A_1059 : i32
      %add3A_1061 = arith.constant 1 : i32
      %add3A_1062 = arith.addi %mul3A_1060, %add3A_1061 : i32
      %get3A_1063 = arith.constant 0 : i32
      %get3A_1064 = arith.index_cast %get3A_1063 : i32 to index
      %get3A_1065 = arith.index_cast %add3A_1062 : i32 to index
      %get3A_1066 = arith.constant 16 : index
      %get3A_1067 = tpu.vector_load %arg6[%get3A_1064, %get3A_1065, %get3A_1066] {strides = array<i32>} : memref<2x512x64xf32, #tpu.memory_space<vmem>>, vector<1x1x16xf32>,
      %get3A_1068 = vector.shape_cast %get3A_1067 : vector<1x1x16xf32> to vector<16xf32>
      %add3A_1069 = arith.addf %get3A_1058, %get3A_1068 : vector<16xf32>
      %mul3A_1070 = arith.constant 4 : i32
      %mul3A_1071 = arith.muli %add3A_1002, %mul3A_1070 : i32
      %add3A_1072 = arith.constant 2 : i32
      %add3A_1073 = arith.addi %mul3A_1071, %add3A_1072 : i32
      %get3A_1074 = arith.constant 0 : i32
      %get3A_1075 = arith.index_cast %get3A_1074 : i32 to index
      %get3A_1076 = arith.index_cast %add3A_1073 : i32 to index
      %get3A_1077 = arith.constant 16 : index
      %get3A_1078 = tpu.vector_load %arg6[%get3A_1075, %get3A_1076, %get3A_1077] {strides = array<i32>} : memref<2x512x64xf32, #tpu.memory_space<vmem>>, vector<1x1x16xf32>,
      %get3A_1079 = vector.shape_cast %get3A_1078 : vector<1x1x16xf32> to vector<16xf32>
      %add3A_1080 = arith.addf %add3A_1069, %get3A_1079 : vector<16xf32>
      %mul3A_1081 = arith.constant 4 : i32
      %mul3A_1082 = arith.muli %add3A_1002, %mul3A_1081 : i32
      %add3A_1083 = arith.constant 3 : i32
      %add3A_1084 = arith.addi %mul3A_1082, %add3A_1083 : i32
      %get3A_1085 = arith.constant 0 : i32
      %get3A_1086 = arith.index_cast %get3A_1085 : i32 to index
      %get3A_1087 = arith.index_cast %add3A_1084 : i32 to index
      %get3A_1088 = arith.constant 16 : index
      %get3A_1089 = tpu.vector_load %arg6[%get3A_1086, %get3A_1087, %get3A_1088] {strides = array<i32>} : memref<2x512x64xf32, #tpu.memory_space<vmem>>, vector<1x1x16xf32>,
      %get3A_1090 = vector.shape_cast %get3A_1089 : vector<1x1x16xf32> to vector<16xf32>
      %add3A_1091 = arith.addf %add3A_1080, %get3A_1090 : vector<16xf32>
      %swap3A_1092 = arith.constant 0 : i32
      %swap3A_1093 = arith.index_cast %swap3A_1092 : i32 to index
      %swap3A_1094 = arith.index_cast %add3A_1002 : i32 to index
      %swap3A_1095 = arith.constant 16 : index
      %swap3A_1096 = tpu.vector_load %arg7[%swap3A_1093, %swap3A_1094, %swap3A_1095] {strides = array<i32>} : memref<2x128x64xf32, #tpu.memory_space<vmem>>, vector<1x1x16xf32>,
      %swap3A_1097 = vector.shape_cast %swap3A_1096 : vector<1x1x16xf32> to vector<16xf32>
      %swap3A_1098 = vector.shape_cast %add3A_1091 : vector<16xf32> to vector<1x1x16xf32>
      tpu.vector_store %arg7[%swap3A_1093, %swap3A_1094, %swap3A_1095], %swap3A_1098 {strides = array<i32>} : memref<2x128x64xf32, #tpu.memory_space<vmem>>, vector<1x1x16xf32>,
      %mul3A_1099 = arith.constant 4 : i32
      %mul3A_1100 = arith.muli %add3A_1002, %mul3A_1099 : i32
      %get3A_1101 = arith.constant 0 : i32
      %get3A_1102 = arith.index_cast %get3A_1101 : i32 to index
      %get3A_1103 = arith.index_cast %mul3A_1100 : i32 to index
      %get3A_1104 = arith.constant 32 : index
      %get3A_1105 = tpu.vector_load %arg6[%get3A_1102, %get3A_1103, %get3A_1104] {strides = array<i32>} : memref<2x512x64xf32, #tpu.memory_space<vmem>>, vector<1x1x16xf32>,
      %get3A_1106 = vector.shape_cast %get3A_1105 : vector<1x1x16xf32> to vector<16xf32>
      %mul3A_1107 = arith.constant 4 : i32
      %mul3A_1108 = arith.muli %add3A_1002, %mul3A_1107 : i32
      %add3A_1109 = arith.constant 1 : i32
      %add3A_1110 = arith.addi %mul3A_1108, %add3A_1109 : i32
      %get3A_1111 = arith.constant 0 : i32
      %get3A_1112 = arith.index_cast %get3A_1111 : i32 to index
      %get3A_1113 = arith.index_cast %add3A_1110 : i32 to index
      %get3A_1114 = arith.constant 32 : index
      %get3A_1115 = tpu.vector_load %arg6[%get3A_1112, %get3A_1113, %get3A_1114] {strides = array<i32>} : memref<2x512x64xf32, #tpu.memory_space<vmem>>, vector<1x1x16xf32>,
      %get3A_1116 = vector.shape_cast %get3A_1115 : vector<1x1x16xf32> to vector<16xf32>
      %add3A_1117 = arith.addf %get3A_1106, %get3A_1116 : vector<16xf32>
      %mul3A_1118 = arith.constant 4 : i32
      %mul3A_1119 = arith.muli %add3A_1002, %mul3A_1118 : i32
      %add3A_1120 = arith.constant 2 : i32
      %add3A_1121 = arith.addi %mul3A_1119, %add3A_1120 : i32
      %get3A_1122 = arith.constant 0 : i32
      %get3A_1123 = arith.index_cast %get3A_1122 : i32 to index
      %get3A_1124 = arith.index_cast %add3A_1121 : i32 to index
      %get3A_1125 = arith.constant 32 : index
      %get3A_1126 = tpu.vector_load %arg6[%get3A_1123, %get3A_1124, %get3A_1125] {strides = array<i32>} : memref<2x512x64xf32, #tpu.memory_space<vmem>>, vector<1x1x16xf32>,
      %get3A_1127 = vector.shape_cast %get3A_1126 : vector<1x1x16xf32> to vector<16xf32>
      %add3A_1128 = arith.addf %add3A_1117, %get3A_1127 : vector<16xf32>
      %mul3A_1129 = arith.constant 4 : i32
      %mul3A_1130 = arith.muli %add3A_1002, %mul3A_1129 : i32
      %add3A_1131 = arith.constant 3 : i32
      %add3A_1132 = arith.addi %mul3A_1130, %add3A_1131 : i32
      %get3A_1133 = arith.constant 0 : i32
      %get3A_1134 = arith.index_cast %get3A_1133 : i32 to index
      %get3A_1135 = arith.index_cast %add3A_1132 : i32 to index
      %get3A_1136 = arith.constant 32 : index
      %get3A_1137 = tpu.vector_load %arg6[%get3A_1134, %get3A_1135, %get3A_1136] {strides = array<i32>} : memref<2x512x64xf32, #tpu.memory_space<vmem>>, vector<1x1x16xf32>,
      %get3A_1138 = vector.shape_cast %get3A_1137 : vector<1x1x16xf32> to vector<16xf32>
      %add3A_1139 = arith.addf %add3A_1128, %get3A_1138 : vector<16xf32>
      %swap3A_1140 = arith.constant 0 : i32
      %swap3A_1141 = arith.index_cast %swap3A_1140 : i32 to index
      %swap3A_1142 = arith.index_cast %add3A_1002 : i32 to index
      %swap3A_1143 = arith.constant 32 : index
      %swap3A_1144 = tpu.vector_load %arg7[%swap3A_1141, %swap3A_1142, %swap3A_1143] {strides = array<i32>} : memref<2x128x64xf32, #tpu.memory_space<vmem>>, vector<1x1x16xf32>,
      %swap3A_1145 = vector.shape_cast %swap3A_1144 : vector<1x1x16xf32> to vector<16xf32>
      %swap3A_1146 = vector.shape_cast %add3A_1139 : vector<16xf32> to vector<1x1x16xf32>
      tpu.vector_store %arg7[%swap3A_1141, %swap3A_1142, %swap3A_1143], %swap3A_1146 {strides = array<i32>} : memref<2x128x64xf32, #tpu.memory_space<vmem>>, vector<1x1x16xf32>,
      %mul3A_1147 = arith.constant 4 : i32
      %mul3A_1148 = arith.muli %add3A_1002, %mul3A_1147 : i32
      %get3A_1149 = arith.constant 0 : i32
      %get3A_1150 = arith.index_cast %get3A_1149 : i32 to index
      %get3A_1151 = arith.index_cast %mul3A_1148 : i32 to index
      %get3A_1152 = arith.constant 48 : index
      %get3A_1153 = tpu.vector_load %arg6[%get3A_1150, %get3A_1151, %get3A_1152] {strides = array<i32>} : memref<2x512x64xf32, #tpu.memory_space<vmem>>, vector<1x1x16xf32>,
      %get3A_1154 = vector.shape_cast %get3A_1153 : vector<1x1x16xf32> to vector<16xf32>
      %mul3A_1155 = arith.constant 4 : i32
      %mul3A_1156 = arith.muli %add3A_1002, %mul3A_1155 : i32
      %add3A_1157 = arith.constant 1 : i32
      %add3A_1158 = arith.addi %mul3A_1156, %add3A_1157 : i32
      %get3A_1159 = arith.constant 0 : i32
      %get3A_1160 = arith.index_cast %get3A_1159 : i32 to index
      %get3A_1161 = arith.index_cast %add3A_1158 : i32 to index
      %get3A_1162 = arith.constant 48 : index
      %get3A_1163 = tpu.vector_load %arg6[%get3A_1160, %get3A_1161, %get3A_1162] {strides = array<i32>} : memref<2x512x64xf32, #tpu.memory_space<vmem>>, vector<1x1x16xf32>,
      %get3A_1164 = vector.shape_cast %get3A_1163 : vector<1x1x16xf32> to vector<16xf32>
      %add3A_1165 = arith.addf %get3A_1154, %get3A_1164 : vector<16xf32>
      %mul3A_1166 = arith.constant 4 : i32
      %mul3A_1167 = arith.muli %add3A_1002, %mul3A_1166 : i32
      %add3A_1168 = arith.constant 2 : i32
      %add3A_1169 = arith.addi %mul3A_1167, %add3A_1168 : i32
      %get3A_1170 = arith.constant 0 : i32
      %get3A_1171 = arith.index_cast %get3A_1170 : i32 to index
      %get3A_1172 = arith.index_cast %add3A_1169 : i32 to index
      %get3A_1173 = arith.constant 48 : index
      %get3A_1174 = tpu.vector_load %arg6[%get3A_1171, %get3A_1172, %get3A_1173] {strides = array<i32>} : memref<2x512x64xf32, #tpu.memory_space<vmem>>, vector<1x1x16xf32>,
      %get3A_1175 = vector.shape_cast %get3A_1174 : vector<1x1x16xf32> to vector<16xf32>
      %add3A_1176 = arith.addf %add3A_1165, %get3A_1175 : vector<16xf32>
      %mul3A_1177 = arith.constant 4 : i32
      %mul3A_1178 = arith.muli %add3A_1002, %mul3A_1177 : i32
      %add3A_1179 = arith.constant 3 : i32
      %add3A_1180 = arith.addi %mul3A_1178, %add3A_1179 : i32
      %get3A_1181 = arith.constant 0 : i32
      %get3A_1182 = arith.index_cast %get3A_1181 : i32 to index
      %get3A_1183 = arith.index_cast %add3A_1180 : i32 to index
      %get3A_1184 = arith.constant 48 : index
      %get3A_1185 = tpu.vector_load %arg6[%get3A_1182, %get3A_1183, %get3A_1184] {strides = array<i32>} : memref<2x512x64xf32, #tpu.memory_space<vmem>>, vector<1x1x16xf32>,
      %get3A_1186 = vector.shape_cast %get3A_1185 : vector<1x1x16xf32> to vector<16xf32>
      %add3A_1187 = arith.addf %add3A_1176, %get3A_1186 : vector<16xf32>
      %swap3A_1188 = arith.constant 0 : i32
      %swap3A_1189 = arith.index_cast %swap3A_1188 : i32 to index
      %swap3A_1190 = arith.index_cast %add3A_1002 : i32 to index
      %swap3A_1191 = arith.constant 48 : index
      %swap3A_1192 = tpu.vector_load %arg7[%swap3A_1189, %swap3A_1190, %swap3A_1191] {strides = array<i32>} : memref<2x128x64xf32, #tpu.memory_space<vmem>>, vector<1x1x16xf32>,
      %swap3A_1193 = vector.shape_cast %swap3A_1192 : vector<1x1x16xf32> to vector<16xf32>
      %swap3A_1194 = vector.shape_cast %add3A_1187 : vector<16xf32> to vector<1x1x16xf32>
      tpu.vector_store %arg7[%swap3A_1189, %swap3A_1190, %swap3A_1191], %swap3A_1194 {strides = array<i32>} : memref<2x128x64xf32, #tpu.memory_space<vmem>>, vector<1x1x16xf32>,
    }
    %scan3A_149 = arith.constant 64 : i32
    %mul3A_150 = arith.constant 6 : i32
    %mul3A_151 = arith.muli %add3A, %mul3A_150 : i32
    %add3A_152 = arith.constant 0 : i32
    %add3A_153 = arith.addi %mul3A_151, %add3A_152 : i32
    %mul3A_154 = arith.constant 128 : i32
    %mul3A_155 = arith.muli %add3A_153, %mul3A_154 : i32
    %dma_start3A_156 = arith.constant 0 : i32
    %dma_start3A_157 = arith.constant 0 : i32
    %dma_start3A_158 = arith.constant 0 : i32
    %dma_start3A_159 = tpu.memref_slice %arg7[%dma_start3A_156, %dma_start3A_157, %dma_start3A_158] : memref<2x128x64xf32, #tpu.memory_space<vmem>> -> memref<1x128x64xf32, #tpu.memory_space<vmem>>
    %dma_start3A_160 = tpu.memref_squeeze %dma_start3A_159 : memref<1x128x64xf32, #tpu.memory_space<vmem>> -> memref<128x64xf32, #tpu.memory_space<vmem>>
    %dma_start3A_161 = arith.constant 0 : i32
    %dma_start3A_162 = tpu.memref_slice %arg4[%mul3A_155, %dma_start3A_161] : memref<24576x64xf32, #tpu.memory_space<hbm>> -> memref<128x64xf32, #tpu.memory_space<hbm>>
    %dma_start3A_163 = arith.constant 0 : i32
    %dma_start3A_164 = tpu.memref_slice %arg4[%mul3A_155, %dma_start3A_163] : memref<24576x64xf32, #tpu.memory_space<hbm>> -> memref<128x64xf32, #tpu.memory_space<hbm>>
    %dma_start3A_165 = arith.constant 0 : i32
    %dma_start3A_166 = arith.constant 0 : i32
    %dma_start3A_167 = tpu.memref_slice %arg7[%dma_start3A_156, %dma_start3A_165, %dma_start3A_166] : memref<2x128x64xf32, #tpu.memory_space<vmem>> -> memref<1x128x64xf32, #tpu.memory_space<vmem>>
    %dma_start3A_168 = tpu.memref_squeeze %dma_start3A_167 : memref<1x128x64xf32, #tpu.memory_space<vmem>> -> memref<128x64xf32, #tpu.memory_space<vmem>>
    tpu.enqueue_dma source(%dma_start3A_168 : memref<128x64xf32, #tpu.memory_space<vmem>>) target(%dma_start3A_164 : memref<128x64xf32, #tpu.memory_space<hbm>>) target_semaphore(%arg10 : memref<!tpu.dma_semaphore, #tpu.memory_space<semaphore_mem>>)
    %dma_start3A_169 = arith.constant 8 : i32
    %dma_start3A_170 = arith.constant 0 : i32
    %dma_start3A_171 = arith.constant 0 : i32
    %dma_start3A_172 = arith.constant 0 : i32
    %dma_start3A_173 = tpu.memref_slice %arg6[%dma_start3A_170, %dma_start3A_171, %dma_start3A_172] : memref<2x512x64xf32, #tpu.memory_space<vmem>> -> memref<1x128x64xf32, #tpu.memory_space<vmem>>
    %dma_start3A_174 = tpu.memref_squeeze %dma_start3A_173 : memref<1x128x64xf32, #tpu.memory_space<vmem>> -> memref<128x64xf32, #tpu.memory_space<vmem>>
    %dma_start3A_175 = arith.constant 0 : i32
    %dma_start3A_176 = tpu.memref_slice %arg5[%dma_start3A_169, %dma_start3A_175] : memref<24x128xi32, #tpu.memory_space<vmem>> -> memref<1x128xi32, #tpu.memory_space<vmem>>
    %dma_start3A_177 = tpu.memref_squeeze %dma_start3A_176 : memref<1x128xi32, #tpu.memory_space<vmem>> -> memref<128xi32, #tpu.memory_space<vmem>>
    %dma_start3A_178 = arith.constant 0 : i32
    %dma_start3A_179 = arith.constant 0 : i32
    %dma_start3A_180 = tpu.memref_slice %arg2[%dma_start3A_178, %dma_start3A_179] : memref<98304x64xf32, #tpu.memory_space<hbm>> -> memref<98304x64xf32, #tpu.memory_space<hbm>>
    tpu.enqueue_indirect_dma source(%dma_start3A_180 : memref<98304x64xf32, #tpu.memory_space<hbm>>) target(%dma_start3A_174 : memref<128x64xf32, #tpu.memory_space<vmem>>) offsets(%dma_start3A_177 : memref<128xi32, #tpu.memory_space<vmem>>) semaphore(%arg8 : memref<!tpu.dma_semaphore, #tpu.memory_space<semaphore_mem>>)
    %dma_start3A_181 = arith.constant 9 : i32
    %dma_start3A_182 = arith.constant 0 : i32
    %dma_start3A_183 = arith.constant 128 : i32
    %dma_start3A_184 = arith.constant 0 : i32
    %dma_start3A_185 = tpu.memref_slice %arg6[%dma_start3A_182, %dma_start3A_183, %dma_start3A_184] : memref<2x512x64xf32, #tpu.memory_space<vmem>> -> memref<1x128x64xf32, #tpu.memory_space<vmem>>
    %dma_start3A_186 = tpu.memref_squeeze %dma_start3A_185 : memref<1x128x64xf32, #tpu.memory_space<vmem>> -> memref<128x64xf32, #tpu.memory_space<vmem>>
    %dma_start3A_187 = arith.constant 0 : i32
    %dma_start3A_188 = tpu.memref_slice %arg5[%dma_start3A_181, %dma_start3A_187] : memref<24x128xi32, #tpu.memory_space<vmem>> -> memref<1x128xi32, #tpu.memory_space<vmem>>
    %dma_start3A_189 = tpu.memref_squeeze %dma_start3A_188 : memref<1x128xi32, #tpu.memory_space<vmem>> -> memref<128xi32, #tpu.memory_space<vmem>>
    %dma_start3A_190 = arith.constant 0 : i32
    %dma_start3A_191 = arith.constant 0 : i32
    %dma_start3A_192 = tpu.memref_slice %arg2[%dma_start3A_190, %dma_start3A_191] : memref<98304x64xf32, #tpu.memory_space<hbm>> -> memref<98304x64xf32, #tpu.memory_space<hbm>>
    tpu.enqueue_indirect_dma source(%dma_start3A_192 : memref<98304x64xf32, #tpu.memory_space<hbm>>) target(%dma_start3A_186 : memref<128x64xf32, #tpu.memory_space<vmem>>) offsets(%dma_start3A_189 : memref<128xi32, #tpu.memory_space<vmem>>) semaphore(%arg8 : memref<!tpu.dma_semaphore, #tpu.memory_space<semaphore_mem>>)
    %dma_start3A_193 = arith.constant 10 : i32
    %dma_start3A_194 = arith.constant 0 : i32
    %dma_start3A_195 = arith.constant 256 : i32
    %dma_start3A_196 = arith.constant 0 : i32
    %dma_start3A_197 = tpu.memref_slice %arg6[%dma_start3A_194, %dma_start3A_195, %dma_start3A_196] : memref<2x512x64xf32, #tpu.memory_space<vmem>> -> memref<1x128x64xf32, #tpu.memory_space<vmem>>
    %dma_start3A_198 = tpu.memref_squeeze %dma_start3A_197 : memref<1x128x64xf32, #tpu.memory_space<vmem>> -> memref<128x64xf32, #tpu.memory_space<vmem>>
    %dma_start3A_199 = arith.constant 0 : i32
    %dma_start3A_200 = tpu.memref_slice %arg5[%dma_start3A_193, %dma_start3A_199] : memref<24x128xi32, #tpu.memory_space<vmem>> -> memref<1x128xi32, #tpu.memory_space<vmem>>
    %dma_start3A_201 = tpu.memref_squeeze %dma_start3A_200 : memref<1x128xi32, #tpu.memory_space<vmem>> -> memref<128xi32, #tpu.memory_space<vmem>>
    %dma_start3A_202 = arith.constant 0 : i32
    %dma_start3A_203 = arith.constant 0 : i32
    %dma_start3A_204 = tpu.memref_slice %arg2[%dma_start3A_202, %dma_start3A_203] : memref<98304x64xf32, #tpu.memory_space<hbm>> -> memref<98304x64xf32, #tpu.memory_space<hbm>>
    tpu.enqueue_indirect_dma source(%dma_start3A_204 : memref<98304x64xf32, #tpu.memory_space<hbm>>) target(%dma_start3A_198 : memref<128x64xf32, #tpu.memory_space<vmem>>) offsets(%dma_start3A_201 : memref<128xi32, #tpu.memory_space<vmem>>) semaphore(%arg8 : memref<!tpu.dma_semaphore, #tpu.memory_space<semaphore_mem>>)
    %dma_start3A_205 = arith.constant 11 : i32
    %dma_start3A_206 = arith.constant 0 : i32
    %dma_start3A_207 = arith.constant 384 : i32
    %dma_start3A_208 = arith.constant 0 : i32
    %dma_start3A_209 = tpu.memref_slice %arg6[%dma_start3A_206, %dma_start3A_207, %dma_start3A_208] : memref<2x512x64xf32, #tpu.memory_space<vmem>> -> memref<1x128x64xf32, #tpu.memory_space<vmem>>
    %dma_start3A_210 = tpu.memref_squeeze %dma_start3A_209 : memref<1x128x64xf32, #tpu.memory_space<vmem>> -> memref<128x64xf32, #tpu.memory_space<vmem>>
    %dma_start3A_211 = arith.constant 0 : i32
    %dma_start3A_212 = tpu.memref_slice %arg5[%dma_start3A_205, %dma_start3A_211] : memref<24x128xi32, #tpu.memory_space<vmem>> -> memref<1x128xi32, #tpu.memory_space<vmem>>
    %dma_start3A_213 = tpu.memref_squeeze %dma_start3A_212 : memref<1x128xi32, #tpu.memory_space<vmem>> -> memref<128xi32, #tpu.memory_space<vmem>>
    %dma_start3A_214 = arith.constant 0 : i32
    %dma_start3A_215 = arith.constant 0 : i32
    %dma_start3A_216 = tpu.memref_slice %arg2[%dma_start3A_214, %dma_start3A_215] : memref<98304x64xf32, #tpu.memory_space<hbm>> -> memref<98304x64xf32, #tpu.memory_space<hbm>>
    tpu.enqueue_indirect_dma source(%dma_start3A_216 : memref<98304x64xf32, #tpu.memory_space<hbm>>) target(%dma_start3A_210 : memref<128x64xf32, #tpu.memory_space<vmem>>) offsets(%dma_start3A_213 : memref<128xi32, #tpu.memory_space<vmem>>) semaphore(%arg8 : memref<!tpu.dma_semaphore, #tpu.memory_space<semaphore_mem>>)
    %dma_wait3A_217 = arith.constant 4 : i32
    %dma_wait3A_218 = arith.constant 1 : i32
    %dma_wait3A_219 = arith.constant 0 : i32
    %dma_wait3A_220 = arith.constant 0 : i32
    %dma_wait3A_221 = tpu.memref_slice %arg6[%dma_wait3A_218, %dma_wait3A_219, %dma_wait3A_220] : memref<2x512x64xf32, #tpu.memory_space<vmem>> -> memref<1x128x64xf32, #tpu.memory_space<vmem>>
    %dma_wait3A_222 = tpu.memref_squeeze %dma_wait3A_221 : memref<1x128x64xf32, #tpu.memory_space<vmem>> -> memref<128x64xf32, #tpu.memory_space<vmem>>
    %dma_wait3A_223 = arith.constant 0 : i32
    %dma_wait3A_224 = tpu.memref_slice %arg5[%dma_wait3A_217, %dma_wait3A_223] : memref<24x128xi32, #tpu.memory_space<vmem>> -> memref<1x128xi32, #tpu.memory_space<vmem>>
    %dma_wait3A_225 = tpu.memref_squeeze %dma_wait3A_224 : memref<1x128xi32, #tpu.memory_space<vmem>> -> memref<128xi32, #tpu.memory_space<vmem>>
    %dma_wait3A_226 = arith.constant 0 : i32
    %dma_wait3A_227 = arith.constant 0 : i32
    %dma_wait3A_228 = tpu.memref_slice %arg2[%dma_wait3A_226, %dma_wait3A_227] : memref<98304x64xf32, #tpu.memory_space<hbm>> -> memref<98304x64xf32, #tpu.memory_space<hbm>>
    tpu.wait_indirect_dma semaphore(%arg9 : memref<!tpu.dma_semaphore, #tpu.memory_space<semaphore_mem>>) src(%dma_wait3A_228 : memref<98304x64xf32, #tpu.memory_space<hbm>>) dst(%dma_wait3A_222 : memref<128x64xf32, #tpu.memory_space<vmem>>)
    %dma_wait3A_229 = arith.constant 5 : i32
    %dma_wait3A_230 = arith.constant 1 : i32
    %dma_wait3A_231 = arith.constant 128 : i32
    %dma_wait3A_232 = arith.constant 0 : i32
    %dma_wait3A_233 = tpu.memref_slice %arg6[%dma_wait3A_230, %dma_wait3A_231, %dma_wait3A_232] : memref<2x512x64xf32, #tpu.memory_space<vmem>> -> memref<1x128x64xf32, #tpu.memory_space<vmem>>
    %dma_wait3A_234 = tpu.memref_squeeze %dma_wait3A_233 : memref<1x128x64xf32, #tpu.memory_space<vmem>> -> memref<128x64xf32, #tpu.memory_space<vmem>>
    %dma_wait3A_235 = arith.constant 0 : i32
    %dma_wait3A_236 = tpu.memref_slice %arg5[%dma_wait3A_229, %dma_wait3A_235] : memref<24x128xi32, #tpu.memory_space<vmem>> -> memref<1x128xi32, #tpu.memory_space<vmem>>
    %dma_wait3A_237 = tpu.memref_squeeze %dma_wait3A_236 : memref<1x128xi32, #tpu.memory_space<vmem>> -> memref<128xi32, #tpu.memory_space<vmem>>
    %dma_wait3A_238 = arith.constant 0 : i32
    %dma_wait3A_239 = arith.constant 0 : i32
    %dma_wait3A_240 = tpu.memref_slice %arg2[%dma_wait3A_238, %dma_wait3A_239] : memref<98304x64xf32, #tpu.memory_space<hbm>> -> memref<98304x64xf32, #tpu.memory_space<hbm>>
    tpu.wait_indirect_dma semaphore(%arg9 : memref<!tpu.dma_semaphore, #tpu.memory_space<semaphore_mem>>) src(%dma_wait3A_240 : memref<98304x64xf32, #tpu.memory_space<hbm>>) dst(%dma_wait3A_234 : memref<128x64xf32, #tpu.memory_space<vmem>>)
    %dma_wait3A_241 = arith.constant 6 : i32
    %dma_wait3A_242 = arith.constant 1 : i32
    %dma_wait3A_243 = arith.constant 256 : i32
    %dma_wait3A_244 = arith.constant 0 : i32
    %dma_wait3A_245 = tpu.memref_slice %arg6[%dma_wait3A_242, %dma_wait3A_243, %dma_wait3A_244] : memref<2x512x64xf32, #tpu.memory_space<vmem>> -> memref<1x128x64xf32, #tpu.memory_space<vmem>>
    %dma_wait3A_246 = tpu.memref_squeeze %dma_wait3A_245 : memref<1x128x64xf32, #tpu.memory_space<vmem>> -> memref<128x64xf32, #tpu.memory_space<vmem>>
    %dma_wait3A_247 = arith.constant 0 : i32
    %dma_wait3A_248 = tpu.memref_slice %arg5[%dma_wait3A_241, %dma_wait3A_247] : memref<24x128xi32, #tpu.memory_space<vmem>> -> memref<1x128xi32, #tpu.memory_space<vmem>>
    %dma_wait3A_249 = tpu.memref_squeeze %dma_wait3A_248 : memref<1x128xi32, #tpu.memory_space<vmem>> -> memref<128xi32, #tpu.memory_space<vmem>>
    %dma_wait3A_250 = arith.constant 0 : i32
    %dma_wait3A_251 = arith.constant 0 : i32
    %dma_wait3A_252 = tpu.memref_slice %arg2[%dma_wait3A_250, %dma_wait3A_251] : memref<98304x64xf32, #tpu.memory_space<hbm>> -> memref<98304x64xf32, #tpu.memory_space<hbm>>
    tpu.wait_indirect_dma semaphore(%arg9 : memref<!tpu.dma_semaphore, #tpu.memory_space<semaphore_mem>>) src(%dma_wait3A_252 : memref<98304x64xf32, #tpu.memory_space<hbm>>) dst(%dma_wait3A_246 : memref<128x64xf32, #tpu.memory_space<vmem>>)
    %dma_wait3A_253 = arith.constant 7 : i32
    %dma_wait3A_254 = arith.constant 1 : i32
    %dma_wait3A_255 = arith.constant 384 : i32
    %dma_wait3A_256 = arith.constant 0 : i32
    %dma_wait3A_257 = tpu.memref_slice %arg6[%dma_wait3A_254, %dma_wait3A_255, %dma_wait3A_256] : memref<2x512x64xf32, #tpu.memory_space<vmem>> -> memref<1x128x64xf32, #tpu.memory_space<vmem>>
    %dma_wait3A_258 = tpu.memref_squeeze %dma_wait3A_257 : memref<1x128x64xf32, #tpu.memory_space<vmem>> -> memref<128x64xf32, #tpu.memory_space<vmem>>
    %dma_wait3A_259 = arith.constant 0 : i32
    %dma_wait3A_260 = tpu.memref_slice %arg5[%dma_wait3A_253, %dma_wait3A_259] : memref<24x128xi32, #tpu.memory_space<vmem>> -> memref<1x128xi32, #tpu.memory_space<vmem>>
    %dma_wait3A_261 = tpu.memref_squeeze %dma_wait3A_260 : memref<1x128xi32, #tpu.memory_space<vmem>> -> memref<128xi32, #tpu.memory_space<vmem>>
    %dma_wait3A_262 = arith.constant 0 : i32
    %dma_wait3A_263 = arith.constant 0 : i32
    %dma_wait3A_264 = tpu.memref_slice %arg2[%dma_wait3A_262, %dma_wait3A_263] : memref<98304x64xf32, #tpu.memory_space<hbm>> -> memref<98304x64xf32, #tpu.memory_space<hbm>>
    tpu.wait_indirect_dma semaphore(%arg9 : memref<!tpu.dma_semaphore, #tpu.memory_space<semaphore_mem>>) src(%dma_wait3A_264 : memref<98304x64xf32, #tpu.memory_space<hbm>>) dst(%dma_wait3A_258 : memref<128x64xf32, #tpu.memory_space<vmem>>)
    %scan3A_265 = arith.constant 0 : i32
    %scan3A_266 = arith.constant 0 : i32
    %scan3A_267 = arith.constant 64 : i32
    %scan3A_268 = arith.addi %scan3A_266, %scan3A_267 : i32
    %scan3A_269 = arith.constant 1 : i32
    scf.for %scan3A_804 = %scan3A_266 to %scan3A_268 step %scan3A_269  : i32 {
      %mul3A_805 = arith.constant 2 : i32
      %mul3A_806 = arith.muli %scan3A_804, %mul3A_805 : i32
      %add3A_807 = arith.constant 0 : i32
      %add3A_808 = arith.addi %mul3A_806, %add3A_807 : i32
      %mul3A_809 = arith.constant 4 : i32
      %mul3A_810 = arith.muli %add3A_808, %mul3A_809 : i32
      %get3A = arith.constant 1 : i32
      %get3A_811 = arith.index_cast %get3A : i32 to index
      %get3A_812 = arith.index_cast %mul3A_810 : i32 to index
      %get3A_813 = arith.constant 0 : index
      %get3A_814 = tpu.vector_load %arg6[%get3A_811, %get3A_812, %get3A_813] {strides = array<i32>} : memref<2x512x64xf32, #tpu.memory_space<vmem>>, vector<1x1x16xf32>,
      %get3A_815 = vector.shape_cast %get3A_814 : vector<1x1x16xf32> to vector<16xf32>
      %mul3A_816 = arith.constant 4 : i32
      %mul3A_817 = arith.muli %add3A_808, %mul3A_816 : i32
      %add3A_818 = arith.constant 1 : i32
      %add3A_819 = arith.addi %mul3A_817, %add3A_818 : i32
      %get3A_820 = arith.constant 1 : i32
      %get3A_821 = arith.index_cast %get3A_820 : i32 to index
      %get3A_822 = arith.index_cast %add3A_819 : i32 to index
      %get3A_823 = arith.constant 0 : index
      %get3A_824 = tpu.vector_load %arg6[%get3A_821, %get3A_822, %get3A_823] {strides = array<i32>} : memref<2x512x64xf32, #tpu.memory_space<vmem>>, vector<1x1x16xf32>,
      %get3A_825 = vector.shape_cast %get3A_824 : vector<1x1x16xf32> to vector<16xf32>
      %add3A_826 = arith.addf %get3A_815, %get3A_825 : vector<16xf32>
      %mul3A_827 = arith.constant 4 : i32
      %mul3A_828 = arith.muli %add3A_808, %mul3A_827 : i32
      %add3A_829 = arith.constant 2 : i32
      %add3A_830 = arith.addi %mul3A_828, %add3A_829 : i32
      %get3A_831 = arith.constant 1 : i32
      %get3A_832 = arith.index_cast %get3A_831 : i32 to index
      %get3A_833 = arith.index_cast %add3A_830 : i32 to index
      %get3A_834 = arith.constant 0 : index
      %get3A_835 = tpu.vector_load %arg6[%get3A_832, %get3A_833, %get3A_834] {strides = array<i32>} : memref<2x512x64xf32, #tpu.memory_space<vmem>>, vector<1x1x16xf32>,
      %get3A_836 = vector.shape_cast %get3A_835 : vector<1x1x16xf32> to vector<16xf32>
      %add3A_837 = arith.addf %add3A_826, %get3A_836 : vector<16xf32>
      %mul3A_838 = arith.constant 4 : i32
      %mul3A_839 = arith.muli %add3A_808, %mul3A_838 : i32
      %add3A_840 = arith.constant 3 : i32
      %add3A_841 = arith.addi %mul3A_839, %add3A_840 : i32
      %get3A_842 = arith.constant 1 : i32
      %get3A_843 = arith.index_cast %get3A_842 : i32 to index
      %get3A_844 = arith.index_cast %add3A_841 : i32 to index
      %get3A_845 = arith.constant 0 : index
      %get3A_846 = tpu.vector_load %arg6[%get3A_843, %get3A_844, %get3A_845] {strides = array<i32>} : memref<2x512x64xf32, #tpu.memory_space<vmem>>, vector<1x1x16xf32>,
      %get3A_847 = vector.shape_cast %get3A_846 : vector<1x1x16xf32> to vector<16xf32>
      %add3A_848 = arith.addf %add3A_837, %get3A_847 : vector<16xf32>
      %swap3A = arith.constant 1 : i32
      %swap3A_849 = arith.index_cast %swap3A : i32 to index
      %swap3A_850 = arith.index_cast %add3A_808 : i32 to index
      %swap3A_851 = arith.constant 0 : index
      %swap3A_852 = tpu.vector_load %arg7[%swap3A_849, %swap3A_850, %swap3A_851] {strides = array<i32>} : memref<2x128x64xf32, #tpu.memory_space<vmem>>, vector<1x1x16xf32>,
      %swap3A_853 = vector.shape_cast %swap3A_852 : vector<1x1x16xf32> to vector<16xf32>
      %swap3A_854 = vector.shape_cast %add3A_848 : vector<16xf32> to vector<1x1x16xf32>
      tpu.vector_store %arg7[%swap3A_849, %swap3A_850, %swap3A_851], %swap3A_854 {strides = array<i32>} : memref<2x128x64xf32, #tpu.memory_space<vmem>>, vector<1x1x16xf32>,
      %mul3A_855 = arith.constant 4 : i32
      %mul3A_856 = arith.muli %add3A_808, %mul3A_855 : i32
      %get3A_857 = arith.constant 1 : i32
      %get3A_858 = arith.index_cast %get3A_857 : i32 to index
      %get3A_859 = arith.index_cast %mul3A_856 : i32 to index
      %get3A_860 = arith.constant 16 : index
      %get3A_861 = tpu.vector_load %arg6[%get3A_858, %get3A_859, %get3A_860] {strides = array<i32>} : memref<2x512x64xf32, #tpu.memory_space<vmem>>, vector<1x1x16xf32>,
      %get3A_862 = vector.shape_cast %get3A_861 : vector<1x1x16xf32> to vector<16xf32>
      %mul3A_863 = arith.constant 4 : i32
      %mul3A_864 = arith.muli %add3A_808, %mul3A_863 : i32
      %add3A_865 = arith.constant 1 : i32
      %add3A_866 = arith.addi %mul3A_864, %add3A_865 : i32
      %get3A_867 = arith.constant 1 : i32
      %get3A_868 = arith.index_cast %get3A_867 : i32 to index
      %get3A_869 = arith.index_cast %add3A_866 : i32 to index
      %get3A_870 = arith.constant 16 : index
      %get3A_871 = tpu.vector_load %arg6[%get3A_868, %get3A_869, %get3A_870] {strides = array<i32>} : memref<2x512x64xf32, #tpu.memory_space<vmem>>, vector<1x1x16xf32>,
      %get3A_872 = vector.shape_cast %get3A_871 : vector<1x1x16xf32> to vector<16xf32>
      %add3A_873 = arith.addf %get3A_862, %get3A_872 : vector<16xf32>
      %mul3A_874 = arith.constant 4 : i32
      %mul3A_875 = arith.muli %add3A_808, %mul3A_874 : i32
      %add3A_876 = arith.constant 2 : i32
      %add3A_877 = arith.addi %mul3A_875, %add3A_876 : i32
      %get3A_878 = arith.constant 1 : i32
      %get3A_879 = arith.index_cast %get3A_878 : i32 to index
      %get3A_880 = arith.index_cast %add3A_877 : i32 to index
      %get3A_881 = arith.constant 16 : index
      %get3A_882 = tpu.vector_load %arg6[%get3A_879, %get3A_880, %get3A_881] {strides = array<i32>} : memref<2x512x64xf32, #tpu.memory_space<vmem>>, vector<1x1x16xf32>,
      %get3A_883 = vector.shape_cast %get3A_882 : vector<1x1x16xf32> to vector<16xf32>
      %add3A_884 = arith.addf %add3A_873, %get3A_883 : vector<16xf32>
      %mul3A_885 = arith.constant 4 : i32
      %mul3A_886 = arith.muli %add3A_808, %mul3A_885 : i32
      %add3A_887 = arith.constant 3 : i32
      %add3A_888 = arith.addi %mul3A_886, %add3A_887 : i32
      %get3A_889 = arith.constant 1 : i32
      %get3A_890 = arith.index_cast %get3A_889 : i32 to index
      %get3A_891 = arith.index_cast %add3A_888 : i32 to index
      %get3A_892 = arith.constant 16 : index
      %get3A_893 = tpu.vector_load %arg6[%get3A_890, %get3A_891, %get3A_892] {strides = array<i32>} : memref<2x512x64xf32, #tpu.memory_space<vmem>>, vector<1x1x16xf32>,
      %get3A_894 = vector.shape_cast %get3A_893 : vector<1x1x16xf32> to vector<16xf32>
      %add3A_895 = arith.addf %add3A_884, %get3A_894 : vector<16xf32>
      %swap3A_896 = arith.constant 1 : i32
      %swap3A_897 = arith.index_cast %swap3A_896 : i32 to index
      %swap3A_898 = arith.index_cast %add3A_808 : i32 to index
      %swap3A_899 = arith.constant 16 : index
      %swap3A_900 = tpu.vector_load %arg7[%swap3A_897, %swap3A_898, %swap3A_899] {strides = array<i32>} : memref<2x128x64xf32, #tpu.memory_space<vmem>>, vector<1x1x16xf32>,
      %swap3A_901 = vector.shape_cast %swap3A_900 : vector<1x1x16xf32> to vector<16xf32>
      %swap3A_902 = vector.shape_cast %add3A_895 : vector<16xf32> to vector<1x1x16xf32>
      tpu.vector_store %arg7[%swap3A_897, %swap3A_898, %swap3A_899], %swap3A_902 {strides = array<i32>} : memref<2x128x64xf32, #tpu.memory_space<vmem>>, vector<1x1x16xf32>,
      %mul3A_903 = arith.constant 4 : i32
      %mul3A_904 = arith.muli %add3A_808, %mul3A_903 : i32
      %get3A_905 = arith.constant 1 : i32
      %get3A_906 = arith.index_cast %get3A_905 : i32 to index
      %get3A_907 = arith.index_cast %mul3A_904 : i32 to index
      %get3A_908 = arith.constant 32 : index
      %get3A_909 = tpu.vector_load %arg6[%get3A_906, %get3A_907, %get3A_908] {strides = array<i32>} : memref<2x512x64xf32, #tpu.memory_space<vmem>>, vector<1x1x16xf32>,
      %get3A_910 = vector.shape_cast %get3A_909 : vector<1x1x16xf32> to vector<16xf32>
      %mul3A_911 = arith.constant 4 : i32
      %mul3A_912 = arith.muli %add3A_808, %mul3A_911 : i32
      %add3A_913 = arith.constant 1 : i32
      %add3A_914 = arith.addi %mul3A_912, %add3A_913 : i32
      %get3A_915 = arith.constant 1 : i32
      %get3A_916 = arith.index_cast %get3A_915 : i32 to index
      %get3A_917 = arith.index_cast %add3A_914 : i32 to index
      %get3A_918 = arith.constant 32 : index
      %get3A_919 = tpu.vector_load %arg6[%get3A_916, %get3A_917, %get3A_918] {strides = array<i32>} : memref<2x512x64xf32, #tpu.memory_space<vmem>>, vector<1x1x16xf32>,
      %get3A_920 = vector.shape_cast %get3A_919 : vector<1x1x16xf32> to vector<16xf32>
      %add3A_921 = arith.addf %get3A_910, %get3A_920 : vector<16xf32>
      %mul3A_922 = arith.constant 4 : i32
      %mul3A_923 = arith.muli %add3A_808, %mul3A_922 : i32
      %add3A_924 = arith.constant 2 : i32
      %add3A_925 = arith.addi %mul3A_923, %add3A_924 : i32
      %get3A_926 = arith.constant 1 : i32
      %get3A_927 = arith.index_cast %get3A_926 : i32 to index
      %get3A_928 = arith.index_cast %add3A_925 : i32 to index
      %get3A_929 = arith.constant 32 : index
      %get3A_930 = tpu.vector_load %arg6[%get3A_927, %get3A_928, %get3A_929] {strides = array<i32>} : memref<2x512x64xf32, #tpu.memory_space<vmem>>, vector<1x1x16xf32>,
      %get3A_931 = vector.shape_cast %get3A_930 : vector<1x1x16xf32> to vector<16xf32>
      %add3A_932 = arith.addf %add3A_921, %get3A_931 : vector<16xf32>
      %mul3A_933 = arith.constant 4 : i32
      %mul3A_934 = arith.muli %add3A_808, %mul3A_933 : i32
      %add3A_935 = arith.constant 3 : i32
      %add3A_936 = arith.addi %mul3A_934, %add3A_935 : i32
      %get3A_937 = arith.constant 1 : i32
      %get3A_938 = arith.index_cast %get3A_937 : i32 to index
      %get3A_939 = arith.index_cast %add3A_936 : i32 to index
      %get3A_940 = arith.constant 32 : index
      %get3A_941 = tpu.vector_load %arg6[%get3A_938, %get3A_939, %get3A_940] {strides = array<i32>} : memref<2x512x64xf32, #tpu.memory_space<vmem>>, vector<1x1x16xf32>,
      %get3A_942 = vector.shape_cast %get3A_941 : vector<1x1x16xf32> to vector<16xf32>
      %add3A_943 = arith.addf %add3A_932, %get3A_942 : vector<16xf32>
      %swap3A_944 = arith.constant 1 : i32
      %swap3A_945 = arith.index_cast %swap3A_944 : i32 to index
      %swap3A_946 = arith.index_cast %add3A_808 : i32 to index
      %swap3A_947 = arith.constant 32 : index
      %swap3A_948 = tpu.vector_load %arg7[%swap3A_945, %swap3A_946, %swap3A_947] {strides = array<i32>} : memref<2x128x64xf32, #tpu.memory_space<vmem>>, vector<1x1x16xf32>,
      %swap3A_949 = vector.shape_cast %swap3A_948 : vector<1x1x16xf32> to vector<16xf32>
      %swap3A_950 = vector.shape_cast %add3A_943 : vector<16xf32> to vector<1x1x16xf32>
      tpu.vector_store %arg7[%swap3A_945, %swap3A_946, %swap3A_947], %swap3A_950 {strides = array<i32>} : memref<2x128x64xf32, #tpu.memory_space<vmem>>, vector<1x1x16xf32>,
      %mul3A_951 = arith.constant 4 : i32
      %mul3A_952 = arith.muli %add3A_808, %mul3A_951 : i32
      %get3A_953 = arith.constant 1 : i32
      %get3A_954 = arith.index_cast %get3A_953 : i32 to index
      %get3A_955 = arith.index_cast %mul3A_952 : i32 to index
      %get3A_956 = arith.constant 48 : index
      %get3A_957 = tpu.vector_load %arg6[%get3A_954, %get3A_955, %get3A_956] {strides = array<i32>} : memref<2x512x64xf32, #tpu.memory_space<vmem>>, vector<1x1x16xf32>,
      %get3A_958 = vector.shape_cast %get3A_957 : vector<1x1x16xf32> to vector<16xf32>
      %mul3A_959 = arith.constant 4 : i32
      %mul3A_960 = arith.muli %add3A_808, %mul3A_959 : i32
      %add3A_961 = arith.constant 1 : i32
      %add3A_962 = arith.addi %mul3A_960, %add3A_961 : i32
      %get3A_963 = arith.constant 1 : i32
      %get3A_964 = arith.index_cast %get3A_963 : i32 to index
      %get3A_965 = arith.index_cast %add3A_962 : i32 to index
      %get3A_966 = arith.constant 48 : index
      %get3A_967 = tpu.vector_load %arg6[%get3A_964, %get3A_965, %get3A_966] {strides = array<i32>} : memref<2x512x64xf32, #tpu.memory_space<vmem>>, vector<1x1x16xf32>,
      %get3A_968 = vector.shape_cast %get3A_967 : vector<1x1x16xf32> to vector<16xf32>
      %add3A_969 = arith.addf %get3A_958, %get3A_968 : vector<16xf32>
      %mul3A_970 = arith.constant 4 : i32
      %mul3A_971 = arith.muli %add3A_808, %mul3A_970 : i32
      %add3A_972 = arith.constant 2 : i32
      %add3A_973 = arith.addi %mul3A_971, %add3A_972 : i32
      %get3A_974 = arith.constant 1 : i32
      %get3A_975 = arith.index_cast %get3A_974 : i32 to index
      %get3A_976 = arith.index_cast %add3A_973 : i32 to index
      %get3A_977 = arith.constant 48 : index
      %get3A_978 = tpu.vector_load %arg6[%get3A_975, %get3A_976, %get3A_977] {strides = array<i32>} : memref<2x512x64xf32, #tpu.memory_space<vmem>>, vector<1x1x16xf32>,
      %get3A_979 = vector.shape_cast %get3A_978 : vector<1x1x16xf32> to vector<16xf32>
      %add3A_980 = arith.addf %add3A_969, %get3A_979 : vector<16xf32>
      %mul3A_981 = arith.constant 4 : i32
      %mul3A_982 = arith.muli %add3A_808, %mul3A_981 : i32
      %add3A_983 = arith.constant 3 : i32
      %add3A_984 = arith.addi %mul3A_982, %add3A_983 : i32
      %get3A_985 = arith.constant 1 : i32
      %get3A_986 = arith.index_cast %get3A_985 : i32 to index
      %get3A_987 = arith.index_cast %add3A_984 : i32 to index
      %get3A_988 = arith.constant 48 : index
      %get3A_989 = tpu.vector_load %arg6[%get3A_986, %get3A_987, %get3A_988] {strides = array<i32>} : memref<2x512x64xf32, #tpu.memory_space<vmem>>, vector<1x1x16xf32>,
      %get3A_990 = vector.shape_cast %get3A_989 : vector<1x1x16xf32> to vector<16xf32>
      %add3A_991 = arith.addf %add3A_980, %get3A_990 : vector<16xf32>
      %swap3A_992 = arith.constant 1 : i32
      %swap3A_993 = arith.index_cast %swap3A_992 : i32 to index
      %swap3A_994 = arith.index_cast %add3A_808 : i32 to index
      %swap3A_995 = arith.constant 48 : index
      %swap3A_996 = tpu.vector_load %arg7[%swap3A_993, %swap3A_994, %swap3A_995] {strides = array<i32>} : memref<2x128x64xf32, #tpu.memory_space<vmem>>, vector<1x1x16xf32>,
      %swap3A_997 = vector.shape_cast %swap3A_996 : vector<1x1x16xf32> to vector<16xf32>
      %swap3A_998 = vector.shape_cast %add3A_991 : vector<16xf32> to vector<1x1x16xf32>
      tpu.vector_store %arg7[%swap3A_993, %swap3A_994, %swap3A_995], %swap3A_998 {strides = array<i32>} : memref<2x128x64xf32, #tpu.memory_space<vmem>>, vector<1x1x16xf32>,
      %mul3A_999 = arith.constant 2 : i32
      %mul3A_1000 = arith.muli %scan3A_804, %mul3A_999 : i32
      %add3A_1001 = arith.constant 1 : i32
      %add3A_1002 = arith.addi %mul3A_1000, %add3A_1001 : i32
      %mul3A_1003 = arith.constant 4 : i32
      %mul3A_1004 = arith.muli %add3A_1002, %mul3A_1003 : i32
      %get3A_1005 = arith.constant 1 : i32
      %get3A_1006 = arith.index_cast %get3A_1005 : i32 to index
      %get3A_1007 = arith.index_cast %mul3A_1004 : i32 to index
      %get3A_1008 = arith.constant 0 : index
      %get3A_1009 = tpu.vector_load %arg6[%get3A_1006, %get3A_1007, %get3A_1008] {strides = array<i32>} : memref<2x512x64xf32, #tpu.memory_space<vmem>>, vector<1x1x16xf32>,
      %get3A_1010 = vector.shape_cast %get3A_1009 : vector<1x1x16xf32> to vector<16xf32>
      %mul3A_1011 = arith.constant 4 : i32
      %mul3A_1012 = arith.muli %add3A_1002, %mul3A_1011 : i32
      %add3A_1013 = arith.constant 1 : i32
      %add3A_1014 = arith.addi %mul3A_1012, %add3A_1013 : i32
      %get3A_1015 = arith.constant 1 : i32
      %get3A_1016 = arith.index_cast %get3A_1015 : i32 to index
      %get3A_1017 = arith.index_cast %add3A_1014 : i32 to index
      %get3A_1018 = arith.constant 0 : index
      %get3A_1019 = tpu.vector_load %arg6[%get3A_1016, %get3A_1017, %get3A_1018] {strides = array<i32>} : memref<2x512x64xf32, #tpu.memory_space<vmem>>, vector<1x1x16xf32>,
      %get3A_1020 = vector.shape_cast %get3A_1019 : vector<1x1x16xf32> to vector<16xf32>
      %add3A_1021 = arith.addf %get3A_1010, %get3A_1020 : vector<16xf32>
      %mul3A_1022 = arith.constant 4 : i32
      %mul3A_1023 = arith.muli %add3A_1002, %mul3A_1022 : i32
      %add3A_1024 = arith.constant 2 : i32
      %add3A_1025 = arith.addi %mul3A_1023, %add3A_1024 : i32
      %get3A_1026 = arith.constant 1 : i32
      %get3A_1027 = arith.index_cast %get3A_1026 : i32 to index
      %get3A_1028 = arith.index_cast %add3A_1025 : i32 to index
      %get3A_1029 = arith.constant 0 : index
      %get3A_1030 = tpu.vector_load %arg6[%get3A_1027, %get3A_1028, %get3A_1029] {strides = array<i32>} : memref<2x512x64xf32, #tpu.memory_space<vmem>>, vector<1x1x16xf32>,
      %get3A_1031 = vector.shape_cast %get3A_1030 : vector<1x1x16xf32> to vector<16xf32>
      %add3A_1032 = arith.addf %add3A_1021, %get3A_1031 : vector<16xf32>
      %mul3A_1033 = arith.constant 4 : i32
      %mul3A_1034 = arith.muli %add3A_1002, %mul3A_1033 : i32
      %add3A_1035 = arith.constant 3 : i32
      %add3A_1036 = arith.addi %mul3A_1034, %add3A_1035 : i32
      %get3A_1037 = arith.constant 1 : i32
      %get3A_1038 = arith.index_cast %get3A_1037 : i32 to index
      %get3A_1039 = arith.index_cast %add3A_1036 : i32 to index
      %get3A_1040 = arith.constant 0 : index
      %get3A_1041 = tpu.vector_load %arg6[%get3A_1038, %get3A_1039, %get3A_1040] {strides = array<i32>} : memref<2x512x64xf32, #tpu.memory_space<vmem>>, vector<1x1x16xf32>,
      %get3A_1042 = vector.shape_cast %get3A_1041 : vector<1x1x16xf32> to vector<16xf32>
      %add3A_1043 = arith.addf %add3A_1032, %get3A_1042 : vector<16xf32>
      %swap3A_1044 = arith.constant 1 : i32
      %swap3A_1045 = arith.index_cast %swap3A_1044 : i32 to index
      %swap3A_1046 = arith.index_cast %add3A_1002 : i32 to index
      %swap3A_1047 = arith.constant 0 : index
      %swap3A_1048 = tpu.vector_load %arg7[%swap3A_1045, %swap3A_1046, %swap3A_1047] {strides = array<i32>} : memref<2x128x64xf32, #tpu.memory_space<vmem>>, vector<1x1x16xf32>,
      %swap3A_1049 = vector.shape_cast %swap3A_1048 : vector<1x1x16xf32> to vector<16xf32>
      %swap3A_1050 = vector.shape_cast %add3A_1043 : vector<16xf32> to vector<1x1x16xf32>
      tpu.vector_store %arg7[%swap3A_1045, %swap3A_1046, %swap3A_1047], %swap3A_1050 {strides = array<i32>} : memref<2x128x64xf32, #tpu.memory_space<vmem>>, vector<1x1x16xf32>,
      %mul3A_1051 = arith.constant 4 : i32
      %mul3A_1052 = arith.muli %add3A_1002, %mul3A_1051 : i32
      %get3A_1053 = arith.constant 1 : i32
      %get3A_1054 = arith.index_cast %get3A_1053 : i32 to index
      %get3A_1055 = arith.index_cast %mul3A_1052 : i32 to index
      %get3A_1056 = arith.constant 16 : index
      %get3A_1057 = tpu.vector_load %arg6[%get3A_1054, %get3A_1055, %get3A_1056] {strides = array<i32>} : memref<2x512x64xf32, #tpu.memory_space<vmem>>, vector<1x1x16xf32>,
      %get3A_1058 = vector.shape_cast %get3A_1057 : vector<1x1x16xf32> to vector<16xf32>
      %mul3A_1059 = arith.constant 4 : i32
      %mul3A_1060 = arith.muli %add3A_1002, %mul3A_1059 : i32
      %add3A_1061 = arith.constant 1 : i32
      %add3A_1062 = arith.addi %mul3A_1060, %add3A_1061 : i32
      %get3A_1063 = arith.constant 1 : i32
      %get3A_1064 = arith.index_cast %get3A_1063 : i32 to index
      %get3A_1065 = arith.index_cast %add3A_1062 : i32 to index
      %get3A_1066 = arith.constant 16 : index
      %get3A_1067 = tpu.vector_load %arg6[%get3A_1064, %get3A_1065, %get3A_1066] {strides = array<i32>} : memref<2x512x64xf32, #tpu.memory_space<vmem>>, vector<1x1x16xf32>,
      %get3A_1068 = vector.shape_cast %get3A_1067 : vector<1x1x16xf32> to vector<16xf32>
      %add3A_1069 = arith.addf %get3A_1058, %get3A_1068 : vector<16xf32>
      %mul3A_1070 = arith.constant 4 : i32
      %mul3A_1071 = arith.muli %add3A_1002, %mul3A_1070 : i32
      %add3A_1072 = arith.constant 2 : i32
      %add3A_1073 = arith.addi %mul3A_1071, %add3A_1072 : i32
      %get3A_1074 = arith.constant 1 : i32
      %get3A_1075 = arith.index_cast %get3A_1074 : i32 to index
      %get3A_1076 = arith.index_cast %add3A_1073 : i32 to index
      %get3A_1077 = arith.constant 16 : index
      %get3A_1078 = tpu.vector_load %arg6[%get3A_1075, %get3A_1076, %get3A_1077] {strides = array<i32>} : memref<2x512x64xf32, #tpu.memory_space<vmem>>, vector<1x1x16xf32>,
      %get3A_1079 = vector.shape_cast %get3A_1078 : vector<1x1x16xf32> to vector<16xf32>
      %add3A_1080 = arith.addf %add3A_1069, %get3A_1079 : vector<16xf32>
      %mul3A_1081 = arith.constant 4 : i32
      %mul3A_1082 = arith.muli %add3A_1002, %mul3A_1081 : i32
      %add3A_1083 = arith.constant 3 : i32
      %add3A_1084 = arith.addi %mul3A_1082, %add3A_1083 : i32
      %get3A_1085 = arith.constant 1 : i32
      %get3A_1086 = arith.index_cast %get3A_1085 : i32 to index
      %get3A_1087 = arith.index_cast %add3A_1084 : i32 to index
      %get3A_1088 = arith.constant 16 : index
      %get3A_1089 = tpu.vector_load %arg6[%get3A_1086, %get3A_1087, %get3A_1088] {strides = array<i32>} : memref<2x512x64xf32, #tpu.memory_space<vmem>>, vector<1x1x16xf32>,
      %get3A_1090 = vector.shape_cast %get3A_1089 : vector<1x1x16xf32> to vector<16xf32>
      %add3A_1091 = arith.addf %add3A_1080, %get3A_1090 : vector<16xf32>
      %swap3A_1092 = arith.constant 1 : i32
      %swap3A_1093 = arith.index_cast %swap3A_1092 : i32 to index
      %swap3A_1094 = arith.index_cast %add3A_1002 : i32 to index
      %swap3A_1095 = arith.constant 16 : index
      %swap3A_1096 = tpu.vector_load %arg7[%swap3A_1093, %swap3A_1094, %swap3A_1095] {strides = array<i32>} : memref<2x128x64xf32, #tpu.memory_space<vmem>>, vector<1x1x16xf32>,
      %swap3A_1097 = vector.shape_cast %swap3A_1096 : vector<1x1x16xf32> to vector<16xf32>
      %swap3A_1098 = vector.shape_cast %add3A_1091 : vector<16xf32> to vector<1x1x16xf32>
      tpu.vector_store %arg7[%swap3A_1093, %swap3A_1094, %swap3A_1095], %swap3A_1098 {strides = array<i32>} : memref<2x128x64xf32, #tpu.memory_space<vmem>>, vector<1x1x16xf32>,
      %mul3A_1099 = arith.constant 4 : i32
      %mul3A_1100 = arith.muli %add3A_1002, %mul3A_1099 : i32
      %get3A_1101 = arith.constant 1 : i32
      %get3A_1102 = arith.index_cast %get3A_1101 : i32 to index
      %get3A_1103 = arith.index_cast %mul3A_1100 : i32 to index
      %get3A_1104 = arith.constant 32 : index
      %get3A_1105 = tpu.vector_load %arg6[%get3A_1102, %get3A_1103, %get3A_1104] {strides = array<i32>} : memref<2x512x64xf32, #tpu.memory_space<vmem>>, vector<1x1x16xf32>,
      %get3A_1106 = vector.shape_cast %get3A_1105 : vector<1x1x16xf32> to vector<16xf32>
      %mul3A_1107 = arith.constant 4 : i32
      %mul3A_1108 = arith.muli %add3A_1002, %mul3A_1107 : i32
      %add3A_1109 = arith.constant 1 : i32
      %add3A_1110 = arith.addi %mul3A_1108, %add3A_1109 : i32
      %get3A_1111 = arith.constant 1 : i32
      %get3A_1112 = arith.index_cast %get3A_1111 : i32 to index
      %get3A_1113 = arith.index_cast %add3A_1110 : i32 to index
      %get3A_1114 = arith.constant 32 : index
      %get3A_1115 = tpu.vector_load %arg6[%get3A_1112, %get3A_1113, %get3A_1114] {strides = array<i32>} : memref<2x512x64xf32, #tpu.memory_space<vmem>>, vector<1x1x16xf32>,
      %get3A_1116 = vector.shape_cast %get3A_1115 : vector<1x1x16xf32> to vector<16xf32>
      %add3A_1117 = arith.addf %get3A_1106, %get3A_1116 : vector<16xf32>
      %mul3A_1118 = arith.constant 4 : i32
      %mul3A_1119 = arith.muli %add3A_1002, %mul3A_1118 : i32
      %add3A_1120 = arith.constant 2 : i32
      %add3A_1121 = arith.addi %mul3A_1119, %add3A_1120 : i32
      %get3A_1122 = arith.constant 1 : i32
      %get3A_1123 = arith.index_cast %get3A_1122 : i32 to index
      %get3A_1124 = arith.index_cast %add3A_1121 : i32 to index
      %get3A_1125 = arith.constant 32 : index
      %get3A_1126 = tpu.vector_load %arg6[%get3A_1123, %get3A_1124, %get3A_1125] {strides = array<i32>} : memref<2x512x64xf32, #tpu.memory_space<vmem>>, vector<1x1x16xf32>,
      %get3A_1127 = vector.shape_cast %get3A_1126 : vector<1x1x16xf32> to vector<16xf32>
      %add3A_1128 = arith.addf %add3A_1117, %get3A_1127 : vector<16xf32>
      %mul3A_1129 = arith.constant 4 : i32
      %mul3A_1130 = arith.muli %add3A_1002, %mul3A_1129 : i32
      %add3A_1131 = arith.constant 3 : i32
      %add3A_1132 = arith.addi %mul3A_1130, %add3A_1131 : i32
      %get3A_1133 = arith.constant 1 : i32
      %get3A_1134 = arith.index_cast %get3A_1133 : i32 to index
      %get3A_1135 = arith.index_cast %add3A_1132 : i32 to index
      %get3A_1136 = arith.constant 32 : index
      %get3A_1137 = tpu.vector_load %arg6[%get3A_1134, %get3A_1135, %get3A_1136] {strides = array<i32>} : memref<2x512x64xf32, #tpu.memory_space<vmem>>, vector<1x1x16xf32>,
      %get3A_1138 = vector.shape_cast %get3A_1137 : vector<1x1x16xf32> to vector<16xf32>
      %add3A_1139 = arith.addf %add3A_1128, %get3A_1138 : vector<16xf32>
      %swap3A_1140 = arith.constant 1 : i32
      %swap3A_1141 = arith.index_cast %swap3A_1140 : i32 to index
      %swap3A_1142 = arith.index_cast %add3A_1002 : i32 to index
      %swap3A_1143 = arith.constant 32 : index
      %swap3A_1144 = tpu.vector_load %arg7[%swap3A_1141, %swap3A_1142, %swap3A_1143] {strides = array<i32>} : memref<2x128x64xf32, #tpu.memory_space<vmem>>, vector<1x1x16xf32>,
      %swap3A_1145 = vector.shape_cast %swap3A_1144 : vector<1x1x16xf32> to vector<16xf32>
      %swap3A_1146 = vector.shape_cast %add3A_1139 : vector<16xf32> to vector<1x1x16xf32>
      tpu.vector_store %arg7[%swap3A_1141, %swap3A_1142, %swap3A_1143], %swap3A_1146 {strides = array<i32>} : memref<2x128x64xf32, #tpu.memory_space<vmem>>, vector<1x1x16xf32>,
      %mul3A_1147 = arith.constant 4 : i32
      %mul3A_1148 = arith.muli %add3A_1002, %mul3A_1147 : i32
      %get3A_1149 = arith.constant 1 : i32
      %get3A_1150 = arith.index_cast %get3A_1149 : i32 to index
      %get3A_1151 = arith.index_cast %mul3A_1148 : i32 to index
      %get3A_1152 = arith.constant 48 : index
      %get3A_1153 = tpu.vector_load %arg6[%get3A_1150, %get3A_1151, %get3A_1152] {strides = array<i32>} : memref<2x512x64xf32, #tpu.memory_space<vmem>>, vector<1x1x16xf32>,
      %get3A_1154 = vector.shape_cast %get3A_1153 : vector<1x1x16xf32> to vector<16xf32>
      %mul3A_1155 = arith.constant 4 : i32
      %mul3A_1156 = arith.muli %add3A_1002, %mul3A_1155 : i32
      %add3A_1157 = arith.constant 1 : i32
      %add3A_1158 = arith.addi %mul3A_1156, %add3A_1157 : i32
      %get3A_1159 = arith.constant 1 : i32
      %get3A_1160 = arith.index_cast %get3A_1159 : i32 to index
      %get3A_1161 = arith.index_cast %add3A_1158 : i32 to index
      %get3A_1162 = arith.constant 48 : index
      %get3A_1163 = tpu.vector_load %arg6[%get3A_1160, %get3A_1161, %get3A_1162] {strides = array<i32>} : memref<2x512x64xf32, #tpu.memory_space<vmem>>, vector<1x1x16xf32>,
      %get3A_1164 = vector.shape_cast %get3A_1163 : vector<1x1x16xf32> to vector<16xf32>
      %add3A_1165 = arith.addf %get3A_1154, %get3A_1164 : vector<16xf32>
      %mul3A_1166 = arith.constant 4 : i32
      %mul3A_1167 = arith.muli %add3A_1002, %mul3A_1166 : i32
      %add3A_1168 = arith.constant 2 : i32
      %add3A_1169 = arith.addi %mul3A_1167, %add3A_1168 : i32
      %get3A_1170 = arith.constant 1 : i32
      %get3A_1171 = arith.index_cast %get3A_1170 : i32 to index
      %get3A_1172 = arith.index_cast %add3A_1169 : i32 to index
      %get3A_1173 = arith.constant 48 : index
      %get3A_1174 = tpu.vector_load %arg6[%get3A_1171, %get3A_1172, %get3A_1173] {strides = array<i32>} : memref<2x512x64xf32, #tpu.memory_space<vmem>>, vector<1x1x16xf32>,
      %get3A_1175 = vector.shape_cast %get3A_1174 : vector<1x1x16xf32> to vector<16xf32>
      %add3A_1176 = arith.addf %add3A_1165, %get3A_1175 : vector<16xf32>
      %mul3A_1177 = arith.constant 4 : i32
      %mul3A_1178 = arith.muli %add3A_1002, %mul3A_1177 : i32
      %add3A_1179 = arith.constant 3 : i32
      %add3A_1180 = arith.addi %mul3A_1178, %add3A_1179 : i32
      %get3A_1181 = arith.constant 1 : i32
      %get3A_1182 = arith.index_cast %get3A_1181 : i32 to index
      %get3A_1183 = arith.index_cast %add3A_1180 : i32 to index
      %get3A_1184 = arith.constant 48 : index
      %get3A_1185 = tpu.vector_load %arg6[%get3A_1182, %get3A_1183, %get3A_1184] {strides = array<i32>} : memref<2x512x64xf32, #tpu.memory_space<vmem>>, vector<1x1x16xf32>,
      %get3A_1186 = vector.shape_cast %get3A_1185 : vector<1x1x16xf32> to vector<16xf32>
      %add3A_1187 = arith.addf %add3A_1176, %get3A_1186 : vector<16xf32>
      %swap3A_1188 = arith.constant 1 : i32
      %swap3A_1189 = arith.index_cast %swap3A_1188 : i32 to index
      %swap3A_1190 = arith.index_cast %add3A_1002 : i32 to index
      %swap3A_1191 = arith.constant 48 : index
      %swap3A_1192 = tpu.vector_load %arg7[%swap3A_1189, %swap3A_1190, %swap3A_1191] {strides = array<i32>} : memref<2x128x64xf32, #tpu.memory_space<vmem>>, vector<1x1x16xf32>,
      %swap3A_1193 = vector.shape_cast %swap3A_1192 : vector<1x1x16xf32> to vector<16xf32>
      %swap3A_1194 = vector.shape_cast %add3A_1187 : vector<16xf32> to vector<1x1x16xf32>
      tpu.vector_store %arg7[%swap3A_1189, %swap3A_1190, %swap3A_1191], %swap3A_1194 {strides = array<i32>} : memref<2x128x64xf32, #tpu.memory_space<vmem>>, vector<1x1x16xf32>,
    }
    %scan3A_270 = arith.constant 64 : i32
    %mul3A_271 = arith.constant 6 : i32
    %mul3A_272 = arith.muli %add3A, %mul3A_271 : i32
    %add3A_273 = arith.constant 1 : i32
    %add3A_274 = arith.addi %mul3A_272, %add3A_273 : i32
    %mul3A_275 = arith.constant 128 : i32
    %mul3A_276 = arith.muli %add3A_274, %mul3A_275 : i32
    %dma_start3A_277 = arith.constant 1 : i32
    %dma_start3A_278 = arith.constant 0 : i32
    %dma_start3A_279 = arith.constant 0 : i32
    %dma_start3A_280 = tpu.memref_slice %arg7[%dma_start3A_277, %dma_start3A_278, %dma_start3A_279] : memref<2x128x64xf32, #tpu.memory_space<vmem>> -> memref<1x128x64xf32, #tpu.memory_space<vmem>>
    %dma_start3A_281 = tpu.memref_squeeze %dma_start3A_280 : memref<1x128x64xf32, #tpu.memory_space<vmem>> -> memref<128x64xf32, #tpu.memory_space<vmem>>
    %dma_start3A_282 = arith.constant 0 : i32
    %dma_start3A_283 = tpu.memref_slice %arg4[%mul3A_276, %dma_start3A_282] : memref<24576x64xf32, #tpu.memory_space<hbm>> -> memref<128x64xf32, #tpu.memory_space<hbm>>
    %dma_start3A_284 = arith.constant 0 : i32
    %dma_start3A_285 = tpu.memref_slice %arg4[%mul3A_276, %dma_start3A_284] : memref<24576x64xf32, #tpu.memory_space<hbm>> -> memref<128x64xf32, #tpu.memory_space<hbm>>
    %dma_start3A_286 = arith.constant 0 : i32
    %dma_start3A_287 = arith.constant 0 : i32
    %dma_start3A_288 = tpu.memref_slice %arg7[%dma_start3A_277, %dma_start3A_286, %dma_start3A_287] : memref<2x128x64xf32, #tpu.memory_space<vmem>> -> memref<1x128x64xf32, #tpu.memory_space<vmem>>
    %dma_start3A_289 = tpu.memref_squeeze %dma_start3A_288 : memref<1x128x64xf32, #tpu.memory_space<vmem>> -> memref<128x64xf32, #tpu.memory_space<vmem>>
    tpu.enqueue_dma source(%dma_start3A_289 : memref<128x64xf32, #tpu.memory_space<vmem>>) target(%dma_start3A_285 : memref<128x64xf32, #tpu.memory_space<hbm>>) target_semaphore(%arg10 : memref<!tpu.dma_semaphore, #tpu.memory_space<semaphore_mem>>)
    %dma_start3A_290 = arith.constant 12 : i32
    %dma_start3A_291 = arith.constant 1 : i32
    %dma_start3A_292 = arith.constant 0 : i32
    %dma_start3A_293 = arith.constant 0 : i32
    %dma_start3A_294 = tpu.memref_slice %arg6[%dma_start3A_291, %dma_start3A_292, %dma_start3A_293] : memref<2x512x64xf32, #tpu.memory_space<vmem>> -> memref<1x128x64xf32, #tpu.memory_space<vmem>>
    %dma_start3A_295 = tpu.memref_squeeze %dma_start3A_294 : memref<1x128x64xf32, #tpu.memory_space<vmem>> -> memref<128x64xf32, #tpu.memory_space<vmem>>
    %dma_start3A_296 = arith.constant 0 : i32
    %dma_start3A_297 = tpu.memref_slice %arg5[%dma_start3A_290, %dma_start3A_296] : memref<24x128xi32, #tpu.memory_space<vmem>> -> memref<1x128xi32, #tpu.memory_space<vmem>>
    %dma_start3A_298 = tpu.memref_squeeze %dma_start3A_297 : memref<1x128xi32, #tpu.memory_space<vmem>> -> memref<128xi32, #tpu.memory_space<vmem>>
    %dma_start3A_299 = arith.constant 0 : i32
    %dma_start3A_300 = arith.constant 0 : i32
    %dma_start3A_301 = tpu.memref_slice %arg2[%dma_start3A_299, %dma_start3A_300] : memref<98304x64xf32, #tpu.memory_space<hbm>> -> memref<98304x64xf32, #tpu.memory_space<hbm>>
    tpu.enqueue_indirect_dma source(%dma_start3A_301 : memref<98304x64xf32, #tpu.memory_space<hbm>>) target(%dma_start3A_295 : memref<128x64xf32, #tpu.memory_space<vmem>>) offsets(%dma_start3A_298 : memref<128xi32, #tpu.memory_space<vmem>>) semaphore(%arg9 : memref<!tpu.dma_semaphore, #tpu.memory_space<semaphore_mem>>)
    %dma_start3A_302 = arith.constant 13 : i32
    %dma_start3A_303 = arith.constant 1 : i32
    %dma_start3A_304 = arith.constant 128 : i32
    %dma_start3A_305 = arith.constant 0 : i32
    %dma_start3A_306 = tpu.memref_slice %arg6[%dma_start3A_303, %dma_start3A_304, %dma_start3A_305] : memref<2x512x64xf32, #tpu.memory_space<vmem>> -> memref<1x128x64xf32, #tpu.memory_space<vmem>>
    %dma_start3A_307 = tpu.memref_squeeze %dma_start3A_306 : memref<1x128x64xf32, #tpu.memory_space<vmem>> -> memref<128x64xf32, #tpu.memory_space<vmem>>
    %dma_start3A_308 = arith.constant 0 : i32
    %dma_start3A_309 = tpu.memref_slice %arg5[%dma_start3A_302, %dma_start3A_308] : memref<24x128xi32, #tpu.memory_space<vmem>> -> memref<1x128xi32, #tpu.memory_space<vmem>>
    %dma_start3A_310 = tpu.memref_squeeze %dma_start3A_309 : memref<1x128xi32, #tpu.memory_space<vmem>> -> memref<128xi32, #tpu.memory_space<vmem>>
    %dma_start3A_311 = arith.constant 0 : i32
    %dma_start3A_312 = arith.constant 0 : i32
    %dma_start3A_313 = tpu.memref_slice %arg2[%dma_start3A_311, %dma_start3A_312] : memref<98304x64xf32, #tpu.memory_space<hbm>> -> memref<98304x64xf32, #tpu.memory_space<hbm>>
    tpu.enqueue_indirect_dma source(%dma_start3A_313 : memref<98304x64xf32, #tpu.memory_space<hbm>>) target(%dma_start3A_307 : memref<128x64xf32, #tpu.memory_space<vmem>>) offsets(%dma_start3A_310 : memref<128xi32, #tpu.memory_space<vmem>>) semaphore(%arg9 : memref<!tpu.dma_semaphore, #tpu.memory_space<semaphore_mem>>)
    %dma_start3A_314 = arith.constant 14 : i32
    %dma_start3A_315 = arith.constant 1 : i32
    %dma_start3A_316 = arith.constant 256 : i32
    %dma_start3A_317 = arith.constant 0 : i32
    %dma_start3A_318 = tpu.memref_slice %arg6[%dma_start3A_315, %dma_start3A_316, %dma_start3A_317] : memref<2x512x64xf32, #tpu.memory_space<vmem>> -> memref<1x128x64xf32, #tpu.memory_space<vmem>>
    %dma_start3A_319 = tpu.memref_squeeze %dma_start3A_318 : memref<1x128x64xf32, #tpu.memory_space<vmem>> -> memref<128x64xf32, #tpu.memory_space<vmem>>
    %dma_start3A_320 = arith.constant 0 : i32
    %dma_start3A_321 = tpu.memref_slice %arg5[%dma_start3A_314, %dma_start3A_320] : memref<24x128xi32, #tpu.memory_space<vmem>> -> memref<1x128xi32, #tpu.memory_space<vmem>>
    %dma_start3A_322 = tpu.memref_squeeze %dma_start3A_321 : memref<1x128xi32, #tpu.memory_space<vmem>> -> memref<128xi32, #tpu.memory_space<vmem>>
    %dma_start3A_323 = arith.constant 0 : i32
    %dma_start3A_324 = arith.constant 0 : i32
    %dma_start3A_325 = tpu.memref_slice %arg2[%dma_start3A_323, %dma_start3A_324] : memref<98304x64xf32, #tpu.memory_space<hbm>> -> memref<98304x64xf32, #tpu.memory_space<hbm>>
    tpu.enqueue_indirect_dma source(%dma_start3A_325 : memref<98304x64xf32, #tpu.memory_space<hbm>>) target(%dma_start3A_319 : memref<128x64xf32, #tpu.memory_space<vmem>>) offsets(%dma_start3A_322 : memref<128xi32, #tpu.memory_space<vmem>>) semaphore(%arg9 : memref<!tpu.dma_semaphore, #tpu.memory_space<semaphore_mem>>)
    %dma_start3A_326 = arith.constant 15 : i32
    %dma_start3A_327 = arith.constant 1 : i32
    %dma_start3A_328 = arith.constant 384 : i32
    %dma_start3A_329 = arith.constant 0 : i32
    %dma_start3A_330 = tpu.memref_slice %arg6[%dma_start3A_327, %dma_start3A_328, %dma_start3A_329] : memref<2x512x64xf32, #tpu.memory_space<vmem>> -> memref<1x128x64xf32, #tpu.memory_space<vmem>>
    %dma_start3A_331 = tpu.memref_squeeze %dma_start3A_330 : memref<1x128x64xf32, #tpu.memory_space<vmem>> -> memref<128x64xf32, #tpu.memory_space<vmem>>
    %dma_start3A_332 = arith.constant 0 : i32
    %dma_start3A_333 = tpu.memref_slice %arg5[%dma_start3A_326, %dma_start3A_332] : memref<24x128xi32, #tpu.memory_space<vmem>> -> memref<1x128xi32, #tpu.memory_space<vmem>>
    %dma_start3A_334 = tpu.memref_squeeze %dma_start3A_333 : memref<1x128xi32, #tpu.memory_space<vmem>> -> memref<128xi32, #tpu.memory_space<vmem>>
    %dma_start3A_335 = arith.constant 0 : i32
    %dma_start3A_336 = arith.constant 0 : i32
    %dma_start3A_337 = tpu.memref_slice %arg2[%dma_start3A_335, %dma_start3A_336] : memref<98304x64xf32, #tpu.memory_space<hbm>> -> memref<98304x64xf32, #tpu.memory_space<hbm>>
    tpu.enqueue_indirect_dma source(%dma_start3A_337 : memref<98304x64xf32, #tpu.memory_space<hbm>>) target(%dma_start3A_331 : memref<128x64xf32, #tpu.memory_space<vmem>>) offsets(%dma_start3A_334 : memref<128xi32, #tpu.memory_space<vmem>>) semaphore(%arg9 : memref<!tpu.dma_semaphore, #tpu.memory_space<semaphore_mem>>)
    %dma_wait3A_338 = arith.constant 8 : i32
    %dma_wait3A_339 = arith.constant 0 : i32
    %dma_wait3A_340 = arith.constant 0 : i32
    %dma_wait3A_341 = arith.constant 0 : i32
    %dma_wait3A_342 = tpu.memref_slice %arg6[%dma_wait3A_339, %dma_wait3A_340, %dma_wait3A_341] : memref<2x512x64xf32, #tpu.memory_space<vmem>> -> memref<1x128x64xf32, #tpu.memory_space<vmem>>
    %dma_wait3A_343 = tpu.memref_squeeze %dma_wait3A_342 : memref<1x128x64xf32, #tpu.memory_space<vmem>> -> memref<128x64xf32, #tpu.memory_space<vmem>>
    %dma_wait3A_344 = arith.constant 0 : i32
    %dma_wait3A_345 = tpu.memref_slice %arg5[%dma_wait3A_338, %dma_wait3A_344] : memref<24x128xi32, #tpu.memory_space<vmem>> -> memref<1x128xi32, #tpu.memory_space<vmem>>
    %dma_wait3A_346 = tpu.memref_squeeze %dma_wait3A_345 : memref<1x128xi32, #tpu.memory_space<vmem>> -> memref<128xi32, #tpu.memory_space<vmem>>
    %dma_wait3A_347 = arith.constant 0 : i32
    %dma_wait3A_348 = arith.constant 0 : i32
    %dma_wait3A_349 = tpu.memref_slice %arg2[%dma_wait3A_347, %dma_wait3A_348] : memref<98304x64xf32, #tpu.memory_space<hbm>> -> memref<98304x64xf32, #tpu.memory_space<hbm>>
    tpu.wait_indirect_dma semaphore(%arg8 : memref<!tpu.dma_semaphore, #tpu.memory_space<semaphore_mem>>) src(%dma_wait3A_349 : memref<98304x64xf32, #tpu.memory_space<hbm>>) dst(%dma_wait3A_343 : memref<128x64xf32, #tpu.memory_space<vmem>>)
    %dma_wait3A_350 = arith.constant 9 : i32
    %dma_wait3A_351 = arith.constant 0 : i32
    %dma_wait3A_352 = arith.constant 128 : i32
    %dma_wait3A_353 = arith.constant 0 : i32
    %dma_wait3A_354 = tpu.memref_slice %arg6[%dma_wait3A_351, %dma_wait3A_352, %dma_wait3A_353] : memref<2x512x64xf32, #tpu.memory_space<vmem>> -> memref<1x128x64xf32, #tpu.memory_space<vmem>>
    %dma_wait3A_355 = tpu.memref_squeeze %dma_wait3A_354 : memref<1x128x64xf32, #tpu.memory_space<vmem>> -> memref<128x64xf32, #tpu.memory_space<vmem>>
    %dma_wait3A_356 = arith.constant 0 : i32
    %dma_wait3A_357 = tpu.memref_slice %arg5[%dma_wait3A_350, %dma_wait3A_356] : memref<24x128xi32, #tpu.memory_space<vmem>> -> memref<1x128xi32, #tpu.memory_space<vmem>>
    %dma_wait3A_358 = tpu.memref_squeeze %dma_wait3A_357 : memref<1x128xi32, #tpu.memory_space<vmem>> -> memref<128xi32, #tpu.memory_space<vmem>>
    %dma_wait3A_359 = arith.constant 0 : i32
    %dma_wait3A_360 = arith.constant 0 : i32
    %dma_wait3A_361 = tpu.memref_slice %arg2[%dma_wait3A_359, %dma_wait3A_360] : memref<98304x64xf32, #tpu.memory_space<hbm>> -> memref<98304x64xf32, #tpu.memory_space<hbm>>
    tpu.wait_indirect_dma semaphore(%arg8 : memref<!tpu.dma_semaphore, #tpu.memory_space<semaphore_mem>>) src(%dma_wait3A_361 : memref<98304x64xf32, #tpu.memory_space<hbm>>) dst(%dma_wait3A_355 : memref<128x64xf32, #tpu.memory_space<vmem>>)
    %dma_wait3A_362 = arith.constant 10 : i32
    %dma_wait3A_363 = arith.constant 0 : i32
    %dma_wait3A_364 = arith.constant 256 : i32
    %dma_wait3A_365 = arith.constant 0 : i32
    %dma_wait3A_366 = tpu.memref_slice %arg6[%dma_wait3A_363, %dma_wait3A_364, %dma_wait3A_365] : memref<2x512x64xf32, #tpu.memory_space<vmem>> -> memref<1x128x64xf32, #tpu.memory_space<vmem>>
    %dma_wait3A_367 = tpu.memref_squeeze %dma_wait3A_366 : memref<1x128x64xf32, #tpu.memory_space<vmem>> -> memref<128x64xf32, #tpu.memory_space<vmem>>
    %dma_wait3A_368 = arith.constant 0 : i32
    %dma_wait3A_369 = tpu.memref_slice %arg5[%dma_wait3A_362, %dma_wait3A_368] : memref<24x128xi32, #tpu.memory_space<vmem>> -> memref<1x128xi32, #tpu.memory_space<vmem>>
    %dma_wait3A_370 = tpu.memref_squeeze %dma_wait3A_369 : memref<1x128xi32, #tpu.memory_space<vmem>> -> memref<128xi32, #tpu.memory_space<vmem>>
    %dma_wait3A_371 = arith.constant 0 : i32
    %dma_wait3A_372 = arith.constant 0 : i32
    %dma_wait3A_373 = tpu.memref_slice %arg2[%dma_wait3A_371, %dma_wait3A_372] : memref<98304x64xf32, #tpu.memory_space<hbm>> -> memref<98304x64xf32, #tpu.memory_space<hbm>>
    tpu.wait_indirect_dma semaphore(%arg8 : memref<!tpu.dma_semaphore, #tpu.memory_space<semaphore_mem>>) src(%dma_wait3A_373 : memref<98304x64xf32, #tpu.memory_space<hbm>>) dst(%dma_wait3A_367 : memref<128x64xf32, #tpu.memory_space<vmem>>)
    %dma_wait3A_374 = arith.constant 11 : i32
    %dma_wait3A_375 = arith.constant 0 : i32
    %dma_wait3A_376 = arith.constant 384 : i32
    %dma_wait3A_377 = arith.constant 0 : i32
    %dma_wait3A_378 = tpu.memref_slice %arg6[%dma_wait3A_375, %dma_wait3A_376, %dma_wait3A_377] : memref<2x512x64xf32, #tpu.memory_space<vmem>> -> memref<1x128x64xf32, #tpu.memory_space<vmem>>
    %dma_wait3A_379 = tpu.memref_squeeze %dma_wait3A_378 : memref<1x128x64xf32, #tpu.memory_space<vmem>> -> memref<128x64xf32, #tpu.memory_space<vmem>>
    %dma_wait3A_380 = arith.constant 0 : i32
    %dma_wait3A_381 = tpu.memref_slice %arg5[%dma_wait3A_374, %dma_wait3A_380] : memref<24x128xi32, #tpu.memory_space<vmem>> -> memref<1x128xi32, #tpu.memory_space<vmem>>
    %dma_wait3A_382 = tpu.memref_squeeze %dma_wait3A_381 : memref<1x128xi32, #tpu.memory_space<vmem>> -> memref<128xi32, #tpu.memory_space<vmem>>
    %dma_wait3A_383 = arith.constant 0 : i32
    %dma_wait3A_384 = arith.constant 0 : i32
    %dma_wait3A_385 = tpu.memref_slice %arg2[%dma_wait3A_383, %dma_wait3A_384] : memref<98304x64xf32, #tpu.memory_space<hbm>> -> memref<98304x64xf32, #tpu.memory_space<hbm>>
    tpu.wait_indirect_dma semaphore(%arg8 : memref<!tpu.dma_semaphore, #tpu.memory_space<semaphore_mem>>) src(%dma_wait3A_385 : memref<98304x64xf32, #tpu.memory_space<hbm>>) dst(%dma_wait3A_379 : memref<128x64xf32, #tpu.memory_space<vmem>>)
    %dma_wait3A_386 = arith.constant 0 : i32
    %dma_wait3A_387 = arith.constant 0 : i32
    %dma_wait3A_388 = arith.constant 0 : i32
    %dma_wait3A_389 = tpu.memref_slice %arg7[%dma_wait3A_386, %dma_wait3A_387, %dma_wait3A_388] : memref<2x128x64xf32, #tpu.memory_space<vmem>> -> memref<1x128x64xf32, #tpu.memory_space<vmem>>
    %dma_wait3A_390 = tpu.memref_squeeze %dma_wait3A_389 : memref<1x128x64xf32, #tpu.memory_space<vmem>> -> memref<128x64xf32, #tpu.memory_space<vmem>>
    %dma_wait3A_391 = arith.constant 0 : i32
    %dma_wait3A_392 = tpu.memref_slice %arg4[%mul3A_155, %dma_wait3A_391] : memref<24576x64xf32, #tpu.memory_space<hbm>> -> memref<128x64xf32, #tpu.memory_space<hbm>>
    %dma_wait3A_393 = arith.constant 0 : i32
    %dma_wait3A_394 = tpu.memref_slice %arg4[%mul3A_155, %dma_wait3A_393] : memref<24576x64xf32, #tpu.memory_space<hbm>> -> memref<128x64xf32, #tpu.memory_space<hbm>>
    %dma_wait3A_395 = arith.constant 0 : i32
    %dma_wait3A_396 = arith.constant 0 : i32
    %dma_wait3A_397 = tpu.memref_slice %arg7[%dma_wait3A_386, %dma_wait3A_395, %dma_wait3A_396] : memref<2x128x64xf32, #tpu.memory_space<vmem>> -> memref<1x128x64xf32, #tpu.memory_space<vmem>>
    %dma_wait3A_398 = tpu.memref_squeeze %dma_wait3A_397 : memref<1x128x64xf32, #tpu.memory_space<vmem>> -> memref<128x64xf32, #tpu.memory_space<vmem>>
    tpu.wait_dma2 semaphore(%arg10 : memref<!tpu.dma_semaphore, #tpu.memory_space<semaphore_mem>>) src(%dma_wait3A_398 : memref<128x64xf32, #tpu.memory_space<vmem>>) dst(%dma_wait3A_394 : memref<128x64xf32, #tpu.memory_space<hbm>>)
    %scan3A_399 = arith.constant 0 : i32
    %scan3A_400 = arith.constant 0 : i32
    %scan3A_401 = arith.constant 64 : i32
    %scan3A_402 = arith.addi %scan3A_400, %scan3A_401 : i32
    %scan3A_403 = arith.constant 1 : i32
    scf.for %scan3A_804 = %scan3A_400 to %scan3A_402 step %scan3A_403  : i32 {
      %mul3A_805 = arith.constant 2 : i32
      %mul3A_806 = arith.muli %scan3A_804, %mul3A_805 : i32
      %add3A_807 = arith.constant 0 : i32
      %add3A_808 = arith.addi %mul3A_806, %add3A_807 : i32
      %mul3A_809 = arith.constant 4 : i32
      %mul3A_810 = arith.muli %add3A_808, %mul3A_809 : i32
      %get3A = arith.constant 0 : i32
      %get3A_811 = arith.index_cast %get3A : i32 to index
      %get3A_812 = arith.index_cast %mul3A_810 : i32 to index
      %get3A_813 = arith.constant 0 : index
      %get3A_814 = tpu.vector_load %arg6[%get3A_811, %get3A_812, %get3A_813] {strides = array<i32>} : memref<2x512x64xf32, #tpu.memory_space<vmem>>, vector<1x1x16xf32>,
      %get3A_815 = vector.shape_cast %get3A_814 : vector<1x1x16xf32> to vector<16xf32>
      %mul3A_816 = arith.constant 4 : i32
      %mul3A_817 = arith.muli %add3A_808, %mul3A_816 : i32
      %add3A_818 = arith.constant 1 : i32
      %add3A_819 = arith.addi %mul3A_817, %add3A_818 : i32
      %get3A_820 = arith.constant 0 : i32
      %get3A_821 = arith.index_cast %get3A_820 : i32 to index
      %get3A_822 = arith.index_cast %add3A_819 : i32 to index
      %get3A_823 = arith.constant 0 : index
      %get3A_824 = tpu.vector_load %arg6[%get3A_821, %get3A_822, %get3A_823] {strides = array<i32>} : memref<2x512x64xf32, #tpu.memory_space<vmem>>, vector<1x1x16xf32>,
      %get3A_825 = vector.shape_cast %get3A_824 : vector<1x1x16xf32> to vector<16xf32>
      %add3A_826 = arith.addf %get3A_815, %get3A_825 : vector<16xf32>
      %mul3A_827 = arith.constant 4 : i32
      %mul3A_828 = arith.muli %add3A_808, %mul3A_827 : i32
      %add3A_829 = arith.constant 2 : i32
      %add3A_830 = arith.addi %mul3A_828, %add3A_829 : i32
      %get3A_831 = arith.constant 0 : i32
      %get3A_832 = arith.index_cast %get3A_831 : i32 to index
      %get3A_833 = arith.index_cast %add3A_830 : i32 to index
      %get3A_834 = arith.constant 0 : index
      %get3A_835 = tpu.vector_load %arg6[%get3A_832, %get3A_833, %get3A_834] {strides = array<i32>} : memref<2x512x64xf32, #tpu.memory_space<vmem>>, vector<1x1x16xf32>,
      %get3A_836 = vector.shape_cast %get3A_835 : vector<1x1x16xf32> to vector<16xf32>
      %add3A_837 = arith.addf %add3A_826, %get3A_836 : vector<16xf32>
      %mul3A_838 = arith.constant 4 : i32
      %mul3A_839 = arith.muli %add3A_808, %mul3A_838 : i32
      %add3A_840 = arith.constant 3 : i32
      %add3A_841 = arith.addi %mul3A_839, %add3A_840 : i32
      %get3A_842 = arith.constant 0 : i32
      %get3A_843 = arith.index_cast %get3A_842 : i32 to index
      %get3A_844 = arith.index_cast %add3A_841 : i32 to index
      %get3A_845 = arith.constant 0 : index
      %get3A_846 = tpu.vector_load %arg6[%get3A_843, %get3A_844, %get3A_845] {strides = array<i32>} : memref<2x512x64xf32, #tpu.memory_space<vmem>>, vector<1x1x16xf32>,
      %get3A_847 = vector.shape_cast %get3A_846 : vector<1x1x16xf32> to vector<16xf32>
      %add3A_848 = arith.addf %add3A_837, %get3A_847 : vector<16xf32>
      %swap3A = arith.constant 0 : i32
      %swap3A_849 = arith.index_cast %swap3A : i32 to index
      %swap3A_850 = arith.index_cast %add3A_808 : i32 to index
      %swap3A_851 = arith.constant 0 : index
      %swap3A_852 = tpu.vector_load %arg7[%swap3A_849, %swap3A_850, %swap3A_851] {strides = array<i32>} : memref<2x128x64xf32, #tpu.memory_space<vmem>>, vector<1x1x16xf32>,
      %swap3A_853 = vector.shape_cast %swap3A_852 : vector<1x1x16xf32> to vector<16xf32>
      %swap3A_854 = vector.shape_cast %add3A_848 : vector<16xf32> to vector<1x1x16xf32>
      tpu.vector_store %arg7[%swap3A_849, %swap3A_850, %swap3A_851], %swap3A_854 {strides = array<i32>} : memref<2x128x64xf32, #tpu.memory_space<vmem>>, vector<1x1x16xf32>,
      %mul3A_855 = arith.constant 4 : i32
      %mul3A_856 = arith.muli %add3A_808, %mul3A_855 : i32
      %get3A_857 = arith.constant 0 : i32
      %get3A_858 = arith.index_cast %get3A_857 : i32 to index
      %get3A_859 = arith.index_cast %mul3A_856 : i32 to index
      %get3A_860 = arith.constant 16 : index
      %get3A_861 = tpu.vector_load %arg6[%get3A_858, %get3A_859, %get3A_860] {strides = array<i32>} : memref<2x512x64xf32, #tpu.memory_space<vmem>>, vector<1x1x16xf32>,
      %get3A_862 = vector.shape_cast %get3A_861 : vector<1x1x16xf32> to vector<16xf32>
      %mul3A_863 = arith.constant 4 : i32
      %mul3A_864 = arith.muli %add3A_808, %mul3A_863 : i32
      %add3A_865 = arith.constant 1 : i32
      %add3A_866 = arith.addi %mul3A_864, %add3A_865 : i32
      %get3A_867 = arith.constant 0 : i32
      %get3A_868 = arith.index_cast %get3A_867 : i32 to index
      %get3A_869 = arith.index_cast %add3A_866 : i32 to index
      %get3A_870 = arith.constant 16 : index
      %get3A_871 = tpu.vector_load %arg6[%get3A_868, %get3A_869, %get3A_870] {strides = array<i32>} : memref<2x512x64xf32, #tpu.memory_space<vmem>>, vector<1x1x16xf32>,
      %get3A_872 = vector.shape_cast %get3A_871 : vector<1x1x16xf32> to vector<16xf32>
      %add3A_873 = arith.addf %get3A_862, %get3A_872 : vector<16xf32>
      %mul3A_874 = arith.constant 4 : i32
      %mul3A_875 = arith.muli %add3A_808, %mul3A_874 : i32
      %add3A_876 = arith.constant 2 : i32
      %add3A_877 = arith.addi %mul3A_875, %add3A_876 : i32
      %get3A_878 = arith.constant 0 : i32
      %get3A_879 = arith.index_cast %get3A_878 : i32 to index
      %get3A_880 = arith.index_cast %add3A_877 : i32 to index
      %get3A_881 = arith.constant 16 : index
      %get3A_882 = tpu.vector_load %arg6[%get3A_879, %get3A_880, %get3A_881] {strides = array<i32>} : memref<2x512x64xf32, #tpu.memory_space<vmem>>, vector<1x1x16xf32>,
      %get3A_883 = vector.shape_cast %get3A_882 : vector<1x1x16xf32> to vector<16xf32>
      %add3A_884 = arith.addf %add3A_873, %get3A_883 : vector<16xf32>
      %mul3A_885 = arith.constant 4 : i32
      %mul3A_886 = arith.muli %add3A_808, %mul3A_885 : i32
      %add3A_887 = arith.constant 3 : i32
      %add3A_888 = arith.addi %mul3A_886, %add3A_887 : i32
      %get3A_889 = arith.constant 0 : i32
      %get3A_890 = arith.index_cast %get3A_889 : i32 to index
      %get3A_891 = arith.index_cast %add3A_888 : i32 to index
      %get3A_892 = arith.constant 16 : index
      %get3A_893 = tpu.vector_load %arg6[%get3A_890, %get3A_891, %get3A_892] {strides = array<i32>} : memref<2x512x64xf32, #tpu.memory_space<vmem>>, vector<1x1x16xf32>,
      %get3A_894 = vector.shape_cast %get3A_893 : vector<1x1x16xf32> to vector<16xf32>
      %add3A_895 = arith.addf %add3A_884, %get3A_894 : vector<16xf32>
      %swap3A_896 = arith.constant 0 : i32
      %swap3A_897 = arith.index_cast %swap3A_896 : i32 to index
      %swap3A_898 = arith.index_cast %add3A_808 : i32 to index
      %swap3A_899 = arith.constant 16 : index
      %swap3A_900 = tpu.vector_load %arg7[%swap3A_897, %swap3A_898, %swap3A_899] {strides = array<i32>} : memref<2x128x64xf32, #tpu.memory_space<vmem>>, vector<1x1x16xf32>,
      %swap3A_901 = vector.shape_cast %swap3A_900 : vector<1x1x16xf32> to vector<16xf32>
      %swap3A_902 = vector.shape_cast %add3A_895 : vector<16xf32> to vector<1x1x16xf32>
      tpu.vector_store %arg7[%swap3A_897, %swap3A_898, %swap3A_899], %swap3A_902 {strides = array<i32>} : memref<2x128x64xf32, #tpu.memory_space<vmem>>, vector<1x1x16xf32>,
      %mul3A_903 = arith.constant 4 : i32
      %mul3A_904 = arith.muli %add3A_808, %mul3A_903 : i32
      %get3A_905 = arith.constant 0 : i32
      %get3A_906 = arith.index_cast %get3A_905 : i32 to index
      %get3A_907 = arith.index_cast %mul3A_904 : i32 to index
      %get3A_908 = arith.constant 32 : index
      %get3A_909 = tpu.vector_load %arg6[%get3A_906, %get3A_907, %get3A_908] {strides = array<i32>} : memref<2x512x64xf32, #tpu.memory_space<vmem>>, vector<1x1x16xf32>,
      %get3A_910 = vector.shape_cast %get3A_909 : vector<1x1x16xf32> to vector<16xf32>
      %mul3A_911 = arith.constant 4 : i32
      %mul3A_912 = arith.muli %add3A_808, %mul3A_911 : i32
      %add3A_913 = arith.constant 1 : i32
      %add3A_914 = arith.addi %mul3A_912, %add3A_913 : i32
      %get3A_915 = arith.constant 0 : i32
      %get3A_916 = arith.index_cast %get3A_915 : i32 to index
      %get3A_917 = arith.index_cast %add3A_914 : i32 to index
      %get3A_918 = arith.constant 32 : index
      %get3A_919 = tpu.vector_load %arg6[%get3A_916, %get3A_917, %get3A_918] {strides = array<i32>} : memref<2x512x64xf32, #tpu.memory_space<vmem>>, vector<1x1x16xf32>,
      %get3A_920 = vector.shape_cast %get3A_919 : vector<1x1x16xf32> to vector<16xf32>
      %add3A_921 = arith.addf %get3A_910, %get3A_920 : vector<16xf32>
      %mul3A_922 = arith.constant 4 : i32
      %mul3A_923 = arith.muli %add3A_808, %mul3A_922 : i32
      %add3A_924 = arith.constant 2 : i32
      %add3A_925 = arith.addi %mul3A_923, %add3A_924 : i32
      %get3A_926 = arith.constant 0 : i32
      %get3A_927 = arith.index_cast %get3A_926 : i32 to index
      %get3A_928 = arith.index_cast %add3A_925 : i32 to index
      %get3A_929 = arith.constant 32 : index
      %get3A_930 = tpu.vector_load %arg6[%get3A_927, %get3A_928, %get3A_929] {strides = array<i32>} : memref<2x512x64xf32, #tpu.memory_space<vmem>>, vector<1x1x16xf32>,
      %get3A_931 = vector.shape_cast %get3A_930 : vector<1x1x16xf32> to vector<16xf32>
      %add3A_932 = arith.addf %add3A_921, %get3A_931 : vector<16xf32>
      %mul3A_933 = arith.constant 4 : i32
      %mul3A_934 = arith.muli %add3A_808, %mul3A_933 : i32
      %add3A_935 = arith.constant 3 : i32
      %add3A_936 = arith.addi %mul3A_934, %add3A_935 : i32
      %get3A_937 = arith.constant 0 : i32
      %get3A_938 = arith.index_cast %get3A_937 : i32 to index
      %get3A_939 = arith.index_cast %add3A_936 : i32 to index
      %get3A_940 = arith.constant 32 : index
      %get3A_941 = tpu.vector_load %arg6[%get3A_938, %get3A_939, %get3A_940] {strides = array<i32>} : memref<2x512x64xf32, #tpu.memory_space<vmem>>, vector<1x1x16xf32>,
      %get3A_942 = vector.shape_cast %get3A_941 : vector<1x1x16xf32> to vector<16xf32>
      %add3A_943 = arith.addf %add3A_932, %get3A_942 : vector<16xf32>
      %swap3A_944 = arith.constant 0 : i32
      %swap3A_945 = arith.index_cast %swap3A_944 : i32 to index
      %swap3A_946 = arith.index_cast %add3A_808 : i32 to index
      %swap3A_947 = arith.constant 32 : index
      %swap3A_948 = tpu.vector_load %arg7[%swap3A_945, %swap3A_946, %swap3A_947] {strides = array<i32>} : memref<2x128x64xf32, #tpu.memory_space<vmem>>, vector<1x1x16xf32>,
      %swap3A_949 = vector.shape_cast %swap3A_948 : vector<1x1x16xf32> to vector<16xf32>
      %swap3A_950 = vector.shape_cast %add3A_943 : vector<16xf32> to vector<1x1x16xf32>
      tpu.vector_store %arg7[%swap3A_945, %swap3A_946, %swap3A_947], %swap3A_950 {strides = array<i32>} : memref<2x128x64xf32, #tpu.memory_space<vmem>>, vector<1x1x16xf32>,
      %mul3A_951 = arith.constant 4 : i32
      %mul3A_952 = arith.muli %add3A_808, %mul3A_951 : i32
      %get3A_953 = arith.constant 0 : i32
      %get3A_954 = arith.index_cast %get3A_953 : i32 to index
      %get3A_955 = arith.index_cast %mul3A_952 : i32 to index
      %get3A_956 = arith.constant 48 : index
      %get3A_957 = tpu.vector_load %arg6[%get3A_954, %get3A_955, %get3A_956] {strides = array<i32>} : memref<2x512x64xf32, #tpu.memory_space<vmem>>, vector<1x1x16xf32>,
      %get3A_958 = vector.shape_cast %get3A_957 : vector<1x1x16xf32> to vector<16xf32>
      %mul3A_959 = arith.constant 4 : i32
      %mul3A_960 = arith.muli %add3A_808, %mul3A_959 : i32
      %add3A_961 = arith.constant 1 : i32
      %add3A_962 = arith.addi %mul3A_960, %add3A_961 : i32
      %get3A_963 = arith.constant 0 : i32
      %get3A_964 = arith.index_cast %get3A_963 : i32 to index
      %get3A_965 = arith.index_cast %add3A_962 : i32 to index
      %get3A_966 = arith.constant 48 : index
      %get3A_967 = tpu.vector_load %arg6[%get3A_964, %get3A_965, %get3A_966] {strides = array<i32>} : memref<2x512x64xf32, #tpu.memory_space<vmem>>, vector<1x1x16xf32>,
      %get3A_968 = vector.shape_cast %get3A_967 : vector<1x1x16xf32> to vector<16xf32>
      %add3A_969 = arith.addf %get3A_958, %get3A_968 : vector<16xf32>
      %mul3A_970 = arith.constant 4 : i32
      %mul3A_971 = arith.muli %add3A_808, %mul3A_970 : i32
      %add3A_972 = arith.constant 2 : i32
      %add3A_973 = arith.addi %mul3A_971, %add3A_972 : i32
      %get3A_974 = arith.constant 0 : i32
      %get3A_975 = arith.index_cast %get3A_974 : i32 to index
      %get3A_976 = arith.index_cast %add3A_973 : i32 to index
      %get3A_977 = arith.constant 48 : index
      %get3A_978 = tpu.vector_load %arg6[%get3A_975, %get3A_976, %get3A_977] {strides = array<i32>} : memref<2x512x64xf32, #tpu.memory_space<vmem>>, vector<1x1x16xf32>,
      %get3A_979 = vector.shape_cast %get3A_978 : vector<1x1x16xf32> to vector<16xf32>
      %add3A_980 = arith.addf %add3A_969, %get3A_979 : vector<16xf32>
      %mul3A_981 = arith.constant 4 : i32
      %mul3A_982 = arith.muli %add3A_808, %mul3A_981 : i32
      %add3A_983 = arith.constant 3 : i32
      %add3A_984 = arith.addi %mul3A_982, %add3A_983 : i32
      %get3A_985 = arith.constant 0 : i32
      %get3A_986 = arith.index_cast %get3A_985 : i32 to index
      %get3A_987 = arith.index_cast %add3A_984 : i32 to index
      %get3A_988 = arith.constant 48 : index
      %get3A_989 = tpu.vector_load %arg6[%get3A_986, %get3A_987, %get3A_988] {strides = array<i32>} : memref<2x512x64xf32, #tpu.memory_space<vmem>>, vector<1x1x16xf32>,
      %get3A_990 = vector.shape_cast %get3A_989 : vector<1x1x16xf32> to vector<16xf32>
      %add3A_991 = arith.addf %add3A_980, %get3A_990 : vector<16xf32>
      %swap3A_992 = arith.constant 0 : i32
      %swap3A_993 = arith.index_cast %swap3A_992 : i32 to index
      %swap3A_994 = arith.index_cast %add3A_808 : i32 to index
      %swap3A_995 = arith.constant 48 : index
      %swap3A_996 = tpu.vector_load %arg7[%swap3A_993, %swap3A_994, %swap3A_995] {strides = array<i32>} : memref<2x128x64xf32, #tpu.memory_space<vmem>>, vector<1x1x16xf32>,
      %swap3A_997 = vector.shape_cast %swap3A_996 : vector<1x1x16xf32> to vector<16xf32>
      %swap3A_998 = vector.shape_cast %add3A_991 : vector<16xf32> to vector<1x1x16xf32>
      tpu.vector_store %arg7[%swap3A_993, %swap3A_994, %swap3A_995], %swap3A_998 {strides = array<i32>} : memref<2x128x64xf32, #tpu.memory_space<vmem>>, vector<1x1x16xf32>,
      %mul3A_999 = arith.constant 2 : i32
      %mul3A_1000 = arith.muli %scan3A_804, %mul3A_999 : i32
      %add3A_1001 = arith.constant 1 : i32
      %add3A_1002 = arith.addi %mul3A_1000, %add3A_1001 : i32
      %mul3A_1003 = arith.constant 4 : i32
      %mul3A_1004 = arith.muli %add3A_1002, %mul3A_1003 : i32
      %get3A_1005 = arith.constant 0 : i32
      %get3A_1006 = arith.index_cast %get3A_1005 : i32 to index
      %get3A_1007 = arith.index_cast %mul3A_1004 : i32 to index
      %get3A_1008 = arith.constant 0 : index
      %get3A_1009 = tpu.vector_load %arg6[%get3A_1006, %get3A_1007, %get3A_1008] {strides = array<i32>} : memref<2x512x64xf32, #tpu.memory_space<vmem>>, vector<1x1x16xf32>,
      %get3A_1010 = vector.shape_cast %get3A_1009 : vector<1x1x16xf32> to vector<16xf32>
      %mul3A_1011 = arith.constant 4 : i32
      %mul3A_1012 = arith.muli %add3A_1002, %mul3A_1011 : i32
      %add3A_1013 = arith.constant 1 : i32
      %add3A_1014 = arith.addi %mul3A_1012, %add3A_1013 : i32
      %get3A_1015 = arith.constant 0 : i32
      %get3A_1016 = arith.index_cast %get3A_1015 : i32 to index
      %get3A_1017 = arith.index_cast %add3A_1014 : i32 to index
      %get3A_1018 = arith.constant 0 : index
      %get3A_1019 = tpu.vector_load %arg6[%get3A_1016, %get3A_1017, %get3A_1018] {strides = array<i32>} : memref<2x512x64xf32, #tpu.memory_space<vmem>>, vector<1x1x16xf32>,
      %get3A_1020 = vector.shape_cast %get3A_1019 : vector<1x1x16xf32> to vector<16xf32>
      %add3A_1021 = arith.addf %get3A_1010, %get3A_1020 : vector<16xf32>
      %mul3A_1022 = arith.constant 4 : i32
      %mul3A_1023 = arith.muli %add3A_1002, %mul3A_1022 : i32
      %add3A_1024 = arith.constant 2 : i32
      %add3A_1025 = arith.addi %mul3A_1023, %add3A_1024 : i32
      %get3A_1026 = arith.constant 0 : i32
      %get3A_1027 = arith.index_cast %get3A_1026 : i32 to index
      %get3A_1028 = arith.index_cast %add3A_1025 : i32 to index
      %get3A_1029 = arith.constant 0 : index
      %get3A_1030 = tpu.vector_load %arg6[%get3A_1027, %get3A_1028, %get3A_1029] {strides = array<i32>} : memref<2x512x64xf32, #tpu.memory_space<vmem>>, vector<1x1x16xf32>,
      %get3A_1031 = vector.shape_cast %get3A_1030 : vector<1x1x16xf32> to vector<16xf32>
      %add3A_1032 = arith.addf %add3A_1021, %get3A_1031 : vector<16xf32>
      %mul3A_1033 = arith.constant 4 : i32
      %mul3A_1034 = arith.muli %add3A_1002, %mul3A_1033 : i32
      %add3A_1035 = arith.constant 3 : i32
      %add3A_1036 = arith.addi %mul3A_1034, %add3A_1035 : i32
      %get3A_1037 = arith.constant 0 : i32
      %get3A_1038 = arith.index_cast %get3A_1037 : i32 to index
      %get3A_1039 = arith.index_cast %add3A_1036 : i32 to index
      %get3A_1040 = arith.constant 0 : index
      %get3A_1041 = tpu.vector_load %arg6[%get3A_1038, %get3A_1039, %get3A_1040] {strides = array<i32>} : memref<2x512x64xf32, #tpu.memory_space<vmem>>, vector<1x1x16xf32>,
      %get3A_1042 = vector.shape_cast %get3A_1041 : vector<1x1x16xf32> to vector<16xf32>
      %add3A_1043 = arith.addf %add3A_1032, %get3A_1042 : vector<16xf32>
      %swap3A_1044 = arith.constant 0 : i32
      %swap3A_1045 = arith.index_cast %swap3A_1044 : i32 to index
      %swap3A_1046 = arith.index_cast %add3A_1002 : i32 to index
      %swap3A_1047 = arith.constant 0 : index
      %swap3A_1048 = tpu.vector_load %arg7[%swap3A_1045, %swap3A_1046, %swap3A_1047] {strides = array<i32>} : memref<2x128x64xf32, #tpu.memory_space<vmem>>, vector<1x1x16xf32>,
      %swap3A_1049 = vector.shape_cast %swap3A_1048 : vector<1x1x16xf32> to vector<16xf32>
      %swap3A_1050 = vector.shape_cast %add3A_1043 : vector<16xf32> to vector<1x1x16xf32>
      tpu.vector_store %arg7[%swap3A_1045, %swap3A_1046, %swap3A_1047], %swap3A_1050 {strides = array<i32>} : memref<2x128x64xf32, #tpu.memory_space<vmem>>, vector<1x1x16xf32>,
      %mul3A_1051 = arith.constant 4 : i32
      %mul3A_1052 = arith.muli %add3A_1002, %mul3A_1051 : i32
      %get3A_1053 = arith.constant 0 : i32
      %get3A_1054 = arith.index_cast %get3A_1053 : i32 to index
      %get3A_1055 = arith.index_cast %mul3A_1052 : i32 to index
      %get3A_1056 = arith.constant 16 : index
      %get3A_1057 = tpu.vector_load %arg6[%get3A_1054, %get3A_1055, %get3A_1056] {strides = array<i32>} : memref<2x512x64xf32, #tpu.memory_space<vmem>>, vector<1x1x16xf32>,
      %get3A_1058 = vector.shape_cast %get3A_1057 : vector<1x1x16xf32> to vector<16xf32>
      %mul3A_1059 = arith.constant 4 : i32
      %mul3A_1060 = arith.muli %add3A_1002, %mul3A_1059 : i32
      %add3A_1061 = arith.constant 1 : i32
      %add3A_1062 = arith.addi %mul3A_1060, %add3A_1061 : i32
      %get3A_1063 = arith.constant 0 : i32
      %get3A_1064 = arith.index_cast %get3A_1063 : i32 to index
      %get3A_1065 = arith.index_cast %add3A_1062 : i32 to index
      %get3A_1066 = arith.constant 16 : index
      %get3A_1067 = tpu.vector_load %arg6[%get3A_1064, %get3A_1065, %get3A_1066] {strides = array<i32>} : memref<2x512x64xf32, #tpu.memory_space<vmem>>, vector<1x1x16xf32>,
      %get3A_1068 = vector.shape_cast %get3A_1067 : vector<1x1x16xf32> to vector<16xf32>
      %add3A_1069 = arith.addf %get3A_1058, %get3A_1068 : vector<16xf32>
      %mul3A_1070 = arith.constant 4 : i32
      %mul3A_1071 = arith.muli %add3A_1002, %mul3A_1070 : i32
      %add3A_1072 = arith.constant 2 : i32
      %add3A_1073 = arith.addi %mul3A_1071, %add3A_1072 : i32
      %get3A_1074 = arith.constant 0 : i32
      %get3A_1075 = arith.index_cast %get3A_1074 : i32 to index
      %get3A_1076 = arith.index_cast %add3A_1073 : i32 to index
      %get3A_1077 = arith.constant 16 : index
      %get3A_1078 = tpu.vector_load %arg6[%get3A_1075, %get3A_1076, %get3A_1077] {strides = array<i32>} : memref<2x512x64xf32, #tpu.memory_space<vmem>>, vector<1x1x16xf32>,
      %get3A_1079 = vector.shape_cast %get3A_1078 : vector<1x1x16xf32> to vector<16xf32>
      %add3A_1080 = arith.addf %add3A_1069, %get3A_1079 : vector<16xf32>
      %mul3A_1081 = arith.constant 4 : i32
      %mul3A_1082 = arith.muli %add3A_1002, %mul3A_1081 : i32
      %add3A_1083 = arith.constant 3 : i32
      %add3A_1084 = arith.addi %mul3A_1082, %add3A_1083 : i32
      %get3A_1085 = arith.constant 0 : i32
      %get3A_1086 = arith.index_cast %get3A_1085 : i32 to index
      %get3A_1087 = arith.index_cast %add3A_1084 : i32 to index
      %get3A_1088 = arith.constant 16 : index
      %get3A_1089 = tpu.vector_load %arg6[%get3A_1086, %get3A_1087, %get3A_1088] {strides = array<i32>} : memref<2x512x64xf32, #tpu.memory_space<vmem>>, vector<1x1x16xf32>,
      %get3A_1090 = vector.shape_cast %get3A_1089 : vector<1x1x16xf32> to vector<16xf32>
      %add3A_1091 = arith.addf %add3A_1080, %get3A_1090 : vector<16xf32>
      %swap3A_1092 = arith.constant 0 : i32
      %swap3A_1093 = arith.index_cast %swap3A_1092 : i32 to index
      %swap3A_1094 = arith.index_cast %add3A_1002 : i32 to index
      %swap3A_1095 = arith.constant 16 : index
      %swap3A_1096 = tpu.vector_load %arg7[%swap3A_1093, %swap3A_1094, %swap3A_1095] {strides = array<i32>} : memref<2x128x64xf32, #tpu.memory_space<vmem>>, vector<1x1x16xf32>,
      %swap3A_1097 = vector.shape_cast %swap3A_1096 : vector<1x1x16xf32> to vector<16xf32>
      %swap3A_1098 = vector.shape_cast %add3A_1091 : vector<16xf32> to vector<1x1x16xf32>
      tpu.vector_store %arg7[%swap3A_1093, %swap3A_1094, %swap3A_1095], %swap3A_1098 {strides = array<i32>} : memref<2x128x64xf32, #tpu.memory_space<vmem>>, vector<1x1x16xf32>,
      %mul3A_1099 = arith.constant 4 : i32
      %mul3A_1100 = arith.muli %add3A_1002, %mul3A_1099 : i32
      %get3A_1101 = arith.constant 0 : i32
      %get3A_1102 = arith.index_cast %get3A_1101 : i32 to index
      %get3A_1103 = arith.index_cast %mul3A_1100 : i32 to index
      %get3A_1104 = arith.constant 32 : index
      %get3A_1105 = tpu.vector_load %arg6[%get3A_1102, %get3A_1103, %get3A_1104] {strides = array<i32>} : memref<2x512x64xf32, #tpu.memory_space<vmem>>, vector<1x1x16xf32>,
      %get3A_1106 = vector.shape_cast %get3A_1105 : vector<1x1x16xf32> to vector<16xf32>
      %mul3A_1107 = arith.constant 4 : i32
      %mul3A_1108 = arith.muli %add3A_1002, %mul3A_1107 : i32
      %add3A_1109 = arith.constant 1 : i32
      %add3A_1110 = arith.addi %mul3A_1108, %add3A_1109 : i32
      %get3A_1111 = arith.constant 0 : i32
      %get3A_1112 = arith.index_cast %get3A_1111 : i32 to index
      %get3A_1113 = arith.index_cast %add3A_1110 : i32 to index
      %get3A_1114 = arith.constant 32 : index
      %get3A_1115 = tpu.vector_load %arg6[%get3A_1112, %get3A_1113, %get3A_1114] {strides = array<i32>} : memref<2x512x64xf32, #tpu.memory_space<vmem>>, vector<1x1x16xf32>,
      %get3A_1116 = vector.shape_cast %get3A_1115 : vector<1x1x16xf32> to vector<16xf32>
      %add3A_1117 = arith.addf %get3A_1106, %get3A_1116 : vector<16xf32>
      %mul3A_1118 = arith.constant 4 : i32
      %mul3A_1119 = arith.muli %add3A_1002, %mul3A_1118 : i32
      %add3A_1120 = arith.constant 2 : i32
      %add3A_1121 = arith.addi %mul3A_1119, %add3A_1120 : i32
      %get3A_1122 = arith.constant 0 : i32
      %get3A_1123 = arith.index_cast %get3A_1122 : i32 to index
      %get3A_1124 = arith.index_cast %add3A_1121 : i32 to index
      %get3A_1125 = arith.constant 32 : index
      %get3A_1126 = tpu.vector_load %arg6[%get3A_1123, %get3A_1124, %get3A_1125] {strides = array<i32>} : memref<2x512x64xf32, #tpu.memory_space<vmem>>, vector<1x1x16xf32>,
      %get3A_1127 = vector.shape_cast %get3A_1126 : vector<1x1x16xf32> to vector<16xf32>
      %add3A_1128 = arith.addf %add3A_1117, %get3A_1127 : vector<16xf32>
      %mul3A_1129 = arith.constant 4 : i32
      %mul3A_1130 = arith.muli %add3A_1002, %mul3A_1129 : i32
      %add3A_1131 = arith.constant 3 : i32
      %add3A_1132 = arith.addi %mul3A_1130, %add3A_1131 : i32
      %get3A_1133 = arith.constant 0 : i32
      %get3A_1134 = arith.index_cast %get3A_1133 : i32 to index
      %get3A_1135 = arith.index_cast %add3A_1132 : i32 to index
      %get3A_1136 = arith.constant 32 : index
      %get3A_1137 = tpu.vector_load %arg6[%get3A_1134, %get3A_1135, %get3A_1136] {strides = array<i32>} : memref<2x512x64xf32, #tpu.memory_space<vmem>>, vector<1x1x16xf32>,
      %get3A_1138 = vector.shape_cast %get3A_1137 : vector<1x1x16xf32> to vector<16xf32>
      %add3A_1139 = arith.addf %add3A_1128, %get3A_1138 : vector<16xf32>
      %swap3A_1140 = arith.constant 0 : i32
      %swap3A_1141 = arith.index_cast %swap3A_1140 : i32 to index
      %swap3A_1142 = arith.index_cast %add3A_1002 : i32 to index
      %swap3A_1143 = arith.constant 32 : index
      %swap3A_1144 = tpu.vector_load %arg7[%swap3A_1141, %swap3A_1142, %swap3A_1143] {strides = array<i32>} : memref<2x128x64xf32, #tpu.memory_space<vmem>>, vector<1x1x16xf32>,
      %swap3A_1145 = vector.shape_cast %swap3A_1144 : vector<1x1x16xf32> to vector<16xf32>
      %swap3A_1146 = vector.shape_cast %add3A_1139 : vector<16xf32> to vector<1x1x16xf32>
      tpu.vector_store %arg7[%swap3A_1141, %swap3A_1142, %swap3A_1143], %swap3A_1146 {strides = array<i32>} : memref<2x128x64xf32, #tpu.memory_space<vmem>>, vector<1x1x16xf32>,
      %mul3A_1147 = arith.constant 4 : i32
      %mul3A_1148 = arith.muli %add3A_1002, %mul3A_1147 : i32
      %get3A_1149 = arith.constant 0 : i32
      %get3A_1150 = arith.index_cast %get3A_1149 : i32 to index
      %get3A_1151 = arith.index_cast %mul3A_1148 : i32 to index
      %get3A_1152 = arith.constant 48 : index
      %get3A_1153 = tpu.vector_load %arg6[%get3A_1150, %get3A_1151, %get3A_1152] {strides = array<i32>} : memref<2x512x64xf32, #tpu.memory_space<vmem>>, vector<1x1x16xf32>,
      %get3A_1154 = vector.shape_cast %get3A_1153 : vector<1x1x16xf32> to vector<16xf32>
      %mul3A_1155 = arith.constant 4 : i32
      %mul3A_1156 = arith.muli %add3A_1002, %mul3A_1155 : i32
      %add3A_1157 = arith.constant 1 : i32
      %add3A_1158 = arith.addi %mul3A_1156, %add3A_1157 : i32
      %get3A_1159 = arith.constant 0 : i32
      %get3A_1160 = arith.index_cast %get3A_1159 : i32 to index
      %get3A_1161 = arith.index_cast %add3A_1158 : i32 to index
      %get3A_1162 = arith.constant 48 : index
      %get3A_1163 = tpu.vector_load %arg6[%get3A_1160, %get3A_1161, %get3A_1162] {strides = array<i32>} : memref<2x512x64xf32, #tpu.memory_space<vmem>>, vector<1x1x16xf32>,
      %get3A_1164 = vector.shape_cast %get3A_1163 : vector<1x1x16xf32> to vector<16xf32>
      %add3A_1165 = arith.addf %get3A_1154, %get3A_1164 : vector<16xf32>
      %mul3A_1166 = arith.constant 4 : i32
      %mul3A_1167 = arith.muli %add3A_1002, %mul3A_1166 : i32
      %add3A_1168 = arith.constant 2 : i32
      %add3A_1169 = arith.addi %mul3A_1167, %add3A_1168 : i32
      %get3A_1170 = arith.constant 0 : i32
      %get3A_1171 = arith.index_cast %get3A_1170 : i32 to index
      %get3A_1172 = arith.index_cast %add3A_1169 : i32 to index
      %get3A_1173 = arith.constant 48 : index
      %get3A_1174 = tpu.vector_load %arg6[%get3A_1171, %get3A_1172, %get3A_1173] {strides = array<i32>} : memref<2x512x64xf32, #tpu.memory_space<vmem>>, vector<1x1x16xf32>,
      %get3A_1175 = vector.shape_cast %get3A_1174 : vector<1x1x16xf32> to vector<16xf32>
      %add3A_1176 = arith.addf %add3A_1165, %get3A_1175 : vector<16xf32>
      %mul3A_1177 = arith.constant 4 : i32
      %mul3A_1178 = arith.muli %add3A_1002, %mul3A_1177 : i32
      %add3A_1179 = arith.constant 3 : i32
      %add3A_1180 = arith.addi %mul3A_1178, %add3A_1179 : i32
      %get3A_1181 = arith.constant 0 : i32
      %get3A_1182 = arith.index_cast %get3A_1181 : i32 to index
      %get3A_1183 = arith.index_cast %add3A_1180 : i32 to index
      %get3A_1184 = arith.constant 48 : index
      %get3A_1185 = tpu.vector_load %arg6[%get3A_1182, %get3A_1183, %get3A_1184] {strides = array<i32>} : memref<2x512x64xf32, #tpu.memory_space<vmem>>, vector<1x1x16xf32>,
      %get3A_1186 = vector.shape_cast %get3A_1185 : vector<1x1x16xf32> to vector<16xf32>
      %add3A_1187 = arith.addf %add3A_1176, %get3A_1186 : vector<16xf32>
      %swap3A_1188 = arith.constant 0 : i32
      %swap3A_1189 = arith.index_cast %swap3A_1188 : i32 to index
      %swap3A_1190 = arith.index_cast %add3A_1002 : i32 to index
      %swap3A_1191 = arith.constant 48 : index
      %swap3A_1192 = tpu.vector_load %arg7[%swap3A_1189, %swap3A_1190, %swap3A_1191] {strides = array<i32>} : memref<2x128x64xf32, #tpu.memory_space<vmem>>, vector<1x1x16xf32>,
      %swap3A_1193 = vector.shape_cast %swap3A_1192 : vector<1x1x16xf32> to vector<16xf32>
      %swap3A_1194 = vector.shape_cast %add3A_1187 : vector<16xf32> to vector<1x1x16xf32>
      tpu.vector_store %arg7[%swap3A_1189, %swap3A_1190, %swap3A_1191], %swap3A_1194 {strides = array<i32>} : memref<2x128x64xf32, #tpu.memory_space<vmem>>, vector<1x1x16xf32>,
    }
    %scan3A_404 = arith.constant 64 : i32
    %mul3A_405 = arith.constant 6 : i32
    %mul3A_406 = arith.muli %add3A, %mul3A_405 : i32
    %add3A_407 = arith.constant 2 : i32
    %add3A_408 = arith.addi %mul3A_406, %add3A_407 : i32
    %mul3A_409 = arith.constant 128 : i32
    %mul3A_410 = arith.muli %add3A_408, %mul3A_409 : i32
    %dma_start3A_411 = arith.constant 0 : i32
    %dma_start3A_412 = arith.constant 0 : i32
    %dma_start3A_413 = arith.constant 0 : i32
    %dma_start3A_414 = tpu.memref_slice %arg7[%dma_start3A_411, %dma_start3A_412, %dma_start3A_413] : memref<2x128x64xf32, #tpu.memory_space<vmem>> -> memref<1x128x64xf32, #tpu.memory_space<vmem>>
    %dma_start3A_415 = tpu.memref_squeeze %dma_start3A_414 : memref<1x128x64xf32, #tpu.memory_space<vmem>> -> memref<128x64xf32, #tpu.memory_space<vmem>>
    %dma_start3A_416 = arith.constant 0 : i32
    %dma_start3A_417 = tpu.memref_slice %arg4[%mul3A_410, %dma_start3A_416] : memref<24576x64xf32, #tpu.memory_space<hbm>> -> memref<128x64xf32, #tpu.memory_space<hbm>>
    %dma_start3A_418 = arith.constant 0 : i32
    %dma_start3A_419 = tpu.memref_slice %arg4[%mul3A_410, %dma_start3A_418] : memref<24576x64xf32, #tpu.memory_space<hbm>> -> memref<128x64xf32, #tpu.memory_space<hbm>>
    %dma_start3A_420 = arith.constant 0 : i32
    %dma_start3A_421 = arith.constant 0 : i32
    %dma_start3A_422 = tpu.memref_slice %arg7[%dma_start3A_411, %dma_start3A_420, %dma_start3A_421] : memref<2x128x64xf32, #tpu.memory_space<vmem>> -> memref<1x128x64xf32, #tpu.memory_space<vmem>>
    %dma_start3A_423 = tpu.memref_squeeze %dma_start3A_422 : memref<1x128x64xf32, #tpu.memory_space<vmem>> -> memref<128x64xf32, #tpu.memory_space<vmem>>
    tpu.enqueue_dma source(%dma_start3A_423 : memref<128x64xf32, #tpu.memory_space<vmem>>) target(%dma_start3A_419 : memref<128x64xf32, #tpu.memory_space<hbm>>) target_semaphore(%arg10 : memref<!tpu.dma_semaphore, #tpu.memory_space<semaphore_mem>>)
    %dma_start3A_424 = arith.constant 16 : i32
    %dma_start3A_425 = arith.constant 0 : i32
    %dma_start3A_426 = arith.constant 0 : i32
    %dma_start3A_427 = arith.constant 0 : i32
    %dma_start3A_428 = tpu.memref_slice %arg6[%dma_start3A_425, %dma_start3A_426, %dma_start3A_427] : memref<2x512x64xf32, #tpu.memory_space<vmem>> -> memref<1x128x64xf32, #tpu.memory_space<vmem>>
    %dma_start3A_429 = tpu.memref_squeeze %dma_start3A_428 : memref<1x128x64xf32, #tpu.memory_space<vmem>> -> memref<128x64xf32, #tpu.memory_space<vmem>>
    %dma_start3A_430 = arith.constant 0 : i32
    %dma_start3A_431 = tpu.memref_slice %arg5[%dma_start3A_424, %dma_start3A_430] : memref<24x128xi32, #tpu.memory_space<vmem>> -> memref<1x128xi32, #tpu.memory_space<vmem>>
    %dma_start3A_432 = tpu.memref_squeeze %dma_start3A_431 : memref<1x128xi32, #tpu.memory_space<vmem>> -> memref<128xi32, #tpu.memory_space<vmem>>
    %dma_start3A_433 = arith.constant 0 : i32
    %dma_start3A_434 = arith.constant 0 : i32
    %dma_start3A_435 = tpu.memref_slice %arg2[%dma_start3A_433, %dma_start3A_434] : memref<98304x64xf32, #tpu.memory_space<hbm>> -> memref<98304x64xf32, #tpu.memory_space<hbm>>
    tpu.enqueue_indirect_dma source(%dma_start3A_435 : memref<98304x64xf32, #tpu.memory_space<hbm>>) target(%dma_start3A_429 : memref<128x64xf32, #tpu.memory_space<vmem>>) offsets(%dma_start3A_432 : memref<128xi32, #tpu.memory_space<vmem>>) semaphore(%arg8 : memref<!tpu.dma_semaphore, #tpu.memory_space<semaphore_mem>>)
    %dma_start3A_436 = arith.constant 17 : i32
    %dma_start3A_437 = arith.constant 0 : i32
    %dma_start3A_438 = arith.constant 128 : i32
    %dma_start3A_439 = arith.constant 0 : i32
    %dma_start3A_440 = tpu.memref_slice %arg6[%dma_start3A_437, %dma_start3A_438, %dma_start3A_439] : memref<2x512x64xf32, #tpu.memory_space<vmem>> -> memref<1x128x64xf32, #tpu.memory_space<vmem>>
    %dma_start3A_441 = tpu.memref_squeeze %dma_start3A_440 : memref<1x128x64xf32, #tpu.memory_space<vmem>> -> memref<128x64xf32, #tpu.memory_space<vmem>>
    %dma_start3A_442 = arith.constant 0 : i32
    %dma_start3A_443 = tpu.memref_slice %arg5[%dma_start3A_436, %dma_start3A_442] : memref<24x128xi32, #tpu.memory_space<vmem>> -> memref<1x128xi32, #tpu.memory_space<vmem>>
    %dma_start3A_444 = tpu.memref_squeeze %dma_start3A_443 : memref<1x128xi32, #tpu.memory_space<vmem>> -> memref<128xi32, #tpu.memory_space<vmem>>
    %dma_start3A_445 = arith.constant 0 : i32
    %dma_start3A_446 = arith.constant 0 : i32
    %dma_start3A_447 = tpu.memref_slice %arg2[%dma_start3A_445, %dma_start3A_446] : memref<98304x64xf32, #tpu.memory_space<hbm>> -> memref<98304x64xf32, #tpu.memory_space<hbm>>
    tpu.enqueue_indirect_dma source(%dma_start3A_447 : memref<98304x64xf32, #tpu.memory_space<hbm>>) target(%dma_start3A_441 : memref<128x64xf32, #tpu.memory_space<vmem>>) offsets(%dma_start3A_444 : memref<128xi32, #tpu.memory_space<vmem>>) semaphore(%arg8 : memref<!tpu.dma_semaphore, #tpu.memory_space<semaphore_mem>>)
    %dma_start3A_448 = arith.constant 18 : i32
    %dma_start3A_449 = arith.constant 0 : i32
    %dma_start3A_450 = arith.constant 256 : i32
    %dma_start3A_451 = arith.constant 0 : i32
    %dma_start3A_452 = tpu.memref_slice %arg6[%dma_start3A_449, %dma_start3A_450, %dma_start3A_451] : memref<2x512x64xf32, #tpu.memory_space<vmem>> -> memref<1x128x64xf32, #tpu.memory_space<vmem>>
    %dma_start3A_453 = tpu.memref_squeeze %dma_start3A_452 : memref<1x128x64xf32, #tpu.memory_space<vmem>> -> memref<128x64xf32, #tpu.memory_space<vmem>>
    %dma_start3A_454 = arith.constant 0 : i32
    %dma_start3A_455 = tpu.memref_slice %arg5[%dma_start3A_448, %dma_start3A_454] : memref<24x128xi32, #tpu.memory_space<vmem>> -> memref<1x128xi32, #tpu.memory_space<vmem>>
    %dma_start3A_456 = tpu.memref_squeeze %dma_start3A_455 : memref<1x128xi32, #tpu.memory_space<vmem>> -> memref<128xi32, #tpu.memory_space<vmem>>
    %dma_start3A_457 = arith.constant 0 : i32
    %dma_start3A_458 = arith.constant 0 : i32
    %dma_start3A_459 = tpu.memref_slice %arg2[%dma_start3A_457, %dma_start3A_458] : memref<98304x64xf32, #tpu.memory_space<hbm>> -> memref<98304x64xf32, #tpu.memory_space<hbm>>
    tpu.enqueue_indirect_dma source(%dma_start3A_459 : memref<98304x64xf32, #tpu.memory_space<hbm>>) target(%dma_start3A_453 : memref<128x64xf32, #tpu.memory_space<vmem>>) offsets(%dma_start3A_456 : memref<128xi32, #tpu.memory_space<vmem>>) semaphore(%arg8 : memref<!tpu.dma_semaphore, #tpu.memory_space<semaphore_mem>>)
    %dma_start3A_460 = arith.constant 19 : i32
    %dma_start3A_461 = arith.constant 0 : i32
    %dma_start3A_462 = arith.constant 384 : i32
    %dma_start3A_463 = arith.constant 0 : i32
    %dma_start3A_464 = tpu.memref_slice %arg6[%dma_start3A_461, %dma_start3A_462, %dma_start3A_463] : memref<2x512x64xf32, #tpu.memory_space<vmem>> -> memref<1x128x64xf32, #tpu.memory_space<vmem>>
    %dma_start3A_465 = tpu.memref_squeeze %dma_start3A_464 : memref<1x128x64xf32, #tpu.memory_space<vmem>> -> memref<128x64xf32, #tpu.memory_space<vmem>>
    %dma_start3A_466 = arith.constant 0 : i32
    %dma_start3A_467 = tpu.memref_slice %arg5[%dma_start3A_460, %dma_start3A_466] : memref<24x128xi32, #tpu.memory_space<vmem>> -> memref<1x128xi32, #tpu.memory_space<vmem>>
    %dma_start3A_468 = tpu.memref_squeeze %dma_start3A_467 : memref<1x128xi32, #tpu.memory_space<vmem>> -> memref<128xi32, #tpu.memory_space<vmem>>
    %dma_start3A_469 = arith.constant 0 : i32
    %dma_start3A_470 = arith.constant 0 : i32
    %dma_start3A_471 = tpu.memref_slice %arg2[%dma_start3A_469, %dma_start3A_470] : memref<98304x64xf32, #tpu.memory_space<hbm>> -> memref<98304x64xf32, #tpu.memory_space<hbm>>
    tpu.enqueue_indirect_dma source(%dma_start3A_471 : memref<98304x64xf32, #tpu.memory_space<hbm>>) target(%dma_start3A_465 : memref<128x64xf32, #tpu.memory_space<vmem>>) offsets(%dma_start3A_468 : memref<128xi32, #tpu.memory_space<vmem>>) semaphore(%arg8 : memref<!tpu.dma_semaphore, #tpu.memory_space<semaphore_mem>>)
    %dma_wait3A_472 = arith.constant 12 : i32
    %dma_wait3A_473 = arith.constant 1 : i32
    %dma_wait3A_474 = arith.constant 0 : i32
    %dma_wait3A_475 = arith.constant 0 : i32
    %dma_wait3A_476 = tpu.memref_slice %arg6[%dma_wait3A_473, %dma_wait3A_474, %dma_wait3A_475] : memref<2x512x64xf32, #tpu.memory_space<vmem>> -> memref<1x128x64xf32, #tpu.memory_space<vmem>>
    %dma_wait3A_477 = tpu.memref_squeeze %dma_wait3A_476 : memref<1x128x64xf32, #tpu.memory_space<vmem>> -> memref<128x64xf32, #tpu.memory_space<vmem>>
    %dma_wait3A_478 = arith.constant 0 : i32
    %dma_wait3A_479 = tpu.memref_slice %arg5[%dma_wait3A_472, %dma_wait3A_478] : memref<24x128xi32, #tpu.memory_space<vmem>> -> memref<1x128xi32, #tpu.memory_space<vmem>>
    %dma_wait3A_480 = tpu.memref_squeeze %dma_wait3A_479 : memref<1x128xi32, #tpu.memory_space<vmem>> -> memref<128xi32, #tpu.memory_space<vmem>>
    %dma_wait3A_481 = arith.constant 0 : i32
    %dma_wait3A_482 = arith.constant 0 : i32
    %dma_wait3A_483 = tpu.memref_slice %arg2[%dma_wait3A_481, %dma_wait3A_482] : memref<98304x64xf32, #tpu.memory_space<hbm>> -> memref<98304x64xf32, #tpu.memory_space<hbm>>
    tpu.wait_indirect_dma semaphore(%arg9 : memref<!tpu.dma_semaphore, #tpu.memory_space<semaphore_mem>>) src(%dma_wait3A_483 : memref<98304x64xf32, #tpu.memory_space<hbm>>) dst(%dma_wait3A_477 : memref<128x64xf32, #tpu.memory_space<vmem>>)
    %dma_wait3A_484 = arith.constant 13 : i32
    %dma_wait3A_485 = arith.constant 1 : i32
    %dma_wait3A_486 = arith.constant 128 : i32
    %dma_wait3A_487 = arith.constant 0 : i32
    %dma_wait3A_488 = tpu.memref_slice %arg6[%dma_wait3A_485, %dma_wait3A_486, %dma_wait3A_487] : memref<2x512x64xf32, #tpu.memory_space<vmem>> -> memref<1x128x64xf32, #tpu.memory_space<vmem>>
    %dma_wait3A_489 = tpu.memref_squeeze %dma_wait3A_488 : memref<1x128x64xf32, #tpu.memory_space<vmem>> -> memref<128x64xf32, #tpu.memory_space<vmem>>
    %dma_wait3A_490 = arith.constant 0 : i32
    %dma_wait3A_491 = tpu.memref_slice %arg5[%dma_wait3A_484, %dma_wait3A_490] : memref<24x128xi32, #tpu.memory_space<vmem>> -> memref<1x128xi32, #tpu.memory_space<vmem>>
    %dma_wait3A_492 = tpu.memref_squeeze %dma_wait3A_491 : memref<1x128xi32, #tpu.memory_space<vmem>> -> memref<128xi32, #tpu.memory_space<vmem>>
    %dma_wait3A_493 = arith.constant 0 : i32
    %dma_wait3A_494 = arith.constant 0 : i32
    %dma_wait3A_495 = tpu.memref_slice %arg2[%dma_wait3A_493, %dma_wait3A_494] : memref<98304x64xf32, #tpu.memory_space<hbm>> -> memref<98304x64xf32, #tpu.memory_space<hbm>>
    tpu.wait_indirect_dma semaphore(%arg9 : memref<!tpu.dma_semaphore, #tpu.memory_space<semaphore_mem>>) src(%dma_wait3A_495 : memref<98304x64xf32, #tpu.memory_space<hbm>>) dst(%dma_wait3A_489 : memref<128x64xf32, #tpu.memory_space<vmem>>)
    %dma_wait3A_496 = arith.constant 14 : i32
    %dma_wait3A_497 = arith.constant 1 : i32
    %dma_wait3A_498 = arith.constant 256 : i32
    %dma_wait3A_499 = arith.constant 0 : i32
    %dma_wait3A_500 = tpu.memref_slice %arg6[%dma_wait3A_497, %dma_wait3A_498, %dma_wait3A_499] : memref<2x512x64xf32, #tpu.memory_space<vmem>> -> memref<1x128x64xf32, #tpu.memory_space<vmem>>
    %dma_wait3A_501 = tpu.memref_squeeze %dma_wait3A_500 : memref<1x128x64xf32, #tpu.memory_space<vmem>> -> memref<128x64xf32, #tpu.memory_space<vmem>>
    %dma_wait3A_502 = arith.constant 0 : i32
    %dma_wait3A_503 = tpu.memref_slice %arg5[%dma_wait3A_496, %dma_wait3A_502] : memref<24x128xi32, #tpu.memory_space<vmem>> -> memref<1x128xi32, #tpu.memory_space<vmem>>
    %dma_wait3A_504 = tpu.memref_squeeze %dma_wait3A_503 : memref<1x128xi32, #tpu.memory_space<vmem>> -> memref<128xi32, #tpu.memory_space<vmem>>
    %dma_wait3A_505 = arith.constant 0 : i32
    %dma_wait3A_506 = arith.constant 0 : i32
    %dma_wait3A_507 = tpu.memref_slice %arg2[%dma_wait3A_505, %dma_wait3A_506] : memref<98304x64xf32, #tpu.memory_space<hbm>> -> memref<98304x64xf32, #tpu.memory_space<hbm>>
    tpu.wait_indirect_dma semaphore(%arg9 : memref<!tpu.dma_semaphore, #tpu.memory_space<semaphore_mem>>) src(%dma_wait3A_507 : memref<98304x64xf32, #tpu.memory_space<hbm>>) dst(%dma_wait3A_501 : memref<128x64xf32, #tpu.memory_space<vmem>>)
    %dma_wait3A_508 = arith.constant 15 : i32
    %dma_wait3A_509 = arith.constant 1 : i32
    %dma_wait3A_510 = arith.constant 384 : i32
    %dma_wait3A_511 = arith.constant 0 : i32
    %dma_wait3A_512 = tpu.memref_slice %arg6[%dma_wait3A_509, %dma_wait3A_510, %dma_wait3A_511] : memref<2x512x64xf32, #tpu.memory_space<vmem>> -> memref<1x128x64xf32, #tpu.memory_space<vmem>>
    %dma_wait3A_513 = tpu.memref_squeeze %dma_wait3A_512 : memref<1x128x64xf32, #tpu.memory_space<vmem>> -> memref<128x64xf32, #tpu.memory_space<vmem>>
    %dma_wait3A_514 = arith.constant 0 : i32
    %dma_wait3A_515 = tpu.memref_slice %arg5[%dma_wait3A_508, %dma_wait3A_514] : memref<24x128xi32, #tpu.memory_space<vmem>> -> memref<1x128xi32, #tpu.memory_space<vmem>>
    %dma_wait3A_516 = tpu.memref_squeeze %dma_wait3A_515 : memref<1x128xi32, #tpu.memory_space<vmem>> -> memref<128xi32, #tpu.memory_space<vmem>>
    %dma_wait3A_517 = arith.constant 0 : i32
    %dma_wait3A_518 = arith.constant 0 : i32
    %dma_wait3A_519 = tpu.memref_slice %arg2[%dma_wait3A_517, %dma_wait3A_518] : memref<98304x64xf32, #tpu.memory_space<hbm>> -> memref<98304x64xf32, #tpu.memory_space<hbm>>
    tpu.wait_indirect_dma semaphore(%arg9 : memref<!tpu.dma_semaphore, #tpu.memory_space<semaphore_mem>>) src(%dma_wait3A_519 : memref<98304x64xf32, #tpu.memory_space<hbm>>) dst(%dma_wait3A_513 : memref<128x64xf32, #tpu.memory_space<vmem>>)
    %dma_wait3A_520 = arith.constant 1 : i32
    %dma_wait3A_521 = arith.constant 0 : i32
    %dma_wait3A_522 = arith.constant 0 : i32
    %dma_wait3A_523 = tpu.memref_slice %arg7[%dma_wait3A_520, %dma_wait3A_521, %dma_wait3A_522] : memref<2x128x64xf32, #tpu.memory_space<vmem>> -> memref<1x128x64xf32, #tpu.memory_space<vmem>>
    %dma_wait3A_524 = tpu.memref_squeeze %dma_wait3A_523 : memref<1x128x64xf32, #tpu.memory_space<vmem>> -> memref<128x64xf32, #tpu.memory_space<vmem>>
    %dma_wait3A_525 = arith.constant 0 : i32
    %dma_wait3A_526 = tpu.memref_slice %arg4[%mul3A_276, %dma_wait3A_525] : memref<24576x64xf32, #tpu.memory_space<hbm>> -> memref<128x64xf32, #tpu.memory_space<hbm>>
    %dma_wait3A_527 = arith.constant 0 : i32
    %dma_wait3A_528 = tpu.memref_slice %arg4[%mul3A_276, %dma_wait3A_527] : memref<24576x64xf32, #tpu.memory_space<hbm>> -> memref<128x64xf32, #tpu.memory_space<hbm>>
    %dma_wait3A_529 = arith.constant 0 : i32
    %dma_wait3A_530 = arith.constant 0 : i32
    %dma_wait3A_531 = tpu.memref_slice %arg7[%dma_wait3A_520, %dma_wait3A_529, %dma_wait3A_530] : memref<2x128x64xf32, #tpu.memory_space<vmem>> -> memref<1x128x64xf32, #tpu.memory_space<vmem>>
    %dma_wait3A_532 = tpu.memref_squeeze %dma_wait3A_531 : memref<1x128x64xf32, #tpu.memory_space<vmem>> -> memref<128x64xf32, #tpu.memory_space<vmem>>
    tpu.wait_dma2 semaphore(%arg10 : memref<!tpu.dma_semaphore, #tpu.memory_space<semaphore_mem>>) src(%dma_wait3A_532 : memref<128x64xf32, #tpu.memory_space<vmem>>) dst(%dma_wait3A_528 : memref<128x64xf32, #tpu.memory_space<hbm>>)
    %scan3A_533 = arith.constant 0 : i32
    %scan3A_534 = arith.constant 0 : i32
    %scan3A_535 = arith.constant 64 : i32
    %scan3A_536 = arith.addi %scan3A_534, %scan3A_535 : i32
    %scan3A_537 = arith.constant 1 : i32
    scf.for %scan3A_804 = %scan3A_534 to %scan3A_536 step %scan3A_537  : i32 {
      %mul3A_805 = arith.constant 2 : i32
      %mul3A_806 = arith.muli %scan3A_804, %mul3A_805 : i32
      %add3A_807 = arith.constant 0 : i32
      %add3A_808 = arith.addi %mul3A_806, %add3A_807 : i32
      %mul3A_809 = arith.constant 4 : i32
      %mul3A_810 = arith.muli %add3A_808, %mul3A_809 : i32
      %get3A = arith.constant 1 : i32
      %get3A_811 = arith.index_cast %get3A : i32 to index
      %get3A_812 = arith.index_cast %mul3A_810 : i32 to index
      %get3A_813 = arith.constant 0 : index
      %get3A_814 = tpu.vector_load %arg6[%get3A_811, %get3A_812, %get3A_813] {strides = array<i32>} : memref<2x512x64xf32, #tpu.memory_space<vmem>>, vector<1x1x16xf32>,
      %get3A_815 = vector.shape_cast %get3A_814 : vector<1x1x16xf32> to vector<16xf32>
      %mul3A_816 = arith.constant 4 : i32
      %mul3A_817 = arith.muli %add3A_808, %mul3A_816 : i32
      %add3A_818 = arith.constant 1 : i32
      %add3A_819 = arith.addi %mul3A_817, %add3A_818 : i32
      %get3A_820 = arith.constant 1 : i32
      %get3A_821 = arith.index_cast %get3A_820 : i32 to index
      %get3A_822 = arith.index_cast %add3A_819 : i32 to index
      %get3A_823 = arith.constant 0 : index
      %get3A_824 = tpu.vector_load %arg6[%get3A_821, %get3A_822, %get3A_823] {strides = array<i32>} : memref<2x512x64xf32, #tpu.memory_space<vmem>>, vector<1x1x16xf32>,
      %get3A_825 = vector.shape_cast %get3A_824 : vector<1x1x16xf32> to vector<16xf32>
      %add3A_826 = arith.addf %get3A_815, %get3A_825 : vector<16xf32>
      %mul3A_827 = arith.constant 4 : i32
      %mul3A_828 = arith.muli %add3A_808, %mul3A_827 : i32
      %add3A_829 = arith.constant 2 : i32
      %add3A_830 = arith.addi %mul3A_828, %add3A_829 : i32
      %get3A_831 = arith.constant 1 : i32
      %get3A_832 = arith.index_cast %get3A_831 : i32 to index
      %get3A_833 = arith.index_cast %add3A_830 : i32 to index
      %get3A_834 = arith.constant 0 : index
      %get3A_835 = tpu.vector_load %arg6[%get3A_832, %get3A_833, %get3A_834] {strides = array<i32>} : memref<2x512x64xf32, #tpu.memory_space<vmem>>, vector<1x1x16xf32>,
      %get3A_836 = vector.shape_cast %get3A_835 : vector<1x1x16xf32> to vector<16xf32>
      %add3A_837 = arith.addf %add3A_826, %get3A_836 : vector<16xf32>
      %mul3A_838 = arith.constant 4 : i32
      %mul3A_839 = arith.muli %add3A_808, %mul3A_838 : i32
      %add3A_840 = arith.constant 3 : i32
      %add3A_841 = arith.addi %mul3A_839, %add3A_840 : i32
      %get3A_842 = arith.constant 1 : i32
      %get3A_843 = arith.index_cast %get3A_842 : i32 to index
      %get3A_844 = arith.index_cast %add3A_841 : i32 to index
      %get3A_845 = arith.constant 0 : index
      %get3A_846 = tpu.vector_load %arg6[%get3A_843, %get3A_844, %get3A_845] {strides = array<i32>} : memref<2x512x64xf32, #tpu.memory_space<vmem>>, vector<1x1x16xf32>,
      %get3A_847 = vector.shape_cast %get3A_846 : vector<1x1x16xf32> to vector<16xf32>
      %add3A_848 = arith.addf %add3A_837, %get3A_847 : vector<16xf32>
      %swap3A = arith.constant 1 : i32
      %swap3A_849 = arith.index_cast %swap3A : i32 to index
      %swap3A_850 = arith.index_cast %add3A_808 : i32 to index
      %swap3A_851 = arith.constant 0 : index
      %swap3A_852 = tpu.vector_load %arg7[%swap3A_849, %swap3A_850, %swap3A_851] {strides = array<i32>} : memref<2x128x64xf32, #tpu.memory_space<vmem>>, vector<1x1x16xf32>,
      %swap3A_853 = vector.shape_cast %swap3A_852 : vector<1x1x16xf32> to vector<16xf32>
      %swap3A_854 = vector.shape_cast %add3A_848 : vector<16xf32> to vector<1x1x16xf32>
      tpu.vector_store %arg7[%swap3A_849, %swap3A_850, %swap3A_851], %swap3A_854 {strides = array<i32>} : memref<2x128x64xf32, #tpu.memory_space<vmem>>, vector<1x1x16xf32>,
      %mul3A_855 = arith.constant 4 : i32
      %mul3A_856 = arith.muli %add3A_808, %mul3A_855 : i32
      %get3A_857 = arith.constant 1 : i32
      %get3A_858 = arith.index_cast %get3A_857 : i32 to index
      %get3A_859 = arith.index_cast %mul3A_856 : i32 to index
      %get3A_860 = arith.constant 16 : index
      %get3A_861 = tpu.vector_load %arg6[%get3A_858, %get3A_859, %get3A_860] {strides = array<i32>} : memref<2x512x64xf32, #tpu.memory_space<vmem>>, vector<1x1x16xf32>,
      %get3A_862 = vector.shape_cast %get3A_861 : vector<1x1x16xf32> to vector<16xf32>
      %mul3A_863 = arith.constant 4 : i32
      %mul3A_864 = arith.muli %add3A_808, %mul3A_863 : i32
      %add3A_865 = arith.constant 1 : i32
      %add3A_866 = arith.addi %mul3A_864, %add3A_865 : i32
      %get3A_867 = arith.constant 1 : i32
      %get3A_868 = arith.index_cast %get3A_867 : i32 to index
      %get3A_869 = arith.index_cast %add3A_866 : i32 to index
      %get3A_870 = arith.constant 16 : index
      %get3A_871 = tpu.vector_load %arg6[%get3A_868, %get3A_869, %get3A_870] {strides = array<i32>} : memref<2x512x64xf32, #tpu.memory_space<vmem>>, vector<1x1x16xf32>,
      %get3A_872 = vector.shape_cast %get3A_871 : vector<1x1x16xf32> to vector<16xf32>
      %add3A_873 = arith.addf %get3A_862, %get3A_872 : vector<16xf32>
      %mul3A_874 = arith.constant 4 : i32
      %mul3A_875 = arith.muli %add3A_808, %mul3A_874 : i32
      %add3A_876 = arith.constant 2 : i32
      %add3A_877 = arith.addi %mul3A_875, %add3A_876 : i32
      %get3A_878 = arith.constant 1 : i32
      %get3A_879 = arith.index_cast %get3A_878 : i32 to index
      %get3A_880 = arith.index_cast %add3A_877 : i32 to index
      %get3A_881 = arith.constant 16 : index
      %get3A_882 = tpu.vector_load %arg6[%get3A_879, %get3A_880, %get3A_881] {strides = array<i32>} : memref<2x512x64xf32, #tpu.memory_space<vmem>>, vector<1x1x16xf32>,
      %get3A_883 = vector.shape_cast %get3A_882 : vector<1x1x16xf32> to vector<16xf32>
      %add3A_884 = arith.addf %add3A_873, %get3A_883 : vector<16xf32>
      %mul3A_885 = arith.constant 4 : i32
      %mul3A_886 = arith.muli %add3A_808, %mul3A_885 : i32
      %add3A_887 = arith.constant 3 : i32
      %add3A_888 = arith.addi %mul3A_886, %add3A_887 : i32
      %get3A_889 = arith.constant 1 : i32
      %get3A_890 = arith.index_cast %get3A_889 : i32 to index
      %get3A_891 = arith.index_cast %add3A_888 : i32 to index
      %get3A_892 = arith.constant 16 : index
      %get3A_893 = tpu.vector_load %arg6[%get3A_890, %get3A_891, %get3A_892] {strides = array<i32>} : memref<2x512x64xf32, #tpu.memory_space<vmem>>, vector<1x1x16xf32>,
      %get3A_894 = vector.shape_cast %get3A_893 : vector<1x1x16xf32> to vector<16xf32>
      %add3A_895 = arith.addf %add3A_884, %get3A_894 : vector<16xf32>
      %swap3A_896 = arith.constant 1 : i32
      %swap3A_897 = arith.index_cast %swap3A_896 : i32 to index
      %swap3A_898 = arith.index_cast %add3A_808 : i32 to index
      %swap3A_899 = arith.constant 16 : index
      %swap3A_900 = tpu.vector_load %arg7[%swap3A_897, %swap3A_898, %swap3A_899] {strides = array<i32>} : memref<2x128x64xf32, #tpu.memory_space<vmem>>, vector<1x1x16xf32>,
      %swap3A_901 = vector.shape_cast %swap3A_900 : vector<1x1x16xf32> to vector<16xf32>
      %swap3A_902 = vector.shape_cast %add3A_895 : vector<16xf32> to vector<1x1x16xf32>
      tpu.vector_store %arg7[%swap3A_897, %swap3A_898, %swap3A_899], %swap3A_902 {strides = array<i32>} : memref<2x128x64xf32, #tpu.memory_space<vmem>>, vector<1x1x16xf32>,
      %mul3A_903 = arith.constant 4 : i32
      %mul3A_904 = arith.muli %add3A_808, %mul3A_903 : i32
      %get3A_905 = arith.constant 1 : i32
      %get3A_906 = arith.index_cast %get3A_905 : i32 to index
      %get3A_907 = arith.index_cast %mul3A_904 : i32 to index
      %get3A_908 = arith.constant 32 : index
      %get3A_909 = tpu.vector_load %arg6[%get3A_906, %get3A_907, %get3A_908] {strides = array<i32>} : memref<2x512x64xf32, #tpu.memory_space<vmem>>, vector<1x1x16xf32>,
      %get3A_910 = vector.shape_cast %get3A_909 : vector<1x1x16xf32> to vector<16xf32>
      %mul3A_911 = arith.constant 4 : i32
      %mul3A_912 = arith.muli %add3A_808, %mul3A_911 : i32
      %add3A_913 = arith.constant 1 : i32
      %add3A_914 = arith.addi %mul3A_912, %add3A_913 : i32
      %get3A_915 = arith.constant 1 : i32
      %get3A_916 = arith.index_cast %get3A_915 : i32 to index
      %get3A_917 = arith.index_cast %add3A_914 : i32 to index
      %get3A_918 = arith.constant 32 : index
      %get3A_919 = tpu.vector_load %arg6[%get3A_916, %get3A_917, %get3A_918] {strides = array<i32>} : memref<2x512x64xf32, #tpu.memory_space<vmem>>, vector<1x1x16xf32>,
      %get3A_920 = vector.shape_cast %get3A_919 : vector<1x1x16xf32> to vector<16xf32>
      %add3A_921 = arith.addf %get3A_910, %get3A_920 : vector<16xf32>
      %mul3A_922 = arith.constant 4 : i32
      %mul3A_923 = arith.muli %add3A_808, %mul3A_922 : i32
      %add3A_924 = arith.constant 2 : i32
      %add3A_925 = arith.addi %mul3A_923, %add3A_924 : i32
      %get3A_926 = arith.constant 1 : i32
      %get3A_927 = arith.index_cast %get3A_926 : i32 to index
      %get3A_928 = arith.index_cast %add3A_925 : i32 to index
      %get3A_929 = arith.constant 32 : index
      %get3A_930 = tpu.vector_load %arg6[%get3A_927, %get3A_928, %get3A_929] {strides = array<i32>} : memref<2x512x64xf32, #tpu.memory_space<vmem>>, vector<1x1x16xf32>,
      %get3A_931 = vector.shape_cast %get3A_930 : vector<1x1x16xf32> to vector<16xf32>
      %add3A_932 = arith.addf %add3A_921, %get3A_931 : vector<16xf32>
      %mul3A_933 = arith.constant 4 : i32
      %mul3A_934 = arith.muli %add3A_808, %mul3A_933 : i32
      %add3A_935 = arith.constant 3 : i32
      %add3A_936 = arith.addi %mul3A_934, %add3A_935 : i32
      %get3A_937 = arith.constant 1 : i32
      %get3A_938 = arith.index_cast %get3A_937 : i32 to index
      %get3A_939 = arith.index_cast %add3A_936 : i32 to index
      %get3A_940 = arith.constant 32 : index
      %get3A_941 = tpu.vector_load %arg6[%get3A_938, %get3A_939, %get3A_940] {strides = array<i32>} : memref<2x512x64xf32, #tpu.memory_space<vmem>>, vector<1x1x16xf32>,
      %get3A_942 = vector.shape_cast %get3A_941 : vector<1x1x16xf32> to vector<16xf32>
      %add3A_943 = arith.addf %add3A_932, %get3A_942 : vector<16xf32>
      %swap3A_944 = arith.constant 1 : i32
      %swap3A_945 = arith.index_cast %swap3A_944 : i32 to index
      %swap3A_946 = arith.index_cast %add3A_808 : i32 to index
      %swap3A_947 = arith.constant 32 : index
      %swap3A_948 = tpu.vector_load %arg7[%swap3A_945, %swap3A_946, %swap3A_947] {strides = array<i32>} : memref<2x128x64xf32, #tpu.memory_space<vmem>>, vector<1x1x16xf32>,
      %swap3A_949 = vector.shape_cast %swap3A_948 : vector<1x1x16xf32> to vector<16xf32>
      %swap3A_950 = vector.shape_cast %add3A_943 : vector<16xf32> to vector<1x1x16xf32>
      tpu.vector_store %arg7[%swap3A_945, %swap3A_946, %swap3A_947], %swap3A_950 {strides = array<i32>} : memref<2x128x64xf32, #tpu.memory_space<vmem>>, vector<1x1x16xf32>,
      %mul3A_951 = arith.constant 4 : i32
      %mul3A_952 = arith.muli %add3A_808, %mul3A_951 : i32
      %get3A_953 = arith.constant 1 : i32
      %get3A_954 = arith.index_cast %get3A_953 : i32 to index
      %get3A_955 = arith.index_cast %mul3A_952 : i32 to index
      %get3A_956 = arith.constant 48 : index
      %get3A_957 = tpu.vector_load %arg6[%get3A_954, %get3A_955, %get3A_956] {strides = array<i32>} : memref<2x512x64xf32, #tpu.memory_space<vmem>>, vector<1x1x16xf32>,
      %get3A_958 = vector.shape_cast %get3A_957 : vector<1x1x16xf32> to vector<16xf32>
      %mul3A_959 = arith.constant 4 : i32
      %mul3A_960 = arith.muli %add3A_808, %mul3A_959 : i32
      %add3A_961 = arith.constant 1 : i32
      %add3A_962 = arith.addi %mul3A_960, %add3A_961 : i32
      %get3A_963 = arith.constant 1 : i32
      %get3A_964 = arith.index_cast %get3A_963 : i32 to index
      %get3A_965 = arith.index_cast %add3A_962 : i32 to index
      %get3A_966 = arith.constant 48 : index
      %get3A_967 = tpu.vector_load %arg6[%get3A_964, %get3A_965, %get3A_966] {strides = array<i32>} : memref<2x512x64xf32, #tpu.memory_space<vmem>>, vector<1x1x16xf32>,
      %get3A_968 = vector.shape_cast %get3A_967 : vector<1x1x16xf32> to vector<16xf32>
      %add3A_969 = arith.addf %get3A_958, %get3A_968 : vector<16xf32>
      %mul3A_970 = arith.constant 4 : i32
      %mul3A_971 = arith.muli %add3A_808, %mul3A_970 : i32
      %add3A_972 = arith.constant 2 : i32
      %add3A_973 = arith.addi %mul3A_971, %add3A_972 : i32
      %get3A_974 = arith.constant 1 : i32
      %get3A_975 = arith.index_cast %get3A_974 : i32 to index
      %get3A_976 = arith.index_cast %add3A_973 : i32 to index
      %get3A_977 = arith.constant 48 : index
      %get3A_978 = tpu.vector_load %arg6[%get3A_975, %get3A_976, %get3A_977] {strides = array<i32>} : memref<2x512x64xf32, #tpu.memory_space<vmem>>, vector<1x1x16xf32>,
      %get3A_979 = vector.shape_cast %get3A_978 : vector<1x1x16xf32> to vector<16xf32>
      %add3A_980 = arith.addf %add3A_969, %get3A_979 : vector<16xf32>
      %mul3A_981 = arith.constant 4 : i32
      %mul3A_982 = arith.muli %add3A_808, %mul3A_981 : i32
      %add3A_983 = arith.constant 3 : i32
      %add3A_984 = arith.addi %mul3A_982, %add3A_983 : i32
      %get3A_985 = arith.constant 1 : i32
      %get3A_986 = arith.index_cast %get3A_985 : i32 to index
      %get3A_987 = arith.index_cast %add3A_984 : i32 to index
      %get3A_988 = arith.constant 48 : index
      %get3A_989 = tpu.vector_load %arg6[%get3A_986, %get3A_987, %get3A_988] {strides = array<i32>} : memref<2x512x64xf32, #tpu.memory_space<vmem>>, vector<1x1x16xf32>,
      %get3A_990 = vector.shape_cast %get3A_989 : vector<1x1x16xf32> to vector<16xf32>
      %add3A_991 = arith.addf %add3A_980, %get3A_990 : vector<16xf32>
      %swap3A_992 = arith.constant 1 : i32
      %swap3A_993 = arith.index_cast %swap3A_992 : i32 to index
      %swap3A_994 = arith.index_cast %add3A_808 : i32 to index
      %swap3A_995 = arith.constant 48 : index
      %swap3A_996 = tpu.vector_load %arg7[%swap3A_993, %swap3A_994, %swap3A_995] {strides = array<i32>} : memref<2x128x64xf32, #tpu.memory_space<vmem>>, vector<1x1x16xf32>,
      %swap3A_997 = vector.shape_cast %swap3A_996 : vector<1x1x16xf32> to vector<16xf32>
      %swap3A_998 = vector.shape_cast %add3A_991 : vector<16xf32> to vector<1x1x16xf32>
      tpu.vector_store %arg7[%swap3A_993, %swap3A_994, %swap3A_995], %swap3A_998 {strides = array<i32>} : memref<2x128x64xf32, #tpu.memory_space<vmem>>, vector<1x1x16xf32>,
      %mul3A_999 = arith.constant 2 : i32
      %mul3A_1000 = arith.muli %scan3A_804, %mul3A_999 : i32
      %add3A_1001 = arith.constant 1 : i32
      %add3A_1002 = arith.addi %mul3A_1000, %add3A_1001 : i32
      %mul3A_1003 = arith.constant 4 : i32
      %mul3A_1004 = arith.muli %add3A_1002, %mul3A_1003 : i32
      %get3A_1005 = arith.constant 1 : i32
      %get3A_1006 = arith.index_cast %get3A_1005 : i32 to index
      %get3A_1007 = arith.index_cast %mul3A_1004 : i32 to index
      %get3A_1008 = arith.constant 0 : index
      %get3A_1009 = tpu.vector_load %arg6[%get3A_1006, %get3A_1007, %get3A_1008] {strides = array<i32>} : memref<2x512x64xf32, #tpu.memory_space<vmem>>, vector<1x1x16xf32>,
      %get3A_1010 = vector.shape_cast %get3A_1009 : vector<1x1x16xf32> to vector<16xf32>
      %mul3A_1011 = arith.constant 4 : i32
      %mul3A_1012 = arith.muli %add3A_1002, %mul3A_1011 : i32
      %add3A_1013 = arith.constant 1 : i32
      %add3A_1014 = arith.addi %mul3A_1012, %add3A_1013 : i32
      %get3A_1015 = arith.constant 1 : i32
      %get3A_1016 = arith.index_cast %get3A_1015 : i32 to index
      %get3A_1017 = arith.index_cast %add3A_1014 : i32 to index
      %get3A_1018 = arith.constant 0 : index
      %get3A_1019 = tpu.vector_load %arg6[%get3A_1016, %get3A_1017, %get3A_1018] {strides = array<i32>} : memref<2x512x64xf32, #tpu.memory_space<vmem>>, vector<1x1x16xf32>,
      %get3A_1020 = vector.shape_cast %get3A_1019 : vector<1x1x16xf32> to vector<16xf32>
      %add3A_1021 = arith.addf %get3A_1010, %get3A_1020 : vector<16xf32>
      %mul3A_1022 = arith.constant 4 : i32
      %mul3A_1023 = arith.muli %add3A_1002, %mul3A_1022 : i32
      %add3A_1024 = arith.constant 2 : i32
      %add3A_1025 = arith.addi %mul3A_1023, %add3A_1024 : i32
      %get3A_1026 = arith.constant 1 : i32
      %get3A_1027 = arith.index_cast %get3A_1026 : i32 to index
      %get3A_1028 = arith.index_cast %add3A_1025 : i32 to index
      %get3A_1029 = arith.constant 0 : index
      %get3A_1030 = tpu.vector_load %arg6[%get3A_1027, %get3A_1028, %get3A_1029] {strides = array<i32>} : memref<2x512x64xf32, #tpu.memory_space<vmem>>, vector<1x1x16xf32>,
      %get3A_1031 = vector.shape_cast %get3A_1030 : vector<1x1x16xf32> to vector<16xf32>
      %add3A_1032 = arith.addf %add3A_1021, %get3A_1031 : vector<16xf32>
      %mul3A_1033 = arith.constant 4 : i32
      %mul3A_1034 = arith.muli %add3A_1002, %mul3A_1033 : i32
      %add3A_1035 = arith.constant 3 : i32
      %add3A_1036 = arith.addi %mul3A_1034, %add3A_1035 : i32
      %get3A_1037 = arith.constant 1 : i32
      %get3A_1038 = arith.index_cast %get3A_1037 : i32 to index
      %get3A_1039 = arith.index_cast %add3A_1036 : i32 to index
      %get3A_1040 = arith.constant 0 : index
      %get3A_1041 = tpu.vector_load %arg6[%get3A_1038, %get3A_1039, %get3A_1040] {strides = array<i32>} : memref<2x512x64xf32, #tpu.memory_space<vmem>>, vector<1x1x16xf32>,
      %get3A_1042 = vector.shape_cast %get3A_1041 : vector<1x1x16xf32> to vector<16xf32>
      %add3A_1043 = arith.addf %add3A_1032, %get3A_1042 : vector<16xf32>
      %swap3A_1044 = arith.constant 1 : i32
      %swap3A_1045 = arith.index_cast %swap3A_1044 : i32 to index
      %swap3A_1046 = arith.index_cast %add3A_1002 : i32 to index
      %swap3A_1047 = arith.constant 0 : index
      %swap3A_1048 = tpu.vector_load %arg7[%swap3A_1045, %swap3A_1046, %swap3A_1047] {strides = array<i32>} : memref<2x128x64xf32, #tpu.memory_space<vmem>>, vector<1x1x16xf32>,
      %swap3A_1049 = vector.shape_cast %swap3A_1048 : vector<1x1x16xf32> to vector<16xf32>
      %swap3A_1050 = vector.shape_cast %add3A_1043 : vector<16xf32> to vector<1x1x16xf32>
      tpu.vector_store %arg7[%swap3A_1045, %swap3A_1046, %swap3A_1047], %swap3A_1050 {strides = array<i32>} : memref<2x128x64xf32, #tpu.memory_space<vmem>>, vector<1x1x16xf32>,
      %mul3A_1051 = arith.constant 4 : i32
      %mul3A_1052 = arith.muli %add3A_1002, %mul3A_1051 : i32
      %get3A_1053 = arith.constant 1 : i32
      %get3A_1054 = arith.index_cast %get3A_1053 : i32 to index
      %get3A_1055 = arith.index_cast %mul3A_1052 : i32 to index
      %get3A_1056 = arith.constant 16 : index
      %get3A_1057 = tpu.vector_load %arg6[%get3A_1054, %get3A_1055, %get3A_1056] {strides = array<i32>} : memref<2x512x64xf32, #tpu.memory_space<vmem>>, vector<1x1x16xf32>,
      %get3A_1058 = vector.shape_cast %get3A_1057 : vector<1x1x16xf32> to vector<16xf32>
      %mul3A_1059 = arith.constant 4 : i32
      %mul3A_1060 = arith.muli %add3A_1002, %mul3A_1059 : i32
      %add3A_1061 = arith.constant 1 : i32
      %add3A_1062 = arith.addi %mul3A_1060, %add3A_1061 : i32
      %get3A_1063 = arith.constant 1 : i32
      %get3A_1064 = arith.index_cast %get3A_1063 : i32 to index
      %get3A_1065 = arith.index_cast %add3A_1062 : i32 to index
      %get3A_1066 = arith.constant 16 : index
      %get3A_1067 = tpu.vector_load %arg6[%get3A_1064, %get3A_1065, %get3A_1066] {strides = array<i32>} : memref<2x512x64xf32, #tpu.memory_space<vmem>>, vector<1x1x16xf32>,
      %get3A_1068 = vector.shape_cast %get3A_1067 : vector<1x1x16xf32> to vector<16xf32>
      %add3A_1069 = arith.addf %get3A_1058, %get3A_1068 : vector<16xf32>
      %mul3A_1070 = arith.constant 4 : i32
      %mul3A_1071 = arith.muli %add3A_1002, %mul3A_1070 : i32
      %add3A_1072 = arith.constant 2 : i32
      %add3A_1073 = arith.addi %mul3A_1071, %add3A_1072 : i32
      %get3A_1074 = arith.constant 1 : i32
      %get3A_1075 = arith.index_cast %get3A_1074 : i32 to index
      %get3A_1076 = arith.index_cast %add3A_1073 : i32 to index
      %get3A_1077 = arith.constant 16 : index
      %get3A_1078 = tpu.vector_load %arg6[%get3A_1075, %get3A_1076, %get3A_1077] {strides = array<i32>} : memref<2x512x64xf32, #tpu.memory_space<vmem>>, vector<1x1x16xf32>,
      %get3A_1079 = vector.shape_cast %get3A_1078 : vector<1x1x16xf32> to vector<16xf32>
      %add3A_1080 = arith.addf %add3A_1069, %get3A_1079 : vector<16xf32>
      %mul3A_1081 = arith.constant 4 : i32
      %mul3A_1082 = arith.muli %add3A_1002, %mul3A_1081 : i32
      %add3A_1083 = arith.constant 3 : i32
      %add3A_1084 = arith.addi %mul3A_1082, %add3A_1083 : i32
      %get3A_1085 = arith.constant 1 : i32
      %get3A_1086 = arith.index_cast %get3A_1085 : i32 to index
      %get3A_1087 = arith.index_cast %add3A_1084 : i32 to index
      %get3A_1088 = arith.constant 16 : index
      %get3A_1089 = tpu.vector_load %arg6[%get3A_1086, %get3A_1087, %get3A_1088] {strides = array<i32>} : memref<2x512x64xf32, #tpu.memory_space<vmem>>, vector<1x1x16xf32>,
      %get3A_1090 = vector.shape_cast %get3A_1089 : vector<1x1x16xf32> to vector<16xf32>
      %add3A_1091 = arith.addf %add3A_1080, %get3A_1090 : vector<16xf32>
      %swap3A_1092 = arith.constant 1 : i32
      %swap3A_1093 = arith.index_cast %swap3A_1092 : i32 to index
      %swap3A_1094 = arith.index_cast %add3A_1002 : i32 to index
      %swap3A_1095 = arith.constant 16 : index
      %swap3A_1096 = tpu.vector_load %arg7[%swap3A_1093, %swap3A_1094, %swap3A_1095] {strides = array<i32>} : memref<2x128x64xf32, #tpu.memory_space<vmem>>, vector<1x1x16xf32>,
      %swap3A_1097 = vector.shape_cast %swap3A_1096 : vector<1x1x16xf32> to vector<16xf32>
      %swap3A_1098 = vector.shape_cast %add3A_1091 : vector<16xf32> to vector<1x1x16xf32>
      tpu.vector_store %arg7[%swap3A_1093, %swap3A_1094, %swap3A_1095], %swap3A_1098 {strides = array<i32>} : memref<2x128x64xf32, #tpu.memory_space<vmem>>, vector<1x1x16xf32>,
      %mul3A_1099 = arith.constant 4 : i32
      %mul3A_1100 = arith.muli %add3A_1002, %mul3A_1099 : i32
      %get3A_1101 = arith.constant 1 : i32
      %get3A_1102 = arith.index_cast %get3A_1101 : i32 to index
      %get3A_1103 = arith.index_cast %mul3A_1100 : i32 to index
      %get3A_1104 = arith.constant 32 : index
      %get3A_1105 = tpu.vector_load %arg6[%get3A_1102, %get3A_1103, %get3A_1104] {strides = array<i32>} : memref<2x512x64xf32, #tpu.memory_space<vmem>>, vector<1x1x16xf32>,
      %get3A_1106 = vector.shape_cast %get3A_1105 : vector<1x1x16xf32> to vector<16xf32>
      %mul3A_1107 = arith.constant 4 : i32
      %mul3A_1108 = arith.muli %add3A_1002, %mul3A_1107 : i32
      %add3A_1109 = arith.constant 1 : i32
      %add3A_1110 = arith.addi %mul3A_1108, %add3A_1109 : i32
      %get3A_1111 = arith.constant 1 : i32
      %get3A_1112 = arith.index_cast %get3A_1111 : i32 to index
      %get3A_1113 = arith.index_cast %add3A_1110 : i32 to index
      %get3A_1114 = arith.constant 32 : index
      %get3A_1115 = tpu.vector_load %arg6[%get3A_1112, %get3A_1113, %get3A_1114] {strides = array<i32>} : memref<2x512x64xf32, #tpu.memory_space<vmem>>, vector<1x1x16xf32>,
      %get3A_1116 = vector.shape_cast %get3A_1115 : vector<1x1x16xf32> to vector<16xf32>
      %add3A_1117 = arith.addf %get3A_1106, %get3A_1116 : vector<16xf32>
      %mul3A_1118 = arith.constant 4 : i32
      %mul3A_1119 = arith.muli %add3A_1002, %mul3A_1118 : i32
      %add3A_1120 = arith.constant 2 : i32
      %add3A_1121 = arith.addi %mul3A_1119, %add3A_1120 : i32
      %get3A_1122 = arith.constant 1 : i32
      %get3A_1123 = arith.index_cast %get3A_1122 : i32 to index
      %get3A_1124 = arith.index_cast %add3A_1121 : i32 to index
      %get3A_1125 = arith.constant 32 : index
      %get3A_1126 = tpu.vector_load %arg6[%get3A_1123, %get3A_1124, %get3A_1125] {strides = array<i32>} : memref<2x512x64xf32, #tpu.memory_space<vmem>>, vector<1x1x16xf32>,
      %get3A_1127 = vector.shape_cast %get3A_1126 : vector<1x1x16xf32> to vector<16xf32>
      %add3A_1128 = arith.addf %add3A_1117, %get3A_1127 : vector<16xf32>
      %mul3A_1129 = arith.constant 4 : i32
      %mul3A_1130 = arith.muli %add3A_1002, %mul3A_1129 : i32
      %add3A_1131 = arith.constant 3 : i32
      %add3A_1132 = arith.addi %mul3A_1130, %add3A_1131 : i32
      %get3A_1133 = arith.constant 1 : i32
      %get3A_1134 = arith.index_cast %get3A_1133 : i32 to index
      %get3A_1135 = arith.index_cast %add3A_1132 : i32 to index
      %get3A_1136 = arith.constant 32 : index
      %get3A_1137 = tpu.vector_load %arg6[%get3A_1134, %get3A_1135, %get3A_1136] {strides = array<i32>} : memref<2x512x64xf32, #tpu.memory_space<vmem>>, vector<1x1x16xf32>,
      %get3A_1138 = vector.shape_cast %get3A_1137 : vector<1x1x16xf32> to vector<16xf32>
      %add3A_1139 = arith.addf %add3A_1128, %get3A_1138 : vector<16xf32>
      %swap3A_1140 = arith.constant 1 : i32
      %swap3A_1141 = arith.index_cast %swap3A_1140 : i32 to index
      %swap3A_1142 = arith.index_cast %add3A_1002 : i32 to index
      %swap3A_1143 = arith.constant 32 : index
      %swap3A_1144 = tpu.vector_load %arg7[%swap3A_1141, %swap3A_1142, %swap3A_1143] {strides = array<i32>} : memref<2x128x64xf32, #tpu.memory_space<vmem>>, vector<1x1x16xf32>,
      %swap3A_1145 = vector.shape_cast %swap3A_1144 : vector<1x1x16xf32> to vector<16xf32>
      %swap3A_1146 = vector.shape_cast %add3A_1139 : vector<16xf32> to vector<1x1x16xf32>
      tpu.vector_store %arg7[%swap3A_1141, %swap3A_1142, %swap3A_1143], %swap3A_1146 {strides = array<i32>} : memref<2x128x64xf32, #tpu.memory_space<vmem>>, vector<1x1x16xf32>,
      %mul3A_1147 = arith.constant 4 : i32
      %mul3A_1148 = arith.muli %add3A_1002, %mul3A_1147 : i32
      %get3A_1149 = arith.constant 1 : i32
      %get3A_1150 = arith.index_cast %get3A_1149 : i32 to index
      %get3A_1151 = arith.index_cast %mul3A_1148 : i32 to index
      %get3A_1152 = arith.constant 48 : index
      %get3A_1153 = tpu.vector_load %arg6[%get3A_1150, %get3A_1151, %get3A_1152] {strides = array<i32>} : memref<2x512x64xf32, #tpu.memory_space<vmem>>, vector<1x1x16xf32>,
      %get3A_1154 = vector.shape_cast %get3A_1153 : vector<1x1x16xf32> to vector<16xf32>
      %mul3A_1155 = arith.constant 4 : i32
      %mul3A_1156 = arith.muli %add3A_1002, %mul3A_1155 : i32
      %add3A_1157 = arith.constant 1 : i32
      %add3A_1158 = arith.addi %mul3A_1156, %add3A_1157 : i32
      %get3A_1159 = arith.constant 1 : i32
      %get3A_1160 = arith.index_cast %get3A_1159 : i32 to index
      %get3A_1161 = arith.index_cast %add3A_1158 : i32 to index
      %get3A_1162 = arith.constant 48 : index
      %get3A_1163 = tpu.vector_load %arg6[%get3A_1160, %get3A_1161, %get3A_1162] {strides = array<i32>} : memref<2x512x64xf32, #tpu.memory_space<vmem>>, vector<1x1x16xf32>,
      %get3A_1164 = vector.shape_cast %get3A_1163 : vector<1x1x16xf32> to vector<16xf32>
      %add3A_1165 = arith.addf %get3A_1154, %get3A_1164 : vector<16xf32>
      %mul3A_1166 = arith.constant 4 : i32
      %mul3A_1167 = arith.muli %add3A_1002, %mul3A_1166 : i32
      %add3A_1168 = arith.constant 2 : i32
      %add3A_1169 = arith.addi %mul3A_1167, %add3A_1168 : i32
      %get3A_1170 = arith.constant 1 : i32
      %get3A_1171 = arith.index_cast %get3A_1170 : i32 to index
      %get3A_1172 = arith.index_cast %add3A_1169 : i32 to index
      %get3A_1173 = arith.constant 48 : index
      %get3A_1174 = tpu.vector_load %arg6[%get3A_1171, %get3A_1172, %get3A_1173] {strides = array<i32>} : memref<2x512x64xf32, #tpu.memory_space<vmem>>, vector<1x1x16xf32>,
      %get3A_1175 = vector.shape_cast %get3A_1174 : vector<1x1x16xf32> to vector<16xf32>
      %add3A_1176 = arith.addf %add3A_1165, %get3A_1175 : vector<16xf32>
      %mul3A_1177 = arith.constant 4 : i32
      %mul3A_1178 = arith.muli %add3A_1002, %mul3A_1177 : i32
      %add3A_1179 = arith.constant 3 : i32
      %add3A_1180 = arith.addi %mul3A_1178, %add3A_1179 : i32
      %get3A_1181 = arith.constant 1 : i32
      %get3A_1182 = arith.index_cast %get3A_1181 : i32 to index
      %get3A_1183 = arith.index_cast %add3A_1180 : i32 to index
      %get3A_1184 = arith.constant 48 : index
      %get3A_1185 = tpu.vector_load %arg6[%get3A_1182, %get3A_1183, %get3A_1184] {strides = array<i32>} : memref<2x512x64xf32, #tpu.memory_space<vmem>>, vector<1x1x16xf32>,
      %get3A_1186 = vector.shape_cast %get3A_1185 : vector<1x1x16xf32> to vector<16xf32>
      %add3A_1187 = arith.addf %add3A_1176, %get3A_1186 : vector<16xf32>
      %swap3A_1188 = arith.constant 1 : i32
      %swap3A_1189 = arith.index_cast %swap3A_1188 : i32 to index
      %swap3A_1190 = arith.index_cast %add3A_1002 : i32 to index
      %swap3A_1191 = arith.constant 48 : index
      %swap3A_1192 = tpu.vector_load %arg7[%swap3A_1189, %swap3A_1190, %swap3A_1191] {strides = array<i32>} : memref<2x128x64xf32, #tpu.memory_space<vmem>>, vector<1x1x16xf32>,
      %swap3A_1193 = vector.shape_cast %swap3A_1192 : vector<1x1x16xf32> to vector<16xf32>
      %swap3A_1194 = vector.shape_cast %add3A_1187 : vector<16xf32> to vector<1x1x16xf32>
      tpu.vector_store %arg7[%swap3A_1189, %swap3A_1190, %swap3A_1191], %swap3A_1194 {strides = array<i32>} : memref<2x128x64xf32, #tpu.memory_space<vmem>>, vector<1x1x16xf32>,
    }
    %scan3A_538 = arith.constant 64 : i32
    %mul3A_539 = arith.constant 6 : i32
    %mul3A_540 = arith.muli %add3A, %mul3A_539 : i32
    %add3A_541 = arith.constant 3 : i32
    %add3A_542 = arith.addi %mul3A_540, %add3A_541 : i32
    %mul3A_543 = arith.constant 128 : i32
    %mul3A_544 = arith.muli %add3A_542, %mul3A_543 : i32
    %dma_start3A_545 = arith.constant 1 : i32
    %dma_start3A_546 = arith.constant 0 : i32
    %dma_start3A_547 = arith.constant 0 : i32
    %dma_start3A_548 = tpu.memref_slice %arg7[%dma_start3A_545, %dma_start3A_546, %dma_start3A_547] : memref<2x128x64xf32, #tpu.memory_space<vmem>> -> memref<1x128x64xf32, #tpu.memory_space<vmem>>
    %dma_start3A_549 = tpu.memref_squeeze %dma_start3A_548 : memref<1x128x64xf32, #tpu.memory_space<vmem>> -> memref<128x64xf32, #tpu.memory_space<vmem>>
    %dma_start3A_550 = arith.constant 0 : i32
    %dma_start3A_551 = tpu.memref_slice %arg4[%mul3A_544, %dma_start3A_550] : memref<24576x64xf32, #tpu.memory_space<hbm>> -> memref<128x64xf32, #tpu.memory_space<hbm>>
    %dma_start3A_552 = arith.constant 0 : i32
    %dma_start3A_553 = tpu.memref_slice %arg4[%mul3A_544, %dma_start3A_552] : memref<24576x64xf32, #tpu.memory_space<hbm>> -> memref<128x64xf32, #tpu.memory_space<hbm>>
    %dma_start3A_554 = arith.constant 0 : i32
    %dma_start3A_555 = arith.constant 0 : i32
    %dma_start3A_556 = tpu.memref_slice %arg7[%dma_start3A_545, %dma_start3A_554, %dma_start3A_555] : memref<2x128x64xf32, #tpu.memory_space<vmem>> -> memref<1x128x64xf32, #tpu.memory_space<vmem>>
    %dma_start3A_557 = tpu.memref_squeeze %dma_start3A_556 : memref<1x128x64xf32, #tpu.memory_space<vmem>> -> memref<128x64xf32, #tpu.memory_space<vmem>>
    tpu.enqueue_dma source(%dma_start3A_557 : memref<128x64xf32, #tpu.memory_space<vmem>>) target(%dma_start3A_553 : memref<128x64xf32, #tpu.memory_space<hbm>>) target_semaphore(%arg10 : memref<!tpu.dma_semaphore, #tpu.memory_space<semaphore_mem>>)
    %dma_start3A_558 = arith.constant 20 : i32
    %dma_start3A_559 = arith.constant 1 : i32
    %dma_start3A_560 = arith.constant 0 : i32
    %dma_start3A_561 = arith.constant 0 : i32
    %dma_start3A_562 = tpu.memref_slice %arg6[%dma_start3A_559, %dma_start3A_560, %dma_start3A_561] : memref<2x512x64xf32, #tpu.memory_space<vmem>> -> memref<1x128x64xf32, #tpu.memory_space<vmem>>
    %dma_start3A_563 = tpu.memref_squeeze %dma_start3A_562 : memref<1x128x64xf32, #tpu.memory_space<vmem>> -> memref<128x64xf32, #tpu.memory_space<vmem>>
    %dma_start3A_564 = arith.constant 0 : i32
    %dma_start3A_565 = tpu.memref_slice %arg5[%dma_start3A_558, %dma_start3A_564] : memref<24x128xi32, #tpu.memory_space<vmem>> -> memref<1x128xi32, #tpu.memory_space<vmem>>
    %dma_start3A_566 = tpu.memref_squeeze %dma_start3A_565 : memref<1x128xi32, #tpu.memory_space<vmem>> -> memref<128xi32, #tpu.memory_space<vmem>>
    %dma_start3A_567 = arith.constant 0 : i32
    %dma_start3A_568 = arith.constant 0 : i32
    %dma_start3A_569 = tpu.memref_slice %arg2[%dma_start3A_567, %dma_start3A_568] : memref<98304x64xf32, #tpu.memory_space<hbm>> -> memref<98304x64xf32, #tpu.memory_space<hbm>>
    tpu.enqueue_indirect_dma source(%dma_start3A_569 : memref<98304x64xf32, #tpu.memory_space<hbm>>) target(%dma_start3A_563 : memref<128x64xf32, #tpu.memory_space<vmem>>) offsets(%dma_start3A_566 : memref<128xi32, #tpu.memory_space<vmem>>) semaphore(%arg9 : memref<!tpu.dma_semaphore, #tpu.memory_space<semaphore_mem>>)
    %dma_start3A_570 = arith.constant 21 : i32
    %dma_start3A_571 = arith.constant 1 : i32
    %dma_start3A_572 = arith.constant 128 : i32
    %dma_start3A_573 = arith.constant 0 : i32
    %dma_start3A_574 = tpu.memref_slice %arg6[%dma_start3A_571, %dma_start3A_572, %dma_start3A_573] : memref<2x512x64xf32, #tpu.memory_space<vmem>> -> memref<1x128x64xf32, #tpu.memory_space<vmem>>
    %dma_start3A_575 = tpu.memref_squeeze %dma_start3A_574 : memref<1x128x64xf32, #tpu.memory_space<vmem>> -> memref<128x64xf32, #tpu.memory_space<vmem>>
    %dma_start3A_576 = arith.constant 0 : i32
    %dma_start3A_577 = tpu.memref_slice %arg5[%dma_start3A_570, %dma_start3A_576] : memref<24x128xi32, #tpu.memory_space<vmem>> -> memref<1x128xi32, #tpu.memory_space<vmem>>
    %dma_start3A_578 = tpu.memref_squeeze %dma_start3A_577 : memref<1x128xi32, #tpu.memory_space<vmem>> -> memref<128xi32, #tpu.memory_space<vmem>>
    %dma_start3A_579 = arith.constant 0 : i32
    %dma_start3A_580 = arith.constant 0 : i32
    %dma_start3A_581 = tpu.memref_slice %arg2[%dma_start3A_579, %dma_start3A_580] : memref<98304x64xf32, #tpu.memory_space<hbm>> -> memref<98304x64xf32, #tpu.memory_space<hbm>>
    tpu.enqueue_indirect_dma source(%dma_start3A_581 : memref<98304x64xf32, #tpu.memory_space<hbm>>) target(%dma_start3A_575 : memref<128x64xf32, #tpu.memory_space<vmem>>) offsets(%dma_start3A_578 : memref<128xi32, #tpu.memory_space<vmem>>) semaphore(%arg9 : memref<!tpu.dma_semaphore, #tpu.memory_space<semaphore_mem>>)
    %dma_start3A_582 = arith.constant 22 : i32
    %dma_start3A_583 = arith.constant 1 : i32
    %dma_start3A_584 = arith.constant 256 : i32
    %dma_start3A_585 = arith.constant 0 : i32
    %dma_start3A_586 = tpu.memref_slice %arg6[%dma_start3A_583, %dma_start3A_584, %dma_start3A_585] : memref<2x512x64xf32, #tpu.memory_space<vmem>> -> memref<1x128x64xf32, #tpu.memory_space<vmem>>
    %dma_start3A_587 = tpu.memref_squeeze %dma_start3A_586 : memref<1x128x64xf32, #tpu.memory_space<vmem>> -> memref<128x64xf32, #tpu.memory_space<vmem>>
    %dma_start3A_588 = arith.constant 0 : i32
    %dma_start3A_589 = tpu.memref_slice %arg5[%dma_start3A_582, %dma_start3A_588] : memref<24x128xi32, #tpu.memory_space<vmem>> -> memref<1x128xi32, #tpu.memory_space<vmem>>
    %dma_start3A_590 = tpu.memref_squeeze %dma_start3A_589 : memref<1x128xi32, #tpu.memory_space<vmem>> -> memref<128xi32, #tpu.memory_space<vmem>>
    %dma_start3A_591 = arith.constant 0 : i32
    %dma_start3A_592 = arith.constant 0 : i32
    %dma_start3A_593 = tpu.memref_slice %arg2[%dma_start3A_591, %dma_start3A_592] : memref<98304x64xf32, #tpu.memory_space<hbm>> -> memref<98304x64xf32, #tpu.memory_space<hbm>>
    tpu.enqueue_indirect_dma source(%dma_start3A_593 : memref<98304x64xf32, #tpu.memory_space<hbm>>) target(%dma_start3A_587 : memref<128x64xf32, #tpu.memory_space<vmem>>) offsets(%dma_start3A_590 : memref<128xi32, #tpu.memory_space<vmem>>) semaphore(%arg9 : memref<!tpu.dma_semaphore, #tpu.memory_space<semaphore_mem>>)
    %dma_start3A_594 = arith.constant 23 : i32
    %dma_start3A_595 = arith.constant 1 : i32
    %dma_start3A_596 = arith.constant 384 : i32
    %dma_start3A_597 = arith.constant 0 : i32
    %dma_start3A_598 = tpu.memref_slice %arg6[%dma_start3A_595, %dma_start3A_596, %dma_start3A_597] : memref<2x512x64xf32, #tpu.memory_space<vmem>> -> memref<1x128x64xf32, #tpu.memory_space<vmem>>
    %dma_start3A_599 = tpu.memref_squeeze %dma_start3A_598 : memref<1x128x64xf32, #tpu.memory_space<vmem>> -> memref<128x64xf32, #tpu.memory_space<vmem>>
    %dma_start3A_600 = arith.constant 0 : i32
    %dma_start3A_601 = tpu.memref_slice %arg5[%dma_start3A_594, %dma_start3A_600] : memref<24x128xi32, #tpu.memory_space<vmem>> -> memref<1x128xi32, #tpu.memory_space<vmem>>
    %dma_start3A_602 = tpu.memref_squeeze %dma_start3A_601 : memref<1x128xi32, #tpu.memory_space<vmem>> -> memref<128xi32, #tpu.memory_space<vmem>>
    %dma_start3A_603 = arith.constant 0 : i32
    %dma_start3A_604 = arith.constant 0 : i32
    %dma_start3A_605 = tpu.memref_slice %arg2[%dma_start3A_603, %dma_start3A_604] : memref<98304x64xf32, #tpu.memory_space<hbm>> -> memref<98304x64xf32, #tpu.memory_space<hbm>>
    tpu.enqueue_indirect_dma source(%dma_start3A_605 : memref<98304x64xf32, #tpu.memory_space<hbm>>) target(%dma_start3A_599 : memref<128x64xf32, #tpu.memory_space<vmem>>) offsets(%dma_start3A_602 : memref<128xi32, #tpu.memory_space<vmem>>) semaphore(%arg9 : memref<!tpu.dma_semaphore, #tpu.memory_space<semaphore_mem>>)
    %dma_wait3A_606 = arith.constant 16 : i32
    %dma_wait3A_607 = arith.constant 0 : i32
    %dma_wait3A_608 = arith.constant 0 : i32
    %dma_wait3A_609 = arith.constant 0 : i32
    %dma_wait3A_610 = tpu.memref_slice %arg6[%dma_wait3A_607, %dma_wait3A_608, %dma_wait3A_609] : memref<2x512x64xf32, #tpu.memory_space<vmem>> -> memref<1x128x64xf32, #tpu.memory_space<vmem>>
    %dma_wait3A_611 = tpu.memref_squeeze %dma_wait3A_610 : memref<1x128x64xf32, #tpu.memory_space<vmem>> -> memref<128x64xf32, #tpu.memory_space<vmem>>
    %dma_wait3A_612 = arith.constant 0 : i32
    %dma_wait3A_613 = tpu.memref_slice %arg5[%dma_wait3A_606, %dma_wait3A_612] : memref<24x128xi32, #tpu.memory_space<vmem>> -> memref<1x128xi32, #tpu.memory_space<vmem>>
    %dma_wait3A_614 = tpu.memref_squeeze %dma_wait3A_613 : memref<1x128xi32, #tpu.memory_space<vmem>> -> memref<128xi32, #tpu.memory_space<vmem>>
    %dma_wait3A_615 = arith.constant 0 : i32
    %dma_wait3A_616 = arith.constant 0 : i32
    %dma_wait3A_617 = tpu.memref_slice %arg2[%dma_wait3A_615, %dma_wait3A_616] : memref<98304x64xf32, #tpu.memory_space<hbm>> -> memref<98304x64xf32, #tpu.memory_space<hbm>>
    tpu.wait_indirect_dma semaphore(%arg8 : memref<!tpu.dma_semaphore, #tpu.memory_space<semaphore_mem>>) src(%dma_wait3A_617 : memref<98304x64xf32, #tpu.memory_space<hbm>>) dst(%dma_wait3A_611 : memref<128x64xf32, #tpu.memory_space<vmem>>)
    %dma_wait3A_618 = arith.constant 17 : i32
    %dma_wait3A_619 = arith.constant 0 : i32
    %dma_wait3A_620 = arith.constant 128 : i32
    %dma_wait3A_621 = arith.constant 0 : i32
    %dma_wait3A_622 = tpu.memref_slice %arg6[%dma_wait3A_619, %dma_wait3A_620, %dma_wait3A_621] : memref<2x512x64xf32, #tpu.memory_space<vmem>> -> memref<1x128x64xf32, #tpu.memory_space<vmem>>
    %dma_wait3A_623 = tpu.memref_squeeze %dma_wait3A_622 : memref<1x128x64xf32, #tpu.memory_space<vmem>> -> memref<128x64xf32, #tpu.memory_space<vmem>>
    %dma_wait3A_624 = arith.constant 0 : i32
    %dma_wait3A_625 = tpu.memref_slice %arg5[%dma_wait3A_618, %dma_wait3A_624] : memref<24x128xi32, #tpu.memory_space<vmem>> -> memref<1x128xi32, #tpu.memory_space<vmem>>
    %dma_wait3A_626 = tpu.memref_squeeze %dma_wait3A_625 : memref<1x128xi32, #tpu.memory_space<vmem>> -> memref<128xi32, #tpu.memory_space<vmem>>
    %dma_wait3A_627 = arith.constant 0 : i32
    %dma_wait3A_628 = arith.constant 0 : i32
    %dma_wait3A_629 = tpu.memref_slice %arg2[%dma_wait3A_627, %dma_wait3A_628] : memref<98304x64xf32, #tpu.memory_space<hbm>> -> memref<98304x64xf32, #tpu.memory_space<hbm>>
    tpu.wait_indirect_dma semaphore(%arg8 : memref<!tpu.dma_semaphore, #tpu.memory_space<semaphore_mem>>) src(%dma_wait3A_629 : memref<98304x64xf32, #tpu.memory_space<hbm>>) dst(%dma_wait3A_623 : memref<128x64xf32, #tpu.memory_space<vmem>>)
    %dma_wait3A_630 = arith.constant 18 : i32
    %dma_wait3A_631 = arith.constant 0 : i32
    %dma_wait3A_632 = arith.constant 256 : i32
    %dma_wait3A_633 = arith.constant 0 : i32
    %dma_wait3A_634 = tpu.memref_slice %arg6[%dma_wait3A_631, %dma_wait3A_632, %dma_wait3A_633] : memref<2x512x64xf32, #tpu.memory_space<vmem>> -> memref<1x128x64xf32, #tpu.memory_space<vmem>>
    %dma_wait3A_635 = tpu.memref_squeeze %dma_wait3A_634 : memref<1x128x64xf32, #tpu.memory_space<vmem>> -> memref<128x64xf32, #tpu.memory_space<vmem>>
    %dma_wait3A_636 = arith.constant 0 : i32
    %dma_wait3A_637 = tpu.memref_slice %arg5[%dma_wait3A_630, %dma_wait3A_636] : memref<24x128xi32, #tpu.memory_space<vmem>> -> memref<1x128xi32, #tpu.memory_space<vmem>>
    %dma_wait3A_638 = tpu.memref_squeeze %dma_wait3A_637 : memref<1x128xi32, #tpu.memory_space<vmem>> -> memref<128xi32, #tpu.memory_space<vmem>>
    %dma_wait3A_639 = arith.constant 0 : i32
    %dma_wait3A_640 = arith.constant 0 : i32
    %dma_wait3A_641 = tpu.memref_slice %arg2[%dma_wait3A_639, %dma_wait3A_640] : memref<98304x64xf32, #tpu.memory_space<hbm>> -> memref<98304x64xf32, #tpu.memory_space<hbm>>
    tpu.wait_indirect_dma semaphore(%arg8 : memref<!tpu.dma_semaphore, #tpu.memory_space<semaphore_mem>>) src(%dma_wait3A_641 : memref<98304x64xf32, #tpu.memory_space<hbm>>) dst(%dma_wait3A_635 : memref<128x64xf32, #tpu.memory_space<vmem>>)
    %dma_wait3A_642 = arith.constant 19 : i32
    %dma_wait3A_643 = arith.constant 0 : i32
    %dma_wait3A_644 = arith.constant 384 : i32
    %dma_wait3A_645 = arith.constant 0 : i32
    %dma_wait3A_646 = tpu.memref_slice %arg6[%dma_wait3A_643, %dma_wait3A_644, %dma_wait3A_645] : memref<2x512x64xf32, #tpu.memory_space<vmem>> -> memref<1x128x64xf32, #tpu.memory_space<vmem>>
    %dma_wait3A_647 = tpu.memref_squeeze %dma_wait3A_646 : memref<1x128x64xf32, #tpu.memory_space<vmem>> -> memref<128x64xf32, #tpu.memory_space<vmem>>
    %dma_wait3A_648 = arith.constant 0 : i32
    %dma_wait3A_649 = tpu.memref_slice %arg5[%dma_wait3A_642, %dma_wait3A_648] : memref<24x128xi32, #tpu.memory_space<vmem>> -> memref<1x128xi32, #tpu.memory_space<vmem>>
    %dma_wait3A_650 = tpu.memref_squeeze %dma_wait3A_649 : memref<1x128xi32, #tpu.memory_space<vmem>> -> memref<128xi32, #tpu.memory_space<vmem>>
    %dma_wait3A_651 = arith.constant 0 : i32
    %dma_wait3A_652 = arith.constant 0 : i32
    %dma_wait3A_653 = tpu.memref_slice %arg2[%dma_wait3A_651, %dma_wait3A_652] : memref<98304x64xf32, #tpu.memory_space<hbm>> -> memref<98304x64xf32, #tpu.memory_space<hbm>>
    tpu.wait_indirect_dma semaphore(%arg8 : memref<!tpu.dma_semaphore, #tpu.memory_space<semaphore_mem>>) src(%dma_wait3A_653 : memref<98304x64xf32, #tpu.memory_space<hbm>>) dst(%dma_wait3A_647 : memref<128x64xf32, #tpu.memory_space<vmem>>)
    %dma_wait3A_654 = arith.constant 0 : i32
    %dma_wait3A_655 = arith.constant 0 : i32
    %dma_wait3A_656 = arith.constant 0 : i32
    %dma_wait3A_657 = tpu.memref_slice %arg7[%dma_wait3A_654, %dma_wait3A_655, %dma_wait3A_656] : memref<2x128x64xf32, #tpu.memory_space<vmem>> -> memref<1x128x64xf32, #tpu.memory_space<vmem>>
    %dma_wait3A_658 = tpu.memref_squeeze %dma_wait3A_657 : memref<1x128x64xf32, #tpu.memory_space<vmem>> -> memref<128x64xf32, #tpu.memory_space<vmem>>
    %dma_wait3A_659 = arith.constant 0 : i32
    %dma_wait3A_660 = tpu.memref_slice %arg4[%mul3A_410, %dma_wait3A_659] : memref<24576x64xf32, #tpu.memory_space<hbm>> -> memref<128x64xf32, #tpu.memory_space<hbm>>
    %dma_wait3A_661 = arith.constant 0 : i32
    %dma_wait3A_662 = tpu.memref_slice %arg4[%mul3A_410, %dma_wait3A_661] : memref<24576x64xf32, #tpu.memory_space<hbm>> -> memref<128x64xf32, #tpu.memory_space<hbm>>
    %dma_wait3A_663 = arith.constant 0 : i32
    %dma_wait3A_664 = arith.constant 0 : i32
    %dma_wait3A_665 = tpu.memref_slice %arg7[%dma_wait3A_654, %dma_wait3A_663, %dma_wait3A_664] : memref<2x128x64xf32, #tpu.memory_space<vmem>> -> memref<1x128x64xf32, #tpu.memory_space<vmem>>
    %dma_wait3A_666 = tpu.memref_squeeze %dma_wait3A_665 : memref<1x128x64xf32, #tpu.memory_space<vmem>> -> memref<128x64xf32, #tpu.memory_space<vmem>>
    tpu.wait_dma2 semaphore(%arg10 : memref<!tpu.dma_semaphore, #tpu.memory_space<semaphore_mem>>) src(%dma_wait3A_666 : memref<128x64xf32, #tpu.memory_space<vmem>>) dst(%dma_wait3A_662 : memref<128x64xf32, #tpu.memory_space<hbm>>)
    %scan3A_667 = arith.constant 0 : i32
    %scan3A_668 = arith.constant 0 : i32
    %scan3A_669 = arith.constant 64 : i32
    %scan3A_670 = arith.addi %scan3A_668, %scan3A_669 : i32
    %scan3A_671 = arith.constant 1 : i32
    scf.for %scan3A_804 = %scan3A_668 to %scan3A_670 step %scan3A_671  : i32 {
      %mul3A_805 = arith.constant 2 : i32
      %mul3A_806 = arith.muli %scan3A_804, %mul3A_805 : i32
      %add3A_807 = arith.constant 0 : i32
      %add3A_808 = arith.addi %mul3A_806, %add3A_807 : i32
      %mul3A_809 = arith.constant 4 : i32
      %mul3A_810 = arith.muli %add3A_808, %mul3A_809 : i32
      %get3A = arith.constant 0 : i32
      %get3A_811 = arith.index_cast %get3A : i32 to index
      %get3A_812 = arith.index_cast %mul3A_810 : i32 to index
      %get3A_813 = arith.constant 0 : index
      %get3A_814 = tpu.vector_load %arg6[%get3A_811, %get3A_812, %get3A_813] {strides = array<i32>} : memref<2x512x64xf32, #tpu.memory_space<vmem>>, vector<1x1x16xf32>,
      %get3A_815 = vector.shape_cast %get3A_814 : vector<1x1x16xf32> to vector<16xf32>
      %mul3A_816 = arith.constant 4 : i32
      %mul3A_817 = arith.muli %add3A_808, %mul3A_816 : i32
      %add3A_818 = arith.constant 1 : i32
      %add3A_819 = arith.addi %mul3A_817, %add3A_818 : i32
      %get3A_820 = arith.constant 0 : i32
      %get3A_821 = arith.index_cast %get3A_820 : i32 to index
      %get3A_822 = arith.index_cast %add3A_819 : i32 to index
      %get3A_823 = arith.constant 0 : index
      %get3A_824 = tpu.vector_load %arg6[%get3A_821, %get3A_822, %get3A_823] {strides = array<i32>} : memref<2x512x64xf32, #tpu.memory_space<vmem>>, vector<1x1x16xf32>,
      %get3A_825 = vector.shape_cast %get3A_824 : vector<1x1x16xf32> to vector<16xf32>
      %add3A_826 = arith.addf %get3A_815, %get3A_825 : vector<16xf32>
      %mul3A_827 = arith.constant 4 : i32
      %mul3A_828 = arith.muli %add3A_808, %mul3A_827 : i32
      %add3A_829 = arith.constant 2 : i32
      %add3A_830 = arith.addi %mul3A_828, %add3A_829 : i32
      %get3A_831 = arith.constant 0 : i32
      %get3A_832 = arith.index_cast %get3A_831 : i32 to index
      %get3A_833 = arith.index_cast %add3A_830 : i32 to index
      %get3A_834 = arith.constant 0 : index
      %get3A_835 = tpu.vector_load %arg6[%get3A_832, %get3A_833, %get3A_834] {strides = array<i32>} : memref<2x512x64xf32, #tpu.memory_space<vmem>>, vector<1x1x16xf32>,
      %get3A_836 = vector.shape_cast %get3A_835 : vector<1x1x16xf32> to vector<16xf32>
      %add3A_837 = arith.addf %add3A_826, %get3A_836 : vector<16xf32>
      %mul3A_838 = arith.constant 4 : i32
      %mul3A_839 = arith.muli %add3A_808, %mul3A_838 : i32
      %add3A_840 = arith.constant 3 : i32
      %add3A_841 = arith.addi %mul3A_839, %add3A_840 : i32
      %get3A_842 = arith.constant 0 : i32
      %get3A_843 = arith.index_cast %get3A_842 : i32 to index
      %get3A_844 = arith.index_cast %add3A_841 : i32 to index
      %get3A_845 = arith.constant 0 : index
      %get3A_846 = tpu.vector_load %arg6[%get3A_843, %get3A_844, %get3A_845] {strides = array<i32>} : memref<2x512x64xf32, #tpu.memory_space<vmem>>, vector<1x1x16xf32>,
      %get3A_847 = vector.shape_cast %get3A_846 : vector<1x1x16xf32> to vector<16xf32>
      %add3A_848 = arith.addf %add3A_837, %get3A_847 : vector<16xf32>
      %swap3A = arith.constant 0 : i32
      %swap3A_849 = arith.index_cast %swap3A : i32 to index
      %swap3A_850 = arith.index_cast %add3A_808 : i32 to index
      %swap3A_851 = arith.constant 0 : index
      %swap3A_852 = tpu.vector_load %arg7[%swap3A_849, %swap3A_850, %swap3A_851] {strides = array<i32>} : memref<2x128x64xf32, #tpu.memory_space<vmem>>, vector<1x1x16xf32>,
      %swap3A_853 = vector.shape_cast %swap3A_852 : vector<1x1x16xf32> to vector<16xf32>
      %swap3A_854 = vector.shape_cast %add3A_848 : vector<16xf32> to vector<1x1x16xf32>
      tpu.vector_store %arg7[%swap3A_849, %swap3A_850, %swap3A_851], %swap3A_854 {strides = array<i32>} : memref<2x128x64xf32, #tpu.memory_space<vmem>>, vector<1x1x16xf32>,
      %mul3A_855 = arith.constant 4 : i32
      %mul3A_856 = arith.muli %add3A_808, %mul3A_855 : i32
      %get3A_857 = arith.constant 0 : i32
      %get3A_858 = arith.index_cast %get3A_857 : i32 to index
      %get3A_859 = arith.index_cast %mul3A_856 : i32 to index
      %get3A_860 = arith.constant 16 : index
      %get3A_861 = tpu.vector_load %arg6[%get3A_858, %get3A_859, %get3A_860] {strides = array<i32>} : memref<2x512x64xf32, #tpu.memory_space<vmem>>, vector<1x1x16xf32>,
      %get3A_862 = vector.shape_cast %get3A_861 : vector<1x1x16xf32> to vector<16xf32>
      %mul3A_863 = arith.constant 4 : i32
      %mul3A_864 = arith.muli %add3A_808, %mul3A_863 : i32
      %add3A_865 = arith.constant 1 : i32
      %add3A_866 = arith.addi %mul3A_864, %add3A_865 : i32
      %get3A_867 = arith.constant 0 : i32
      %get3A_868 = arith.index_cast %get3A_867 : i32 to index
      %get3A_869 = arith.index_cast %add3A_866 : i32 to index
      %get3A_870 = arith.constant 16 : index
      %get3A_871 = tpu.vector_load %arg6[%get3A_868, %get3A_869, %get3A_870] {strides = array<i32>} : memref<2x512x64xf32, #tpu.memory_space<vmem>>, vector<1x1x16xf32>,
      %get3A_872 = vector.shape_cast %get3A_871 : vector<1x1x16xf32> to vector<16xf32>
      %add3A_873 = arith.addf %get3A_862, %get3A_872 : vector<16xf32>
      %mul3A_874 = arith.constant 4 : i32
      %mul3A_875 = arith.muli %add3A_808, %mul3A_874 : i32
      %add3A_876 = arith.constant 2 : i32
      %add3A_877 = arith.addi %mul3A_875, %add3A_876 : i32
      %get3A_878 = arith.constant 0 : i32
      %get3A_879 = arith.index_cast %get3A_878 : i32 to index
      %get3A_880 = arith.index_cast %add3A_877 : i32 to index
      %get3A_881 = arith.constant 16 : index
      %get3A_882 = tpu.vector_load %arg6[%get3A_879, %get3A_880, %get3A_881] {strides = array<i32>} : memref<2x512x64xf32, #tpu.memory_space<vmem>>, vector<1x1x16xf32>,
      %get3A_883 = vector.shape_cast %get3A_882 : vector<1x1x16xf32> to vector<16xf32>
      %add3A_884 = arith.addf %add3A_873, %get3A_883 : vector<16xf32>
      %mul3A_885 = arith.constant 4 : i32
      %mul3A_886 = arith.muli %add3A_808, %mul3A_885 : i32
      %add3A_887 = arith.constant 3 : i32
      %add3A_888 = arith.addi %mul3A_886, %add3A_887 : i32
      %get3A_889 = arith.constant 0 : i32
      %get3A_890 = arith.index_cast %get3A_889 : i32 to index
      %get3A_891 = arith.index_cast %add3A_888 : i32 to index
      %get3A_892 = arith.constant 16 : index
      %get3A_893 = tpu.vector_load %arg6[%get3A_890, %get3A_891, %get3A_892] {strides = array<i32>} : memref<2x512x64xf32, #tpu.memory_space<vmem>>, vector<1x1x16xf32>,
      %get3A_894 = vector.shape_cast %get3A_893 : vector<1x1x16xf32> to vector<16xf32>
      %add3A_895 = arith.addf %add3A_884, %get3A_894 : vector<16xf32>
      %swap3A_896 = arith.constant 0 : i32
      %swap3A_897 = arith.index_cast %swap3A_896 : i32 to index
      %swap3A_898 = arith.index_cast %add3A_808 : i32 to index
      %swap3A_899 = arith.constant 16 : index
      %swap3A_900 = tpu.vector_load %arg7[%swap3A_897, %swap3A_898, %swap3A_899] {strides = array<i32>} : memref<2x128x64xf32, #tpu.memory_space<vmem>>, vector<1x1x16xf32>,
      %swap3A_901 = vector.shape_cast %swap3A_900 : vector<1x1x16xf32> to vector<16xf32>
      %swap3A_902 = vector.shape_cast %add3A_895 : vector<16xf32> to vector<1x1x16xf32>
      tpu.vector_store %arg7[%swap3A_897, %swap3A_898, %swap3A_899], %swap3A_902 {strides = array<i32>} : memref<2x128x64xf32, #tpu.memory_space<vmem>>, vector<1x1x16xf32>,
      %mul3A_903 = arith.constant 4 : i32
      %mul3A_904 = arith.muli %add3A_808, %mul3A_903 : i32
      %get3A_905 = arith.constant 0 : i32
      %get3A_906 = arith.index_cast %get3A_905 : i32 to index
      %get3A_907 = arith.index_cast %mul3A_904 : i32 to index
      %get3A_908 = arith.constant 32 : index
      %get3A_909 = tpu.vector_load %arg6[%get3A_906, %get3A_907, %get3A_908] {strides = array<i32>} : memref<2x512x64xf32, #tpu.memory_space<vmem>>, vector<1x1x16xf32>,
      %get3A_910 = vector.shape_cast %get3A_909 : vector<1x1x16xf32> to vector<16xf32>
      %mul3A_911 = arith.constant 4 : i32
      %mul3A_912 = arith.muli %add3A_808, %mul3A_911 : i32
      %add3A_913 = arith.constant 1 : i32
      %add3A_914 = arith.addi %mul3A_912, %add3A_913 : i32
      %get3A_915 = arith.constant 0 : i32
      %get3A_916 = arith.index_cast %get3A_915 : i32 to index
      %get3A_917 = arith.index_cast %add3A_914 : i32 to index
      %get3A_918 = arith.constant 32 : index
      %get3A_919 = tpu.vector_load %arg6[%get3A_916, %get3A_917, %get3A_918] {strides = array<i32>} : memref<2x512x64xf32, #tpu.memory_space<vmem>>, vector<1x1x16xf32>,
      %get3A_920 = vector.shape_cast %get3A_919 : vector<1x1x16xf32> to vector<16xf32>
      %add3A_921 = arith.addf %get3A_910, %get3A_920 : vector<16xf32>
      %mul3A_922 = arith.constant 4 : i32
      %mul3A_923 = arith.muli %add3A_808, %mul3A_922 : i32
      %add3A_924 = arith.constant 2 : i32
      %add3A_925 = arith.addi %mul3A_923, %add3A_924 : i32
      %get3A_926 = arith.constant 0 : i32
      %get3A_927 = arith.index_cast %get3A_926 : i32 to index
      %get3A_928 = arith.index_cast %add3A_925 : i32 to index
      %get3A_929 = arith.constant 32 : index
      %get3A_930 = tpu.vector_load %arg6[%get3A_927, %get3A_928, %get3A_929] {strides = array<i32>} : memref<2x512x64xf32, #tpu.memory_space<vmem>>, vector<1x1x16xf32>,
      %get3A_931 = vector.shape_cast %get3A_930 : vector<1x1x16xf32> to vector<16xf32>
      %add3A_932 = arith.addf %add3A_921, %get3A_931 : vector<16xf32>
      %mul3A_933 = arith.constant 4 : i32
      %mul3A_934 = arith.muli %add3A_808, %mul3A_933 : i32
      %add3A_935 = arith.constant 3 : i32
      %add3A_936 = arith.addi %mul3A_934, %add3A_935 : i32
      %get3A_937 = arith.constant 0 : i32
      %get3A_938 = arith.index_cast %get3A_937 : i32 to index
      %get3A_939 = arith.index_cast %add3A_936 : i32 to index
      %get3A_940 = arith.constant 32 : index
      %get3A_941 = tpu.vector_load %arg6[%get3A_938, %get3A_939, %get3A_940] {strides = array<i32>} : memref<2x512x64xf32, #tpu.memory_space<vmem>>, vector<1x1x16xf32>,
      %get3A_942 = vector.shape_cast %get3A_941 : vector<1x1x16xf32> to vector<16xf32>
      %add3A_943 = arith.addf %add3A_932, %get3A_942 : vector<16xf32>
      %swap3A_944 = arith.constant 0 : i32
      %swap3A_945 = arith.index_cast %swap3A_944 : i32 to index
      %swap3A_946 = arith.index_cast %add3A_808 : i32 to index
      %swap3A_947 = arith.constant 32 : index
      %swap3A_948 = tpu.vector_load %arg7[%swap3A_945, %swap3A_946, %swap3A_947] {strides = array<i32>} : memref<2x128x64xf32, #tpu.memory_space<vmem>>, vector<1x1x16xf32>,
      %swap3A_949 = vector.shape_cast %swap3A_948 : vector<1x1x16xf32> to vector<16xf32>
      %swap3A_950 = vector.shape_cast %add3A_943 : vector<16xf32> to vector<1x1x16xf32>
      tpu.vector_store %arg7[%swap3A_945, %swap3A_946, %swap3A_947], %swap3A_950 {strides = array<i32>} : memref<2x128x64xf32, #tpu.memory_space<vmem>>, vector<1x1x16xf32>,
      %mul3A_951 = arith.constant 4 : i32
      %mul3A_952 = arith.muli %add3A_808, %mul3A_951 : i32
      %get3A_953 = arith.constant 0 : i32
      %get3A_954 = arith.index_cast %get3A_953 : i32 to index
      %get3A_955 = arith.index_cast %mul3A_952 : i32 to index
      %get3A_956 = arith.constant 48 : index
      %get3A_957 = tpu.vector_load %arg6[%get3A_954, %get3A_955, %get3A_956] {strides = array<i32>} : memref<2x512x64xf32, #tpu.memory_space<vmem>>, vector<1x1x16xf32>,
      %get3A_958 = vector.shape_cast %get3A_957 : vector<1x1x16xf32> to vector<16xf32>
      %mul3A_959 = arith.constant 4 : i32
      %mul3A_960 = arith.muli %add3A_808, %mul3A_959 : i32
      %add3A_961 = arith.constant 1 : i32
      %add3A_962 = arith.addi %mul3A_960, %add3A_961 : i32
      %get3A_963 = arith.constant 0 : i32
      %get3A_964 = arith.index_cast %get3A_963 : i32 to index
      %get3A_965 = arith.index_cast %add3A_962 : i32 to index
      %get3A_966 = arith.constant 48 : index
      %get3A_967 = tpu.vector_load %arg6[%get3A_964, %get3A_965, %get3A_966] {strides = array<i32>} : memref<2x512x64xf32, #tpu.memory_space<vmem>>, vector<1x1x16xf32>,
      %get3A_968 = vector.shape_cast %get3A_967 : vector<1x1x16xf32> to vector<16xf32>
      %add3A_969 = arith.addf %get3A_958, %get3A_968 : vector<16xf32>
      %mul3A_970 = arith.constant 4 : i32
      %mul3A_971 = arith.muli %add3A_808, %mul3A_970 : i32
      %add3A_972 = arith.constant 2 : i32
      %add3A_973 = arith.addi %mul3A_971, %add3A_972 : i32
      %get3A_974 = arith.constant 0 : i32
      %get3A_975 = arith.index_cast %get3A_974 : i32 to index
      %get3A_976 = arith.index_cast %add3A_973 : i32 to index
      %get3A_977 = arith.constant 48 : index
      %get3A_978 = tpu.vector_load %arg6[%get3A_975, %get3A_976, %get3A_977] {strides = array<i32>} : memref<2x512x64xf32, #tpu.memory_space<vmem>>, vector<1x1x16xf32>,
      %get3A_979 = vector.shape_cast %get3A_978 : vector<1x1x16xf32> to vector<16xf32>
      %add3A_980 = arith.addf %add3A_969, %get3A_979 : vector<16xf32>
      %mul3A_981 = arith.constant 4 : i32
      %mul3A_982 = arith.muli %add3A_808, %mul3A_981 : i32
      %add3A_983 = arith.constant 3 : i32
      %add3A_984 = arith.addi %mul3A_982, %add3A_983 : i32
      %get3A_985 = arith.constant 0 : i32
      %get3A_986 = arith.index_cast %get3A_985 : i32 to index
      %get3A_987 = arith.index_cast %add3A_984 : i32 to index
      %get3A_988 = arith.constant 48 : index
      %get3A_989 = tpu.vector_load %arg6[%get3A_986, %get3A_987, %get3A_988] {strides = array<i32>} : memref<2x512x64xf32, #tpu.memory_space<vmem>>, vector<1x1x16xf32>,
      %get3A_990 = vector.shape_cast %get3A_989 : vector<1x1x16xf32> to vector<16xf32>
      %add3A_991 = arith.addf %add3A_980, %get3A_990 : vector<16xf32>
      %swap3A_992 = arith.constant 0 : i32
      %swap3A_993 = arith.index_cast %swap3A_992 : i32 to index
      %swap3A_994 = arith.index_cast %add3A_808 : i32 to index
      %swap3A_995 = arith.constant 48 : index
      %swap3A_996 = tpu.vector_load %arg7[%swap3A_993, %swap3A_994, %swap3A_995] {strides = array<i32>} : memref<2x128x64xf32, #tpu.memory_space<vmem>>, vector<1x1x16xf32>,
      %swap3A_997 = vector.shape_cast %swap3A_996 : vector<1x1x16xf32> to vector<16xf32>
      %swap3A_998 = vector.shape_cast %add3A_991 : vector<16xf32> to vector<1x1x16xf32>
      tpu.vector_store %arg7[%swap3A_993, %swap3A_994, %swap3A_995], %swap3A_998 {strides = array<i32>} : memref<2x128x64xf32, #tpu.memory_space<vmem>>, vector<1x1x16xf32>,
      %mul3A_999 = arith.constant 2 : i32
      %mul3A_1000 = arith.muli %scan3A_804, %mul3A_999 : i32
      %add3A_1001 = arith.constant 1 : i32
      %add3A_1002 = arith.addi %mul3A_1000, %add3A_1001 : i32
      %mul3A_1003 = arith.constant 4 : i32
      %mul3A_1004 = arith.muli %add3A_1002, %mul3A_1003 : i32
      %get3A_1005 = arith.constant 0 : i32
      %get3A_1006 = arith.index_cast %get3A_1005 : i32 to index
      %get3A_1007 = arith.index_cast %mul3A_1004 : i32 to index
      %get3A_1008 = arith.constant 0 : index
      %get3A_1009 = tpu.vector_load %arg6[%get3A_1006, %get3A_1007, %get3A_1008] {strides = array<i32>} : memref<2x512x64xf32, #tpu.memory_space<vmem>>, vector<1x1x16xf32>,
      %get3A_1010 = vector.shape_cast %get3A_1009 : vector<1x1x16xf32> to vector<16xf32>
      %mul3A_1011 = arith.constant 4 : i32
      %mul3A_1012 = arith.muli %add3A_1002, %mul3A_1011 : i32
      %add3A_1013 = arith.constant 1 : i32
      %add3A_1014 = arith.addi %mul3A_1012, %add3A_1013 : i32
      %get3A_1015 = arith.constant 0 : i32
      %get3A_1016 = arith.index_cast %get3A_1015 : i32 to index
      %get3A_1017 = arith.index_cast %add3A_1014 : i32 to index
      %get3A_1018 = arith.constant 0 : index
      %get3A_1019 = tpu.vector_load %arg6[%get3A_1016, %get3A_1017, %get3A_1018] {strides = array<i32>} : memref<2x512x64xf32, #tpu.memory_space<vmem>>, vector<1x1x16xf32>,
      %get3A_1020 = vector.shape_cast %get3A_1019 : vector<1x1x16xf32> to vector<16xf32>
      %add3A_1021 = arith.addf %get3A_1010, %get3A_1020 : vector<16xf32>
      %mul3A_1022 = arith.constant 4 : i32
      %mul3A_1023 = arith.muli %add3A_1002, %mul3A_1022 : i32
      %add3A_1024 = arith.constant 2 : i32
      %add3A_1025 = arith.addi %mul3A_1023, %add3A_1024 : i32
      %get3A_1026 = arith.constant 0 : i32
      %get3A_1027 = arith.index_cast %get3A_1026 : i32 to index
      %get3A_1028 = arith.index_cast %add3A_1025 : i32 to index
      %get3A_1029 = arith.constant 0 : index
      %get3A_1030 = tpu.vector_load %arg6[%get3A_1027, %get3A_1028, %get3A_1029] {strides = array<i32>} : memref<2x512x64xf32, #tpu.memory_space<vmem>>, vector<1x1x16xf32>,
      %get3A_1031 = vector.shape_cast %get3A_1030 : vector<1x1x16xf32> to vector<16xf32>
      %add3A_1032 = arith.addf %add3A_1021, %get3A_1031 : vector<16xf32>
      %mul3A_1033 = arith.constant 4 : i32
      %mul3A_1034 = arith.muli %add3A_1002, %mul3A_1033 : i32
      %add3A_1035 = arith.constant 3 : i32
      %add3A_1036 = arith.addi %mul3A_1034, %add3A_1035 : i32
      %get3A_1037 = arith.constant 0 : i32
      %get3A_1038 = arith.index_cast %get3A_1037 : i32 to index
      %get3A_1039 = arith.index_cast %add3A_1036 : i32 to index
      %get3A_1040 = arith.constant 0 : index
      %get3A_1041 = tpu.vector_load %arg6[%get3A_1038, %get3A_1039, %get3A_1040] {strides = array<i32>} : memref<2x512x64xf32, #tpu.memory_space<vmem>>, vector<1x1x16xf32>,
      %get3A_1042 = vector.shape_cast %get3A_1041 : vector<1x1x16xf32> to vector<16xf32>
      %add3A_1043 = arith.addf %add3A_1032, %get3A_1042 : vector<16xf32>
      %swap3A_1044 = arith.constant 0 : i32
      %swap3A_1045 = arith.index_cast %swap3A_1044 : i32 to index
      %swap3A_1046 = arith.index_cast %add3A_1002 : i32 to index
      %swap3A_1047 = arith.constant 0 : index
      %swap3A_1048 = tpu.vector_load %arg7[%swap3A_1045, %swap3A_1046, %swap3A_1047] {strides = array<i32>} : memref<2x128x64xf32, #tpu.memory_space<vmem>>, vector<1x1x16xf32>,
      %swap3A_1049 = vector.shape_cast %swap3A_1048 : vector<1x1x16xf32> to vector<16xf32>
      %swap3A_1050 = vector.shape_cast %add3A_1043 : vector<16xf32> to vector<1x1x16xf32>
      tpu.vector_store %arg7[%swap3A_1045, %swap3A_1046, %swap3A_1047], %swap3A_1050 {strides = array<i32>} : memref<2x128x64xf32, #tpu.memory_space<vmem>>, vector<1x1x16xf32>,
      %mul3A_1051 = arith.constant 4 : i32
      %mul3A_1052 = arith.muli %add3A_1002, %mul3A_1051 : i32
      %get3A_1053 = arith.constant 0 : i32
      %get3A_1054 = arith.index_cast %get3A_1053 : i32 to index
      %get3A_1055 = arith.index_cast %mul3A_1052 : i32 to index
      %get3A_1056 = arith.constant 16 : index
      %get3A_1057 = tpu.vector_load %arg6[%get3A_1054, %get3A_1055, %get3A_1056] {strides = array<i32>} : memref<2x512x64xf32, #tpu.memory_space<vmem>>, vector<1x1x16xf32>,
      %get3A_1058 = vector.shape_cast %get3A_1057 : vector<1x1x16xf32> to vector<16xf32>
      %mul3A_1059 = arith.constant 4 : i32
      %mul3A_1060 = arith.muli %add3A_1002, %mul3A_1059 : i32
      %add3A_1061 = arith.constant 1 : i32
      %add3A_1062 = arith.addi %mul3A_1060, %add3A_1061 : i32
      %get3A_1063 = arith.constant 0 : i32
      %get3A_1064 = arith.index_cast %get3A_1063 : i32 to index
      %get3A_1065 = arith.index_cast %add3A_1062 : i32 to index
      %get3A_1066 = arith.constant 16 : index
      %get3A_1067 = tpu.vector_load %arg6[%get3A_1064, %get3A_1065, %get3A_1066] {strides = array<i32>} : memref<2x512x64xf32, #tpu.memory_space<vmem>>, vector<1x1x16xf32>,
      %get3A_1068 = vector.shape_cast %get3A_1067 : vector<1x1x16xf32> to vector<16xf32>
      %add3A_1069 = arith.addf %get3A_1058, %get3A_1068 : vector<16xf32>
      %mul3A_1070 = arith.constant 4 : i32
      %mul3A_1071 = arith.muli %add3A_1002, %mul3A_1070 : i32
      %add3A_1072 = arith.constant 2 : i32
      %add3A_1073 = arith.addi %mul3A_1071, %add3A_1072 : i32
      %get3A_1074 = arith.constant 0 : i32
      %get3A_1075 = arith.index_cast %get3A_1074 : i32 to index
      %get3A_1076 = arith.index_cast %add3A_1073 : i32 to index
      %get3A_1077 = arith.constant 16 : index
      %get3A_1078 = tpu.vector_load %arg6[%get3A_1075, %get3A_1076, %get3A_1077] {strides = array<i32>} : memref<2x512x64xf32, #tpu.memory_space<vmem>>, vector<1x1x16xf32>,
      %get3A_1079 = vector.shape_cast %get3A_1078 : vector<1x1x16xf32> to vector<16xf32>
      %add3A_1080 = arith.addf %add3A_1069, %get3A_1079 : vector<16xf32>
      %mul3A_1081 = arith.constant 4 : i32
      %mul3A_1082 = arith.muli %add3A_1002, %mul3A_1081 : i32
      %add3A_1083 = arith.constant 3 : i32
      %add3A_1084 = arith.addi %mul3A_1082, %add3A_1083 : i32
      %get3A_1085 = arith.constant 0 : i32
      %get3A_1086 = arith.index_cast %get3A_1085 : i32 to index
      %get3A_1087 = arith.index_cast %add3A_1084 : i32 to index
      %get3A_1088 = arith.constant 16 : index
      %get3A_1089 = tpu.vector_load %arg6[%get3A_1086, %get3A_1087, %get3A_1088] {strides = array<i32>} : memref<2x512x64xf32, #tpu.memory_space<vmem>>, vector<1x1x16xf32>,
      %get3A_1090 = vector.shape_cast %get3A_1089 : vector<1x1x16xf32> to vector<16xf32>
      %add3A_1091 = arith.addf %add3A_1080, %get3A_1090 : vector<16xf32>
      %swap3A_1092 = arith.constant 0 : i32
      %swap3A_1093 = arith.index_cast %swap3A_1092 : i32 to index
      %swap3A_1094 = arith.index_cast %add3A_1002 : i32 to index
      %swap3A_1095 = arith.constant 16 : index
      %swap3A_1096 = tpu.vector_load %arg7[%swap3A_1093, %swap3A_1094, %swap3A_1095] {strides = array<i32>} : memref<2x128x64xf32, #tpu.memory_space<vmem>>, vector<1x1x16xf32>,
      %swap3A_1097 = vector.shape_cast %swap3A_1096 : vector<1x1x16xf32> to vector<16xf32>
      %swap3A_1098 = vector.shape_cast %add3A_1091 : vector<16xf32> to vector<1x1x16xf32>
      tpu.vector_store %arg7[%swap3A_1093, %swap3A_1094, %swap3A_1095], %swap3A_1098 {strides = array<i32>} : memref<2x128x64xf32, #tpu.memory_space<vmem>>, vector<1x1x16xf32>,
      %mul3A_1099 = arith.constant 4 : i32
      %mul3A_1100 = arith.muli %add3A_1002, %mul3A_1099 : i32
      %get3A_1101 = arith.constant 0 : i32
      %get3A_1102 = arith.index_cast %get3A_1101 : i32 to index
      %get3A_1103 = arith.index_cast %mul3A_1100 : i32 to index
      %get3A_1104 = arith.constant 32 : index
      %get3A_1105 = tpu.vector_load %arg6[%get3A_1102, %get3A_1103, %get3A_1104] {strides = array<i32>} : memref<2x512x64xf32, #tpu.memory_space<vmem>>, vector<1x1x16xf32>,
      %get3A_1106 = vector.shape_cast %get3A_1105 : vector<1x1x16xf32> to vector<16xf32>
      %mul3A_1107 = arith.constant 4 : i32
      %mul3A_1108 = arith.muli %add3A_1002, %mul3A_1107 : i32
      %add3A_1109 = arith.constant 1 : i32
      %add3A_1110 = arith.addi %mul3A_1108, %add3A_1109 : i32
      %get3A_1111 = arith.constant 0 : i32
      %get3A_1112 = arith.index_cast %get3A_1111 : i32 to index
      %get3A_1113 = arith.index_cast %add3A_1110 : i32 to index
      %get3A_1114 = arith.constant 32 : index
      %get3A_1115 = tpu.vector_load %arg6[%get3A_1112, %get3A_1113, %get3A_1114] {strides = array<i32>} : memref<2x512x64xf32, #tpu.memory_space<vmem>>, vector<1x1x16xf32>,
      %get3A_1116 = vector.shape_cast %get3A_1115 : vector<1x1x16xf32> to vector<16xf32>
      %add3A_1117 = arith.addf %get3A_1106, %get3A_1116 : vector<16xf32>
      %mul3A_1118 = arith.constant 4 : i32
      %mul3A_1119 = arith.muli %add3A_1002, %mul3A_1118 : i32
      %add3A_1120 = arith.constant 2 : i32
      %add3A_1121 = arith.addi %mul3A_1119, %add3A_1120 : i32
      %get3A_1122 = arith.constant 0 : i32
      %get3A_1123 = arith.index_cast %get3A_1122 : i32 to index
      %get3A_1124 = arith.index_cast %add3A_1121 : i32 to index
      %get3A_1125 = arith.constant 32 : index
      %get3A_1126 = tpu.vector_load %arg6[%get3A_1123, %get3A_1124, %get3A_1125] {strides = array<i32>} : memref<2x512x64xf32, #tpu.memory_space<vmem>>, vector<1x1x16xf32>,
      %get3A_1127 = vector.shape_cast %get3A_1126 : vector<1x1x16xf32> to vector<16xf32>
      %add3A_1128 = arith.addf %add3A_1117, %get3A_1127 : vector<16xf32>
      %mul3A_1129 = arith.constant 4 : i32
      %mul3A_1130 = arith.muli %add3A_1002, %mul3A_1129 : i32
      %add3A_1131 = arith.constant 3 : i32
      %add3A_1132 = arith.addi %mul3A_1130, %add3A_1131 : i32
      %get3A_1133 = arith.constant 0 : i32
      %get3A_1134 = arith.index_cast %get3A_1133 : i32 to index
      %get3A_1135 = arith.index_cast %add3A_1132 : i32 to index
      %get3A_1136 = arith.constant 32 : index
      %get3A_1137 = tpu.vector_load %arg6[%get3A_1134, %get3A_1135, %get3A_1136] {strides = array<i32>} : memref<2x512x64xf32, #tpu.memory_space<vmem>>, vector<1x1x16xf32>,
      %get3A_1138 = vector.shape_cast %get3A_1137 : vector<1x1x16xf32> to vector<16xf32>
      %add3A_1139 = arith.addf %add3A_1128, %get3A_1138 : vector<16xf32>
      %swap3A_1140 = arith.constant 0 : i32
      %swap3A_1141 = arith.index_cast %swap3A_1140 : i32 to index
      %swap3A_1142 = arith.index_cast %add3A_1002 : i32 to index
      %swap3A_1143 = arith.constant 32 : index
      %swap3A_1144 = tpu.vector_load %arg7[%swap3A_1141, %swap3A_1142, %swap3A_1143] {strides = array<i32>} : memref<2x128x64xf32, #tpu.memory_space<vmem>>, vector<1x1x16xf32>,
      %swap3A_1145 = vector.shape_cast %swap3A_1144 : vector<1x1x16xf32> to vector<16xf32>
      %swap3A_1146 = vector.shape_cast %add3A_1139 : vector<16xf32> to vector<1x1x16xf32>
      tpu.vector_store %arg7[%swap3A_1141, %swap3A_1142, %swap3A_1143], %swap3A_1146 {strides = array<i32>} : memref<2x128x64xf32, #tpu.memory_space<vmem>>, vector<1x1x16xf32>,
      %mul3A_1147 = arith.constant 4 : i32
      %mul3A_1148 = arith.muli %add3A_1002, %mul3A_1147 : i32
      %get3A_1149 = arith.constant 0 : i32
      %get3A_1150 = arith.index_cast %get3A_1149 : i32 to index
      %get3A_1151 = arith.index_cast %mul3A_1148 : i32 to index
      %get3A_1152 = arith.constant 48 : index
      %get3A_1153 = tpu.vector_load %arg6[%get3A_1150, %get3A_1151, %get3A_1152] {strides = array<i32>} : memref<2x512x64xf32, #tpu.memory_space<vmem>>, vector<1x1x16xf32>,
      %get3A_1154 = vector.shape_cast %get3A_1153 : vector<1x1x16xf32> to vector<16xf32>
      %mul3A_1155 = arith.constant 4 : i32
      %mul3A_1156 = arith.muli %add3A_1002, %mul3A_1155 : i32
      %add3A_1157 = arith.constant 1 : i32
      %add3A_1158 = arith.addi %mul3A_1156, %add3A_1157 : i32
      %get3A_1159 = arith.constant 0 : i32
      %get3A_1160 = arith.index_cast %get3A_1159 : i32 to index
      %get3A_1161 = arith.index_cast %add3A_1158 : i32 to index
      %get3A_1162 = arith.constant 48 : index
      %get3A_1163 = tpu.vector_load %arg6[%get3A_1160, %get3A_1161, %get3A_1162] {strides = array<i32>} : memref<2x512x64xf32, #tpu.memory_space<vmem>>, vector<1x1x16xf32>,
      %get3A_1164 = vector.shape_cast %get3A_1163 : vector<1x1x16xf32> to vector<16xf32>
      %add3A_1165 = arith.addf %get3A_1154, %get3A_1164 : vector<16xf32>
      %mul3A_1166 = arith.constant 4 : i32
      %mul3A_1167 = arith.muli %add3A_1002, %mul3A_1166 : i32
      %add3A_1168 = arith.constant 2 : i32
      %add3A_1169 = arith.addi %mul3A_1167, %add3A_1168 : i32
      %get3A_1170 = arith.constant 0 : i32
      %get3A_1171 = arith.index_cast %get3A_1170 : i32 to index
      %get3A_1172 = arith.index_cast %add3A_1169 : i32 to index
      %get3A_1173 = arith.constant 48 : index
      %get3A_1174 = tpu.vector_load %arg6[%get3A_1171, %get3A_1172, %get3A_1173] {strides = array<i32>} : memref<2x512x64xf32, #tpu.memory_space<vmem>>, vector<1x1x16xf32>,
      %get3A_1175 = vector.shape_cast %get3A_1174 : vector<1x1x16xf32> to vector<16xf32>
      %add3A_1176 = arith.addf %add3A_1165, %get3A_1175 : vector<16xf32>
      %mul3A_1177 = arith.constant 4 : i32
      %mul3A_1178 = arith.muli %add3A_1002, %mul3A_1177 : i32
      %add3A_1179 = arith.constant 3 : i32
      %add3A_1180 = arith.addi %mul3A_1178, %add3A_1179 : i32
      %get3A_1181 = arith.constant 0 : i32
      %get3A_1182 = arith.index_cast %get3A_1181 : i32 to index
      %get3A_1183 = arith.index_cast %add3A_1180 : i32 to index
      %get3A_1184 = arith.constant 48 : index
      %get3A_1185 = tpu.vector_load %arg6[%get3A_1182, %get3A_1183, %get3A_1184] {strides = array<i32>} : memref<2x512x64xf32, #tpu.memory_space<vmem>>, vector<1x1x16xf32>,
      %get3A_1186 = vector.shape_cast %get3A_1185 : vector<1x1x16xf32> to vector<16xf32>
      %add3A_1187 = arith.addf %add3A_1176, %get3A_1186 : vector<16xf32>
      %swap3A_1188 = arith.constant 0 : i32
      %swap3A_1189 = arith.index_cast %swap3A_1188 : i32 to index
      %swap3A_1190 = arith.index_cast %add3A_1002 : i32 to index
      %swap3A_1191 = arith.constant 48 : index
      %swap3A_1192 = tpu.vector_load %arg7[%swap3A_1189, %swap3A_1190, %swap3A_1191] {strides = array<i32>} : memref<2x128x64xf32, #tpu.memory_space<vmem>>, vector<1x1x16xf32>,
      %swap3A_1193 = vector.shape_cast %swap3A_1192 : vector<1x1x16xf32> to vector<16xf32>
      %swap3A_1194 = vector.shape_cast %add3A_1187 : vector<16xf32> to vector<1x1x16xf32>
      tpu.vector_store %arg7[%swap3A_1189, %swap3A_1190, %swap3A_1191], %swap3A_1194 {strides = array<i32>} : memref<2x128x64xf32, #tpu.memory_space<vmem>>, vector<1x1x16xf32>,
    }
    %scan3A_672 = arith.constant 64 : i32
    %mul3A_673 = arith.constant 6 : i32
    %mul3A_674 = arith.muli %add3A, %mul3A_673 : i32
    %add3A_675 = arith.constant 4 : i32
    %add3A_676 = arith.addi %mul3A_674, %add3A_675 : i32
    %mul3A_677 = arith.constant 128 : i32
    %mul3A_678 = arith.muli %add3A_676, %mul3A_677 : i32
    %dma_start3A_679 = arith.constant 0 : i32
    %dma_start3A_680 = arith.constant 0 : i32
    %dma_start3A_681 = arith.constant 0 : i32
    %dma_start3A_682 = tpu.memref_slice %arg7[%dma_start3A_679, %dma_start3A_680, %dma_start3A_681] : memref<2x128x64xf32, #tpu.memory_space<vmem>> -> memref<1x128x64xf32, #tpu.memory_space<vmem>>
    %dma_start3A_683 = tpu.memref_squeeze %dma_start3A_682 : memref<1x128x64xf32, #tpu.memory_space<vmem>> -> memref<128x64xf32, #tpu.memory_space<vmem>>
    %dma_start3A_684 = arith.constant 0 : i32
    %dma_start3A_685 = tpu.memref_slice %arg4[%mul3A_678, %dma_start3A_684] : memref<24576x64xf32, #tpu.memory_space<hbm>> -> memref<128x64xf32, #tpu.memory_space<hbm>>
    %dma_start3A_686 = arith.constant 0 : i32
    %dma_start3A_687 = tpu.memref_slice %arg4[%mul3A_678, %dma_start3A_686] : memref<24576x64xf32, #tpu.memory_space<hbm>> -> memref<128x64xf32, #tpu.memory_space<hbm>>
    %dma_start3A_688 = arith.constant 0 : i32
    %dma_start3A_689 = arith.constant 0 : i32
    %dma_start3A_690 = tpu.memref_slice %arg7[%dma_start3A_679, %dma_start3A_688, %dma_start3A_689] : memref<2x128x64xf32, #tpu.memory_space<vmem>> -> memref<1x128x64xf32, #tpu.memory_space<vmem>>
    %dma_start3A_691 = tpu.memref_squeeze %dma_start3A_690 : memref<1x128x64xf32, #tpu.memory_space<vmem>> -> memref<128x64xf32, #tpu.memory_space<vmem>>
    tpu.enqueue_dma source(%dma_start3A_691 : memref<128x64xf32, #tpu.memory_space<vmem>>) target(%dma_start3A_687 : memref<128x64xf32, #tpu.memory_space<hbm>>) target_semaphore(%arg10 : memref<!tpu.dma_semaphore, #tpu.memory_space<semaphore_mem>>)
    %dma_wait3A_692 = arith.constant 20 : i32
    %dma_wait3A_693 = arith.constant 1 : i32
    %dma_wait3A_694 = arith.constant 0 : i32
    %dma_wait3A_695 = arith.constant 0 : i32
    %dma_wait3A_696 = tpu.memref_slice %arg6[%dma_wait3A_693, %dma_wait3A_694, %dma_wait3A_695] : memref<2x512x64xf32, #tpu.memory_space<vmem>> -> memref<1x128x64xf32, #tpu.memory_space<vmem>>
    %dma_wait3A_697 = tpu.memref_squeeze %dma_wait3A_696 : memref<1x128x64xf32, #tpu.memory_space<vmem>> -> memref<128x64xf32, #tpu.memory_space<vmem>>
    %dma_wait3A_698 = arith.constant 0 : i32
    %dma_wait3A_699 = tpu.memref_slice %arg5[%dma_wait3A_692, %dma_wait3A_698] : memref<24x128xi32, #tpu.memory_space<vmem>> -> memref<1x128xi32, #tpu.memory_space<vmem>>
    %dma_wait3A_700 = tpu.memref_squeeze %dma_wait3A_699 : memref<1x128xi32, #tpu.memory_space<vmem>> -> memref<128xi32, #tpu.memory_space<vmem>>
    %dma_wait3A_701 = arith.constant 0 : i32
    %dma_wait3A_702 = arith.constant 0 : i32
    %dma_wait3A_703 = tpu.memref_slice %arg2[%dma_wait3A_701, %dma_wait3A_702] : memref<98304x64xf32, #tpu.memory_space<hbm>> -> memref<98304x64xf32, #tpu.memory_space<hbm>>
    tpu.wait_indirect_dma semaphore(%arg9 : memref<!tpu.dma_semaphore, #tpu.memory_space<semaphore_mem>>) src(%dma_wait3A_703 : memref<98304x64xf32, #tpu.memory_space<hbm>>) dst(%dma_wait3A_697 : memref<128x64xf32, #tpu.memory_space<vmem>>)
    %dma_wait3A_704 = arith.constant 21 : i32
    %dma_wait3A_705 = arith.constant 1 : i32
    %dma_wait3A_706 = arith.constant 128 : i32
    %dma_wait3A_707 = arith.constant 0 : i32
    %dma_wait3A_708 = tpu.memref_slice %arg6[%dma_wait3A_705, %dma_wait3A_706, %dma_wait3A_707] : memref<2x512x64xf32, #tpu.memory_space<vmem>> -> memref<1x128x64xf32, #tpu.memory_space<vmem>>
    %dma_wait3A_709 = tpu.memref_squeeze %dma_wait3A_708 : memref<1x128x64xf32, #tpu.memory_space<vmem>> -> memref<128x64xf32, #tpu.memory_space<vmem>>
    %dma_wait3A_710 = arith.constant 0 : i32
    %dma_wait3A_711 = tpu.memref_slice %arg5[%dma_wait3A_704, %dma_wait3A_710] : memref<24x128xi32, #tpu.memory_space<vmem>> -> memref<1x128xi32, #tpu.memory_space<vmem>>
    %dma_wait3A_712 = tpu.memref_squeeze %dma_wait3A_711 : memref<1x128xi32, #tpu.memory_space<vmem>> -> memref<128xi32, #tpu.memory_space<vmem>>
    %dma_wait3A_713 = arith.constant 0 : i32
    %dma_wait3A_714 = arith.constant 0 : i32
    %dma_wait3A_715 = tpu.memref_slice %arg2[%dma_wait3A_713, %dma_wait3A_714] : memref<98304x64xf32, #tpu.memory_space<hbm>> -> memref<98304x64xf32, #tpu.memory_space<hbm>>
    tpu.wait_indirect_dma semaphore(%arg9 : memref<!tpu.dma_semaphore, #tpu.memory_space<semaphore_mem>>) src(%dma_wait3A_715 : memref<98304x64xf32, #tpu.memory_space<hbm>>) dst(%dma_wait3A_709 : memref<128x64xf32, #tpu.memory_space<vmem>>)
    %dma_wait3A_716 = arith.constant 22 : i32
    %dma_wait3A_717 = arith.constant 1 : i32
    %dma_wait3A_718 = arith.constant 256 : i32
    %dma_wait3A_719 = arith.constant 0 : i32
    %dma_wait3A_720 = tpu.memref_slice %arg6[%dma_wait3A_717, %dma_wait3A_718, %dma_wait3A_719] : memref<2x512x64xf32, #tpu.memory_space<vmem>> -> memref<1x128x64xf32, #tpu.memory_space<vmem>>
    %dma_wait3A_721 = tpu.memref_squeeze %dma_wait3A_720 : memref<1x128x64xf32, #tpu.memory_space<vmem>> -> memref<128x64xf32, #tpu.memory_space<vmem>>
    %dma_wait3A_722 = arith.constant 0 : i32
    %dma_wait3A_723 = tpu.memref_slice %arg5[%dma_wait3A_716, %dma_wait3A_722] : memref<24x128xi32, #tpu.memory_space<vmem>> -> memref<1x128xi32, #tpu.memory_space<vmem>>
    %dma_wait3A_724 = tpu.memref_squeeze %dma_wait3A_723 : memref<1x128xi32, #tpu.memory_space<vmem>> -> memref<128xi32, #tpu.memory_space<vmem>>
    %dma_wait3A_725 = arith.constant 0 : i32
    %dma_wait3A_726 = arith.constant 0 : i32
    %dma_wait3A_727 = tpu.memref_slice %arg2[%dma_wait3A_725, %dma_wait3A_726] : memref<98304x64xf32, #tpu.memory_space<hbm>> -> memref<98304x64xf32, #tpu.memory_space<hbm>>
    tpu.wait_indirect_dma semaphore(%arg9 : memref<!tpu.dma_semaphore, #tpu.memory_space<semaphore_mem>>) src(%dma_wait3A_727 : memref<98304x64xf32, #tpu.memory_space<hbm>>) dst(%dma_wait3A_721 : memref<128x64xf32, #tpu.memory_space<vmem>>)
    %dma_wait3A_728 = arith.constant 23 : i32
    %dma_wait3A_729 = arith.constant 1 : i32
    %dma_wait3A_730 = arith.constant 384 : i32
    %dma_wait3A_731 = arith.constant 0 : i32
    %dma_wait3A_732 = tpu.memref_slice %arg6[%dma_wait3A_729, %dma_wait3A_730, %dma_wait3A_731] : memref<2x512x64xf32, #tpu.memory_space<vmem>> -> memref<1x128x64xf32, #tpu.memory_space<vmem>>
    %dma_wait3A_733 = tpu.memref_squeeze %dma_wait3A_732 : memref<1x128x64xf32, #tpu.memory_space<vmem>> -> memref<128x64xf32, #tpu.memory_space<vmem>>
    %dma_wait3A_734 = arith.constant 0 : i32
    %dma_wait3A_735 = tpu.memref_slice %arg5[%dma_wait3A_728, %dma_wait3A_734] : memref<24x128xi32, #tpu.memory_space<vmem>> -> memref<1x128xi32, #tpu.memory_space<vmem>>
    %dma_wait3A_736 = tpu.memref_squeeze %dma_wait3A_735 : memref<1x128xi32, #tpu.memory_space<vmem>> -> memref<128xi32, #tpu.memory_space<vmem>>
    %dma_wait3A_737 = arith.constant 0 : i32
    %dma_wait3A_738 = arith.constant 0 : i32
    %dma_wait3A_739 = tpu.memref_slice %arg2[%dma_wait3A_737, %dma_wait3A_738] : memref<98304x64xf32, #tpu.memory_space<hbm>> -> memref<98304x64xf32, #tpu.memory_space<hbm>>
    tpu.wait_indirect_dma semaphore(%arg9 : memref<!tpu.dma_semaphore, #tpu.memory_space<semaphore_mem>>) src(%dma_wait3A_739 : memref<98304x64xf32, #tpu.memory_space<hbm>>) dst(%dma_wait3A_733 : memref<128x64xf32, #tpu.memory_space<vmem>>)
    %dma_wait3A_740 = arith.constant 1 : i32
    %dma_wait3A_741 = arith.constant 0 : i32
    %dma_wait3A_742 = arith.constant 0 : i32
    %dma_wait3A_743 = tpu.memref_slice %arg7[%dma_wait3A_740, %dma_wait3A_741, %dma_wait3A_742] : memref<2x128x64xf32, #tpu.memory_space<vmem>> -> memref<1x128x64xf32, #tpu.memory_space<vmem>>
    %dma_wait3A_744 = tpu.memref_squeeze %dma_wait3A_743 : memref<1x128x64xf32, #tpu.memory_space<vmem>> -> memref<128x64xf32, #tpu.memory_space<vmem>>
    %dma_wait3A_745 = arith.constant 0 : i32
    %dma_wait3A_746 = tpu.memref_slice %arg4[%mul3A_544, %dma_wait3A_745] : memref<24576x64xf32, #tpu.memory_space<hbm>> -> memref<128x64xf32, #tpu.memory_space<hbm>>
    %dma_wait3A_747 = arith.constant 0 : i32
    %dma_wait3A_748 = tpu.memref_slice %arg4[%mul3A_544, %dma_wait3A_747] : memref<24576x64xf32, #tpu.memory_space<hbm>> -> memref<128x64xf32, #tpu.memory_space<hbm>>
    %dma_wait3A_749 = arith.constant 0 : i32
    %dma_wait3A_750 = arith.constant 0 : i32
    %dma_wait3A_751 = tpu.memref_slice %arg7[%dma_wait3A_740, %dma_wait3A_749, %dma_wait3A_750] : memref<2x128x64xf32, #tpu.memory_space<vmem>> -> memref<1x128x64xf32, #tpu.memory_space<vmem>>
    %dma_wait3A_752 = tpu.memref_squeeze %dma_wait3A_751 : memref<1x128x64xf32, #tpu.memory_space<vmem>> -> memref<128x64xf32, #tpu.memory_space<vmem>>
    tpu.wait_dma2 semaphore(%arg10 : memref<!tpu.dma_semaphore, #tpu.memory_space<semaphore_mem>>) src(%dma_wait3A_752 : memref<128x64xf32, #tpu.memory_space<vmem>>) dst(%dma_wait3A_748 : memref<128x64xf32, #tpu.memory_space<hbm>>)
    %scan3A_753 = arith.constant 0 : i32
    %scan3A_754 = arith.constant 0 : i32
    %scan3A_755 = arith.constant 64 : i32
    %scan3A_756 = arith.addi %scan3A_754, %scan3A_755 : i32
    %scan3A_757 = arith.constant 1 : i32
    scf.for %scan3A_804 = %scan3A_754 to %scan3A_756 step %scan3A_757  : i32 {
      %mul3A_805 = arith.constant 2 : i32
      %mul3A_806 = arith.muli %scan3A_804, %mul3A_805 : i32
      %add3A_807 = arith.constant 0 : i32
      %add3A_808 = arith.addi %mul3A_806, %add3A_807 : i32
      %mul3A_809 = arith.constant 4 : i32
      %mul3A_810 = arith.muli %add3A_808, %mul3A_809 : i32
      %get3A = arith.constant 1 : i32
      %get3A_811 = arith.index_cast %get3A : i32 to index
      %get3A_812 = arith.index_cast %mul3A_810 : i32 to index
      %get3A_813 = arith.constant 0 : index
      %get3A_814 = tpu.vector_load %arg6[%get3A_811, %get3A_812, %get3A_813] {strides = array<i32>} : memref<2x512x64xf32, #tpu.memory_space<vmem>>, vector<1x1x16xf32>,
      %get3A_815 = vector.shape_cast %get3A_814 : vector<1x1x16xf32> to vector<16xf32>
      %mul3A_816 = arith.constant 4 : i32
      %mul3A_817 = arith.muli %add3A_808, %mul3A_816 : i32
      %add3A_818 = arith.constant 1 : i32
      %add3A_819 = arith.addi %mul3A_817, %add3A_818 : i32
      %get3A_820 = arith.constant 1 : i32
      %get3A_821 = arith.index_cast %get3A_820 : i32 to index
      %get3A_822 = arith.index_cast %add3A_819 : i32 to index
      %get3A_823 = arith.constant 0 : index
      %get3A_824 = tpu.vector_load %arg6[%get3A_821, %get3A_822, %get3A_823] {strides = array<i32>} : memref<2x512x64xf32, #tpu.memory_space<vmem>>, vector<1x1x16xf32>,
      %get3A_825 = vector.shape_cast %get3A_824 : vector<1x1x16xf32> to vector<16xf32>
      %add3A_826 = arith.addf %get3A_815, %get3A_825 : vector<16xf32>
      %mul3A_827 = arith.constant 4 : i32
      %mul3A_828 = arith.muli %add3A_808, %mul3A_827 : i32
      %add3A_829 = arith.constant 2 : i32
      %add3A_830 = arith.addi %mul3A_828, %add3A_829 : i32
      %get3A_831 = arith.constant 1 : i32
      %get3A_832 = arith.index_cast %get3A_831 : i32 to index
      %get3A_833 = arith.index_cast %add3A_830 : i32 to index
      %get3A_834 = arith.constant 0 : index
      %get3A_835 = tpu.vector_load %arg6[%get3A_832, %get3A_833, %get3A_834] {strides = array<i32>} : memref<2x512x64xf32, #tpu.memory_space<vmem>>, vector<1x1x16xf32>,
      %get3A_836 = vector.shape_cast %get3A_835 : vector<1x1x16xf32> to vector<16xf32>
      %add3A_837 = arith.addf %add3A_826, %get3A_836 : vector<16xf32>
      %mul3A_838 = arith.constant 4 : i32
      %mul3A_839 = arith.muli %add3A_808, %mul3A_838 : i32
      %add3A_840 = arith.constant 3 : i32
      %add3A_841 = arith.addi %mul3A_839, %add3A_840 : i32
      %get3A_842 = arith.constant 1 : i32
      %get3A_843 = arith.index_cast %get3A_842 : i32 to index
      %get3A_844 = arith.index_cast %add3A_841 : i32 to index
      %get3A_845 = arith.constant 0 : index
      %get3A_846 = tpu.vector_load %arg6[%get3A_843, %get3A_844, %get3A_845] {strides = array<i32>} : memref<2x512x64xf32, #tpu.memory_space<vmem>>, vector<1x1x16xf32>,
      %get3A_847 = vector.shape_cast %get3A_846 : vector<1x1x16xf32> to vector<16xf32>
      %add3A_848 = arith.addf %add3A_837, %get3A_847 : vector<16xf32>
      %swap3A = arith.constant 1 : i32
      %swap3A_849 = arith.index_cast %swap3A : i32 to index
      %swap3A_850 = arith.index_cast %add3A_808 : i32 to index
      %swap3A_851 = arith.constant 0 : index
      %swap3A_852 = tpu.vector_load %arg7[%swap3A_849, %swap3A_850, %swap3A_851] {strides = array<i32>} : memref<2x128x64xf32, #tpu.memory_space<vmem>>, vector<1x1x16xf32>,
      %swap3A_853 = vector.shape_cast %swap3A_852 : vector<1x1x16xf32> to vector<16xf32>
      %swap3A_854 = vector.shape_cast %add3A_848 : vector<16xf32> to vector<1x1x16xf32>
      tpu.vector_store %arg7[%swap3A_849, %swap3A_850, %swap3A_851], %swap3A_854 {strides = array<i32>} : memref<2x128x64xf32, #tpu.memory_space<vmem>>, vector<1x1x16xf32>,
      %mul3A_855 = arith.constant 4 : i32
      %mul3A_856 = arith.muli %add3A_808, %mul3A_855 : i32
      %get3A_857 = arith.constant 1 : i32
      %get3A_858 = arith.index_cast %get3A_857 : i32 to index
      %get3A_859 = arith.index_cast %mul3A_856 : i32 to index
      %get3A_860 = arith.constant 16 : index
      %get3A_861 = tpu.vector_load %arg6[%get3A_858, %get3A_859, %get3A_860] {strides = array<i32>} : memref<2x512x64xf32, #tpu.memory_space<vmem>>, vector<1x1x16xf32>,
      %get3A_862 = vector.shape_cast %get3A_861 : vector<1x1x16xf32> to vector<16xf32>
      %mul3A_863 = arith.constant 4 : i32
      %mul3A_864 = arith.muli %add3A_808, %mul3A_863 : i32
      %add3A_865 = arith.constant 1 : i32
      %add3A_866 = arith.addi %mul3A_864, %add3A_865 : i32
      %get3A_867 = arith.constant 1 : i32
      %get3A_868 = arith.index_cast %get3A_867 : i32 to index
      %get3A_869 = arith.index_cast %add3A_866 : i32 to index
      %get3A_870 = arith.constant 16 : index
      %get3A_871 = tpu.vector_load %arg6[%get3A_868, %get3A_869, %get3A_870] {strides = array<i32>} : memref<2x512x64xf32, #tpu.memory_space<vmem>>, vector<1x1x16xf32>,
      %get3A_872 = vector.shape_cast %get3A_871 : vector<1x1x16xf32> to vector<16xf32>
      %add3A_873 = arith.addf %get3A_862, %get3A_872 : vector<16xf32>
      %mul3A_874 = arith.constant 4 : i32
      %mul3A_875 = arith.muli %add3A_808, %mul3A_874 : i32
      %add3A_876 = arith.constant 2 : i32
      %add3A_877 = arith.addi %mul3A_875, %add3A_876 : i32
      %get3A_878 = arith.constant 1 : i32
      %get3A_879 = arith.index_cast %get3A_878 : i32 to index
      %get3A_880 = arith.index_cast %add3A_877 : i32 to index
      %get3A_881 = arith.constant 16 : index
      %get3A_882 = tpu.vector_load %arg6[%get3A_879, %get3A_880, %get3A_881] {strides = array<i32>} : memref<2x512x64xf32, #tpu.memory_space<vmem>>, vector<1x1x16xf32>,
      %get3A_883 = vector.shape_cast %get3A_882 : vector<1x1x16xf32> to vector<16xf32>
      %add3A_884 = arith.addf %add3A_873, %get3A_883 : vector<16xf32>
      %mul3A_885 = arith.constant 4 : i32
      %mul3A_886 = arith.muli %add3A_808, %mul3A_885 : i32
      %add3A_887 = arith.constant 3 : i32
      %add3A_888 = arith.addi %mul3A_886, %add3A_887 : i32
      %get3A_889 = arith.constant 1 : i32
      %get3A_890 = arith.index_cast %get3A_889 : i32 to index
      %get3A_891 = arith.index_cast %add3A_888 : i32 to index
      %get3A_892 = arith.constant 16 : index
      %get3A_893 = tpu.vector_load %arg6[%get3A_890, %get3A_891, %get3A_892] {strides = array<i32>} : memref<2x512x64xf32, #tpu.memory_space<vmem>>, vector<1x1x16xf32>,
      %get3A_894 = vector.shape_cast %get3A_893 : vector<1x1x16xf32> to vector<16xf32>
      %add3A_895 = arith.addf %add3A_884, %get3A_894 : vector<16xf32>
      %swap3A_896 = arith.constant 1 : i32
      %swap3A_897 = arith.index_cast %swap3A_896 : i32 to index
      %swap3A_898 = arith.index_cast %add3A_808 : i32 to index
      %swap3A_899 = arith.constant 16 : index
      %swap3A_900 = tpu.vector_load %arg7[%swap3A_897, %swap3A_898, %swap3A_899] {strides = array<i32>} : memref<2x128x64xf32, #tpu.memory_space<vmem>>, vector<1x1x16xf32>,
      %swap3A_901 = vector.shape_cast %swap3A_900 : vector<1x1x16xf32> to vector<16xf32>
      %swap3A_902 = vector.shape_cast %add3A_895 : vector<16xf32> to vector<1x1x16xf32>
      tpu.vector_store %arg7[%swap3A_897, %swap3A_898, %swap3A_899], %swap3A_902 {strides = array<i32>} : memref<2x128x64xf32, #tpu.memory_space<vmem>>, vector<1x1x16xf32>,
      %mul3A_903 = arith.constant 4 : i32
      %mul3A_904 = arith.muli %add3A_808, %mul3A_903 : i32
      %get3A_905 = arith.constant 1 : i32
      %get3A_906 = arith.index_cast %get3A_905 : i32 to index
      %get3A_907 = arith.index_cast %mul3A_904 : i32 to index
      %get3A_908 = arith.constant 32 : index
      %get3A_909 = tpu.vector_load %arg6[%get3A_906, %get3A_907, %get3A_908] {strides = array<i32>} : memref<2x512x64xf32, #tpu.memory_space<vmem>>, vector<1x1x16xf32>,
      %get3A_910 = vector.shape_cast %get3A_909 : vector<1x1x16xf32> to vector<16xf32>
      %mul3A_911 = arith.constant 4 : i32
      %mul3A_912 = arith.muli %add3A_808, %mul3A_911 : i32
      %add3A_913 = arith.constant 1 : i32
      %add3A_914 = arith.addi %mul3A_912, %add3A_913 : i32
      %get3A_915 = arith.constant 1 : i32
      %get3A_916 = arith.index_cast %get3A_915 : i32 to index
      %get3A_917 = arith.index_cast %add3A_914 : i32 to index
      %get3A_918 = arith.constant 32 : index
      %get3A_919 = tpu.vector_load %arg6[%get3A_916, %get3A_917, %get3A_918] {strides = array<i32>} : memref<2x512x64xf32, #tpu.memory_space<vmem>>, vector<1x1x16xf32>,
      %get3A_920 = vector.shape_cast %get3A_919 : vector<1x1x16xf32> to vector<16xf32>
      %add3A_921 = arith.addf %get3A_910, %get3A_920 : vector<16xf32>
      %mul3A_922 = arith.constant 4 : i32
      %mul3A_923 = arith.muli %add3A_808, %mul3A_922 : i32
      %add3A_924 = arith.constant 2 : i32
      %add3A_925 = arith.addi %mul3A_923, %add3A_924 : i32
      %get3A_926 = arith.constant 1 : i32
      %get3A_927 = arith.index_cast %get3A_926 : i32 to index
      %get3A_928 = arith.index_cast %add3A_925 : i32 to index
      %get3A_929 = arith.constant 32 : index
      %get3A_930 = tpu.vector_load %arg6[%get3A_927, %get3A_928, %get3A_929] {strides = array<i32>} : memref<2x512x64xf32, #tpu.memory_space<vmem>>, vector<1x1x16xf32>,
      %get3A_931 = vector.shape_cast %get3A_930 : vector<1x1x16xf32> to vector<16xf32>
      %add3A_932 = arith.addf %add3A_921, %get3A_931 : vector<16xf32>
      %mul3A_933 = arith.constant 4 : i32
      %mul3A_934 = arith.muli %add3A_808, %mul3A_933 : i32
      %add3A_935 = arith.constant 3 : i32
      %add3A_936 = arith.addi %mul3A_934, %add3A_935 : i32
      %get3A_937 = arith.constant 1 : i32
      %get3A_938 = arith.index_cast %get3A_937 : i32 to index
      %get3A_939 = arith.index_cast %add3A_936 : i32 to index
      %get3A_940 = arith.constant 32 : index
      %get3A_941 = tpu.vector_load %arg6[%get3A_938, %get3A_939, %get3A_940] {strides = array<i32>} : memref<2x512x64xf32, #tpu.memory_space<vmem>>, vector<1x1x16xf32>,
      %get3A_942 = vector.shape_cast %get3A_941 : vector<1x1x16xf32> to vector<16xf32>
      %add3A_943 = arith.addf %add3A_932, %get3A_942 : vector<16xf32>
      %swap3A_944 = arith.constant 1 : i32
      %swap3A_945 = arith.index_cast %swap3A_944 : i32 to index
      %swap3A_946 = arith.index_cast %add3A_808 : i32 to index
      %swap3A_947 = arith.constant 32 : index
      %swap3A_948 = tpu.vector_load %arg7[%swap3A_945, %swap3A_946, %swap3A_947] {strides = array<i32>} : memref<2x128x64xf32, #tpu.memory_space<vmem>>, vector<1x1x16xf32>,
      %swap3A_949 = vector.shape_cast %swap3A_948 : vector<1x1x16xf32> to vector<16xf32>
      %swap3A_950 = vector.shape_cast %add3A_943 : vector<16xf32> to vector<1x1x16xf32>
      tpu.vector_store %arg7[%swap3A_945, %swap3A_946, %swap3A_947], %swap3A_950 {strides = array<i32>} : memref<2x128x64xf32, #tpu.memory_space<vmem>>, vector<1x1x16xf32>,
      %mul3A_951 = arith.constant 4 : i32
      %mul3A_952 = arith.muli %add3A_808, %mul3A_951 : i32
      %get3A_953 = arith.constant 1 : i32
      %get3A_954 = arith.index_cast %get3A_953 : i32 to index
      %get3A_955 = arith.index_cast %mul3A_952 : i32 to index
      %get3A_956 = arith.constant 48 : index
      %get3A_957 = tpu.vector_load %arg6[%get3A_954, %get3A_955, %get3A_956] {strides = array<i32>} : memref<2x512x64xf32, #tpu.memory_space<vmem>>, vector<1x1x16xf32>,
      %get3A_958 = vector.shape_cast %get3A_957 : vector<1x1x16xf32> to vector<16xf32>
      %mul3A_959 = arith.constant 4 : i32
      %mul3A_960 = arith.muli %add3A_808, %mul3A_959 : i32
      %add3A_961 = arith.constant 1 : i32
      %add3A_962 = arith.addi %mul3A_960, %add3A_961 : i32
      %get3A_963 = arith.constant 1 : i32
      %get3A_964 = arith.index_cast %get3A_963 : i32 to index
      %get3A_965 = arith.index_cast %add3A_962 : i32 to index
      %get3A_966 = arith.constant 48 : index
      %get3A_967 = tpu.vector_load %arg6[%get3A_964, %get3A_965, %get3A_966] {strides = array<i32>} : memref<2x512x64xf32, #tpu.memory_space<vmem>>, vector<1x1x16xf32>,
      %get3A_968 = vector.shape_cast %get3A_967 : vector<1x1x16xf32> to vector<16xf32>
      %add3A_969 = arith.addf %get3A_958, %get3A_968 : vector<16xf32>
      %mul3A_970 = arith.constant 4 : i32
      %mul3A_971 = arith.muli %add3A_808, %mul3A_970 : i32
      %add3A_972 = arith.constant 2 : i32
      %add3A_973 = arith.addi %mul3A_971, %add3A_972 : i32
      %get3A_974 = arith.constant 1 : i32
      %get3A_975 = arith.index_cast %get3A_974 : i32 to index
      %get3A_976 = arith.index_cast %add3A_973 : i32 to index
      %get3A_977 = arith.constant 48 : index
      %get3A_978 = tpu.vector_load %arg6[%get3A_975, %get3A_976, %get3A_977] {strides = array<i32>} : memref<2x512x64xf32, #tpu.memory_space<vmem>>, vector<1x1x16xf32>,
      %get3A_979 = vector.shape_cast %get3A_978 : vector<1x1x16xf32> to vector<16xf32>
      %add3A_980 = arith.addf %add3A_969, %get3A_979 : vector<16xf32>
      %mul3A_981 = arith.constant 4 : i32
      %mul3A_982 = arith.muli %add3A_808, %mul3A_981 : i32
      %add3A_983 = arith.constant 3 : i32
      %add3A_984 = arith.addi %mul3A_982, %add3A_983 : i32
      %get3A_985 = arith.constant 1 : i32
      %get3A_986 = arith.index_cast %get3A_985 : i32 to index
      %get3A_987 = arith.index_cast %add3A_984 : i32 to index
      %get3A_988 = arith.constant 48 : index
      %get3A_989 = tpu.vector_load %arg6[%get3A_986, %get3A_987, %get3A_988] {strides = array<i32>} : memref<2x512x64xf32, #tpu.memory_space<vmem>>, vector<1x1x16xf32>,
      %get3A_990 = vector.shape_cast %get3A_989 : vector<1x1x16xf32> to vector<16xf32>
      %add3A_991 = arith.addf %add3A_980, %get3A_990 : vector<16xf32>
      %swap3A_992 = arith.constant 1 : i32
      %swap3A_993 = arith.index_cast %swap3A_992 : i32 to index
      %swap3A_994 = arith.index_cast %add3A_808 : i32 to index
      %swap3A_995 = arith.constant 48 : index
      %swap3A_996 = tpu.vector_load %arg7[%swap3A_993, %swap3A_994, %swap3A_995] {strides = array<i32>} : memref<2x128x64xf32, #tpu.memory_space<vmem>>, vector<1x1x16xf32>,
      %swap3A_997 = vector.shape_cast %swap3A_996 : vector<1x1x16xf32> to vector<16xf32>
      %swap3A_998 = vector.shape_cast %add3A_991 : vector<16xf32> to vector<1x1x16xf32>
      tpu.vector_store %arg7[%swap3A_993, %swap3A_994, %swap3A_995], %swap3A_998 {strides = array<i32>} : memref<2x128x64xf32, #tpu.memory_space<vmem>>, vector<1x1x16xf32>,
      %mul3A_999 = arith.constant 2 : i32
      %mul3A_1000 = arith.muli %scan3A_804, %mul3A_999 : i32
      %add3A_1001 = arith.constant 1 : i32
      %add3A_1002 = arith.addi %mul3A_1000, %add3A_1001 : i32
      %mul3A_1003 = arith.constant 4 : i32
      %mul3A_1004 = arith.muli %add3A_1002, %mul3A_1003 : i32
      %get3A_1005 = arith.constant 1 : i32
      %get3A_1006 = arith.index_cast %get3A_1005 : i32 to index
      %get3A_1007 = arith.index_cast %mul3A_1004 : i32 to index
      %get3A_1008 = arith.constant 0 : index
      %get3A_1009 = tpu.vector_load %arg6[%get3A_1006, %get3A_1007, %get3A_1008] {strides = array<i32>} : memref<2x512x64xf32, #tpu.memory_space<vmem>>, vector<1x1x16xf32>,
      %get3A_1010 = vector.shape_cast %get3A_1009 : vector<1x1x16xf32> to vector<16xf32>
      %mul3A_1011 = arith.constant 4 : i32
      %mul3A_1012 = arith.muli %add3A_1002, %mul3A_1011 : i32
      %add3A_1013 = arith.constant 1 : i32
      %add3A_1014 = arith.addi %mul3A_1012, %add3A_1013 : i32
      %get3A_1015 = arith.constant 1 : i32
      %get3A_1016 = arith.index_cast %get3A_1015 : i32 to index
      %get3A_1017 = arith.index_cast %add3A_1014 : i32 to index
      %get3A_1018 = arith.constant 0 : index
      %get3A_1019 = tpu.vector_load %arg6[%get3A_1016, %get3A_1017, %get3A_1018] {strides = array<i32>} : memref<2x512x64xf32, #tpu.memory_space<vmem>>, vector<1x1x16xf32>,
      %get3A_1020 = vector.shape_cast %get3A_1019 : vector<1x1x16xf32> to vector<16xf32>
      %add3A_1021 = arith.addf %get3A_1010, %get3A_1020 : vector<16xf32>
      %mul3A_1022 = arith.constant 4 : i32
      %mul3A_1023 = arith.muli %add3A_1002, %mul3A_1022 : i32
      %add3A_1024 = arith.constant 2 : i32
      %add3A_1025 = arith.addi %mul3A_1023, %add3A_1024 : i32
      %get3A_1026 = arith.constant 1 : i32
      %get3A_1027 = arith.index_cast %get3A_1026 : i32 to index
      %get3A_1028 = arith.index_cast %add3A_1025 : i32 to index
      %get3A_1029 = arith.constant 0 : index
      %get3A_1030 = tpu.vector_load %arg6[%get3A_1027, %get3A_1028, %get3A_1029] {strides = array<i32>} : memref<2x512x64xf32, #tpu.memory_space<vmem>>, vector<1x1x16xf32>,
      %get3A_1031 = vector.shape_cast %get3A_1030 : vector<1x1x16xf32> to vector<16xf32>
      %add3A_1032 = arith.addf %add3A_1021, %get3A_1031 : vector<16xf32>
      %mul3A_1033 = arith.constant 4 : i32
      %mul3A_1034 = arith.muli %add3A_1002, %mul3A_1033 : i32
      %add3A_1035 = arith.constant 3 : i32
      %add3A_1036 = arith.addi %mul3A_1034, %add3A_1035 : i32
      %get3A_1037 = arith.constant 1 : i32
      %get3A_1038 = arith.index_cast %get3A_1037 : i32 to index
      %get3A_1039 = arith.index_cast %add3A_1036 : i32 to index
      %get3A_1040 = arith.constant 0 : index
      %get3A_1041 = tpu.vector_load %arg6[%get3A_1038, %get3A_1039, %get3A_1040] {strides = array<i32>} : memref<2x512x64xf32, #tpu.memory_space<vmem>>, vector<1x1x16xf32>,
      %get3A_1042 = vector.shape_cast %get3A_1041 : vector<1x1x16xf32> to vector<16xf32>
      %add3A_1043 = arith.addf %add3A_1032, %get3A_1042 : vector<16xf32>
      %swap3A_1044 = arith.constant 1 : i32
      %swap3A_1045 = arith.index_cast %swap3A_1044 : i32 to index
      %swap3A_1046 = arith.index_cast %add3A_1002 : i32 to index
      %swap3A_1047 = arith.constant 0 : index
      %swap3A_1048 = tpu.vector_load %arg7[%swap3A_1045, %swap3A_1046, %swap3A_1047] {strides = array<i32>} : memref<2x128x64xf32, #tpu.memory_space<vmem>>, vector<1x1x16xf32>,
      %swap3A_1049 = vector.shape_cast %swap3A_1048 : vector<1x1x16xf32> to vector<16xf32>
      %swap3A_1050 = vector.shape_cast %add3A_1043 : vector<16xf32> to vector<1x1x16xf32>
      tpu.vector_store %arg7[%swap3A_1045, %swap3A_1046, %swap3A_1047], %swap3A_1050 {strides = array<i32>} : memref<2x128x64xf32, #tpu.memory_space<vmem>>, vector<1x1x16xf32>,
      %mul3A_1051 = arith.constant 4 : i32
      %mul3A_1052 = arith.muli %add3A_1002, %mul3A_1051 : i32
      %get3A_1053 = arith.constant 1 : i32
      %get3A_1054 = arith.index_cast %get3A_1053 : i32 to index
      %get3A_1055 = arith.index_cast %mul3A_1052 : i32 to index
      %get3A_1056 = arith.constant 16 : index
      %get3A_1057 = tpu.vector_load %arg6[%get3A_1054, %get3A_1055, %get3A_1056] {strides = array<i32>} : memref<2x512x64xf32, #tpu.memory_space<vmem>>, vector<1x1x16xf32>,
      %get3A_1058 = vector.shape_cast %get3A_1057 : vector<1x1x16xf32> to vector<16xf32>
      %mul3A_1059 = arith.constant 4 : i32
      %mul3A_1060 = arith.muli %add3A_1002, %mul3A_1059 : i32
      %add3A_1061 = arith.constant 1 : i32
      %add3A_1062 = arith.addi %mul3A_1060, %add3A_1061 : i32
      %get3A_1063 = arith.constant 1 : i32
      %get3A_1064 = arith.index_cast %get3A_1063 : i32 to index
      %get3A_1065 = arith.index_cast %add3A_1062 : i32 to index
      %get3A_1066 = arith.constant 16 : index
      %get3A_1067 = tpu.vector_load %arg6[%get3A_1064, %get3A_1065, %get3A_1066] {strides = array<i32>} : memref<2x512x64xf32, #tpu.memory_space<vmem>>, vector<1x1x16xf32>,
      %get3A_1068 = vector.shape_cast %get3A_1067 : vector<1x1x16xf32> to vector<16xf32>
      %add3A_1069 = arith.addf %get3A_1058, %get3A_1068 : vector<16xf32>
      %mul3A_1070 = arith.constant 4 : i32
      %mul3A_1071 = arith.muli %add3A_1002, %mul3A_1070 : i32
      %add3A_1072 = arith.constant 2 : i32
      %add3A_1073 = arith.addi %mul3A_1071, %add3A_1072 : i32
      %get3A_1074 = arith.constant 1 : i32
      %get3A_1075 = arith.index_cast %get3A_1074 : i32 to index
      %get3A_1076 = arith.index_cast %add3A_1073 : i32 to index
      %get3A_1077 = arith.constant 16 : index
      %get3A_1078 = tpu.vector_load %arg6[%get3A_1075, %get3A_1076, %get3A_1077] {strides = array<i32>} : memref<2x512x64xf32, #tpu.memory_space<vmem>>, vector<1x1x16xf32>,
      %get3A_1079 = vector.shape_cast %get3A_1078 : vector<1x1x16xf32> to vector<16xf32>
      %add3A_1080 = arith.addf %add3A_1069, %get3A_1079 : vector<16xf32>
      %mul3A_1081 = arith.constant 4 : i32
      %mul3A_1082 = arith.muli %add3A_1002, %mul3A_1081 : i32
      %add3A_1083 = arith.constant 3 : i32
      %add3A_1084 = arith.addi %mul3A_1082, %add3A_1083 : i32
      %get3A_1085 = arith.constant 1 : i32
      %get3A_1086 = arith.index_cast %get3A_1085 : i32 to index
      %get3A_1087 = arith.index_cast %add3A_1084 : i32 to index
      %get3A_1088 = arith.constant 16 : index
      %get3A_1089 = tpu.vector_load %arg6[%get3A_1086, %get3A_1087, %get3A_1088] {strides = array<i32>} : memref<2x512x64xf32, #tpu.memory_space<vmem>>, vector<1x1x16xf32>,
      %get3A_1090 = vector.shape_cast %get3A_1089 : vector<1x1x16xf32> to vector<16xf32>
      %add3A_1091 = arith.addf %add3A_1080, %get3A_1090 : vector<16xf32>
      %swap3A_1092 = arith.constant 1 : i32
      %swap3A_1093 = arith.index_cast %swap3A_1092 : i32 to index
      %swap3A_1094 = arith.index_cast %add3A_1002 : i32 to index
      %swap3A_1095 = arith.constant 16 : index
      %swap3A_1096 = tpu.vector_load %arg7[%swap3A_1093, %swap3A_1094, %swap3A_1095] {strides = array<i32>} : memref<2x128x64xf32, #tpu.memory_space<vmem>>, vector<1x1x16xf32>,
      %swap3A_1097 = vector.shape_cast %swap3A_1096 : vector<1x1x16xf32> to vector<16xf32>
      %swap3A_1098 = vector.shape_cast %add3A_1091 : vector<16xf32> to vector<1x1x16xf32>
      tpu.vector_store %arg7[%swap3A_1093, %swap3A_1094, %swap3A_1095], %swap3A_1098 {strides = array<i32>} : memref<2x128x64xf32, #tpu.memory_space<vmem>>, vector<1x1x16xf32>,
      %mul3A_1099 = arith.constant 4 : i32
      %mul3A_1100 = arith.muli %add3A_1002, %mul3A_1099 : i32
      %get3A_1101 = arith.constant 1 : i32
      %get3A_1102 = arith.index_cast %get3A_1101 : i32 to index
      %get3A_1103 = arith.index_cast %mul3A_1100 : i32 to index
      %get3A_1104 = arith.constant 32 : index
      %get3A_1105 = tpu.vector_load %arg6[%get3A_1102, %get3A_1103, %get3A_1104] {strides = array<i32>} : memref<2x512x64xf32, #tpu.memory_space<vmem>>, vector<1x1x16xf32>,
      %get3A_1106 = vector.shape_cast %get3A_1105 : vector<1x1x16xf32> to vector<16xf32>
      %mul3A_1107 = arith.constant 4 : i32
      %mul3A_1108 = arith.muli %add3A_1002, %mul3A_1107 : i32
      %add3A_1109 = arith.constant 1 : i32
      %add3A_1110 = arith.addi %mul3A_1108, %add3A_1109 : i32
      %get3A_1111 = arith.constant 1 : i32
      %get3A_1112 = arith.index_cast %get3A_1111 : i32 to index
      %get3A_1113 = arith.index_cast %add3A_1110 : i32 to index
      %get3A_1114 = arith.constant 32 : index
      %get3A_1115 = tpu.vector_load %arg6[%get3A_1112, %get3A_1113, %get3A_1114] {strides = array<i32>} : memref<2x512x64xf32, #tpu.memory_space<vmem>>, vector<1x1x16xf32>,
      %get3A_1116 = vector.shape_cast %get3A_1115 : vector<1x1x16xf32> to vector<16xf32>
      %add3A_1117 = arith.addf %get3A_1106, %get3A_1116 : vector<16xf32>
      %mul3A_1118 = arith.constant 4 : i32
      %mul3A_1119 = arith.muli %add3A_1002, %mul3A_1118 : i32
      %add3A_1120 = arith.constant 2 : i32
      %add3A_1121 = arith.addi %mul3A_1119, %add3A_1120 : i32
      %get3A_1122 = arith.constant 1 : i32
      %get3A_1123 = arith.index_cast %get3A_1122 : i32 to index
      %get3A_1124 = arith.index_cast %add3A_1121 : i32 to index
      %get3A_1125 = arith.constant 32 : index
      %get3A_1126 = tpu.vector_load %arg6[%get3A_1123, %get3A_1124, %get3A_1125] {strides = array<i32>} : memref<2x512x64xf32, #tpu.memory_space<vmem>>, vector<1x1x16xf32>,
      %get3A_1127 = vector.shape_cast %get3A_1126 : vector<1x1x16xf32> to vector<16xf32>
      %add3A_1128 = arith.addf %add3A_1117, %get3A_1127 : vector<16xf32>
      %mul3A_1129 = arith.constant 4 : i32
      %mul3A_1130 = arith.muli %add3A_1002, %mul3A_1129 : i32
      %add3A_1131 = arith.constant 3 : i32
      %add3A_1132 = arith.addi %mul3A_1130, %add3A_1131 : i32
      %get3A_1133 = arith.constant 1 : i32
      %get3A_1134 = arith.index_cast %get3A_1133 : i32 to index
      %get3A_1135 = arith.index_cast %add3A_1132 : i32 to index
      %get3A_1136 = arith.constant 32 : index
      %get3A_1137 = tpu.vector_load %arg6[%get3A_1134, %get3A_1135, %get3A_1136] {strides = array<i32>} : memref<2x512x64xf32, #tpu.memory_space<vmem>>, vector<1x1x16xf32>,
      %get3A_1138 = vector.shape_cast %get3A_1137 : vector<1x1x16xf32> to vector<16xf32>
      %add3A_1139 = arith.addf %add3A_1128, %get3A_1138 : vector<16xf32>
      %swap3A_1140 = arith.constant 1 : i32
      %swap3A_1141 = arith.index_cast %swap3A_1140 : i32 to index
      %swap3A_1142 = arith.index_cast %add3A_1002 : i32 to index
      %swap3A_1143 = arith.constant 32 : index
      %swap3A_1144 = tpu.vector_load %arg7[%swap3A_1141, %swap3A_1142, %swap3A_1143] {strides = array<i32>} : memref<2x128x64xf32, #tpu.memory_space<vmem>>, vector<1x1x16xf32>,
      %swap3A_1145 = vector.shape_cast %swap3A_1144 : vector<1x1x16xf32> to vector<16xf32>
      %swap3A_1146 = vector.shape_cast %add3A_1139 : vector<16xf32> to vector<1x1x16xf32>
      tpu.vector_store %arg7[%swap3A_1141, %swap3A_1142, %swap3A_1143], %swap3A_1146 {strides = array<i32>} : memref<2x128x64xf32, #tpu.memory_space<vmem>>, vector<1x1x16xf32>,
      %mul3A_1147 = arith.constant 4 : i32
      %mul3A_1148 = arith.muli %add3A_1002, %mul3A_1147 : i32
      %get3A_1149 = arith.constant 1 : i32
      %get3A_1150 = arith.index_cast %get3A_1149 : i32 to index
      %get3A_1151 = arith.index_cast %mul3A_1148 : i32 to index
      %get3A_1152 = arith.constant 48 : index
      %get3A_1153 = tpu.vector_load %arg6[%get3A_1150, %get3A_1151, %get3A_1152] {strides = array<i32>} : memref<2x512x64xf32, #tpu.memory_space<vmem>>, vector<1x1x16xf32>,
      %get3A_1154 = vector.shape_cast %get3A_1153 : vector<1x1x16xf32> to vector<16xf32>
      %mul3A_1155 = arith.constant 4 : i32
      %mul3A_1156 = arith.muli %add3A_1002, %mul3A_1155 : i32
      %add3A_1157 = arith.constant 1 : i32
      %add3A_1158 = arith.addi %mul3A_1156, %add3A_1157 : i32
      %get3A_1159 = arith.constant 1 : i32
      %get3A_1160 = arith.index_cast %get3A_1159 : i32 to index
      %get3A_1161 = arith.index_cast %add3A_1158 : i32 to index
      %get3A_1162 = arith.constant 48 : index
      %get3A_1163 = tpu.vector_load %arg6[%get3A_1160, %get3A_1161, %get3A_1162] {strides = array<i32>} : memref<2x512x64xf32, #tpu.memory_space<vmem>>, vector<1x1x16xf32>,
      %get3A_1164 = vector.shape_cast %get3A_1163 : vector<1x1x16xf32> to vector<16xf32>
      %add3A_1165 = arith.addf %get3A_1154, %get3A_1164 : vector<16xf32>
      %mul3A_1166 = arith.constant 4 : i32
      %mul3A_1167 = arith.muli %add3A_1002, %mul3A_1166 : i32
      %add3A_1168 = arith.constant 2 : i32
      %add3A_1169 = arith.addi %mul3A_1167, %add3A_1168 : i32
      %get3A_1170 = arith.constant 1 : i32
      %get3A_1171 = arith.index_cast %get3A_1170 : i32 to index
      %get3A_1172 = arith.index_cast %add3A_1169 : i32 to index
      %get3A_1173 = arith.constant 48 : index
      %get3A_1174 = tpu.vector_load %arg6[%get3A_1171, %get3A_1172, %get3A_1173] {strides = array<i32>} : memref<2x512x64xf32, #tpu.memory_space<vmem>>, vector<1x1x16xf32>,
      %get3A_1175 = vector.shape_cast %get3A_1174 : vector<1x1x16xf32> to vector<16xf32>
      %add3A_1176 = arith.addf %add3A_1165, %get3A_1175 : vector<16xf32>
      %mul3A_1177 = arith.constant 4 : i32
      %mul3A_1178 = arith.muli %add3A_1002, %mul3A_1177 : i32
      %add3A_1179 = arith.constant 3 : i32
      %add3A_1180 = arith.addi %mul3A_1178, %add3A_1179 : i32
      %get3A_1181 = arith.constant 1 : i32
      %get3A_1182 = arith.index_cast %get3A_1181 : i32 to index
      %get3A_1183 = arith.index_cast %add3A_1180 : i32 to index
      %get3A_1184 = arith.constant 48 : index
      %get3A_1185 = tpu.vector_load %arg6[%get3A_1182, %get3A_1183, %get3A_1184] {strides = array<i32>} : memref<2x512x64xf32, #tpu.memory_space<vmem>>, vector<1x1x16xf32>,
      %get3A_1186 = vector.shape_cast %get3A_1185 : vector<1x1x16xf32> to vector<16xf32>
      %add3A_1187 = arith.addf %add3A_1176, %get3A_1186 : vector<16xf32>
      %swap3A_1188 = arith.constant 1 : i32
      %swap3A_1189 = arith.index_cast %swap3A_1188 : i32 to index
      %swap3A_1190 = arith.index_cast %add3A_1002 : i32 to index
      %swap3A_1191 = arith.constant 48 : index
      %swap3A_1192 = tpu.vector_load %arg7[%swap3A_1189, %swap3A_1190, %swap3A_1191] {strides = array<i32>} : memref<2x128x64xf32, #tpu.memory_space<vmem>>, vector<1x1x16xf32>,
      %swap3A_1193 = vector.shape_cast %swap3A_1192 : vector<1x1x16xf32> to vector<16xf32>
      %swap3A_1194 = vector.shape_cast %add3A_1187 : vector<16xf32> to vector<1x1x16xf32>
      tpu.vector_store %arg7[%swap3A_1189, %swap3A_1190, %swap3A_1191], %swap3A_1194 {strides = array<i32>} : memref<2x128x64xf32, #tpu.memory_space<vmem>>, vector<1x1x16xf32>,
    }
    %scan3A_758 = arith.constant 64 : i32
    %mul3A_759 = arith.constant 6 : i32
    %mul3A_760 = arith.muli %add3A, %mul3A_759 : i32
    %add3A_761 = arith.constant 5 : i32
    %add3A_762 = arith.addi %mul3A_760, %add3A_761 : i32
    %mul3A_763 = arith.constant 128 : i32
    %mul3A_764 = arith.muli %add3A_762, %mul3A_763 : i32
    %dma_start3A_765 = arith.constant 1 : i32
    %dma_start3A_766 = arith.constant 0 : i32
    %dma_start3A_767 = arith.constant 0 : i32
    %dma_start3A_768 = tpu.memref_slice %arg7[%dma_start3A_765, %dma_start3A_766, %dma_start3A_767] : memref<2x128x64xf32, #tpu.memory_space<vmem>> -> memref<1x128x64xf32, #tpu.memory_space<vmem>>
    %dma_start3A_769 = tpu.memref_squeeze %dma_start3A_768 : memref<1x128x64xf32, #tpu.memory_space<vmem>> -> memref<128x64xf32, #tpu.memory_space<vmem>>
    %dma_start3A_770 = arith.constant 0 : i32
    %dma_start3A_771 = tpu.memref_slice %arg4[%mul3A_764, %dma_start3A_770] : memref<24576x64xf32, #tpu.memory_space<hbm>> -> memref<128x64xf32, #tpu.memory_space<hbm>>
    %dma_start3A_772 = arith.constant 0 : i32
    %dma_start3A_773 = tpu.memref_slice %arg4[%mul3A_764, %dma_start3A_772] : memref<24576x64xf32, #tpu.memory_space<hbm>> -> memref<128x64xf32, #tpu.memory_space<hbm>>
    %dma_start3A_774 = arith.constant 0 : i32
    %dma_start3A_775 = arith.constant 0 : i32
    %dma_start3A_776 = tpu.memref_slice %arg7[%dma_start3A_765, %dma_start3A_774, %dma_start3A_775] : memref<2x128x64xf32, #tpu.memory_space<vmem>> -> memref<1x128x64xf32, #tpu.memory_space<vmem>>
    %dma_start3A_777 = tpu.memref_squeeze %dma_start3A_776 : memref<1x128x64xf32, #tpu.memory_space<vmem>> -> memref<128x64xf32, #tpu.memory_space<vmem>>
    tpu.enqueue_dma source(%dma_start3A_777 : memref<128x64xf32, #tpu.memory_space<vmem>>) target(%dma_start3A_773 : memref<128x64xf32, #tpu.memory_space<hbm>>) target_semaphore(%arg10 : memref<!tpu.dma_semaphore, #tpu.memory_space<semaphore_mem>>)
    %dma_wait3A_778 = arith.constant 0 : i32
    %dma_wait3A_779 = arith.constant 0 : i32
    %dma_wait3A_780 = arith.constant 0 : i32
    %dma_wait3A_781 = tpu.memref_slice %arg7[%dma_wait3A_778, %dma_wait3A_779, %dma_wait3A_780] : memref<2x128x64xf32, #tpu.memory_space<vmem>> -> memref<1x128x64xf32, #tpu.memory_space<vmem>>
    %dma_wait3A_782 = tpu.memref_squeeze %dma_wait3A_781 : memref<1x128x64xf32, #tpu.memory_space<vmem>> -> memref<128x64xf32, #tpu.memory_space<vmem>>
    %dma_wait3A_783 = arith.constant 0 : i32
    %dma_wait3A_784 = tpu.memref_slice %arg4[%mul3A_678, %dma_wait3A_783] : memref<24576x64xf32, #tpu.memory_space<hbm>> -> memref<128x64xf32, #tpu.memory_space<hbm>>
    %dma_wait3A_785 = arith.constant 0 : i32
    %dma_wait3A_786 = tpu.memref_slice %arg4[%mul3A_678, %dma_wait3A_785] : memref<24576x64xf32, #tpu.memory_space<hbm>> -> memref<128x64xf32, #tpu.memory_space<hbm>>
    %dma_wait3A_787 = arith.constant 0 : i32
    %dma_wait3A_788 = arith.constant 0 : i32
    %dma_wait3A_789 = tpu.memref_slice %arg7[%dma_wait3A_778, %dma_wait3A_787, %dma_wait3A_788] : memref<2x128x64xf32, #tpu.memory_space<vmem>> -> memref<1x128x64xf32, #tpu.memory_space<vmem>>
    %dma_wait3A_790 = tpu.memref_squeeze %dma_wait3A_789 : memref<1x128x64xf32, #tpu.memory_space<vmem>> -> memref<128x64xf32, #tpu.memory_space<vmem>>
    tpu.wait_dma2 semaphore(%arg10 : memref<!tpu.dma_semaphore, #tpu.memory_space<semaphore_mem>>) src(%dma_wait3A_790 : memref<128x64xf32, #tpu.memory_space<vmem>>) dst(%dma_wait3A_786 : memref<128x64xf32, #tpu.memory_space<hbm>>)
    %dma_wait3A_791 = arith.constant 1 : i32
    %dma_wait3A_792 = arith.constant 0 : i32
    %dma_wait3A_793 = arith.constant 0 : i32
    %dma_wait3A_794 = tpu.memref_slice %arg7[%dma_wait3A_791, %dma_wait3A_792, %dma_wait3A_793] : memref<2x128x64xf32, #tpu.memory_space<vmem>> -> memref<1x128x64xf32, #tpu.memory_space<vmem>>
    %dma_wait3A_795 = tpu.memref_squeeze %dma_wait3A_794 : memref<1x128x64xf32, #tpu.memory_space<vmem>> -> memref<128x64xf32, #tpu.memory_space<vmem>>
    %dma_wait3A_796 = arith.constant 0 : i32
    %dma_wait3A_797 = tpu.memref_slice %arg4[%mul3A_764, %dma_wait3A_796] : memref<24576x64xf32, #tpu.memory_space<hbm>> -> memref<128x64xf32, #tpu.memory_space<hbm>>
    %dma_wait3A_798 = arith.constant 0 : i32
    %dma_wait3A_799 = tpu.memref_slice %arg4[%mul3A_764, %dma_wait3A_798] : memref<24576x64xf32, #tpu.memory_space<hbm>> -> memref<128x64xf32, #tpu.memory_space<hbm>>
    %dma_wait3A_800 = arith.constant 0 : i32
    %dma_wait3A_801 = arith.constant 0 : i32
    %dma_wait3A_802 = tpu.memref_slice %arg7[%dma_wait3A_791, %dma_wait3A_800, %dma_wait3A_801] : memref<2x128x64xf32, #tpu.memory_space<vmem>> -> memref<1x128x64xf32, #tpu.memory_space<vmem>>
    %dma_wait3A_803 = tpu.memref_squeeze %dma_wait3A_802 : memref<1x128x64xf32, #tpu.memory_space<vmem>> -> memref<128x64xf32, #tpu.memory_space<vmem>>
    tpu.wait_dma2 semaphore(%arg10 : memref<!tpu.dma_semaphore, #tpu.memory_space<semaphore_mem>>) src(%dma_wait3A_803 : memref<128x64xf32, #tpu.memory_space<vmem>>) dst(%dma_wait3A_799 : memref<128x64xf32, #tpu.memory_space<hbm>>)
    return
  }
}

module attributes {stable_mosaic.version = 14 : i64} {
  func.func @_sim_topk_body(%arg0: i32, %arg1: i32, %arg2: memref<1x2048x64xf32, #tpu.memory_space<vmem>>, %arg3: memref<1x512x64xf32, #tpu.memory_space<vmem>>, %arg4: memref<4x64x64xf32, #tpu.memory_space<vmem>>, %arg5: memref<1x64xf32, #tpu.memory_space<vmem>>, %arg6: memref<1x512x4xi32, #tpu.memory_space<vmem>>, %arg7: memref<1024x128xf32, #tpu.memory_space<vmem>>, %arg8: memref<2048x64xf32, #tpu.memory_space<vmem>>) attributes {dimension_semantics = [#tpu.dimension_semantics<arbitrary>, #tpu.dimension_semantics<arbitrary>], iteration_bounds = array<i64: 12, 4>, scalar_prefetch = 0 : i64, scratch_operands = 1 : i64, tpu.core_type = #tpu.core_type<tc>, window_params = [{transform_indices = @transform_0, window_bounds = array<i64: 1, 2048, 64>}, {transform_indices = @transform_1, window_bounds = array<i64: 1, 512, 64>}, {pipeline_mode = #tpu.pipeline_mode<synchronous>, transform_indices = @transform_2, window_bounds = array<i64: 4, 64, 64>}, {pipeline_mode = #tpu.pipeline_mode<synchronous>, transform_indices = @transform_3, window_bounds = array<i64: 1, 64>}, {transform_indices = @transform_4, window_bounds = array<i64: 1, 512, 4>}, {transform_indices = @transform_5, window_bounds = array<i64: 1024, 128>}]} {
    %get3A = arith.constant 0 : index
    %get3A_0 = arith.constant 0 : index
    %get3A_1 = arith.constant 0 : index
    %get3A_2 = vector.load %arg3[%get3A, %get3A_0, %get3A_1] : memref<1x512x64xf32, #tpu.memory_space<vmem>>, vector<1x512x64xf32>
    %get3A_3 = vector.shape_cast %get3A_2 : vector<1x512x64xf32> to vector<512x64xf32>
    %eq3A = arith.constant 0 : i32
    %eq3A_4 = arith.cmpi eq, %arg1, %eq3A : i32
    %convert_element_type3A = arith.extui %eq3A_4 : i1 to i32
    %cond3A = arith.constant 0 : i32
    %cond3A_5 = arith.cmpi ne, %convert_element_type3A, %cond3A : i32
    scf.if %cond3A_5 {
      %get3A_223 = arith.constant 0 : index
      %get3A_224 = arith.constant 0 : index
      %get3A_225 = arith.constant 0 : index
      %get3A_226 = vector.load %arg2[%get3A_223, %get3A_224, %get3A_225] : memref<1x2048x64xf32, #tpu.memory_space<vmem>>, vector<1x2048x64xf32>
      %get3A_227 = vector.shape_cast %get3A_226 : vector<1x2048x64xf32> to vector<2048x64xf32>
      %mul3A_228 = arith.mulf %get3A_227, %get3A_227 : vector<2048x64xf32>
      %reduce_sum3A = arith.constant dense<0.000000e+00> : vector<2048xf32>
      %reduce_sum3A_229 = vector.multi_reduction <add>, %mul3A_228, %reduce_sum3A [1] : vector<2048x64xf32> to vector<2048xf32>
      %broadcast_in_dim3A_230 = vector.shape_cast %reduce_sum3A_229 : vector<2048xf32> to vector<2048x1xf32>
      %sqrt3A = math.sqrt %broadcast_in_dim3A_230 : vector<2048x1xf32>
      %max3A_231 = arith.constant 9.99999996E-13 : f32
      %max3A_232 = vector.broadcast %max3A_231 : f32 to vector<2048x1xf32>
      %max3A_233 = arith.maximumf %sqrt3A, %max3A_232 : vector<2048x1xf32>
      %div3A_234 = vector.broadcast %max3A_233 : vector<2048x1xf32> to vector<2048x64xf32>
      %div3A_235 = arith.divf %get3A_227, %div3A_234 : vector<2048x64xf32>
      %swap3A_236 = arith.constant 0 : index
      %swap3A_237 = arith.constant 0 : index
      %swap3A_238 = vector.load %arg8[%swap3A_236, %swap3A_237] : memref<2048x64xf32, #tpu.memory_space<vmem>>, vector<2048x64xf32>
      tpu.vector_store %arg8[%swap3A_236, %swap3A_237], %div3A_235 {strides = array<i32>} : memref<2048x64xf32, #tpu.memory_space<vmem>>, vector<2048x64xf32>,
    } else {
    }
    %get3A_6 = arith.constant 0 : index
    %get3A_7 = arith.constant 0 : index
    %get3A_8 = vector.load %arg8[%get3A_6, %get3A_7] : memref<2048x64xf32, #tpu.memory_space<vmem>>, vector<2048x64xf32>
    %mul3A = arith.constant 512 : i32
    %mul3A_9 = arith.muli %arg1, %mul3A : i32
    %get3A_10 = arith.index_cast %mul3A_9 : i32 to index
    %get3A_11 = arith.constant 0 : index
    %get3A_12 = vector.load %arg8[%get3A_10, %get3A_11] : memref<2048x64xf32, #tpu.memory_space<vmem>>, vector<512x64xf32>
    %dot_general3A = arith.constant dense<0.000000e+00> : vector<512x2048xf32>
    %dot_general3A_13 = tpu.matmul %get3A_12, %get3A_8, %dot_general3A {dimension_numbers = #tpu.dot_dimension_numbers<[1], [1], [0], [0], [0, 0, 1, 0], [], []>, transpose_lhs_hint = false} : vector<512x64xf32>, vector<2048x64xf32>, vector<512x2048xf32> -> vector<512x2048xf32>
    %max3A = arith.constant 0.000000e+00 : f32
    %max3A_14 = vector.broadcast %max3A : f32 to vector<512x2048xf32>
    %max3A_15 = arith.maximumf %dot_general3A_13, %max3A_14 : vector<512x2048xf32>
    %iota3A = tpu.iota {dimensions = array<i32: 1>} : vector<512x2048xi32>
    %mul3A_16 = arith.constant 512 : i32
    %mul3A_17 = arith.muli %arg1, %mul3A_16 : i32
    %iota3A_18 = tpu.iota {dimensions = array<i32: 0>} : vector<512x1xi32>
    %add3A = vector.broadcast %mul3A_17 : i32 to vector<512x1xi32>
    %add3A_19 = arith.addi %add3A, %iota3A_18 : vector<512x1xi32>
    %eq3A_20 = vector.broadcast %add3A_19 : vector<512x1xi32> to vector<512x2048xi32>
    %eq3A_21 = arith.cmpi eq, %iota3A, %eq3A_20 : vector<512x2048xi32>
    %jit3A = arith.constant -1.000000e+00 : f32
    %broadcast_in_dim3A = vector.broadcast %jit3A : f32 to vector<512x2048xf32>
    %select_n3A = arith.select %eq3A_21, %broadcast_in_dim3A, %max3A_15 : vector<512x2048xi1>, vector<512x2048xf32>
    %reduce_max3A = arith.constant dense<0xFF800000> : vector<512xf32>
    %reduce_max3A_22 = vector.multi_reduction <maximumf>, %select_n3A, %reduce_max3A [1] : vector<512x2048xf32> to vector<512xf32>
    %broadcast_in_dim3A_23 = vector.shape_cast %reduce_max3A_22 : vector<512xf32> to vector<512x1xf32>
    %eq3A_24 = vector.broadcast %broadcast_in_dim3A_23 : vector<512x1xf32> to vector<512x2048xf32>
    %eq3A_25 = arith.cmpf oeq, %select_n3A, %eq3A_24 : vector<512x2048xf32>
    %jit3A_26 = arith.constant 2048 : i32
    %broadcast_in_dim3A_27 = vector.broadcast %jit3A_26 : i32 to vector<512x2048xi32>
    %select_n3A_28 = arith.select %eq3A_25, %iota3A, %broadcast_in_dim3A_27 : vector<512x2048xi1>, vector<512x2048xi32>
    %reduce_min3A = arith.constant dense<2147483647> : vector<512xi32>
    %reduce_min3A_29 = vector.multi_reduction <minsi>, %select_n3A_28, %reduce_min3A [1] : vector<512x2048xi32> to vector<512xi32>
    %broadcast_in_dim3A_30 = vector.shape_cast %reduce_min3A_29 : vector<512xi32> to vector<512x1xi32>
    %eq3A_31 = vector.broadcast %broadcast_in_dim3A_30 : vector<512x1xi32> to vector<512x2048xi32>
    %eq3A_32 = arith.cmpi eq, %iota3A, %eq3A_31 : vector<512x2048xi32>
    %jit3A_33 = arith.constant -1.000000e+00 : f32
    %broadcast_in_dim3A_34 = vector.broadcast %jit3A_33 : f32 to vector<512x2048xf32>
    %select_n3A_35 = arith.select %eq3A_32, %broadcast_in_dim3A_34, %select_n3A : vector<512x2048xi1>, vector<512x2048xf32>
    %reduce_max3A_36 = arith.constant dense<0xFF800000> : vector<512xf32>
    %reduce_max3A_37 = vector.multi_reduction <maximumf>, %select_n3A_35, %reduce_max3A_36 [1] : vector<512x2048xf32> to vector<512xf32>
    %broadcast_in_dim3A_38 = vector.shape_cast %reduce_max3A_37 : vector<512xf32> to vector<512x1xf32>
    %eq3A_39 = vector.broadcast %broadcast_in_dim3A_38 : vector<512x1xf32> to vector<512x2048xf32>
    %eq3A_40 = arith.cmpf oeq, %select_n3A_35, %eq3A_39 : vector<512x2048xf32>
    %jit3A_41 = arith.constant 2048 : i32
    %broadcast_in_dim3A_42 = vector.broadcast %jit3A_41 : i32 to vector<512x2048xi32>
    %select_n3A_43 = arith.select %eq3A_40, %iota3A, %broadcast_in_dim3A_42 : vector<512x2048xi1>, vector<512x2048xi32>
    %reduce_min3A_44 = arith.constant dense<2147483647> : vector<512xi32>
    %reduce_min3A_45 = vector.multi_reduction <minsi>, %select_n3A_43, %reduce_min3A_44 [1] : vector<512x2048xi32> to vector<512xi32>
    %broadcast_in_dim3A_46 = vector.shape_cast %reduce_min3A_45 : vector<512xi32> to vector<512x1xi32>
    %eq3A_47 = vector.broadcast %broadcast_in_dim3A_46 : vector<512x1xi32> to vector<512x2048xi32>
    %eq3A_48 = arith.cmpi eq, %iota3A, %eq3A_47 : vector<512x2048xi32>
    %jit3A_49 = arith.constant -1.000000e+00 : f32
    %broadcast_in_dim3A_50 = vector.broadcast %jit3A_49 : f32 to vector<512x2048xf32>
    %select_n3A_51 = arith.select %eq3A_48, %broadcast_in_dim3A_50, %select_n3A_35 : vector<512x2048xi1>, vector<512x2048xf32>
    %reduce_max3A_52 = arith.constant dense<0xFF800000> : vector<512xf32>
    %reduce_max3A_53 = vector.multi_reduction <maximumf>, %select_n3A_51, %reduce_max3A_52 [1] : vector<512x2048xf32> to vector<512xf32>
    %broadcast_in_dim3A_54 = vector.shape_cast %reduce_max3A_53 : vector<512xf32> to vector<512x1xf32>
    %eq3A_55 = vector.broadcast %broadcast_in_dim3A_54 : vector<512x1xf32> to vector<512x2048xf32>
    %eq3A_56 = arith.cmpf oeq, %select_n3A_51, %eq3A_55 : vector<512x2048xf32>
    %jit3A_57 = arith.constant 2048 : i32
    %broadcast_in_dim3A_58 = vector.broadcast %jit3A_57 : i32 to vector<512x2048xi32>
    %select_n3A_59 = arith.select %eq3A_56, %iota3A, %broadcast_in_dim3A_58 : vector<512x2048xi1>, vector<512x2048xi32>
    %reduce_min3A_60 = arith.constant dense<2147483647> : vector<512xi32>
    %reduce_min3A_61 = vector.multi_reduction <minsi>, %select_n3A_59, %reduce_min3A_60 [1] : vector<512x2048xi32> to vector<512xi32>
    %broadcast_in_dim3A_62 = vector.shape_cast %reduce_min3A_61 : vector<512xi32> to vector<512x1xi32>
    %concatenate3A = tpu.concatenate %add3A_19, %broadcast_in_dim3A_30, %broadcast_in_dim3A_46, %broadcast_in_dim3A_62 in 1 : vector<512x1xi32>, vector<512x1xi32>, vector<512x1xi32>, vector<512x1xi32> -> vector<512x4xi32>
    %iota3A_63 = tpu.iota {dimensions = array<i32: 1>} : vector<512x4xi32>
    %mul3A_64 = arith.constant 4 : i32
    %mul3A_65 = arith.muli %arg0, %mul3A_64 : i32
    %jit3A_66 = arith.constant 512 : i32
    %div3A = vector.broadcast %jit3A_66 : i32 to vector<512x4xi32>
    %div3A_67 = arith.divsi %concatenate3A, %div3A : vector<512x4xi32>
    %sign3A = arith.constant 0 : i32
    %sign3A_68 = vector.broadcast %sign3A : i32 to vector<512x4xi32>
    %sign3A_69 = arith.cmpi sgt, %concatenate3A, %sign3A_68 : vector<512x4xi32>
    %sign3A_70 = arith.extui %sign3A_69 : vector<512x4xi1> to vector<512x4xi32>
    %sign3A_71 = arith.constant 0 : i32
    %sign3A_72 = vector.broadcast %sign3A_71 : i32 to vector<512x4xi32>
    %sign3A_73 = arith.cmpi slt, %concatenate3A, %sign3A_72 : vector<512x4xi32>
    %sign3A_74 = arith.extui %sign3A_73 : vector<512x4xi1> to vector<512x4xi32>
    %sign3A_75 = arith.subi %sign3A_70, %sign3A_74 : vector<512x4xi32>
    %sign3A_76 = arith.constant 0 : i32
    %sign3A_77 = arith.cmpi sgt, %jit3A_66, %sign3A_76 : i32
    %sign3A_78 = arith.extui %sign3A_77 : i1 to i32
    %sign3A_79 = arith.constant 0 : i32
    %sign3A_80 = arith.cmpi slt, %jit3A_66, %sign3A_79 : i32
    %sign3A_81 = arith.extui %sign3A_80 : i1 to i32
    %sign3A_82 = arith.subi %sign3A_78, %sign3A_81 : i32
    %ne3A = vector.broadcast %sign3A_82 : i32 to vector<512x4xi32>
    %ne3A_83 = arith.cmpi ne, %sign3A_75, %ne3A : vector<512x4xi32>
    %rem3A = vector.broadcast %jit3A_66 : i32 to vector<512x4xi32>
    %rem3A_84 = arith.remsi %concatenate3A, %rem3A : vector<512x4xi32>
    %ne3A_85 = arith.constant 0 : i32
    %ne3A_86 = vector.broadcast %ne3A_85 : i32 to vector<512x4xi32>
    %ne3A_87 = arith.cmpi ne, %rem3A_84, %ne3A_86 : vector<512x4xi32>
    %and3A = arith.andi %ne3A_83, %ne3A_87 : vector<512x4xi1>
    %sub3A = arith.constant 1 : i32
    %sub3A_88 = vector.broadcast %sub3A : i32 to vector<512x4xi32>
    %sub3A_89 = arith.subi %div3A_67, %sub3A_88 : vector<512x4xi32>
    %select_n3A_90 = arith.select %and3A, %sub3A_89, %div3A_67 : vector<512x4xi1>, vector<512x4xi32>
    %add3A_91 = vector.broadcast %mul3A_65 : i32 to vector<512x4xi32>
    %add3A_92 = arith.addi %add3A_91, %select_n3A_90 : vector<512x4xi32>
    %mul3A_93 = arith.constant 1024 : i32
    %mul3A_94 = vector.broadcast %mul3A_93 : i32 to vector<512x4xi32>
    %mul3A_95 = arith.muli %add3A_92, %mul3A_94 : vector<512x4xi32>
    %jit3A_96 = arith.constant 512 : i32
    %eq3A_97 = arith.constant 0 : i32
    %eq3A_98 = arith.cmpi eq, %jit3A_96, %eq3A_97 : i32
    %jit3A_99 = arith.constant 1 : i32
    %select_n3A_100 = arith.select %eq3A_98, %jit3A_99, %jit3A_96 : i32
    %rem3A_101 = vector.broadcast %select_n3A_100 : i32 to vector<512x4xi32>
    %rem3A_102 = arith.remsi %concatenate3A, %rem3A_101 : vector<512x4xi32>
    %ne3A_103 = arith.constant 0 : i32
    %ne3A_104 = vector.broadcast %ne3A_103 : i32 to vector<512x4xi32>
    %ne3A_105 = arith.cmpi ne, %rem3A_102, %ne3A_104 : vector<512x4xi32>
    %lt3A = arith.constant 0 : i32
    %lt3A_106 = vector.broadcast %lt3A : i32 to vector<512x4xi32>
    %lt3A_107 = arith.cmpi slt, %rem3A_102, %lt3A_106 : vector<512x4xi32>
    %lt3A_108 = arith.constant 0 : i32
    %lt3A_109 = arith.cmpi slt, %select_n3A_100, %lt3A_108 : i32
    %ne3A_110 = vector.broadcast %lt3A_109 : i1 to vector<512x4xi1>
    %ne3A_111 = vector.broadcast %ne3A_110 : vector<512x4xi1> to vector<512x4xi1>
    %ne3A_112 = arith.xori %lt3A_107, %ne3A_111 : vector<512x4xi1>
    %and3A_113 = arith.andi %ne3A_112, %ne3A_105 : vector<512x4xi1>
    %add3A_114 = vector.broadcast %select_n3A_100 : i32 to vector<512x4xi32>
    %add3A_115 = arith.addi %rem3A_102, %add3A_114 : vector<512x4xi32>
    %select_n3A_116 = arith.select %and3A_113, %add3A_115, %rem3A_102 : vector<512x4xi1>, vector<512x4xi32>
    %add3A_117 = arith.addi %mul3A_95, %select_n3A_116 : vector<512x4xi32>
    %jit3A_118 = arith.constant 2 : i32
    %div3A_119 = vector.broadcast %jit3A_118 : i32 to vector<512x4xi32>
    %div3A_120 = arith.divsi %iota3A_63, %div3A_119 : vector<512x4xi32>
    %sign3A_121 = arith.constant 0 : i32
    %sign3A_122 = vector.broadcast %sign3A_121 : i32 to vector<512x4xi32>
    %sign3A_123 = arith.cmpi sgt, %iota3A_63, %sign3A_122 : vector<512x4xi32>
    %sign3A_124 = arith.extui %sign3A_123 : vector<512x4xi1> to vector<512x4xi32>
    %sign3A_125 = arith.constant 0 : i32
    %sign3A_126 = vector.broadcast %sign3A_125 : i32 to vector<512x4xi32>
    %sign3A_127 = arith.cmpi slt, %iota3A_63, %sign3A_126 : vector<512x4xi32>
    %sign3A_128 = arith.extui %sign3A_127 : vector<512x4xi1> to vector<512x4xi32>
    %sign3A_129 = arith.subi %sign3A_124, %sign3A_128 : vector<512x4xi32>
    %sign3A_130 = arith.constant 0 : i32
    %sign3A_131 = arith.cmpi sgt, %jit3A_118, %sign3A_130 : i32
    %sign3A_132 = arith.extui %sign3A_131 : i1 to i32
    %sign3A_133 = arith.constant 0 : i32
    %sign3A_134 = arith.cmpi slt, %jit3A_118, %sign3A_133 : i32
    %sign3A_135 = arith.extui %sign3A_134 : i1 to i32
    %sign3A_136 = arith.subi %sign3A_132, %sign3A_135 : i32
    %ne3A_137 = vector.broadcast %sign3A_136 : i32 to vector<512x4xi32>
    %ne3A_138 = arith.cmpi ne, %sign3A_129, %ne3A_137 : vector<512x4xi32>
    %rem3A_139 = vector.broadcast %jit3A_118 : i32 to vector<512x4xi32>
    %rem3A_140 = arith.remsi %iota3A_63, %rem3A_139 : vector<512x4xi32>
    %ne3A_141 = arith.constant 0 : i32
    %ne3A_142 = vector.broadcast %ne3A_141 : i32 to vector<512x4xi32>
    %ne3A_143 = arith.cmpi ne, %rem3A_140, %ne3A_142 : vector<512x4xi32>
    %and3A_144 = arith.andi %ne3A_138, %ne3A_143 : vector<512x4xi1>
    %sub3A_145 = arith.constant 1 : i32
    %sub3A_146 = vector.broadcast %sub3A_145 : i32 to vector<512x4xi32>
    %sub3A_147 = arith.subi %div3A_120, %sub3A_146 : vector<512x4xi32>
    %select_n3A_148 = arith.select %and3A_144, %sub3A_147, %div3A_120 : vector<512x4xi1>, vector<512x4xi32>
    %mul3A_149 = arith.constant 512 : i32
    %mul3A_150 = vector.broadcast %mul3A_149 : i32 to vector<512x4xi32>
    %mul3A_151 = arith.muli %select_n3A_148, %mul3A_150 : vector<512x4xi32>
    %add3A_152 = arith.addi %add3A_117, %mul3A_151 : vector<512x4xi32>
    %mul3A_153 = arith.constant 2 : i32
    %mul3A_154 = vector.broadcast %mul3A_153 : i32 to vector<512x4xi32>
    %mul3A_155 = arith.muli %add3A_152, %mul3A_154 : vector<512x4xi32>
    %jit3A_156 = arith.constant 2 : i32
    %eq3A_157 = arith.constant 0 : i32
    %eq3A_158 = arith.cmpi eq, %jit3A_156, %eq3A_157 : i32
    %jit3A_159 = arith.constant 1 : i32
    %select_n3A_160 = arith.select %eq3A_158, %jit3A_159, %jit3A_156 : i32
    %rem3A_161 = vector.broadcast %select_n3A_160 : i32 to vector<512x4xi32>
    %rem3A_162 = arith.remsi %iota3A_63, %rem3A_161 : vector<512x4xi32>
    %ne3A_163 = arith.constant 0 : i32
    %ne3A_164 = vector.broadcast %ne3A_163 : i32 to vector<512x4xi32>
    %ne3A_165 = arith.cmpi ne, %rem3A_162, %ne3A_164 : vector<512x4xi32>
    %lt3A_166 = arith.constant 0 : i32
    %lt3A_167 = vector.broadcast %lt3A_166 : i32 to vector<512x4xi32>
    %lt3A_168 = arith.cmpi slt, %rem3A_162, %lt3A_167 : vector<512x4xi32>
    %lt3A_169 = arith.constant 0 : i32
    %lt3A_170 = arith.cmpi slt, %select_n3A_160, %lt3A_169 : i32
    %ne3A_171 = vector.broadcast %lt3A_170 : i1 to vector<512x4xi1>
    %ne3A_172 = vector.broadcast %ne3A_171 : vector<512x4xi1> to vector<512x4xi1>
    %ne3A_173 = arith.xori %lt3A_168, %ne3A_172 : vector<512x4xi1>
    %and3A_174 = arith.andi %ne3A_173, %ne3A_165 : vector<512x4xi1>
    %add3A_175 = vector.broadcast %select_n3A_160 : i32 to vector<512x4xi32>
    %add3A_176 = arith.addi %rem3A_162, %add3A_175 : vector<512x4xi32>
    %select_n3A_177 = arith.select %and3A_174, %add3A_176, %rem3A_162 : vector<512x4xi1>, vector<512x4xi32>
    %add3A_178 = arith.addi %mul3A_155, %select_n3A_177 : vector<512x4xi32>
    %swap3A = arith.constant 0 : index
    %swap3A_179 = arith.constant 0 : index
    %swap3A_180 = arith.constant 0 : index
    %swap3A_181 = vector.load %arg6[%swap3A, %swap3A_179, %swap3A_180] : memref<1x512x4xi32, #tpu.memory_space<vmem>>, vector<1x512x4xi32>
    %swap3A_182 = vector.shape_cast %swap3A_181 : vector<1x512x4xi32> to vector<512x4xi32>
    %swap3A_183 = vector.shape_cast %add3A_178 : vector<512x4xi32> to vector<1x512x4xi32>
    tpu.vector_store %arg6[%swap3A, %swap3A_179, %swap3A_180], %swap3A_183 {strides = array<i32>} : memref<1x512x4xi32, #tpu.memory_space<vmem>>, vector<1x512x4xi32>,
    %get3A_184 = arith.constant 0 : index
    %get3A_185 = arith.constant 0 : index
    %get3A_186 = arith.constant 0 : index
    %get3A_187 = vector.load %arg4[%get3A_184, %get3A_185, %get3A_186] : memref<4x64x64xf32, #tpu.memory_space<vmem>>, vector<1x64x64xf32>
    %get3A_188 = vector.shape_cast %get3A_187 : vector<1x64x64xf32> to vector<64x64xf32>
    %dot_general3A_189 = arith.constant dense<0.000000e+00> : vector<512x64xf32>
    %dot_general3A_190 = tpu.matmul %get3A_3, %get3A_188, %dot_general3A_189 {dimension_numbers = #tpu.dot_dimension_numbers<[1], [0], [0], [1], [0, 0, 1, 1], [], []>, transpose_lhs_hint = false} : vector<512x64xf32>, vector<64x64xf32>, vector<512x64xf32> -> vector<512x64xf32>
    %get3A_191 = arith.constant 1 : index
    %get3A_192 = arith.constant 0 : index
    %get3A_193 = arith.constant 0 : index
    %get3A_194 = vector.load %arg4[%get3A_191, %get3A_192, %get3A_193] : memref<4x64x64xf32, #tpu.memory_space<vmem>>, vector<1x64x64xf32>
    %get3A_195 = vector.shape_cast %get3A_194 : vector<1x64x64xf32> to vector<64x64xf32>
    %dot_general3A_196 = arith.constant dense<0.000000e+00> : vector<512x64xf32>
    %dot_general3A_197 = tpu.matmul %get3A_3, %get3A_195, %dot_general3A_196 {dimension_numbers = #tpu.dot_dimension_numbers<[1], [0], [0], [1], [0, 0, 1, 1], [], []>, transpose_lhs_hint = false} : vector<512x64xf32>, vector<64x64xf32>, vector<512x64xf32> -> vector<512x64xf32>
    %get3A_198 = arith.constant 2 : index
    %get3A_199 = arith.constant 0 : index
    %get3A_200 = arith.constant 0 : index
    %get3A_201 = vector.load %arg4[%get3A_198, %get3A_199, %get3A_200] : memref<4x64x64xf32, #tpu.memory_space<vmem>>, vector<1x64x64xf32>
    %get3A_202 = vector.shape_cast %get3A_201 : vector<1x64x64xf32> to vector<64x64xf32>
    %dot_general3A_203 = arith.constant dense<0.000000e+00> : vector<512x64xf32>
    %dot_general3A_204 = tpu.matmul %get3A_3, %get3A_202, %dot_general3A_203 {dimension_numbers = #tpu.dot_dimension_numbers<[1], [0], [0], [1], [0, 0, 1, 1], [], []>, transpose_lhs_hint = false} : vector<512x64xf32>, vector<64x64xf32>, vector<512x64xf32> -> vector<512x64xf32>
    %get3A_205 = arith.constant 3 : index
    %get3A_206 = arith.constant 0 : index
    %get3A_207 = arith.constant 0 : index
    %get3A_208 = vector.load %arg4[%get3A_205, %get3A_206, %get3A_207] : memref<4x64x64xf32, #tpu.memory_space<vmem>>, vector<1x64x64xf32>
    %get3A_209 = vector.shape_cast %get3A_208 : vector<1x64x64xf32> to vector<64x64xf32>
    %dot_general3A_210 = arith.constant dense<0.000000e+00> : vector<512x64xf32>
    %dot_general3A_211 = tpu.matmul %get3A_3, %get3A_209, %dot_general3A_210 {dimension_numbers = #tpu.dot_dimension_numbers<[1], [0], [0], [1], [0, 0, 1, 1], [], []>, transpose_lhs_hint = false} : vector<512x64xf32>, vector<64x64xf32>, vector<512x64xf32> -> vector<512x64xf32>
    %get3A_212 = arith.constant 0 : index
    %get3A_213 = arith.constant 0 : index
    %get3A_214 = vector.load %arg5[%get3A_212, %get3A_213] : memref<1x64xf32, #tpu.memory_space<vmem>>, vector<1x64xf32>
    %add3A_215 = vector.broadcast %get3A_214 : vector<1x64xf32> to vector<512x64xf32>
    %add3A_216 = arith.addf %dot_general3A_190, %add3A_215 : vector<512x64xf32>
    %concatenate3A_217 = tpu.concatenate %add3A_216, %dot_general3A_197 in 1 : vector<512x64xf32>, vector<512x64xf32> -> vector<512x128xf32>
    %concatenate3A_218 = tpu.concatenate %dot_general3A_204, %dot_general3A_211 in 1 : vector<512x64xf32>, vector<512x64xf32> -> vector<512x128xf32>
    %concatenate3A_219 = tpu.concatenate %concatenate3A_217, %concatenate3A_218 in 0 : vector<512x128xf32>, vector<512x128xf32> -> vector<1024x128xf32>
    %swap3A_220 = arith.constant 0 : index
    %swap3A_221 = arith.constant 0 : index
    %swap3A_222 = vector.load %arg7[%swap3A_220, %swap3A_221] : memref<1024x128xf32, #tpu.memory_space<vmem>>, vector<1024x128xf32>
    tpu.vector_store %arg7[%swap3A_220, %swap3A_221], %concatenate3A_219 {strides = array<i32>} : memref<1024x128xf32, #tpu.memory_space<vmem>>, vector<1024x128xf32>,
    return
  }
  func.func @transform_0(%arg0: i32, %arg1: i32) -> (i32, i32, i32) {
    %c0_i32 = arith.constant 0 : i32
    %c0_i32_0 = arith.constant 0 : i32
    %c0_i32_1 = arith.constant 0 : i32
    return %arg0, %c0_i32, %c0_i32_0 : i32, i32, i32
  }
  func.func @transform_1(%arg0: i32, %arg1: i32) -> (i32, i32, i32) {
    %c0_i32 = arith.constant 0 : i32
    %c0_i32_0 = arith.constant 0 : i32
    return %arg0, %arg1, %c0_i32 : i32, i32, i32
  }
  func.func @transform_2(%arg0: i32, %arg1: i32) -> (i32, i32, i32) {
    %c0_i32 = arith.constant 0 : i32
    %c0_i32_0 = arith.constant 0 : i32
    %c0_i32_1 = arith.constant 0 : i32
    %c0_i32_2 = arith.constant 0 : i32
    return %c0_i32, %c0_i32_0, %c0_i32_1 : i32, i32, i32
  }
  func.func @transform_3(%arg0: i32, %arg1: i32) -> (i32, i32) {
    %c0_i32 = arith.constant 0 : i32
    %c0_i32_0 = arith.constant 0 : i32
    %c0_i32_1 = arith.constant 0 : i32
    return %c0_i32, %c0_i32_0 : i32, i32
  }
  func.func @transform_4(%arg0: i32, %arg1: i32) -> (i32, i32, i32) {
    %c0_i32 = arith.constant 0 : i32
    %c0_i32_0 = arith.constant 0 : i32
    return %arg0, %arg1, %c0_i32 : i32, i32, i32
  }
  func.func @transform_5(%arg0: i32, %arg1: i32) -> (i32, i32) {
    %mul3A = arith.constant 4 : i32
    %mul3A_0 = arith.muli %arg0, %mul3A : i32
    %add3A = arith.addi %mul3A_0, %arg1 : i32
    %c0_i32 = arith.constant 0 : i32
    %c0_i32_1 = arith.constant 0 : i32
    return %add3A, %c0_i32 : i32, i32
  }
}

</mosaic_0001>

<sc_bundles>
// kernel: kernel.4.cloned.1.call-start
scs
__scs_entry_jumppad:
0x0: {  	(pc) =	sbr.rel $0x88, $3  }
0x1: {  	(tag) =	ssettag $0x0;
	lr =	simm.s32 $0x1  }
0x2: {  	[smem:$0x3F9E] =	sst lr;
	_ =	strace $0xD0000000  }
0x3: {  	_ = 	snop  }
0x4: {  	_ = 	snop  }
0x5: {  	_ = 	snop  }
0x6: {  	_ = 	snop  }
0x7: {  	_ = 	snop  }
__scs_overlays_trampoline_lowered:
0x8: {  	[smem:$0x3FAD] =	sst s0  }
0x9: {  	[smem:$0x3FAE] =	sst s1  }
0xa: {  	[smem:$0x3FAF] =	sst s2  }
0xb: {  	[smem:$0x3FB0] =	sst s3  }
0xc: {  	[smem:$0x3FB1] =	sst s4  }
0xd: {  	[smem:$0x3FB2] =	sst s5  }
0xe: {  	[smem:$0x3FB3] =	sst s6  }
0xf: {  	[smem:$0x3FB4] =	sst s7  }
0x10: {  	[smem:$0x3FB5] =	sst s8  }
0x11: {  	[smem:$0x3FB6] =	sst s9;
	s0 =	simm.s32 @!p0 $0x0  }
0x12: {  	s1 =	sld [smem:$0x3F9C];
	s0 =	simm.s32 @p0 $0x1  }
0x13: {  	[smem:$0x3FB7] =	sst s0;
	s0 =	simm.s32 @!p1 $0x0  }
0x14: {  	s2 =	sld [smem:$0x3F9B];
	s0 =	simm.s32 @p1 $0x1  }
0x15: {  	[smem:$0x3FB8] =	sst s0;
	s0 =	simm.s32 @!p2 $0x0  }
0x16: {  	s3 =	sld [smem:$0x3FDB];
	s0 =	simm.s32 @p2 $0x1  }
0x17: {  	s4 =	simm.s32 $0x1BF5;
	[smem:$0x3FBA] =	sst s0  }
0x18: {  	s0 =	sld [smem:$0x3F9D];
	_ =	swait.ge [sflag:s4], $0x0  }
0x19: {  	s7 =	sld [smem:$0x3F9E]  }
0x1a: {  	s8 =	sadd.s32 $0xFFFFE003, lr  }
0x1b: {  	s9 =	sadd.s32 $0xFFFFFEF7, lr;
	s5 =	simm.s32 $0xFFFFFFFF;
	p2 =	slt.u32 s8, $0xFFFFF086  }
0x1c: {  	p1 =	slt.u32 s9, $0xF7A;
	s5 =	simm.s32 @!p2 $0x0  }
0x1d: {  	s5 =	simm.s32 @p1 $0x1;
	p0 =	seq.s32 s7, s2  }
0x1e: {  	s7 =	smul.u32 @!p0 $0xF7A, s2;
	p2 =	seq.s32 @!p0 s5, $0x0  }
0x1f: {  	s9 =	smul.u32 $0xF7A, s1;
	s8 =	simm.s32 @!p0 $0x1BF5;
	p2 =	por !p2, p0  }
0x20: {  	[sflag:s8] =	ssyncset.s32 @!p0 $0xFFFFF086;
	s6 =	sadd.s32 @!p0 s3, s7;
	s7 =	simm.s32 @!p0 $0x108  }
0x21: {  	s3 =	sadd.s32 s3, s9;
	s6 =	sadd.s32 @!p0 $0x88, s6;
	s7 =	simm.s32 @p2 $0x1082  }
0x22: {  	[simem:s7], [sflag:s8] =	dma.local @!p0 [hbm:s6], $0xF7A  }
0x23: {  	s9 =	sor.u32 $0xD0000000, s2;
	s6 =	simm.s32 $0x108;
	_ =	swait.ge @!p0 [sflag:s8], $0x0  }
0x24: {  	s3 =	sadd.s32 $0x88, s3;
	s6 =	simm.s32 @!p1 $0x1082;
	[sflag:s4] =	ssyncset.s32 $0xFFFFF086  }
0x25: {  	[simem:s6], [sflag:s4] =	dma.local [hbm:s3], $0xF7A  }
0x26: {  	[smem:$0x3F9E] =	sst s1;
	(tag) =	ssettag s2;
	_ =	strace s9  }
0x27: {  	s1 =	sld [smem:$0x3FAE]  }
0x28: {  	s2 =	sld [smem:$0x3FAF]  }
0x29: {  	s4 =	sld [smem:$0x3FB1]  }
0x2a: {  	p0 =	seq.s32 s5, $0x0;
	s5 =	sld [smem:$0x3FB2]  }
0x2b: {  	s6 =	sld [smem:$0x3FB3]  }
0x2c: {  	s7 =	sld [smem:$0x3FB4]  }
0x2d: {  	s3 =	simm.s32 $0x108;
	s8 =	sld [smem:$0x3FB5]  }
0x2e: {  	s3 =	simm.s32 @!p0 $0x1082;
	s9 =	sld [smem:$0x3FB6]  }
0x2f: {  	lr =	sadd.s32 s0, s3;
	s0 =	sld [smem:$0x3FAD]  }
0x30: {  	s3 =	sld [smem:$0x3FB0]  }
0x31: {  	[smem:$0x3FB9] =	sst s10  }
0x32: {  	s10 =	sld [smem:$0x3FB7];
	_ =	sdelay $0x3  }
0x33: {  	p0 =	seq.s32 s10, $0x1;
	s10 =	sld [smem:$0x3FB9];
	_ =	sdelay $0x3  }
0x34: {  	[smem:$0x3FB9] =	sst s10  }
0x35: {  	s10 =	sld [smem:$0x3FB8];
	_ =	sdelay $0x3  }
0x36: {  	p1 =	seq.s32 s10, $0x1;
	s10 =	sld [smem:$0x3FB9];
	_ =	sdelay $0x3  }
0x37: {  	[smem:$0x3FB9] =	sst s10  }
0x38: {  	s10 =	sld [smem:$0x3FBA]  }
0x39: {  	_ = 	snop;
	(pc) =	sbr.ind lr, $3  }
0x3a: {  	_ = 	snop  }
0x3b: {  	_ = 	snop  }
0x3c: {  	p2 =	seq.s32 s10, $0x1;
	s10 =	sld [smem:$0x3FB9]  }
0x3d: {  	_ =	shalt  }
0x3e: {  	_ =	shalt  }
0x3f: {  	_ =	shalt  }
0x40: {  	_ =	shalt  }
0x41: {  	_ =	shalt  }
0x42: {  	_ =	shalt  }
0x43: {  	_ =	shalt  }
0x44: {  	_ =	shalt  }
0x45: {  	_ =	shalt  }
0x46: {  	_ =	shalt  }
0x47: {  	_ =	shalt  }
0x48: {  	_ =	shalt  }
0x49: {  	_ =	shalt  }
0x4a: {  	_ =	shalt  }
0x4b: {  	_ =	shalt  }
0x4c: {  	_ =	shalt  }
0x4d: {  	_ =	shalt  }
0x4e: {  	_ =	shalt  }
0x4f: {  	_ =	shalt  }
0x50: {  	_ =	shalt  }
0x51: {  	_ =	shalt  }
0x52: {  	_ =	shalt  }
0x53: {  	_ =	shalt  }
0x54: {  	_ =	shalt  }
0x55: {  	_ =	shalt  }
0x56: {  	_ =	shalt  }
0x57: {  	_ =	shalt  }
0x58: {  	_ =	shalt  }
0x59: {  	_ =	shalt  }
0x5a: {  	_ =	shalt  }
0x5b: {  	_ =	shalt  }
0x5c: {  	_ =	shalt  }
0x5d: {  	_ =	shalt  }
0x5e: {  	_ =	shalt  }
0x5f: {  	_ =	shalt  }
0x60: {  	_ =	shalt  }
0x61: {  	_ =	shalt  }
0x62: {  	_ =	shalt  }
0x63: {  	_ =	shalt  }
0x64: {  	_ =	shalt  }
0x65: {  	_ =	shalt  }
0x66: {  	_ =	shalt  }
0x67: {  	_ =	shalt  }
0x68: {  	_ =	shalt  }
0x69: {  	_ =	shalt  }
0x6a: {  	_ =	shalt  }
0x6b: {  	_ =	shalt  }
0x6c: {  	_ =	shalt  }
0x6d: {  	_ =	shalt  }
0x6e: {  	_ =	shalt  }
0x6f: {  	_ =	shalt  }
0x70: {  	_ =	shalt  }
0x71: {  	_ =	shalt  }
0x72: {  	_ =	shalt  }
0x73: {  	_ =	shalt  }
0x74: {  	_ =	shalt  }
0x75: {  	_ =	shalt  }
0x76: {  	_ =	shalt  }
0x77: {  	_ =	shalt  }
0x78: {  	_ =	shalt  }
0x79: {  	_ =	shalt  }
0x7a: {  	_ =	shalt  }
0x7b: {  	_ =	shalt  }
0x7c: {  	_ =	shalt  }
0x7d: {  	_ =	shalt  }
0x7e: {  	_ =	shalt  }
0x7f: {  	_ =	shalt  }
0x80: {  	_ =	shalt  }
0x81: {  	_ =	shalt  }
0x82: {  	_ =	shalt  }
0x83: {  	_ =	shalt  }
0x84: {  	_ =	shalt  }
0x85: {  	_ =	shalt  }
0x86: {  	_ =	shalt  }
0x87: {  	_ =	shalt  }
.Lfunc_end0:
.L_simem_size_0:
called_computation_lowered:
.L_overlay_start_0:
0x88: {  	s2 =	sld [smem:$0x3FD9]  }
0x89: {  	s3 =	sld [smem:$0x3FFE];
	_ =	sdelay $0x1  }
0x8a: {  	s1 =	srdreg.scid  }
0x8b: {  	s0 =	sand.u32 $0x1, s1  }
0x8c: {  	s17 =	sshll.u32 s0, $0xA;
	s2 =	sadd.s32 s3, s2  }
0x8d: {  	s2 =	sadd.s32 s2, s17  }
0x8e: {  	[smem:$0x3FC5] =	sst s2  }
0x8f: {  	_ = 	snop  }
0x90: {  	s2 =	sld [smem:$0x3FD0];
	(tm) =	ssettm $0x1  }
0x91: {  	s18 =	sld [smem:$0x3FFB];
	_ =	sdelay $0x3  }
0x92: {  	_ =	strace s18  }
0x93: {  	s3 =	sld [smem:$0x3FFC];
	_ =	sdelay $0x3  }
0x94: {  	_ =	strace s3  }
0x95: {  	s3 =	sld [smem:$0x3FFD];
	_ =	sdelay $0x3  }
0x96: {  	_ =	strace s3  }
0x97: {  	_ =	strace $0x8FFFFFFF  }
0x98: {  	s19 =	sld [smem:$0x3FDB];
	_ =	sdelay $0x1  }
0x99: {  	s4 =	simm.s32 $_scs_section_size  }
0x9a: {  	s5 =	simm.s32 $_size__tile_overlayer_lowered;
	s6 =	simm.s32 $_tile_overlayer_lowered  }
0x9b: {  	s22 =	simm.s32 $0x1BFF;
	s21 =	sshll.u32 s6, $0x1;
	s3 =	sadd.s32 s4, s19  }
0x9c: {  	s7 =	simm.s32 $0x0;
	s20 =	sshll.u32 s5, $0x1;
	s5 =	sadd.s32 s21, s3  }
0x9d: {  	[timem:s7], [sflag:s22] =	dma.local [hbm:s5], s20  }
0x9e: {  	_ =	swait.ge [sflag:s22], s20  }
0x9f: {  	s4 =	ssub.s32 $0x0, s20;
	[sflag:s22] =	ssyncset.done $0x0  }
0xa0: {  	[sflag:s22] =	ssyncadd.s32 s4;
	_ =	sdelay $0x1  }
0xa1: {  	s23 =	simm.s32 $0x1B8B  }
0xa2: {  	_ =	swait.ge [sflag:s23], $0x1  }
0xa3: {  	[sflag:s23] =	ssyncset.done $0x0  }
0xa4: {  	s25 =	simm.s32 $0x1B8E;
	s24 =	sld [smem:$0x3FFE];
	[sflag:s23] =	ssyncadd.s32 $0xFFFFFFFF  }
0xa5: {  	s26 =	simm.s32 $execute0_lowered;
	[smem:$0x3FD2] =	sst s25  }
0xa6: {  	s5 =	sshll.u32 s26, $0x1;
	_ =	strace $0x80000046;
	[dreg:$0x1] =	wrdreg $0xFFFFFFFF  }
0xa7: {  	s28 =	simm.s32 $_size_execute0_lowered;
	s3 =	sadd.s32 s3, s5;
	[dreg:$0x0] =	wrdreg $0x0  }
0xa8: {  	s5 =	sshll.u32 s28, $0x1;
	[dreg:$0x2] =	wrdreg s3  }
0xa9: {  	[dreg:$0x3] =	wrdreg s5  }
0xaa: {  	[dreg:$0x4] =	wrdreg $0xC0  }
0xab: {  	_ =	task [dreg:s7], $0x5FFFF  }
0xac: {  	[dreg:$0x1] =	wrdreg $0xFFFFFFFF  }
0xad: {  	[dreg:$0x0] =	wrdreg $0x60  }
0xae: {  	[dreg:$0x2] =	wrdreg s24  }
0xaf: {  	[dreg:$0x3] =	wrdreg s2  }
0xb0: {  	[dreg:$0x4] =	wrdreg $0x9  }
0xb1: {  	_ =	task.clear_ibuf [dreg:s7], $0x5FFFF;
	_ =	strace $0x90000046  }
0xb2: {  	s29 =	simm.s32 $0x9;
	_ =	strace $0x80000048  }
0xb3: {  	_ =	swait.ge [sflag:s29], $0x1  }
0xb4: {  	[sflag:s29] =	ssyncadd.s32 $0xFFFFFFFF  }
0xb5: {  	_ =	strace $0x90000048  }
0xb6: {  	_ =	sfence  }
0xb7: {  	s30 =	sld [smem:$0x0];
	_ =	sdelay $0x2  }
0xb8: {  	s31 =	sshll.u32 s1, $0xD;
	s1 =	sshrl.u32 s1, $0x2  }
0xb9: {  	s3 =	sand.u32 $0x4000, s31;
	s1 =	sadd.s32 s1, s30  }
0xba: {  	s0 =	sor.u32 s3, s0;
	s1 =	sshll.u32 s1, $0x11  }
0xbb: {  	s0 =	sor.u32 s1, s0  }
0xbc: {  	s0 =	sadd.s32 $0x8F2B, s0  }
0xbd: {  	[sflag:s0] =	ssyncadd.remote.s32 $0x1  }
0xbe: {  	_ =	sfence.sel $0xFFFF  }
0xbf: {  	[dreg:$0x0] =	wrdreg $0xFFFFFFFF;
	(pc) =	sbr.abs _section_cstart, $3  }
0xc0: {  	[dreg:$0x1] =	wrdreg $0xFFFFFFFF  }
0xc1: {  	_ =	task.clear_ibuf [dreg:s7], $0x2FFFF;
	_ =	strace $0x9FFFFFFF  }
0xc2: {  	(tm) =	ssettm $0x7FFFFFFF  }
0xc3: {  	_ =	shalt  }
tec
execute0_lowered:
.L_overlay_start_1:
0x0: {  	(tag) =	ssettag $0x1  }
0x1: {  	s0 =	rddreg [dreg:$0x0]  }
0x2: {  	s1 =	srdreg.scid;
	s2 =	stileid.u32  }
0x3: {  	s5 =	rddreg [dreg:$0x1];
	s12 =	simm.s32 $0x4;
	s13 =	simm.s32 $0x80  }
0x4: {  	s14 =	simm.s32 $0xC00;
	s15 =	simm.s32 $0x2C00;
	s17 =	simm.s32 $0x4C00  }
0x5: {  	s19 =	simm.s32 $0x6C00;
	s21 =	simm.s32 $0x8C00;
	s23 =	simm.s32 $0xAC00  }
0x6: {  	s25 =	simm.s32 $0xCC00;
	s28 =	simm.s32 $0xEC00;
	s29 =	simm.s32 $0x1  }
0x7: {  	s30 =	simm.s32 $0x10C00;
	s1 =	sand.u32 $0x1, s1;
	s3 =	sshll.u32 s2, $0x1  }
0x8: {  	s18 =	simm.s32 $0x2;
	s20 =	simm.s32 $0x12C00;
	s4 =	sor.u32 s1, s3  }
0x9: {  	s16 =	simm.s32 $0xB80;
	s22 =	simm.s32 $0x0;
	s6 =	smul.u32 $0x180, s4  }
0xa: {  	s2 =	simm.s32 $0x0;
	s1 =	ssub.s32 $0x2, s1;
	s7 =	smul.u32 $0xC000, s4  }
0xb: {  	[smem:$0x7FF] =	sst s2;
	s4 =	smul.u32 $0x1800, s4;
	s31 =	sshrl.u32 s1, $0x1  }
0xc: {  	s3 =	sadd.s32 $0x60800, s0;
	_ =	strace $0x80000047;
	s1 =	ssub.s32 s1, s31  }
0xd: {  	s0 =	sadd.s32 s6, s0;
	s7 =	sshrl.u32 s7, $0x3;
	s4 =	sadd.s32 s5, s4  }
0xe: {  	s11 =	smax.u32 s1, $0x1;
	s1 =	simm.s32 $0x3;
	s10 =	sadd.s32 s5, s7  }
0xf: {  	s5 =	sadd.s32 $0x800, s0;
	s6 =	sadd.s32 $0x400, s4;
	s7 =	sadd.s32 $0x800, s10  }
0x10: {  	s8 =	sadd.s32 $0xC00, s10;
	s9 =	sadd.s32 $0x1000, s10;
	s10 =	sadd.s32 $0x1400, s10  }
.LBB2_1:
0x11: {  	[tilespmem:s2], [sflag:$0x4] =	stream.linear.gather [hbm4b:s5+s2], $0xC00, $0x38;
	[tilespmem:$0x14C00] =	vst v63  }
0x12: {  	_ =	swait.ge [sflag:s12], $0xC00  }
0x13: {  	[sflag:s12] =	ssyncset.done $0x0  }
0x14: {  	[sflag:s12] =	ssyncadd.s32 $0xFFFFF400  }
0x15: {  	[tilespmem:s14], [sflag:$0x1] =	stream.indirect.gather [hbm4b:s3+s13], $0x40, s2, s13, $0xb8;
	[tilespmem:$0x14C00] =	vst v63  }
0x16: {  	_ = 	snop  }
0x17: {  	[tilespmem:s15], [sflag:$0x1] =	stream.indirect.gather [hbm4b:s3+s13], $0x40, s13, s13, $0xb8;
	[tilespmem:$0x14C00] =	vst v63  }
0x18: {  	s0 =	simm.s32 $0x100  }
0x19: {  	[tilespmem:s17], [sflag:$0x1] =	stream.indirect.gather [hbm4b:s3+s13], $0x40, s0, s13, $0xb8;
	[tilespmem:$0x14C00] =	vst v63  }
0x1a: {  	s26 =	simm.s32 $0x180  }
0x1b: {  	[tilespmem:s19], [sflag:$0x1] =	stream.indirect.gather [hbm4b:s3+s13], $0x40, s26, s13, $0xb8;
	[tilespmem:$0x14C00] =	vst v63  }
0x1c: {  	s31 =	simm.s32 $0x200  }
0x1d: {  	[tilespmem:s21], [sflag:$0x2] =	stream.indirect.gather [hbm4b:s3+s13], $0x40, s31, s13, $0xb8;
	[tilespmem:$0x14C00] =	vst v63  }
0x1e: {  	s24 =	simm.s32 $0x280  }
0x1f: {  	[tilespmem:s23], [sflag:$0x2] =	stream.indirect.gather [hbm4b:s3+s13], $0x40, s24, s13, $0xb8;
	[tilespmem:$0x14C00] =	vst v63  }
0x20: {  	s26 =	simm.s32 $0x300  }
0x21: {  	[tilespmem:s25], [sflag:$0x2] =	stream.indirect.gather [hbm4b:s3+s13], $0x40, s26, s13, $0xb8;
	[tilespmem:$0x14C00] =	vst v63  }
0x22: {  	s31 =	simm.s32 $0x380  }
0x23: {  	[tilespmem:s28], [sflag:$0x2] =	stream.indirect.gather [hbm4b:s3+s13], $0x40, s31, s13, $0xb8;
	[tilespmem:$0x14C00] =	vst v63  }
0x24: {  	_ =	swait.ge [sflag:s29], $0x2000  }
0x25: {  	[sflag:s29] =	ssyncset.done $0x0  }
0x26: {  	[sflag:s29] =	ssyncadd.s32 $0xFFFFE000  }
0x27: {  	_ =	swait.ge [sflag:s29], $0x2000  }
0x28: {  	[sflag:s29] =	ssyncset.done $0x0  }
0x29: {  	[sflag:s29] =	ssyncadd.s32 $0xFFFFE000  }
0x2a: {  	_ =	swait.ge [sflag:s29], $0x2000  }
0x2b: {  	[sflag:s29] =	ssyncset.done $0x0  }
0x2c: {  	[sflag:s29] =	ssyncadd.s32 $0xFFFFE000  }
0x2d: {  	_ =	swait.ge [sflag:s29], $0x2000  }
0x2e: {  	[sflag:s29] =	ssyncset.done $0x0  }
0x2f: {  	s24 =	simm.s32 $0xD00;
	[sflag:s29] =	ssyncadd.s32 $0xFFFFE000  }
0x30: {  	v0 =	vld [tilespmem:s24+$0xFFFFFF40]  }
0x31: {  	v1 =	vld [tilespmem:s24+$0xFFFFFF00];
	_ =	sdelay $0x1  }
0x32: {  	v2 =	vld [tilespmem:s24+$0xFFFFFF80];
	_ =	sdelay $0x1  }
0x33: {  	v3 =	vld [tilespmem:s24+$0xFFFFFFC0]  }
0x34: {  	v0 =	vadd.f32 v0, v1;
	_ =	sdelay $0x1  }
0x35: {  	v0 =	vadd.f32 v2, v0;
	_ =	sdelay $0x1  }
0x36: {  	v0 =	vadd.f32 v3, v0  }
0x37: {  	s26 =	simm.s32 $0x0  }
0x38: {  	[tilespmem:s26+$0x10C00] =	vst v0  }
0x39: {  	v0 =	vld [tilespmem:s24+$0xFFFFFF10]  }
0x3a: {  	v1 =	vld [tilespmem:s24+$0xFFFFFF50];
	_ =	sdelay $0x1  }
0x3b: {  	v2 =	vld [tilespmem:s24+$0xFFFFFF90];
	_ =	sdelay $0x1  }
0x3c: {  	v3 =	vld [tilespmem:s24+$0xFFFFFFD0]  }
0x3d: {  	v0 =	vadd.f32 v1, v0;
	_ =	sdelay $0x1  }
0x3e: {  	v0 =	vadd.f32 v2, v0;
	_ =	sdelay $0x1  }
0x3f: {  	v0 =	vadd.f32 v3, v0;
	_ =	sdelay $0x1  }
0x40: {  	[tilespmem:s26+$0x10C10] =	vst v0  }
0x41: {  	v0 =	vld [tilespmem:s24+$0xFFFFFF20]  }
0x42: {  	v1 =	vld [tilespmem:s24+$0xFFFFFF60];
	_ =	sdelay $0x1  }
0x43: {  	v2 =	vld [tilespmem:s24+$0xFFFFFFA0];
	_ =	sdelay $0x1  }
0x44: {  	v3 =	vld [tilespmem:s24+$0xFFFFFFE0]  }
0x45: {  	v0 =	vadd.f32 v1, v0;
	_ =	sdelay $0x1  }
0x46: {  	v0 =	vadd.f32 v2, v0;
	_ =	sdelay $0x1  }
0x47: {  	v0 =	vadd.f32 v3, v0;
	_ =	sdelay $0x1  }
0x48: {  	[tilespmem:s26+$0x10C20] =	vst v0  }
0x49: {  	v0 =	vld [tilespmem:s24+$0xFFFFFF30]  }
0x4a: {  	v1 =	vld [tilespmem:s24+$0xFFFFFF70];
	_ =	sdelay $0x1  }
0x4b: {  	v2 =	vld [tilespmem:s24+$0xFFFFFFB0];
	_ =	sdelay $0x1  }
0x4c: {  	v3 =	vld [tilespmem:s24+$0xFFFFFFF0]  }
0x4d: {  	v0 =	vadd.f32 v1, v0;
	_ =	sdelay $0x1  }
0x4e: {  	v0 =	vadd.f32 v2, v0;
	_ =	sdelay $0x1  }
0x4f: {  	v0 =	vadd.f32 v3, v0;
	_ =	sdelay $0x1  }
0x50: {  	[tilespmem:s26+$0x10C30] =	vst v0  }
0x51: {  	v0 =	vld [tilespmem:s24+$0x0]  }
0x52: {  	v1 =	vld [tilespmem:s24+$0x40];
	_ =	sdelay $0x1  }
0x53: {  	v2 =	vld [tilespmem:s24+$0x80];
	_ =	sdelay $0x1  }
0x54: {  	v3 =	vld [tilespmem:s24+$0xC0]  }
0x55: {  	v0 =	vadd.f32 v1, v0;
	_ =	sdelay $0x1  }
0x56: {  	v0 =	vadd.f32 v2, v0;
	_ =	sdelay $0x1  }
0x57: {  	v0 =	vadd.f32 v3, v0;
	_ =	sdelay $0x1  }
0x58: {  	[tilespmem:s26+$0x10C40] =	vst v0  }
0x59: {  	v0 =	vld [tilespmem:s24+$0x10]  }
0x5a: {  	v1 =	vld [tilespmem:s24+$0x50];
	_ =	sdelay $0x1  }
0x5b: {  	v2 =	vld [tilespmem:s24+$0x90];
	_ =	sdelay $0x1  }
0x5c: {  	v3 =	vld [tilespmem:s24+$0xD0]  }
0x5d: {  	v0 =	vadd.f32 v1, v0;
	_ =	sdelay $0x1  }
0x5e: {  	v0 =	vadd.f32 v2, v0;
	_ =	sdelay $0x1  }
0x5f: {  	v0 =	vadd.f32 v3, v0;
	_ =	sdelay $0x1  }
0x60: {  	[tilespmem:s26+$0x10C50] =	vst v0  }
0x61: {  	v0 =	vld [tilespmem:s24+$0x20]  }
0x62: {  	v1 =	vld [tilespmem:s24+$0x60];
	_ =	sdelay $0x1  }
0x63: {  	v2 =	vld [tilespmem:s24+$0xA0];
	_ =	sdelay $0x1  }
0x64: {  	v3 =	vld [tilespmem:s24+$0xE0]  }
0x65: {  	v0 =	vadd.f32 v1, v0;
	_ =	sdelay $0x1  }
0x66: {  	v0 =	vadd.f32 v2, v0;
	_ =	sdelay $0x1  }
0x67: {  	v0 =	vadd.f32 v3, v0;
	_ =	sdelay $0x1  }
0x68: {  	[tilespmem:s26+$0x10C60] =	vst v0  }
0x69: {  	v0 =	vld [tilespmem:s24+$0x30]  }
0x6a: {  	v3 =	vld [tilespmem:s24+$0x70]  }
0x6b: {  	v1 =	vld [tilespmem:s24+$0xB0]  }
0x6c: {  	s0 =	simm.s32 $0x200;
	v2 =	vld [tilespmem:s24+$0xF0]  }
.LBB2_2:
0x6d: {  	p0 =	sne.s32 s0, $0x7E00  }
0x6e: {  	s24 =	sadd.s32 $0x200, s24;
	s31 =	smov.u32 s0;
	s0 =	sadd.s32 $0x200, s0  }
0x6f: {  	_ = 	snop  }
0x70: {  	v0 =	vadd.f32 v3, v0;
	_ =	sdelay $0x1  }
0x71: {  	v0 =	vadd.f32 v1, v0;
	_ =	sdelay $0x1  }
0x72: {  	v0 =	vadd.f32 v2, v0;
	_ =	sdelay $0x1  }
0x73: {  	[tilespmem:s26+$0x10C70] =	vst v0  }
0x74: {  	v0 =	vld [tilespmem:s24+$0xFFFFFF40]  }
0x75: {  	v1 =	vld [tilespmem:s24+$0xFFFFFF00]  }
0x76: {  	v2 =	vld [tilespmem:s24+$0xFFFFFF80];
	_ =	sdelay $0x2  }
0x77: {  	v3 =	vld [tilespmem:s24+$0xFFFFFFC0]  }
0x78: {  	v0 =	vadd.f32 v0, v1;
	_ =	sdelay $0x1  }
0x79: {  	v0 =	vadd.f32 v2, v0;
	_ =	sdelay $0x1  }
0x7a: {  	v0 =	vadd.f32 v3, v0  }
0x7b: {  	s26 =	sshra.s32 s31, $0x2  }
0x7c: {  	[tilespmem:s26+$0x10C00] =	vst v0  }
0x7d: {  	v0 =	vld [tilespmem:s24+$0xFFFFFF10]  }
0x7e: {  	v1 =	vld [tilespmem:s24+$0xFFFFFF50];
	_ =	sdelay $0x1  }
0x7f: {  	v2 =	vld [tilespmem:s24+$0xFFFFFF90];
	_ =	sdelay $0x1  }
0x80: {  	v3 =	vld [tilespmem:s24+$0xFFFFFFD0]  }
0x81: {  	v0 =	vadd.f32 v1, v0;
	_ =	sdelay $0x1  }
0x82: {  	v0 =	vadd.f32 v2, v0;
	_ =	sdelay $0x1  }
0x83: {  	v0 =	vadd.f32 v3, v0;
	_ =	sdelay $0x1  }
0x84: {  	[tilespmem:s26+$0x10C10] =	vst v0  }
0x85: {  	v0 =	vld [tilespmem:s24+$0xFFFFFF20]  }
0x86: {  	v1 =	vld [tilespmem:s24+$0xFFFFFF60];
	_ =	sdelay $0x1  }
0x87: {  	v2 =	vld [tilespmem:s24+$0xFFFFFFA0];
	_ =	sdelay $0x1  }
0x88: {  	v3 =	vld [tilespmem:s24+$0xFFFFFFE0]  }
0x89: {  	v0 =	vadd.f32 v1, v0;
	_ =	sdelay $0x1  }
0x8a: {  	v0 =	vadd.f32 v2, v0;
	_ =	sdelay $0x1  }
0x8b: {  	v0 =	vadd.f32 v3, v0;
	_ =	sdelay $0x1  }
0x8c: {  	[tilespmem:s26+$0x10C20] =	vst v0  }
0x8d: {  	v0 =	vld [tilespmem:s24+$0xFFFFFF30]  }
0x8e: {  	v1 =	vld [tilespmem:s24+$0xFFFFFF70]  }
0x8f: {  	v2 =	vld [tilespmem:s24+$0xFFFFFFB0];
	_ =	sdelay $0x2  }
0x90: {  	v3 =	vld [tilespmem:s24+$0xFFFFFFF0]  }
0x91: {  	v0 =	vadd.f32 v1, v0;
	_ =	sdelay $0x1  }
0x92: {  	v0 =	vadd.f32 v2, v0;
	_ =	sdelay $0x1  }
0x93: {  	v0 =	vadd.f32 v3, v0;
	_ =	sdelay $0x1  }
0x94: {  	[tilespmem:s26+$0x10C30] =	vst v0  }
0x95: {  	v0 =	vld [tilespmem:s24+$0x0]  }
0x96: {  	v1 =	vld [tilespmem:s24+$0x40];
	_ =	sdelay $0x1  }
0x97: {  	v2 =	vld [tilespmem:s24+$0x80];
	_ =	sdelay $0x1  }
0x98: {  	v3 =	vld [tilespmem:s24+$0xC0]  }
0x99: {  	v0 =	vadd.f32 v1, v0;
	_ =	sdelay $0x1  }
0x9a: {  	v0 =	vadd.f32 v2, v0;
	_ =	sdelay $0x1  }
0x9b: {  	v0 =	vadd.f32 v3, v0;
	_ =	sdelay $0x1  }
0x9c: {  	[tilespmem:s26+$0x10C40] =	vst v0  }
0x9d: {  	v0 =	vld [tilespmem:s24+$0x10]  }
0x9e: {  	v1 =	vld [tilespmem:s24+$0x50]  }
0x9f: {  	v2 =	vld [tilespmem:s24+$0x90]  }
0xa0: {  	v3 =	vld [tilespmem:s24+$0xD0];
	_ =	sdelay $0x2  }
0xa1: {  	v0 =	vadd.f32 v1, v0;
	_ =	sdelay $0x1  }
0xa2: {  	v0 =	vadd.f32 v2, v0;
	_ =	sdelay $0x1  }
0xa3: {  	v0 =	vadd.f32 v3, v0;
	_ =	sdelay $0x1  }
0xa4: {  	[tilespmem:s26+$0x10C50] =	vst v0  }
0xa5: {  	v0 =	vld [tilespmem:s24+$0x20]  }
0xa6: {  	v1 =	vld [tilespmem:s24+$0x60]  }
0xa7: {  	v2 =	vld [tilespmem:s24+$0xA0]  }
0xa8: {  	v3 =	vld [tilespmem:s24+$0xE0];
	_ =	sdelay $0x2  }
0xa9: {  	v0 =	vadd.f32 v1, v0;
	_ =	sdelay $0x1  }
0xaa: {  	v0 =	vadd.f32 v2, v0;
	_ =	sdelay $0x1  }
0xab: {  	v0 =	vadd.f32 v3, v0;
	_ =	sdelay $0x1  }
.Ltmp0:
0xac: {  	[tilespmem:s26+$0x10C60] =	vst v0;
	(pc) =	sbr.rel @p0 .LBB2_2-.Ltmp0, $4  }
0xad: {  	v0 =	vld [tilespmem:s24+$0x30]  }
0xae: {  	v3 =	vld [tilespmem:s24+$0x70]  }
0xaf: {  	v1 =	vld [tilespmem:s24+$0xB0]  }
0xb0: {  	v2 =	vld [tilespmem:s24+$0xF0]  }
0xb1: {  	_ =	sdelay $0x1  }
0xb2: {  	v0 =	vadd.f32 v3, v0;
	_ =	sdelay $0x1  }
0xb3: {  	v0 =	vadd.f32 v1, v0;
	_ =	sdelay $0x1  }
0xb4: {  	v0 =	vadd.f32 v2, v0;
	_ =	sdelay $0x1  }
0xb5: {  	s0 =	simm.s32 $0x0;
	[tilespmem:s26+$0x10C70] =	vst v0  }
0xb6: {  	[hbm4b:s4+s0] =	stream.linear.scatter [tilespmem:s30], [sflag:$0x3], $0x2000, $0x38;
	[tilespmem:$0x14C00] =	vst v63  }
0xb7: {  	s24 =	simm.s32 $0x400  }
0xb8: {  	[tilespmem:s14], [sflag:$0x1] =	stream.indirect.gather [hbm4b:s3+s13], $0x40, s24, s13, $0xb8;
	[tilespmem:$0x14C00] =	vst v63  }
0xb9: {  	s26 =	simm.s32 $0x480  }
0xba: {  	[tilespmem:s15], [sflag:$0x1] =	stream.indirect.gather [hbm4b:s3+s13], $0x40, s26, s13, $0xb8;
	[tilespmem:$0x14C00] =	vst v63  }
0xbb: {  	s24 =	simm.s32 $0x500  }
0xbc: {  	[tilespmem:s17], [sflag:$0x1] =	stream.indirect.gather [hbm4b:s3+s13], $0x40, s24, s13, $0xb8;
	[tilespmem:$0x14C00] =	vst v63  }
0xbd: {  	s26 =	simm.s32 $0x580  }
0xbe: {  	[tilespmem:s19], [sflag:$0x1] =	stream.indirect.gather [hbm4b:s3+s13], $0x40, s26, s13, $0xb8;
	[tilespmem:$0x14C00] =	vst v63  }
0xbf: {  	_ =	swait.ge [sflag:s18], $0x2000  }
0xc0: {  	[sflag:s18] =	ssyncset.done $0x0  }
0xc1: {  	[sflag:s18] =	ssyncadd.s32 $0xFFFFE000  }
0xc2: {  	_ =	swait.ge [sflag:s18], $0x2000  }
0xc3: {  	[sflag:s18] =	ssyncset.done $0x0  }
0xc4: {  	[sflag:s18] =	ssyncadd.s32 $0xFFFFE000  }
0xc5: {  	_ =	swait.ge [sflag:s18], $0x2000  }
0xc6: {  	[sflag:s18] =	ssyncset.done $0x0  }
0xc7: {  	[sflag:s18] =	ssyncadd.s32 $0xFFFFE000  }
0xc8: {  	_ =	swait.ge [sflag:s18], $0x2000  }
0xc9: {  	[sflag:s18] =	ssyncset.done $0x0  }
0xca: {  	s26 =	simm.s32 $0x0;
	[sflag:s18] =	ssyncadd.s32 $0xFFFFE000  }
0xcb: {  	v0 =	vld [tilespmem:s26+$0x8C00]  }
0xcc: {  	v1 =	vld [tilespmem:s26+$0x8C40];
	_ =	sdelay $0x1  }
0xcd: {  	v2 =	vld [tilespmem:s26+$0x8C80];
	_ =	sdelay $0x1  }
0xce: {  	v3 =	vld [tilespmem:s26+$0x8CC0]  }
0xcf: {  	v0 =	vadd.f32 v1, v0;
	_ =	sdelay $0x1  }
0xd0: {  	v0 =	vadd.f32 v2, v0;
	_ =	sdelay $0x1  }
0xd1: {  	v0 =	vadd.f32 v3, v0  }
0xd2: {  	s24 =	simm.s32 $0x12C70  }
0xd3: {  	[tilespmem:s24+$0xFFFFFF90] =	vst v0  }
0xd4: {  	v0 =	vld [tilespmem:s26+$0x8C10]  }
0xd5: {  	v1 =	vld [tilespmem:s26+$0x8C50];
	_ =	sdelay $0x1  }
0xd6: {  	v2 =	vld [tilespmem:s26+$0x8C90];
	_ =	sdelay $0x1  }
0xd7: {  	v3 =	vld [tilespmem:s26+$0x8CD0]  }
0xd8: {  	v0 =	vadd.f32 v1, v0;
	_ =	sdelay $0x1  }
0xd9: {  	v0 =	vadd.f32 v2, v0;
	_ =	sdelay $0x1  }
0xda: {  	v0 =	vadd.f32 v3, v0;
	_ =	sdelay $0x1  }
0xdb: {  	[tilespmem:s24+$0xFFFFFFA0] =	vst v0  }
0xdc: {  	v0 =	vld [tilespmem:s26+$0x8C20]  }
0xdd: {  	v1 =	vld [tilespmem:s26+$0x8C60];
	_ =	sdelay $0x1  }
0xde: {  	v2 =	vld [tilespmem:s26+$0x8CA0];
	_ =	sdelay $0x1  }
0xdf: {  	v3 =	vld [tilespmem:s26+$0x8CE0]  }
0xe0: {  	v0 =	vadd.f32 v1, v0;
	_ =	sdelay $0x1  }
0xe1: {  	v0 =	vadd.f32 v2, v0;
	_ =	sdelay $0x1  }
0xe2: {  	v0 =	vadd.f32 v3, v0;
	_ =	sdelay $0x1  }
0xe3: {  	[tilespmem:s24+$0xFFFFFFB0] =	vst v0  }
0xe4: {  	v0 =	vld [tilespmem:s26+$0x8C30]  }
0xe5: {  	v1 =	vld [tilespmem:s26+$0x8C70];
	_ =	sdelay $0x1  }
0xe6: {  	v2 =	vld [tilespmem:s26+$0x8CB0];
	_ =	sdelay $0x1  }
0xe7: {  	v3 =	vld [tilespmem:s26+$0x8CF0]  }
0xe8: {  	v0 =	vadd.f32 v1, v0;
	_ =	sdelay $0x1  }
0xe9: {  	v0 =	vadd.f32 v2, v0;
	_ =	sdelay $0x1  }
0xea: {  	v0 =	vadd.f32 v3, v0;
	_ =	sdelay $0x1  }
0xeb: {  	[tilespmem:s24+$0xFFFFFFC0] =	vst v0  }
0xec: {  	v0 =	vld [tilespmem:s26+$0x8D00]  }
0xed: {  	v1 =	vld [tilespmem:s26+$0x8D40];
	_ =	sdelay $0x1  }
0xee: {  	v2 =	vld [tilespmem:s26+$0x8D80];
	_ =	sdelay $0x1  }
0xef: {  	v3 =	vld [tilespmem:s26+$0x8DC0]  }
0xf0: {  	v0 =	vadd.f32 v1, v0;
	_ =	sdelay $0x1  }
0xf1: {  	v0 =	vadd.f32 v2, v0;
	_ =	sdelay $0x1  }
0xf2: {  	v0 =	vadd.f32 v3, v0;
	_ =	sdelay $0x1  }
0xf3: {  	[tilespmem:s24+$0xFFFFFFD0] =	vst v0  }
0xf4: {  	v0 =	vld [tilespmem:s26+$0x8D10]  }
0xf5: {  	v1 =	vld [tilespmem:s26+$0x8D50];
	_ =	sdelay $0x1  }
0xf6: {  	v2 =	vld [tilespmem:s26+$0x8D90];
	_ =	sdelay $0x1  }
0xf7: {  	v3 =	vld [tilespmem:s26+$0x8DD0]  }
0xf8: {  	v0 =	vadd.f32 v1, v0;
	_ =	sdelay $0x1  }
0xf9: {  	v0 =	vadd.f32 v2, v0;
	_ =	sdelay $0x1  }
0xfa: {  	v0 =	vadd.f32 v3, v0;
	_ =	sdelay $0x1  }
0xfb: {  	[tilespmem:s24+$0xFFFFFFE0] =	vst v0  }
0xfc: {  	v0 =	vld [tilespmem:s26+$0x8D20]  }
0xfd: {  	v1 =	vld [tilespmem:s26+$0x8D60];
	_ =	sdelay $0x1  }
0xfe: {  	v2 =	vld [tilespmem:s26+$0x8DA0];
	_ =	sdelay $0x1  }
0xff: {  	v3 =	vld [tilespmem:s26+$0x8DE0]  }
0x100: {  	v0 =	vadd.f32 v1, v0;
	_ =	sdelay $0x1  }
0x101: {  	v0 =	vadd.f32 v2, v0;
	_ =	sdelay $0x1  }
0x102: {  	v0 =	vadd.f32 v3, v0;
	_ =	sdelay $0x1  }
0x103: {  	[tilespmem:s24+$0xFFFFFFF0] =	vst v0  }
0x104: {  	v0 =	vld [tilespmem:s26+$0x8D30]  }
0x105: {  	v1 =	vld [tilespmem:s26+$0x8D70]  }
0x106: {  	s31 =	simm.s32 $0x12C70;
	s0 =	simm.s32 $0x800;
	v2 =	vld [tilespmem:s26+$0x8DB0]  }
.LBB2_4:
0x107: {  	p0 =	sne.s32 s0, $0x1F800  }
0x108: {  	v3 =	vld [tilespmem:s26+$0x8DF0];
	s24 =	sadd.s32 $0x80, s24;
	s26 =	smov.u32 s0;
	s0 =	sadd.s32 $0x800, s0  }
0x109: {  	_ =	sdelay $0x1  }
0x10a: {  	v0 =	vadd.f32 v1, v0;
	_ =	sdelay $0x1  }
0x10b: {  	v0 =	vadd.f32 v2, v0;
	_ =	sdelay $0x1  }
0x10c: {  	v0 =	vadd.f32 v3, v0  }
0x10d: {  	s26 =	sshra.s32 s26, $0x2  }
0x10e: {  	[tilespmem:s31+$0x0] =	vst v0;
	s31 =	smov.u32 s24  }
0x10f: {  	v0 =	vld [tilespmem:s26+$0x8C00]  }
0x110: {  	v1 =	vld [tilespmem:s26+$0x8C40]  }
0x111: {  	v2 =	vld [tilespmem:s26+$0x8C80];
	_ =	sdelay $0x1  }
0x112: {  	v3 =	vld [tilespmem:s26+$0x8CC0];
	_ =	sdelay $0x1  }
0x113: {  	v0 =	vadd.f32 v1, v0;
	_ =	sdelay $0x1  }
0x114: {  	v0 =	vadd.f32 v2, v0;
	_ =	sdelay $0x1  }
0x115: {  	v0 =	vadd.f32 v3, v0;
	_ =	sdelay $0x1  }
0x116: {  	[tilespmem:s24+$0xFFFFFF90] =	vst v0  }
0x117: {  	v0 =	vld [tilespmem:s26+$0x8C10]  }
0x118: {  	v1 =	vld [tilespmem:s26+$0x8C50];
	_ =	sdelay $0x1  }
0x119: {  	v2 =	vld [tilespmem:s26+$0x8C90];
	_ =	sdelay $0x1  }
0x11a: {  	v3 =	vld [tilespmem:s26+$0x8CD0]  }
0x11b: {  	v0 =	vadd.f32 v1, v0;
	_ =	sdelay $0x1  }
0x11c: {  	v0 =	vadd.f32 v2, v0;
	_ =	sdelay $0x1  }
0x11d: {  	v0 =	vadd.f32 v3, v0;
	_ =	sdelay $0x1  }
0x11e: {  	[tilespmem:s24+$0xFFFFFFA0] =	vst v0  }
0x11f: {  	v0 =	vld [tilespmem:s26+$0x8C20]  }
0x120: {  	v1 =	vld [tilespmem:s26+$0x8C60];
	_ =	sdelay $0x1  }
0x121: {  	v2 =	vld [tilespmem:s26+$0x8CA0];
	_ =	sdelay $0x1  }
0x122: {  	v3 =	vld [tilespmem:s26+$0x8CE0]  }
0x123: {  	v0 =	vadd.f32 v1, v0;
	_ =	sdelay $0x1  }
0x124: {  	v0 =	vadd.f32 v2, v0;
	_ =	sdelay $0x1  }
0x125: {  	v0 =	vadd.f32 v3, v0;
	_ =	sdelay $0x1  }
0x126: {  	[tilespmem:s24+$0xFFFFFFB0] =	vst v0  }
0x127: {  	v0 =	vld [tilespmem:s26+$0x8C30]  }
0x128: {  	v1 =	vld [tilespmem:s26+$0x8C70]  }
0x129: {  	v2 =	vld [tilespmem:s26+$0x8CB0];
	_ =	sdelay $0x2  }
0x12a: {  	v3 =	vld [tilespmem:s26+$0x8CF0]  }
0x12b: {  	v0 =	vadd.f32 v1, v0;
	_ =	sdelay $0x1  }
0x12c: {  	v0 =	vadd.f32 v2, v0;
	_ =	sdelay $0x1  }
0x12d: {  	v0 =	vadd.f32 v3, v0;
	_ =	sdelay $0x1  }
0x12e: {  	[tilespmem:s24+$0xFFFFFFC0] =	vst v0  }
0x12f: {  	v0 =	vld [tilespmem:s26+$0x8D00]  }
0x130: {  	v1 =	vld [tilespmem:s26+$0x8D40];
	_ =	sdelay $0x1  }
0x131: {  	v2 =	vld [tilespmem:s26+$0x8D80];
	_ =	sdelay $0x1  }
0x132: {  	v3 =	vld [tilespmem:s26+$0x8DC0]  }
0x133: {  	v0 =	vadd.f32 v1, v0;
	_ =	sdelay $0x1  }
0x134: {  	v0 =	vadd.f32 v2, v0;
	_ =	sdelay $0x1  }
0x135: {  	v0 =	vadd.f32 v3, v0;
	_ =	sdelay $0x1  }
0x136: {  	[tilespmem:s24+$0xFFFFFFD0] =	vst v0  }
0x137: {  	v0 =	vld [tilespmem:s26+$0x8D10]  }
0x138: {  	v1 =	vld [tilespmem:s26+$0x8D50]  }
0x139: {  	v2 =	vld [tilespmem:s26+$0x8D90]  }
0x13a: {  	v3 =	vld [tilespmem:s26+$0x8DD0];
	_ =	sdelay $0x2  }
0x13b: {  	v0 =	vadd.f32 v1, v0;
	_ =	sdelay $0x1  }
0x13c: {  	v0 =	vadd.f32 v2, v0;
	_ =	sdelay $0x1  }
0x13d: {  	v0 =	vadd.f32 v3, v0;
	_ =	sdelay $0x1  }
0x13e: {  	[tilespmem:s24+$0xFFFFFFE0] =	vst v0  }
0x13f: {  	v0 =	vld [tilespmem:s26+$0x8D20]  }
0x140: {  	v1 =	vld [tilespmem:s26+$0x8D60]  }
0x141: {  	v2 =	vld [tilespmem:s26+$0x8DA0]  }
0x142: {  	v3 =	vld [tilespmem:s26+$0x8DE0];
	_ =	sdelay $0x2  }
0x143: {  	v0 =	vadd.f32 v1, v0;
	_ =	sdelay $0x1  }
0x144: {  	v0 =	vadd.f32 v2, v0;
	_ =	sdelay $0x1  }
0x145: {  	v0 =	vadd.f32 v3, v0  }
.Ltmp1:
0x146: {  	(pc) =	sbr.rel @p0 .LBB2_4-.Ltmp1, $4  }
0x147: {  	[tilespmem:s24+$0xFFFFFFF0] =	vst v0  }
0x148: {  	v0 =	vld [tilespmem:s26+$0x8D30]  }
0x149: {  	v1 =	vld [tilespmem:s26+$0x8D70]  }
0x14a: {  	v2 =	vld [tilespmem:s26+$0x8DB0]  }
0x14b: {  	_ =	sdelay $0x1  }
0x14c: {  	v3 =	vld [tilespmem:s26+$0x8DF0]  }
0x14d: {  	v0 =	vadd.f32 v1, v0;
	_ =	sdelay $0x1  }
0x14e: {  	v0 =	vadd.f32 v2, v0;
	_ =	sdelay $0x1  }
0x14f: {  	v0 =	vadd.f32 v3, v0;
	_ =	sdelay $0x1  }
0x150: {  	s0 =	simm.s32 $0x0;
	[tilespmem:s31+$0x0] =	vst v0  }
0x151: {  	[hbm4b:s6+s0] =	stream.linear.scatter [tilespmem:s20], [sflag:$0x3], $0x2000, $0x38;
	[tilespmem:$0x14C00] =	vst v63  }
0x152: {  	s31 =	simm.s32 $0x600  }
0x153: {  	[tilespmem:s21], [sflag:$0x2] =	stream.indirect.gather [hbm4b:s3+s13], $0x40, s31, s13, $0xb8;
	[tilespmem:$0x14C00] =	vst v63  }
0x154: {  	s24 =	simm.s32 $0x680  }
0x155: {  	[tilespmem:s23], [sflag:$0x2] =	stream.indirect.gather [hbm4b:s3+s13], $0x40, s24, s13, $0xb8;
	[tilespmem:$0x14C00] =	vst v63  }
0x156: {  	s26 =	simm.s32 $0x700  }
0x157: {  	[tilespmem:s25], [sflag:$0x2] =	stream.indirect.gather [hbm4b:s3+s13], $0x40, s26, s13, $0xb8;
	[tilespmem:$0x14C00] =	vst v63  }
0x158: {  	s31 =	simm.s32 $0x780  }
0x159: {  	[tilespmem:s28], [sflag:$0x2] =	stream.indirect.gather [hbm4b:s3+s13], $0x40, s31, s13, $0xb8;
	[tilespmem:$0x14C00] =	vst v63  }
0x15a: {  	_ =	swait.ge [sflag:s29], $0x2000  }
0x15b: {  	[sflag:s29] =	ssyncset.done $0x0  }
0x15c: {  	[sflag:s29] =	ssyncadd.s32 $0xFFFFE000  }
0x15d: {  	_ =	swait.ge [sflag:s29], $0x2000  }
0x15e: {  	[sflag:s29] =	ssyncset.done $0x0  }
0x15f: {  	[sflag:s29] =	ssyncadd.s32 $0xFFFFE000  }
0x160: {  	_ =	swait.ge [sflag:s29], $0x2000  }
0x161: {  	[sflag:s29] =	ssyncset.done $0x0  }
0x162: {  	[sflag:s29] =	ssyncadd.s32 $0xFFFFE000  }
0x163: {  	_ =	swait.ge [sflag:s29], $0x2000  }
0x164: {  	[sflag:s29] =	ssyncset.done $0x0  }
0x165: {  	[sflag:s29] =	ssyncadd.s32 $0xFFFFE000  }
0x166: {  	_ =	swait.ge [sflag:s1], $0x2000  }
0x167: {  	[sflag:s1] =	ssyncset.done $0x0  }
0x168: {  	s24 =	simm.s32 $0xD00;
	[sflag:s1] =	ssyncadd.s32 $0xFFFFE000  }
0x169: {  	v0 =	vld [tilespmem:s24+$0xFFFFFF40]  }
0x16a: {  	v1 =	vld [tilespmem:s24+$0xFFFFFF00];
	_ =	sdelay $0x1  }
0x16b: {  	v2 =	vld [tilespmem:s24+$0xFFFFFF80];
	_ =	sdelay $0x1  }
0x16c: {  	v3 =	vld [tilespmem:s24+$0xFFFFFFC0]  }
0x16d: {  	v0 =	vadd.f32 v0, v1;
	_ =	sdelay $0x1  }
0x16e: {  	v0 =	vadd.f32 v2, v0;
	_ =	sdelay $0x1  }
0x16f: {  	v0 =	vadd.f32 v3, v0  }
0x170: {  	s26 =	simm.s32 $0x0  }
0x171: {  	[tilespmem:s26+$0x10C00] =	vst v0  }
0x172: {  	v0 =	vld [tilespmem:s24+$0xFFFFFF10]  }
0x173: {  	v1 =	vld [tilespmem:s24+$0xFFFFFF50];
	_ =	sdelay $0x1  }
0x174: {  	v2 =	vld [tilespmem:s24+$0xFFFFFF90];
	_ =	sdelay $0x1  }
0x175: {  	v3 =	vld [tilespmem:s24+$0xFFFFFFD0]  }
0x176: {  	v0 =	vadd.f32 v1, v0;
	_ =	sdelay $0x1  }
0x177: {  	v0 =	vadd.f32 v2, v0;
	_ =	sdelay $0x1  }
0x178: {  	v0 =	vadd.f32 v3, v0;
	_ =	sdelay $0x1  }
0x179: {  	[tilespmem:s26+$0x10C10] =	vst v0  }
0x17a: {  	v0 =	vld [tilespmem:s24+$0xFFFFFF20]  }
0x17b: {  	v1 =	vld [tilespmem:s24+$0xFFFFFF60];
	_ =	sdelay $0x1  }
0x17c: {  	v2 =	vld [tilespmem:s24+$0xFFFFFFA0];
	_ =	sdelay $0x1  }
0x17d: {  	v3 =	vld [tilespmem:s24+$0xFFFFFFE0]  }
0x17e: {  	v0 =	vadd.f32 v1, v0;
	_ =	sdelay $0x1  }
0x17f: {  	v0 =	vadd.f32 v2, v0;
	_ =	sdelay $0x1  }
0x180: {  	v0 =	vadd.f32 v3, v0;
	_ =	sdelay $0x1  }
0x181: {  	[tilespmem:s26+$0x10C20] =	vst v0  }
0x182: {  	v0 =	vld [tilespmem:s24+$0xFFFFFF30]  }
0x183: {  	v1 =	vld [tilespmem:s24+$0xFFFFFF70];
	_ =	sdelay $0x1  }
0x184: {  	v2 =	vld [tilespmem:s24+$0xFFFFFFB0];
	_ =	sdelay $0x1  }
0x185: {  	v3 =	vld [tilespmem:s24+$0xFFFFFFF0]  }
0x186: {  	v0 =	vadd.f32 v1, v0;
	_ =	sdelay $0x1  }
0x187: {  	v0 =	vadd.f32 v2, v0;
	_ =	sdelay $0x1  }
0x188: {  	v0 =	vadd.f32 v3, v0;
	_ =	sdelay $0x1  }
0x189: {  	[tilespmem:s26+$0x10C30] =	vst v0  }
0x18a: {  	v0 =	vld [tilespmem:s24+$0x0]  }
0x18b: {  	v1 =	vld [tilespmem:s24+$0x40];
	_ =	sdelay $0x1  }
0x18c: {  	v2 =	vld [tilespmem:s24+$0x80];
	_ =	sdelay $0x1  }
0x18d: {  	v3 =	vld [tilespmem:s24+$0xC0]  }
0x18e: {  	v0 =	vadd.f32 v1, v0;
	_ =	sdelay $0x1  }
0x18f: {  	v0 =	vadd.f32 v2, v0;
	_ =	sdelay $0x1  }
0x190: {  	v0 =	vadd.f32 v3, v0;
	_ =	sdelay $0x1  }
0x191: {  	[tilespmem:s26+$0x10C40] =	vst v0  }
0x192: {  	v0 =	vld [tilespmem:s24+$0x10]  }
0x193: {  	v1 =	vld [tilespmem:s24+$0x50];
	_ =	sdelay $0x1  }
0x194: {  	v2 =	vld [tilespmem:s24+$0x90];
	_ =	sdelay $0x1  }
0x195: {  	v3 =	vld [tilespmem:s24+$0xD0]  }
0x196: {  	v0 =	vadd.f32 v1, v0;
	_ =	sdelay $0x1  }
0x197: {  	v0 =	vadd.f32 v2, v0;
	_ =	sdelay $0x1  }
0x198: {  	v0 =	vadd.f32 v3, v0;
	_ =	sdelay $0x1  }
0x199: {  	[tilespmem:s26+$0x10C50] =	vst v0  }
0x19a: {  	v0 =	vld [tilespmem:s24+$0x20]  }
0x19b: {  	v1 =	vld [tilespmem:s24+$0x60];
	_ =	sdelay $0x1  }
0x19c: {  	v2 =	vld [tilespmem:s24+$0xA0];
	_ =	sdelay $0x1  }
0x19d: {  	v3 =	vld [tilespmem:s24+$0xE0]  }
0x19e: {  	v0 =	vadd.f32 v1, v0;
	_ =	sdelay $0x1  }
0x19f: {  	v0 =	vadd.f32 v2, v0;
	_ =	sdelay $0x1  }
0x1a0: {  	v0 =	vadd.f32 v3, v0;
	_ =	sdelay $0x1  }
0x1a1: {  	[tilespmem:s26+$0x10C60] =	vst v0  }
0x1a2: {  	v0 =	vld [tilespmem:s24+$0x30]  }
0x1a3: {  	v3 =	vld [tilespmem:s24+$0x70]  }
0x1a4: {  	v1 =	vld [tilespmem:s24+$0xB0]  }
0x1a5: {  	s0 =	simm.s32 $0x200;
	v2 =	vld [tilespmem:s24+$0xF0]  }
.LBB2_6:
0x1a6: {  	p0 =	sne.s32 s0, $0x7E00  }
0x1a7: {  	s24 =	sadd.s32 $0x200, s24;
	s31 =	smov.u32 s0;
	s0 =	sadd.s32 $0x200, s0  }
0x1a8: {  	_ = 	snop  }
0x1a9: {  	v0 =	vadd.f32 v3, v0;
	_ =	sdelay $0x1  }
0x1aa: {  	v0 =	vadd.f32 v1, v0;
	_ =	sdelay $0x1  }
0x1ab: {  	v0 =	vadd.f32 v2, v0;
	_ =	sdelay $0x1  }
0x1ac: {  	[tilespmem:s26+$0x10C70] =	vst v0  }
0x1ad: {  	v0 =	vld [tilespmem:s24+$0xFFFFFF40]  }
0x1ae: {  	v1 =	vld [tilespmem:s24+$0xFFFFFF00]  }
0x1af: {  	v2 =	vld [tilespmem:s24+$0xFFFFFF80];
	_ =	sdelay $0x2  }
0x1b0: {  	v3 =	vld [tilespmem:s24+$0xFFFFFFC0]  }
0x1b1: {  	v0 =	vadd.f32 v0, v1;
	_ =	sdelay $0x1  }
0x1b2: {  	v0 =	vadd.f32 v2, v0;
	_ =	sdelay $0x1  }
0x1b3: {  	v0 =	vadd.f32 v3, v0  }
0x1b4: {  	s26 =	sshra.s32 s31, $0x2  }
0x1b5: {  	[tilespmem:s26+$0x10C00] =	vst v0  }
0x1b6: {  	v0 =	vld [tilespmem:s24+$0xFFFFFF10]  }
0x1b7: {  	v1 =	vld [tilespmem:s24+$0xFFFFFF50];
	_ =	sdelay $0x1  }
0x1b8: {  	v2 =	vld [tilespmem:s24+$0xFFFFFF90];
	_ =	sdelay $0x1  }
0x1b9: {  	v3 =	vld [tilespmem:s24+$0xFFFFFFD0]  }
0x1ba: {  	v0 =	vadd.f32 v1, v0;
	_ =	sdelay $0x1  }
0x1bb: {  	v0 =	vadd.f32 v2, v0;
	_ =	sdelay $0x1  }
0x1bc: {  	v0 =	vadd.f32 v3, v0;
	_ =	sdelay $0x1  }
0x1bd: {  	[tilespmem:s26+$0x10C10] =	vst v0  }
0x1be: {  	v0 =	vld [tilespmem:s24+$0xFFFFFF20]  }
0x1bf: {  	v1 =	vld [tilespmem:s24+$0xFFFFFF60];
	_ =	sdelay $0x1  }
0x1c0: {  	v2 =	vld [tilespmem:s24+$0xFFFFFFA0];
	_ =	sdelay $0x1  }
0x1c1: {  	v3 =	vld [tilespmem:s24+$0xFFFFFFE0]  }
0x1c2: {  	v0 =	vadd.f32 v1, v0;
	_ =	sdelay $0x1  }
0x1c3: {  	v0 =	vadd.f32 v2, v0;
	_ =	sdelay $0x1  }
0x1c4: {  	v0 =	vadd.f32 v3, v0;
	_ =	sdelay $0x1  }
0x1c5: {  	[tilespmem:s26+$0x10C20] =	vst v0  }
0x1c6: {  	v0 =	vld [tilespmem:s24+$0xFFFFFF30]  }
0x1c7: {  	v1 =	vld [tilespmem:s24+$0xFFFFFF70]  }
0x1c8: {  	v2 =	vld [tilespmem:s24+$0xFFFFFFB0];
	_ =	sdelay $0x2  }
0x1c9: {  	v3 =	vld [tilespmem:s24+$0xFFFFFFF0]  }
0x1ca: {  	v0 =	vadd.f32 v1, v0;
	_ =	sdelay $0x1  }
0x1cb: {  	v0 =	vadd.f32 v2, v0;
	_ =	sdelay $0x1  }
0x1cc: {  	v0 =	vadd.f32 v3, v0;
	_ =	sdelay $0x1  }
0x1cd: {  	[tilespmem:s26+$0x10C30] =	vst v0  }
0x1ce: {  	v0 =	vld [tilespmem:s24+$0x0]  }
0x1cf: {  	v1 =	vld [tilespmem:s24+$0x40];
	_ =	sdelay $0x1  }
0x1d0: {  	v2 =	vld [tilespmem:s24+$0x80];
	_ =	sdelay $0x1  }
0x1d1: {  	v3 =	vld [tilespmem:s24+$0xC0]  }
0x1d2: {  	v0 =	vadd.f32 v1, v0;
	_ =	sdelay $0x1  }
0x1d3: {  	v0 =	vadd.f32 v2, v0;
	_ =	sdelay $0x1  }
0x1d4: {  	v0 =	vadd.f32 v3, v0;
	_ =	sdelay $0x1  }
0x1d5: {  	[tilespmem:s26+$0x10C40] =	vst v0  }
0x1d6: {  	v0 =	vld [tilespmem:s24+$0x10]  }
0x1d7: {  	v1 =	vld [tilespmem:s24+$0x50]  }
0x1d8: {  	v2 =	vld [tilespmem:s24+$0x90]  }
0x1d9: {  	v3 =	vld [tilespmem:s24+$0xD0];
	_ =	sdelay $0x2  }
0x1da: {  	v0 =	vadd.f32 v1, v0;
	_ =	sdelay $0x1  }
0x1db: {  	v0 =	vadd.f32 v2, v0;
	_ =	sdelay $0x1  }
0x1dc: {  	v0 =	vadd.f32 v3, v0;
	_ =	sdelay $0x1  }
0x1dd: {  	[tilespmem:s26+$0x10C50] =	vst v0  }
0x1de: {  	v0 =	vld [tilespmem:s24+$0x20]  }
0x1df: {  	v1 =	vld [tilespmem:s24+$0x60]  }
0x1e0: {  	v2 =	vld [tilespmem:s24+$0xA0]  }
0x1e1: {  	v3 =	vld [tilespmem:s24+$0xE0];
	_ =	sdelay $0x2  }
0x1e2: {  	v0 =	vadd.f32 v1, v0;
	_ =	sdelay $0x1  }
0x1e3: {  	v0 =	vadd.f32 v2, v0;
	_ =	sdelay $0x1  }
0x1e4: {  	v0 =	vadd.f32 v3, v0;
	_ =	sdelay $0x1  }
.Ltmp2:
0x1e5: {  	[tilespmem:s26+$0x10C60] =	vst v0;
	(pc) =	sbr.rel @p0 .LBB2_6-.Ltmp2, $4  }
0x1e6: {  	v0 =	vld [tilespmem:s24+$0x30]  }
0x1e7: {  	v3 =	vld [tilespmem:s24+$0x70]  }
0x1e8: {  	v1 =	vld [tilespmem:s24+$0xB0]  }
0x1e9: {  	v2 =	vld [tilespmem:s24+$0xF0]  }
0x1ea: {  	_ =	sdelay $0x1  }
0x1eb: {  	v0 =	vadd.f32 v3, v0;
	_ =	sdelay $0x1  }
0x1ec: {  	v0 =	vadd.f32 v1, v0;
	_ =	sdelay $0x1  }
0x1ed: {  	v0 =	vadd.f32 v2, v0;
	_ =	sdelay $0x1  }
0x1ee: {  	s0 =	simm.s32 $0x0;
	[tilespmem:s26+$0x10C70] =	vst v0  }
0x1ef: {  	[hbm4b:s7+s0] =	stream.linear.scatter [tilespmem:s30], [sflag:$0x3], $0x2000, $0x38;
	[tilespmem:$0x14C00] =	vst v63  }
0x1f0: {  	s24 =	simm.s32 $0x800  }
0x1f1: {  	[tilespmem:s14], [sflag:$0x1] =	stream.indirect.gather [hbm4b:s3+s13], $0x40, s24, s13, $0xb8;
	[tilespmem:$0x14C00] =	vst v63  }
0x1f2: {  	s26 =	simm.s32 $0x880  }
0x1f3: {  	[tilespmem:s15], [sflag:$0x1] =	stream.indirect.gather [hbm4b:s3+s13], $0x40, s26, s13, $0xb8;
	[tilespmem:$0x14C00] =	vst v63  }
0x1f4: {  	s24 =	simm.s32 $0x900  }
0x1f5: {  	[tilespmem:s17], [sflag:$0x1] =	stream.indirect.gather [hbm4b:s3+s13], $0x40, s24, s13, $0xb8;
	[tilespmem:$0x14C00] =	vst v63  }
0x1f6: {  	s26 =	simm.s32 $0x980  }
0x1f7: {  	[tilespmem:s19], [sflag:$0x1] =	stream.indirect.gather [hbm4b:s3+s13], $0x40, s26, s13, $0xb8;
	[tilespmem:$0x14C00] =	vst v63  }
0x1f8: {  	_ =	swait.ge [sflag:s18], $0x2000  }
0x1f9: {  	[sflag:s18] =	ssyncset.done $0x0  }
0x1fa: {  	[sflag:s18] =	ssyncadd.s32 $0xFFFFE000  }
0x1fb: {  	_ =	swait.ge [sflag:s18], $0x2000  }
0x1fc: {  	[sflag:s18] =	ssyncset.done $0x0  }
0x1fd: {  	[sflag:s18] =	ssyncadd.s32 $0xFFFFE000  }
0x1fe: {  	_ =	swait.ge [sflag:s18], $0x2000  }
0x1ff: {  	[sflag:s18] =	ssyncset.done $0x0  }
0x200: {  	[sflag:s18] =	ssyncadd.s32 $0xFFFFE000  }
0x201: {  	_ =	swait.ge [sflag:s18], $0x2000  }
0x202: {  	[sflag:s18] =	ssyncset.done $0x0  }
0x203: {  	[sflag:s18] =	ssyncadd.s32 $0xFFFFE000  }
0x204: {  	_ =	swait.ge [sflag:s1], $0x2000  }
0x205: {  	[sflag:s1] =	ssyncset.done $0x0  }
0x206: {  	s26 =	simm.s32 $0x0;
	[sflag:s1] =	ssyncadd.s32 $0xFFFFE000  }
0x207: {  	v0 =	vld [tilespmem:s26+$0x8C00]  }
0x208: {  	v1 =	vld [tilespmem:s26+$0x8C40];
	_ =	sdelay $0x1  }
0x209: {  	v2 =	vld [tilespmem:s26+$0x8C80];
	_ =	sdelay $0x1  }
0x20a: {  	v3 =	vld [tilespmem:s26+$0x8CC0]  }
0x20b: {  	v0 =	vadd.f32 v1, v0;
	_ =	sdelay $0x1  }
0x20c: {  	v0 =	vadd.f32 v2, v0;
	_ =	sdelay $0x1  }
0x20d: {  	v0 =	vadd.f32 v3, v0  }
0x20e: {  	s24 =	simm.s32 $0x12C70  }
0x20f: {  	[tilespmem:s24+$0xFFFFFF90] =	vst v0  }
0x210: {  	v0 =	vld [tilespmem:s26+$0x8C10]  }
0x211: {  	v1 =	vld [tilespmem:s26+$0x8C50];
	_ =	sdelay $0x1  }
0x212: {  	v2 =	vld [tilespmem:s26+$0x8C90];
	_ =	sdelay $0x1  }
0x213: {  	v3 =	vld [tilespmem:s26+$0x8CD0]  }
0x214: {  	v0 =	vadd.f32 v1, v0;
	_ =	sdelay $0x1  }
0x215: {  	v0 =	vadd.f32 v2, v0;
	_ =	sdelay $0x1  }
0x216: {  	v0 =	vadd.f32 v3, v0;
	_ =	sdelay $0x1  }
0x217: {  	[tilespmem:s24+$0xFFFFFFA0] =	vst v0  }
0x218: {  	v0 =	vld [tilespmem:s26+$0x8C20]  }
0x219: {  	v1 =	vld [tilespmem:s26+$0x8C60];
	_ =	sdelay $0x1  }
0x21a: {  	v2 =	vld [tilespmem:s26+$0x8CA0];
	_ =	sdelay $0x1  }
0x21b: {  	v3 =	vld [tilespmem:s26+$0x8CE0]  }
0x21c: {  	v0 =	vadd.f32 v1, v0;
	_ =	sdelay $0x1  }
0x21d: {  	v0 =	vadd.f32 v2, v0;
	_ =	sdelay $0x1  }
0x21e: {  	v0 =	vadd.f32 v3, v0;
	_ =	sdelay $0x1  }
0x21f: {  	[tilespmem:s24+$0xFFFFFFB0] =	vst v0  }
0x220: {  	v0 =	vld [tilespmem:s26+$0x8C30]  }
0x221: {  	v1 =	vld [tilespmem:s26+$0x8C70];
	_ =	sdelay $0x1  }
0x222: {  	v2 =	vld [tilespmem:s26+$0x8CB0];
	_ =	sdelay $0x1  }
0x223: {  	v3 =	vld [tilespmem:s26+$0x8CF0]  }
0x224: {  	v0 =	vadd.f32 v1, v0;
	_ =	sdelay $0x1  }
0x225: {  	v0 =	vadd.f32 v2, v0;
	_ =	sdelay $0x1  }
0x226: {  	v0 =	vadd.f32 v3, v0;
	_ =	sdelay $0x1  }
0x227: {  	[tilespmem:s24+$0xFFFFFFC0] =	vst v0  }
0x228: {  	v0 =	vld [tilespmem:s26+$0x8D00]  }
0x229: {  	v1 =	vld [tilespmem:s26+$0x8D40];
	_ =	sdelay $0x1  }
0x22a: {  	v2 =	vld [tilespmem:s26+$0x8D80];
	_ =	sdelay $0x1  }
0x22b: {  	v3 =	vld [tilespmem:s26+$0x8DC0]  }
0x22c: {  	v0 =	vadd.f32 v1, v0;
	_ =	sdelay $0x1  }
0x22d: {  	v0 =	vadd.f32 v2, v0;
	_ =	sdelay $0x1  }
0x22e: {  	v0 =	vadd.f32 v3, v0;
	_ =	sdelay $0x1  }
0x22f: {  	[tilespmem:s24+$0xFFFFFFD0] =	vst v0  }
0x230: {  	v0 =	vld [tilespmem:s26+$0x8D10]  }
0x231: {  	v1 =	vld [tilespmem:s26+$0x8D50];
	_ =	sdelay $0x1  }
0x232: {  	v2 =	vld [tilespmem:s26+$0x8D90];
	_ =	sdelay $0x1  }
0x233: {  	v3 =	vld [tilespmem:s26+$0x8DD0]  }
0x234: {  	v0 =	vadd.f32 v1, v0;
	_ =	sdelay $0x1  }
0x235: {  	v0 =	vadd.f32 v2, v0;
	_ =	sdelay $0x1  }
0x236: {  	v0 =	vadd.f32 v3, v0;
	_ =	sdelay $0x1  }
0x237: {  	[tilespmem:s24+$0xFFFFFFE0] =	vst v0  }
0x238: {  	v0 =	vld [tilespmem:s26+$0x8D20]  }
0x239: {  	v1 =	vld [tilespmem:s26+$0x8D60];
	_ =	sdelay $0x1  }
0x23a: {  	v2 =	vld [tilespmem:s26+$0x8DA0];
	_ =	sdelay $0x1  }
0x23b: {  	v3 =	vld [tilespmem:s26+$0x8DE0]  }
0x23c: {  	v0 =	vadd.f32 v1, v0;
	_ =	sdelay $0x1  }
0x23d: {  	v0 =	vadd.f32 v2, v0;
	_ =	sdelay $0x1  }
0x23e: {  	v0 =	vadd.f32 v3, v0;
	_ =	sdelay $0x1  }
0x23f: {  	[tilespmem:s24+$0xFFFFFFF0] =	vst v0  }
0x240: {  	v0 =	vld [tilespmem:s26+$0x8D30]  }
0x241: {  	v1 =	vld [tilespmem:s26+$0x8D70]  }
0x242: {  	s31 =	simm.s32 $0x12C70;
	s0 =	simm.s32 $0x800;
	v2 =	vld [tilespmem:s26+$0x8DB0]  }
.LBB2_8:
0x243: {  	p0 =	sne.s32 s0, $0x1F800  }
0x244: {  	v3 =	vld [tilespmem:s26+$0x8DF0];
	s24 =	sadd.s32 $0x80, s24;
	s26 =	smov.u32 s0;
	s0 =	sadd.s32 $0x800, s0  }
0x245: {  	_ =	sdelay $0x1  }
0x246: {  	v0 =	vadd.f32 v1, v0;
	_ =	sdelay $0x1  }
0x247: {  	v0 =	vadd.f32 v2, v0;
	_ =	sdelay $0x1  }
0x248: {  	v0 =	vadd.f32 v3, v0  }
0x249: {  	s26 =	sshra.s32 s26, $0x2  }
0x24a: {  	[tilespmem:s31+$0x0] =	vst v0;
	s31 =	smov.u32 s24  }
0x24b: {  	v0 =	vld [tilespmem:s26+$0x8C00]  }
0x24c: {  	v1 =	vld [tilespmem:s26+$0x8C40]  }
0x24d: {  	v2 =	vld [tilespmem:s26+$0x8C80];
	_ =	sdelay $0x1  }
0x24e: {  	v3 =	vld [tilespmem:s26+$0x8CC0];
	_ =	sdelay $0x1  }
0x24f: {  	v0 =	vadd.f32 v1, v0;
	_ =	sdelay $0x1  }
0x250: {  	v0 =	vadd.f32 v2, v0;
	_ =	sdelay $0x1  }
0x251: {  	v0 =	vadd.f32 v3, v0;
	_ =	sdelay $0x1  }
0x252: {  	[tilespmem:s24+$0xFFFFFF90] =	vst v0  }
0x253: {  	v0 =	vld [tilespmem:s26+$0x8C10]  }
0x254: {  	v1 =	vld [tilespmem:s26+$0x8C50];
	_ =	sdelay $0x1  }
0x255: {  	v2 =	vld [tilespmem:s26+$0x8C90];
	_ =	sdelay $0x1  }
0x256: {  	v3 =	vld [tilespmem:s26+$0x8CD0]  }
0x257: {  	v0 =	vadd.f32 v1, v0;
	_ =	sdelay $0x1  }
0x258: {  	v0 =	vadd.f32 v2, v0;
	_ =	sdelay $0x1  }
0x259: {  	v0 =	vadd.f32 v3, v0;
	_ =	sdelay $0x1  }
0x25a: {  	[tilespmem:s24+$0xFFFFFFA0] =	vst v0  }
0x25b: {  	v0 =	vld [tilespmem:s26+$0x8C20]  }
0x25c: {  	v1 =	vld [tilespmem:s26+$0x8C60];
	_ =	sdelay $0x1  }
0x25d: {  	v2 =	vld [tilespmem:s26+$0x8CA0];
	_ =	sdelay $0x1  }
0x25e: {  	v3 =	vld [tilespmem:s26+$0x8CE0]  }
0x25f: {  	v0 =	vadd.f32 v1, v0;
	_ =	sdelay $0x1  }
0x260: {  	v0 =	vadd.f32 v2, v0;
	_ =	sdelay $0x1  }
0x261: {  	v0 =	vadd.f32 v3, v0;
	_ =	sdelay $0x1  }
0x262: {  	[tilespmem:s24+$0xFFFFFFB0] =	vst v0  }
0x263: {  	v0 =	vld [tilespmem:s26+$0x8C30]  }
0x264: {  	v1 =	vld [tilespmem:s26+$0x8C70]  }
0x265: {  	v2 =	vld [tilespmem:s26+$0x8CB0];
	_ =	sdelay $0x2  }
0x266: {  	v3 =	vld [tilespmem:s26+$0x8CF0]  }
0x267: {  	v0 =	vadd.f32 v1, v0;
	_ =	sdelay $0x1  }
0x268: {  	v0 =	vadd.f32 v2, v0;
	_ =	sdelay $0x1  }
0x269: {  	v0 =	vadd.f32 v3, v0;
	_ =	sdelay $0x1  }
0x26a: {  	[tilespmem:s24+$0xFFFFFFC0] =	vst v0  }
0x26b: {  	v0 =	vld [tilespmem:s26+$0x8D00]  }
0x26c: {  	v1 =	vld [tilespmem:s26+$0x8D40];
	_ =	sdelay $0x1  }
0x26d: {  	v2 =	vld [tilespmem:s26+$0x8D80];
	_ =	sdelay $0x1  }
0x26e: {  	v3 =	vld [tilespmem:s26+$0x8DC0]  }
0x26f: {  	v0 =	vadd.f32 v1, v0;
	_ =	sdelay $0x1  }
0x270: {  	v0 =	vadd.f32 v2, v0;
	_ =	sdelay $0x1  }
0x271: {  	v0 =	vadd.f32 v3, v0;
	_ =	sdelay $0x1  }
0x272: {  	[tilespmem:s24+$0xFFFFFFD0] =	vst v0  }
0x273: {  	v0 =	vld [tilespmem:s26+$0x8D10]  }
0x274: {  	v1 =	vld [tilespmem:s26+$0x8D50]  }
0x275: {  	v2 =	vld [tilespmem:s26+$0x8D90]  }
0x276: {  	v3 =	vld [tilespmem:s26+$0x8DD0];
	_ =	sdelay $0x2  }
0x277: {  	v0 =	vadd.f32 v1, v0;
	_ =	sdelay $0x1  }
0x278: {  	v0 =	vadd.f32 v2, v0;
	_ =	sdelay $0x1  }
0x279: {  	v0 =	vadd.f32 v3, v0;
	_ =	sdelay $0x1  }
0x27a: {  	[tilespmem:s24+$0xFFFFFFE0] =	vst v0  }
0x27b: {  	v0 =	vld [tilespmem:s26+$0x8D20]  }
0x27c: {  	v1 =	vld [tilespmem:s26+$0x8D60]  }
0x27d: {  	v2 =	vld [tilespmem:s26+$0x8DA0]  }
0x27e: {  	v3 =	vld [tilespmem:s26+$0x8DE0];
	_ =	sdelay $0x2  }
0x27f: {  	v0 =	vadd.f32 v1, v0;
	_ =	sdelay $0x1  }
0x280: {  	v0 =	vadd.f32 v2, v0;
	_ =	sdelay $0x1  }
0x281: {  	v0 =	vadd.f32 v3, v0  }
.Ltmp3:
0x282: {  	(pc) =	sbr.rel @p0 .LBB2_8-.Ltmp3, $4  }
0x283: {  	[tilespmem:s24+$0xFFFFFFF0] =	vst v0  }
0x284: {  	v0 =	vld [tilespmem:s26+$0x8D30]  }
0x285: {  	v1 =	vld [tilespmem:s26+$0x8D70]  }
0x286: {  	v2 =	vld [tilespmem:s26+$0x8DB0]  }
0x287: {  	_ =	sdelay $0x1  }
0x288: {  	v3 =	vld [tilespmem:s26+$0x8DF0]  }
0x289: {  	v0 =	vadd.f32 v1, v0;
	_ =	sdelay $0x1  }
0x28a: {  	v0 =	vadd.f32 v2, v0;
	_ =	sdelay $0x1  }
0x28b: {  	v0 =	vadd.f32 v3, v0;
	_ =	sdelay $0x1  }
0x28c: {  	s0 =	simm.s32 $0x0;
	[tilespmem:s31+$0x0] =	vst v0  }
0x28d: {  	[hbm4b:s8+s0] =	stream.linear.scatter [tilespmem:s20], [sflag:$0x3], $0x2000, $0x38;
	[tilespmem:$0x14C00] =	vst v63  }
0x28e: {  	s24 =	simm.s32 $0xA00  }
0x28f: {  	[tilespmem:s21], [sflag:$0x2] =	stream.indirect.gather [hbm4b:s3+s13], $0x40, s24, s13, $0xb8;
	[tilespmem:$0x14C00] =	vst v63  }
0x290: {  	s26 =	simm.s32 $0xA80  }
0x291: {  	[tilespmem:s23], [sflag:$0x2] =	stream.indirect.gather [hbm4b:s3+s13], $0x40, s26, s13, $0xb8;
	[tilespmem:$0x14C00] =	vst v63  }
0x292: {  	s31 =	simm.s32 $0xB00  }
0x293: {  	[tilespmem:s25], [sflag:$0x2] =	stream.indirect.gather [hbm4b:s3+s13], $0x40, s31, s13, $0xb8;
	[tilespmem:$0x14C00] =	vst v63  }
0x294: {  	_ = 	snop  }
0x295: {  	[tilespmem:s28], [sflag:$0x2] =	stream.indirect.gather [hbm4b:s3+s13], $0x40, s16, s13, $0xb8;
	[tilespmem:$0x14C00] =	vst v63  }
0x296: {  	_ =	swait.ge [sflag:s29], $0x2000  }
0x297: {  	[sflag:s29] =	ssyncset.done $0x0  }
0x298: {  	[sflag:s29] =	ssyncadd.s32 $0xFFFFE000  }
0x299: {  	_ =	swait.ge [sflag:s29], $0x2000  }
0x29a: {  	[sflag:s29] =	ssyncset.done $0x0  }
0x29b: {  	[sflag:s29] =	ssyncadd.s32 $0xFFFFE000  }
0x29c: {  	_ =	swait.ge [sflag:s29], $0x2000  }
0x29d: {  	[sflag:s29] =	ssyncset.done $0x0  }
0x29e: {  	[sflag:s29] =	ssyncadd.s32 $0xFFFFE000  }
0x29f: {  	_ =	swait.ge [sflag:s29], $0x2000  }
0x2a0: {  	[sflag:s29] =	ssyncset.done $0x0  }
0x2a1: {  	[sflag:s29] =	ssyncadd.s32 $0xFFFFE000  }
0x2a2: {  	_ =	swait.ge [sflag:s1], $0x2000  }
0x2a3: {  	[sflag:s1] =	ssyncset.done $0x0  }
0x2a4: {  	s24 =	simm.s32 $0xD00;
	[sflag:s1] =	ssyncadd.s32 $0xFFFFE000  }
0x2a5: {  	v0 =	vld [tilespmem:s24+$0xFFFFFF40]  }
0x2a6: {  	v1 =	vld [tilespmem:s24+$0xFFFFFF00];
	_ =	sdelay $0x1  }
0x2a7: {  	v2 =	vld [tilespmem:s24+$0xFFFFFF80];
	_ =	sdelay $0x1  }
0x2a8: {  	v3 =	vld [tilespmem:s24+$0xFFFFFFC0]  }
0x2a9: {  	v0 =	vadd.f32 v0, v1;
	_ =	sdelay $0x1  }
0x2aa: {  	v0 =	vadd.f32 v2, v0;
	_ =	sdelay $0x1  }
0x2ab: {  	v0 =	vadd.f32 v3, v0  }
0x2ac: {  	s26 =	simm.s32 $0x0  }
0x2ad: {  	[tilespmem:s26+$0x10C00] =	vst v0  }
0x2ae: {  	v0 =	vld [tilespmem:s24+$0xFFFFFF10]  }
0x2af: {  	v1 =	vld [tilespmem:s24+$0xFFFFFF50];
	_ =	sdelay $0x1  }
0x2b0: {  	v2 =	vld [tilespmem:s24+$0xFFFFFF90];
	_ =	sdelay $0x1  }
0x2b1: {  	v3 =	vld [tilespmem:s24+$0xFFFFFFD0]  }
0x2b2: {  	v0 =	vadd.f32 v1, v0;
	_ =	sdelay $0x1  }
0x2b3: {  	v0 =	vadd.f32 v2, v0;
	_ =	sdelay $0x1  }
0x2b4: {  	v0 =	vadd.f32 v3, v0;
	_ =	sdelay $0x1  }
0x2b5: {  	[tilespmem:s26+$0x10C10] =	vst v0  }
0x2b6: {  	v0 =	vld [tilespmem:s24+$0xFFFFFF20]  }
0x2b7: {  	v1 =	vld [tilespmem:s24+$0xFFFFFF60];
	_ =	sdelay $0x1  }
0x2b8: {  	v2 =	vld [tilespmem:s24+$0xFFFFFFA0];
	_ =	sdelay $0x1  }
0x2b9: {  	v3 =	vld [tilespmem:s24+$0xFFFFFFE0]  }
0x2ba: {  	v0 =	vadd.f32 v1, v0;
	_ =	sdelay $0x1  }
0x2bb: {  	v0 =	vadd.f32 v2, v0;
	_ =	sdelay $0x1  }
0x2bc: {  	v0 =	vadd.f32 v3, v0;
	_ =	sdelay $0x1  }
0x2bd: {  	[tilespmem:s26+$0x10C20] =	vst v0  }
0x2be: {  	v0 =	vld [tilespmem:s24+$0xFFFFFF30]  }
0x2bf: {  	v1 =	vld [tilespmem:s24+$0xFFFFFF70];
	_ =	sdelay $0x1  }
0x2c0: {  	v2 =	vld [tilespmem:s24+$0xFFFFFFB0];
	_ =	sdelay $0x1  }
0x2c1: {  	v3 =	vld [tilespmem:s24+$0xFFFFFFF0]  }
0x2c2: {  	v0 =	vadd.f32 v1, v0;
	_ =	sdelay $0x1  }
0x2c3: {  	v0 =	vadd.f32 v2, v0;
	_ =	sdelay $0x1  }
0x2c4: {  	v0 =	vadd.f32 v3, v0;
	_ =	sdelay $0x1  }
0x2c5: {  	[tilespmem:s26+$0x10C30] =	vst v0  }
0x2c6: {  	v0 =	vld [tilespmem:s24+$0x0]  }
0x2c7: {  	v1 =	vld [tilespmem:s24+$0x40];
	_ =	sdelay $0x1  }
0x2c8: {  	v2 =	vld [tilespmem:s24+$0x80];
	_ =	sdelay $0x1  }
0x2c9: {  	v3 =	vld [tilespmem:s24+$0xC0]  }
0x2ca: {  	v0 =	vadd.f32 v1, v0;
	_ =	sdelay $0x1  }
0x2cb: {  	v0 =	vadd.f32 v2, v0;
	_ =	sdelay $0x1  }
0x2cc: {  	v0 =	vadd.f32 v3, v0;
	_ =	sdelay $0x1  }
0x2cd: {  	[tilespmem:s26+$0x10C40] =	vst v0  }
0x2ce: {  	v0 =	vld [tilespmem:s24+$0x10]  }
0x2cf: {  	v1 =	vld [tilespmem:s24+$0x50];
	_ =	sdelay $0x1  }
0x2d0: {  	v2 =	vld [tilespmem:s24+$0x90];
	_ =	sdelay $0x1  }
0x2d1: {  	v3 =	vld [tilespmem:s24+$0xD0]  }
0x2d2: {  	v0 =	vadd.f32 v1, v0;
	_ =	sdelay $0x1  }
0x2d3: {  	v0 =	vadd.f32 v2, v0;
	_ =	sdelay $0x1  }
0x2d4: {  	v0 =	vadd.f32 v3, v0;
	_ =	sdelay $0x1  }
0x2d5: {  	[tilespmem:s26+$0x10C50] =	vst v0  }
0x2d6: {  	v0 =	vld [tilespmem:s24+$0x20]  }
0x2d7: {  	v1 =	vld [tilespmem:s24+$0x60];
	_ =	sdelay $0x1  }
0x2d8: {  	v2 =	vld [tilespmem:s24+$0xA0];
	_ =	sdelay $0x1  }
0x2d9: {  	v3 =	vld [tilespmem:s24+$0xE0]  }
0x2da: {  	v0 =	vadd.f32 v1, v0;
	_ =	sdelay $0x1  }
0x2db: {  	v0 =	vadd.f32 v2, v0;
	_ =	sdelay $0x1  }
0x2dc: {  	v0 =	vadd.f32 v3, v0;
	_ =	sdelay $0x1  }
0x2dd: {  	[tilespmem:s26+$0x10C60] =	vst v0  }
0x2de: {  	v0 =	vld [tilespmem:s24+$0x30]  }
0x2df: {  	v3 =	vld [tilespmem:s24+$0x70]  }
0x2e0: {  	v1 =	vld [tilespmem:s24+$0xB0]  }
0x2e1: {  	s0 =	simm.s32 $0x200;
	v2 =	vld [tilespmem:s24+$0xF0]  }
.LBB2_10:
0x2e2: {  	p0 =	sne.s32 s0, $0x7E00  }
0x2e3: {  	s24 =	sadd.s32 $0x200, s24;
	s31 =	smov.u32 s0;
	s0 =	sadd.s32 $0x200, s0  }
0x2e4: {  	_ = 	snop  }
0x2e5: {  	v0 =	vadd.f32 v3, v0;
	_ =	sdelay $0x1  }
0x2e6: {  	v0 =	vadd.f32 v1, v0;
	_ =	sdelay $0x1  }
0x2e7: {  	v0 =	vadd.f32 v2, v0;
	_ =	sdelay $0x1  }
0x2e8: {  	[tilespmem:s26+$0x10C70] =	vst v0  }
0x2e9: {  	v0 =	vld [tilespmem:s24+$0xFFFFFF40]  }
0x2ea: {  	v1 =	vld [tilespmem:s24+$0xFFFFFF00]  }
0x2eb: {  	v2 =	vld [tilespmem:s24+$0xFFFFFF80];
	_ =	sdelay $0x2  }
0x2ec: {  	v3 =	vld [tilespmem:s24+$0xFFFFFFC0]  }
0x2ed: {  	v0 =	vadd.f32 v0, v1;
	_ =	sdelay $0x1  }
0x2ee: {  	v0 =	vadd.f32 v2, v0;
	_ =	sdelay $0x1  }
0x2ef: {  	v0 =	vadd.f32 v3, v0  }
0x2f0: {  	s26 =	sshra.s32 s31, $0x2  }
0x2f1: {  	[tilespmem:s26+$0x10C00] =	vst v0  }
0x2f2: {  	v0 =	vld [tilespmem:s24+$0xFFFFFF10]  }
0x2f3: {  	v1 =	vld [tilespmem:s24+$0xFFFFFF50];
	_ =	sdelay $0x1  }
0x2f4: {  	v2 =	vld [tilespmem:s24+$0xFFFFFF90];
	_ =	sdelay $0x1  }
0x2f5: {  	v3 =	vld [tilespmem:s24+$0xFFFFFFD0]  }
0x2f6: {  	v0 =	vadd.f32 v1, v0;
	_ =	sdelay $0x1  }
0x2f7: {  	v0 =	vadd.f32 v2, v0;
	_ =	sdelay $0x1  }
0x2f8: {  	v0 =	vadd.f32 v3, v0;
	_ =	sdelay $0x1  }
0x2f9: {  	[tilespmem:s26+$0x10C10] =	vst v0  }
0x2fa: {  	v0 =	vld [tilespmem:s24+$0xFFFFFF20]  }
0x2fb: {  	v1 =	vld [tilespmem:s24+$0xFFFFFF60];
	_ =	sdelay $0x1  }
0x2fc: {  	v2 =	vld [tilespmem:s24+$0xFFFFFFA0];
	_ =	sdelay $0x1  }
0x2fd: {  	v3 =	vld [tilespmem:s24+$0xFFFFFFE0]  }
0x2fe: {  	v0 =	vadd.f32 v1, v0;
	_ =	sdelay $0x1  }
0x2ff: {  	v0 =	vadd.f32 v2, v0;
	_ =	sdelay $0x1  }
0x300: {  	v0 =	vadd.f32 v3, v0;
	_ =	sdelay $0x1  }
0x301: {  	[tilespmem:s26+$0x10C20] =	vst v0  }
0x302: {  	v0 =	vld [tilespmem:s24+$0xFFFFFF30]  }
0x303: {  	v1 =	vld [tilespmem:s24+$0xFFFFFF70]  }
0x304: {  	v2 =	vld [tilespmem:s24+$0xFFFFFFB0];
	_ =	sdelay $0x2  }
0x305: {  	v3 =	vld [tilespmem:s24+$0xFFFFFFF0]  }
0x306: {  	v0 =	vadd.f32 v1, v0;
	_ =	sdelay $0x1  }
0x307: {  	v0 =	vadd.f32 v2, v0;
	_ =	sdelay $0x1  }
0x308: {  	v0 =	vadd.f32 v3, v0;
	_ =	sdelay $0x1  }
0x309: {  	[tilespmem:s26+$0x10C30] =	vst v0  }
0x30a: {  	v0 =	vld [tilespmem:s24+$0x0]  }
0x30b: {  	v1 =	vld [tilespmem:s24+$0x40];
	_ =	sdelay $0x1  }
0x30c: {  	v2 =	vld [tilespmem:s24+$0x80];
	_ =	sdelay $0x1  }
0x30d: {  	v3 =	vld [tilespmem:s24+$0xC0]  }
0x30e: {  	v0 =	vadd.f32 v1, v0;
	_ =	sdelay $0x1  }
0x30f: {  	v0 =	vadd.f32 v2, v0;
	_ =	sdelay $0x1  }
0x310: {  	v0 =	vadd.f32 v3, v0;
	_ =	sdelay $0x1  }
0x311: {  	[tilespmem:s26+$0x10C40] =	vst v0  }
0x312: {  	v0 =	vld [tilespmem:s24+$0x10]  }
0x313: {  	v1 =	vld [tilespmem:s24+$0x50]  }
0x314: {  	v2 =	vld [tilespmem:s24+$0x90]  }
0x315: {  	v3 =	vld [tilespmem:s24+$0xD0];
	_ =	sdelay $0x2  }
0x316: {  	v0 =	vadd.f32 v1, v0;
	_ =	sdelay $0x1  }
0x317: {  	v0 =	vadd.f32 v2, v0;
	_ =	sdelay $0x1  }
0x318: {  	v0 =	vadd.f32 v3, v0;
	_ =	sdelay $0x1  }
0x319: {  	[tilespmem:s26+$0x10C50] =	vst v0  }
0x31a: {  	v0 =	vld [tilespmem:s24+$0x20]  }
0x31b: {  	v1 =	vld [tilespmem:s24+$0x60]  }
0x31c: {  	v2 =	vld [tilespmem:s24+$0xA0]  }
0x31d: {  	v3 =	vld [tilespmem:s24+$0xE0];
	_ =	sdelay $0x2  }
0x31e: {  	v0 =	vadd.f32 v1, v0;
	_ =	sdelay $0x1  }
0x31f: {  	v0 =	vadd.f32 v2, v0;
	_ =	sdelay $0x1  }
0x320: {  	v0 =	vadd.f32 v3, v0;
	_ =	sdelay $0x1  }
.Ltmp4:
0x321: {  	[tilespmem:s26+$0x10C60] =	vst v0;
	(pc) =	sbr.rel @p0 .LBB2_10-.Ltmp4, $4  }
0x322: {  	v0 =	vld [tilespmem:s24+$0x30]  }
0x323: {  	v3 =	vld [tilespmem:s24+$0x70]  }
0x324: {  	v1 =	vld [tilespmem:s24+$0xB0]  }
0x325: {  	v2 =	vld [tilespmem:s24+$0xF0]  }
0x326: {  	_ =	sdelay $0x1  }
0x327: {  	v0 =	vadd.f32 v3, v0;
	_ =	sdelay $0x1  }
0x328: {  	v0 =	vadd.f32 v1, v0;
	_ =	sdelay $0x1  }
0x329: {  	v0 =	vadd.f32 v2, v0;
	_ =	sdelay $0x1  }
0x32a: {  	s0 =	simm.s32 $0x0;
	[tilespmem:s26+$0x10C70] =	vst v0  }
0x32b: {  	[hbm4b:s9+s0] =	stream.linear.scatter [tilespmem:s30], [sflag:$0x3], $0x2000, $0x38;
	[tilespmem:$0x14C00] =	vst v63  }
0x32c: {  	_ =	swait.ge [sflag:s18], $0x2000  }
0x32d: {  	[sflag:s18] =	ssyncset.done $0x0  }
0x32e: {  	[sflag:s18] =	ssyncadd.s32 $0xFFFFE000  }
0x32f: {  	_ =	swait.ge [sflag:s18], $0x2000  }
0x330: {  	[sflag:s18] =	ssyncset.done $0x0  }
0x331: {  	[sflag:s18] =	ssyncadd.s32 $0xFFFFE000  }
0x332: {  	_ =	swait.ge [sflag:s18], $0x2000  }
0x333: {  	[sflag:s18] =	ssyncset.done $0x0  }
0x334: {  	[sflag:s18] =	ssyncadd.s32 $0xFFFFE000  }
0x335: {  	_ =	swait.ge [sflag:s18], $0x2000  }
0x336: {  	[sflag:s18] =	ssyncset.done $0x0  }
0x337: {  	[sflag:s18] =	ssyncadd.s32 $0xFFFFE000  }
0x338: {  	_ =	swait.ge [sflag:s1], $0x2000  }
0x339: {  	[sflag:s1] =	ssyncset.done $0x0  }
0x33a: {  	s26 =	simm.s32 $0x0;
	[sflag:s1] =	ssyncadd.s32 $0xFFFFE000  }
0x33b: {  	v0 =	vld [tilespmem:s26+$0x8C00]  }
0x33c: {  	v1 =	vld [tilespmem:s26+$0x8C40];
	_ =	sdelay $0x1  }
0x33d: {  	v2 =	vld [tilespmem:s26+$0x8C80];
	_ =	sdelay $0x1  }
0x33e: {  	v3 =	vld [tilespmem:s26+$0x8CC0]  }
0x33f: {  	v0 =	vadd.f32 v1, v0;
	_ =	sdelay $0x1  }
0x340: {  	v0 =	vadd.f32 v2, v0;
	_ =	sdelay $0x1  }
0x341: {  	v0 =	vadd.f32 v3, v0  }
0x342: {  	s24 =	simm.s32 $0x12C70  }
0x343: {  	[tilespmem:s24+$0xFFFFFF90] =	vst v0  }
0x344: {  	v0 =	vld [tilespmem:s26+$0x8C10]  }
0x345: {  	v1 =	vld [tilespmem:s26+$0x8C50];
	_ =	sdelay $0x1  }
0x346: {  	v2 =	vld [tilespmem:s26+$0x8C90];
	_ =	sdelay $0x1  }
0x347: {  	v3 =	vld [tilespmem:s26+$0x8CD0]  }
0x348: {  	v0 =	vadd.f32 v1, v0;
	_ =	sdelay $0x1  }
0x349: {  	v0 =	vadd.f32 v2, v0;
	_ =	sdelay $0x1  }
0x34a: {  	v0 =	vadd.f32 v3, v0;
	_ =	sdelay $0x1  }
0x34b: {  	[tilespmem:s24+$0xFFFFFFA0] =	vst v0  }
0x34c: {  	v0 =	vld [tilespmem:s26+$0x8C20]  }
0x34d: {  	v1 =	vld [tilespmem:s26+$0x8C60];
	_ =	sdelay $0x1  }
0x34e: {  	v2 =	vld [tilespmem:s26+$0x8CA0];
	_ =	sdelay $0x1  }
0x34f: {  	v3 =	vld [tilespmem:s26+$0x8CE0]  }
0x350: {  	v0 =	vadd.f32 v1, v0;
	_ =	sdelay $0x1  }
0x351: {  	v0 =	vadd.f32 v2, v0;
	_ =	sdelay $0x1  }
0x352: {  	v0 =	vadd.f32 v3, v0;
	_ =	sdelay $0x1  }
0x353: {  	[tilespmem:s24+$0xFFFFFFB0] =	vst v0  }
0x354: {  	v0 =	vld [tilespmem:s26+$0x8C30]  }
0x355: {  	v1 =	vld [tilespmem:s26+$0x8C70];
	_ =	sdelay $0x1  }
0x356: {  	v2 =	vld [tilespmem:s26+$0x8CB0];
	_ =	sdelay $0x1  }
0x357: {  	v3 =	vld [tilespmem:s26+$0x8CF0]  }
0x358: {  	v0 =	vadd.f32 v1, v0;
	_ =	sdelay $0x1  }
0x359: {  	v0 =	vadd.f32 v2, v0;
	_ =	sdelay $0x1  }
0x35a: {  	v0 =	vadd.f32 v3, v0;
	_ =	sdelay $0x1  }
0x35b: {  	[tilespmem:s24+$0xFFFFFFC0] =	vst v0  }
0x35c: {  	v0 =	vld [tilespmem:s26+$0x8D00]  }
0x35d: {  	v1 =	vld [tilespmem:s26+$0x8D40];
	_ =	sdelay $0x1  }
0x35e: {  	v2 =	vld [tilespmem:s26+$0x8D80];
	_ =	sdelay $0x1  }
0x35f: {  	v3 =	vld [tilespmem:s26+$0x8DC0]  }
0x360: {  	v0 =	vadd.f32 v1, v0;
	_ =	sdelay $0x1  }
0x361: {  	v0 =	vadd.f32 v2, v0;
	_ =	sdelay $0x1  }
0x362: {  	v0 =	vadd.f32 v3, v0;
	_ =	sdelay $0x1  }
0x363: {  	[tilespmem:s24+$0xFFFFFFD0] =	vst v0  }
0x364: {  	v0 =	vld [tilespmem:s26+$0x8D10]  }
0x365: {  	v1 =	vld [tilespmem:s26+$0x8D50];
	_ =	sdelay $0x1  }
0x366: {  	v2 =	vld [tilespmem:s26+$0x8D90];
	_ =	sdelay $0x1  }
0x367: {  	v3 =	vld [tilespmem:s26+$0x8DD0]  }
0x368: {  	v0 =	vadd.f32 v1, v0;
	_ =	sdelay $0x1  }
0x369: {  	v0 =	vadd.f32 v2, v0;
	_ =	sdelay $0x1  }
0x36a: {  	v0 =	vadd.f32 v3, v0;
	_ =	sdelay $0x1  }
0x36b: {  	[tilespmem:s24+$0xFFFFFFE0] =	vst v0  }
0x36c: {  	v0 =	vld [tilespmem:s26+$0x8D20]  }
0x36d: {  	v1 =	vld [tilespmem:s26+$0x8D60];
	_ =	sdelay $0x1  }
0x36e: {  	v2 =	vld [tilespmem:s26+$0x8DA0];
	_ =	sdelay $0x1  }
0x36f: {  	v3 =	vld [tilespmem:s26+$0x8DE0]  }
0x370: {  	v0 =	vadd.f32 v1, v0;
	_ =	sdelay $0x1  }
0x371: {  	v0 =	vadd.f32 v2, v0;
	_ =	sdelay $0x1  }
0x372: {  	v0 =	vadd.f32 v3, v0;
	_ =	sdelay $0x1  }
0x373: {  	[tilespmem:s24+$0xFFFFFFF0] =	vst v0  }
0x374: {  	v0 =	vld [tilespmem:s26+$0x8D30]  }
0x375: {  	v1 =	vld [tilespmem:s26+$0x8D70]  }
0x376: {  	s31 =	simm.s32 $0x12C70;
	s0 =	simm.s32 $0x800;
	v2 =	vld [tilespmem:s26+$0x8DB0]  }
.LBB2_12:
0x377: {  	p0 =	sne.s32 s0, $0x1F800  }
0x378: {  	v3 =	vld [tilespmem:s26+$0x8DF0];
	s24 =	sadd.s32 $0x80, s24;
	s26 =	smov.u32 s0;
	s0 =	sadd.s32 $0x800, s0  }
0x379: {  	_ =	sdelay $0x1  }
0x37a: {  	v0 =	vadd.f32 v1, v0;
	_ =	sdelay $0x1  }
0x37b: {  	v0 =	vadd.f32 v2, v0;
	_ =	sdelay $0x1  }
0x37c: {  	v0 =	vadd.f32 v3, v0  }
0x37d: {  	s26 =	sshra.s32 s26, $0x2  }
0x37e: {  	[tilespmem:s31+$0x0] =	vst v0;
	s31 =	smov.u32 s24  }
0x37f: {  	v0 =	vld [tilespmem:s26+$0x8C00]  }
0x380: {  	v1 =	vld [tilespmem:s26+$0x8C40]  }
0x381: {  	v2 =	vld [tilespmem:s26+$0x8C80];
	_ =	sdelay $0x1  }
0x382: {  	v3 =	vld [tilespmem:s26+$0x8CC0];
	_ =	sdelay $0x1  }
0x383: {  	v0 =	vadd.f32 v1, v0;
	_ =	sdelay $0x1  }
0x384: {  	v0 =	vadd.f32 v2, v0;
	_ =	sdelay $0x1  }
0x385: {  	v0 =	vadd.f32 v3, v0;
	_ =	sdelay $0x1  }
0x386: {  	[tilespmem:s24+$0xFFFFFF90] =	vst v0  }
0x387: {  	v0 =	vld [tilespmem:s26+$0x8C10]  }
0x388: {  	v1 =	vld [tilespmem:s26+$0x8C50];
	_ =	sdelay $0x1  }
0x389: {  	v2 =	vld [tilespmem:s26+$0x8C90];
	_ =	sdelay $0x1  }
0x38a: {  	v3 =	vld [tilespmem:s26+$0x8CD0]  }
0x38b: {  	v0 =	vadd.f32 v1, v0;
	_ =	sdelay $0x1  }
0x38c: {  	v0 =	vadd.f32 v2, v0;
	_ =	sdelay $0x1  }
0x38d: {  	v0 =	vadd.f32 v3, v0;
	_ =	sdelay $0x1  }
0x38e: {  	[tilespmem:s24+$0xFFFFFFA0] =	vst v0  }
0x38f: {  	v0 =	vld [tilespmem:s26+$0x8C20]  }
0x390: {  	v1 =	vld [tilespmem:s26+$0x8C60];
	_ =	sdelay $0x1  }
0x391: {  	v2 =	vld [tilespmem:s26+$0x8CA0];
	_ =	sdelay $0x1  }
0x392: {  	v3 =	vld [tilespmem:s26+$0x8CE0]  }
0x393: {  	v0 =	vadd.f32 v1, v0;
	_ =	sdelay $0x1  }
0x394: {  	v0 =	vadd.f32 v2, v0;
	_ =	sdelay $0x1  }
0x395: {  	v0 =	vadd.f32 v3, v0;
	_ =	sdelay $0x1  }
0x396: {  	[tilespmem:s24+$0xFFFFFFB0] =	vst v0  }
0x397: {  	v0 =	vld [tilespmem:s26+$0x8C30]  }
0x398: {  	v1 =	vld [tilespmem:s26+$0x8C70]  }
0x399: {  	v2 =	vld [tilespmem:s26+$0x8CB0];
	_ =	sdelay $0x2  }
0x39a: {  	v3 =	vld [tilespmem:s26+$0x8CF0]  }
0x39b: {  	v0 =	vadd.f32 v1, v0;
	_ =	sdelay $0x1  }
0x39c: {  	v0 =	vadd.f32 v2, v0;
	_ =	sdelay $0x1  }
0x39d: {  	v0 =	vadd.f32 v3, v0;
	_ =	sdelay $0x1  }
0x39e: {  	[tilespmem:s24+$0xFFFFFFC0] =	vst v0  }
0x39f: {  	v0 =	vld [tilespmem:s26+$0x8D00]  }
0x3a0: {  	v1 =	vld [tilespmem:s26+$0x8D40];
	_ =	sdelay $0x1  }
0x3a1: {  	v2 =	vld [tilespmem:s26+$0x8D80];
	_ =	sdelay $0x1  }
0x3a2: {  	v3 =	vld [tilespmem:s26+$0x8DC0]  }
0x3a3: {  	v0 =	vadd.f32 v1, v0;
	_ =	sdelay $0x1  }
0x3a4: {  	v0 =	vadd.f32 v2, v0;
	_ =	sdelay $0x1  }
0x3a5: {  	v0 =	vadd.f32 v3, v0;
	_ =	sdelay $0x1  }
0x3a6: {  	[tilespmem:s24+$0xFFFFFFD0] =	vst v0  }
0x3a7: {  	v0 =	vld [tilespmem:s26+$0x8D10]  }
0x3a8: {  	v1 =	vld [tilespmem:s26+$0x8D50]  }
0x3a9: {  	v2 =	vld [tilespmem:s26+$0x8D90]  }
0x3aa: {  	v3 =	vld [tilespmem:s26+$0x8DD0];
	_ =	sdelay $0x2  }
0x3ab: {  	v0 =	vadd.f32 v1, v0;
	_ =	sdelay $0x1  }
0x3ac: {  	v0 =	vadd.f32 v2, v0;
	_ =	sdelay $0x1  }
0x3ad: {  	v0 =	vadd.f32 v3, v0;
	_ =	sdelay $0x1  }
0x3ae: {  	[tilespmem:s24+$0xFFFFFFE0] =	vst v0  }
0x3af: {  	v0 =	vld [tilespmem:s26+$0x8D20]  }
0x3b0: {  	v1 =	vld [tilespmem:s26+$0x8D60]  }
0x3b1: {  	v2 =	vld [tilespmem:s26+$0x8DA0]  }
0x3b2: {  	v3 =	vld [tilespmem:s26+$0x8DE0];
	_ =	sdelay $0x2  }
0x3b3: {  	v0 =	vadd.f32 v1, v0;
	_ =	sdelay $0x1  }
0x3b4: {  	v0 =	vadd.f32 v2, v0;
	_ =	sdelay $0x1  }
0x3b5: {  	v0 =	vadd.f32 v3, v0  }
.Ltmp5:
0x3b6: {  	(pc) =	sbr.rel @p0 .LBB2_12-.Ltmp5, $4  }
0x3b7: {  	[tilespmem:s24+$0xFFFFFFF0] =	vst v0  }
0x3b8: {  	v0 =	vld [tilespmem:s26+$0x8D30]  }
0x3b9: {  	v1 =	vld [tilespmem:s26+$0x8D70]  }
0x3ba: {  	v2 =	vld [tilespmem:s26+$0x8DB0]  }
0x3bb: {  	_ =	sdelay $0x1  }
0x3bc: {  	v3 =	vld [tilespmem:s26+$0x8DF0]  }
0x3bd: {  	v0 =	vadd.f32 v1, v0;
	_ =	sdelay $0x1  }
0x3be: {  	v0 =	vadd.f32 v2, v0;
	_ =	sdelay $0x1  }
0x3bf: {  	v0 =	vadd.f32 v3, v0;
	_ =	sdelay $0x1  }
0x3c0: {  	s22 =	sadd.s32 $0x1, s22;
	[tilespmem:s31+$0x0] =	vst v0  }
0x3c1: {  	[hbm4b:s10+s2] =	stream.linear.scatter [tilespmem:s20], [sflag:$0x3], $0x2000, $0x38;
	[tilespmem:$0x14C00] =	vst v63  }
0x3c2: {  	p0 =	sne.s32 s22, s11;
	_ =	swait.ge [sflag:s1], $0x2000  }
.Ltmp6:
0x3c3: {  	[sflag:s1] =	ssyncset.done $0x0;
	(pc) =	sbr.rel @p0 .LBB2_1-.Ltmp6, $4  }
0x3c4: {  	[sflag:s1] =	ssyncadd.s32 $0xFFFFE000  }
0x3c5: {  	_ =	swait.ge [sflag:s1], $0x2000  }
0x3c6: {  	[sflag:s1] =	ssyncset.done $0x0  }
0x3c7: {  	[sflag:s1] =	ssyncadd.s32 $0xFFFFE000  }
0x3c8: {  	_ =	sfence.sel $0x180000  }
0x3c9: {  	[bflag:$0x0] =	sbarrier.arrive $0xFFFF  }
0x3ca: {  	_ =	strace $0x90000047  }
0x3cb: {  	s0 =	stileid.u32;
	[bflag:$0x2] =	sbarrier.arrive $0xFFFF  }
0x3cc: {  	p0 =	sne.s32 s0, $0x0;
	s0 =	rddreg [dreg:$0x2]  }
0x3cd: {  	s0 =	sadd.s32 @!p0 $0x100000, s0  }
0x3ce: {  	[sflag:s0] =	ssyncadd.tile.s32 @!p0 $0x1;
	_ =	shalt  }
.Lfunc_end2:
_tile_overlayer_lowered:
.L_overlay_start_2:
0x3cf: {  	(tag) =	ssettag $0x2  }
0x3d0: {  	s0 =	rddreg [dreg:$0x0];
	s2 =	stileid.u32  }
0x3d1: {  	s1 =	rddreg [dreg:$0x1];
	p0 =	sne.s32 s2, $0x0  }
0x3d2: {  	s3 =	rddreg [dreg:$0x2];
	[bflag:$0x3] =	sbarrier.arrive $0xFFFF;
	s2 =	simm.s32 @!p0 $0x1C04  }
0x3d3: {  	[timem:s3], [sflag:s2] =	dma.local @!p0 [hbm:s0], s1  }
0x3d4: {  	s0 =	simm.s32 @!p0 $0x4  }
0x3d5: {  	_ =	swait.ge @!p0 [sflag:s0], s1  }
0x3d6: {  	s1 =	ssub.s32 @!p0 $0x0, s1;
	[sflag:s0] =	ssyncset.done @!p0 $0x0  }
0x3d7: {  	[sflag:s0] =	ssyncadd.s32 @!p0 s1  }
0x3d8: {  	[bflag:$0x3] =	sbarrier.arrive $0xFFFF  }
0x3d9: {  	_ =	shalt  }

</sc_bundles>
